<compile_context>
chip_gen: v7x
topology: tpu7x:2x2x1
jax: 0.10.2.dev20260603
libtpu: 0.0.44.dev20260713+nightly
codegen_flags: <defaults>
</compile_context>

<pallas_src>
import functools

import jax
import jax.numpy as jnp
from jax import lax
from jax.experimental import pallas as pl
from jax.experimental.pallas import tpu as pltpu
from jax.experimental.pallas import tpu_sc as plsc

N = 10000
H = 128
NGRAPH = 64
EPS = 1e-5
NC, NS, L = 2, 16, 16
NW = NC * NS
CH = 128
CHUNKS = 80
EPT = CH * CHUNKS
EPAD = NW * EPT
NPAD = 10240
STRIPE = NPAD // NS

_mesh = plsc.VectorSubcoreMesh(core_axis_name="c", subcore_axis_name="s")


@functools.partial(
    pl.kernel,
    out_type=jax.ShapeDtypeStruct((NC, NPAD, H), jnp.float32),
    mesh=_mesh,
    compiler_params=pltpu.CompilerParams(use_tc_tiling_on_sc=False),
    scratch_types=[
        pltpu.VMEM((CHUNKS, CH), jnp.int32),
        pltpu.VMEM((CHUNKS, CH), jnp.int32),
        pltpu.VMEM((CH, L), jnp.float32),
        pltpu.VMEM((CH, L), jnp.float32),
        pltpu.VMEM((CH, H), jnp.float32),
        pltpu.VMEM_SHARED((NPAD, H), jnp.float32),
        pltpu.SemaphoreType.DMA,
        pltpu.SemaphoreType.DMA,
        pltpu.SemaphoreType.DMA,
    ],
)
def _sc_edge_pass(hw_hbm, src_hbm, dst_hbm, dtab_hbm, zeros_hbm, out_hbm,
                  src_v, dst_v, bufs, bufd, buf, acc, sem, sems, semd):
    c = lax.axis_index("c")
    s = lax.axis_index("s")
    pltpu.sync_copy(src_hbm.at[c, s], src_v)
    pltpu.sync_copy(dst_hbm.at[c, s], dst_v)
    pltpu.sync_copy(zeros_hbm, acc.at[pl.ds(s * STRIPE, STRIPE)])
    plsc.subcore_barrier()

    @pl.loop(0, CHUNKS)
    def _chunk(j):
        cp = pltpu.async_copy(hw_hbm.at[src_v.at[j]], buf, sem)
        cps = pltpu.async_copy(dtab_hbm.at[src_v.at[j]], bufs, sems)
        cpd = pltpu.async_copy(dtab_hbm.at[dst_v.at[j]], bufd, semd)
        cp.wait()
        cps.wait()
        cpd.wait()

        @pl.loop(0, CH)
        def _edge(e):
            nb = bufs[e] * bufd[e]
            for f in range(H // L):
                buf[e, pl.ds(f * L, L)] = buf[e, pl.ds(f * L, L)] * nb

        pltpu.sync_copy(buf, acc.at[dst_v.at[j]], add=True)

    plsc.subcore_barrier()
    pltpu.sync_copy(acc.at[pl.ds(s * STRIPE, STRIPE)],
                    out_hbm.at[c, pl.ds(s * STRIPE, STRIPE)])


def _tc_prologue_body(x_ref, w_ref, deg_ref, dtab_ref, dinv2_ref, hw_ref):
    deg = deg_ref[0] + deg_ref[1] + 1.0
    dinv = lax.rsqrt(deg)
    dtab_ref[...] = jnp.broadcast_to(dinv, (NPAD, L))
    dinv2_ref[...] = dinv * dinv
    hw_ref[...] = jnp.dot(x_ref[...], w_ref[...],
                          preferred_element_type=jnp.float32)


_tc_prologue = pl.pallas_call(
    _tc_prologue_body,
    out_shape=[
        jax.ShapeDtypeStruct((NPAD, L), jnp.float32),
        jax.ShapeDtypeStruct((NPAD, 1), jnp.float32),
        jax.ShapeDtypeStruct((N, H), jnp.float32),
    ],
)


def _tc_mid_body(s2_ref, hw_ref, dinv2_ref, b_ref, gamma_ref, beta_ref, w_ref,
                 out_ref):
    h = s2_ref[0] + s2_ref[1] + hw_ref[...] * dinv2_ref[...] + b_ref[...]
    mu = jnp.mean(h, axis=0, keepdims=True)
    d = h - mu
    var = jnp.mean(d * d, axis=0, keepdims=True)
    hn = d / jnp.sqrt(var + EPS) * gamma_ref[...] + beta_ref[...]
    hr = jnp.maximum(hn, 0.0)
    out_ref[...] = jnp.dot(hr, w_ref[...], preferred_element_type=jnp.float32)


_tc_mid = pl.pallas_call(
    _tc_mid_body,
    out_shape=jax.ShapeDtypeStruct((N, H), jnp.float32),
)


def _tc_final_body(s2_ref, hw_ref, dinv2_ref, b_ref, batch_ref,
                   w1_ref, b1_ref, gamma_ref, beta_ref, w2_ref, b2_ref,
                   w3_ref, b3_ref, z_ref):
    h = s2_ref[0] + s2_ref[1] + hw_ref[...] * dinv2_ref[...] + b_ref[...]
    gid = lax.broadcasted_iota(jnp.int32, (1, NGRAPH), 1)
    onehot = (batch_ref[...] == gid).astype(jnp.float32)
    dn = (((0,), (0,)), ((), ()))
    sums = lax.dot_general(onehot, h, dn,
                           preferred_element_type=jnp.float32,
                           precision=lax.Precision.HIGHEST)
    cnt = lax.dot_general(onehot, jnp.ones((N, 1), jnp.float32), dn,
                          preferred_element_type=jnp.float32,
                          precision=lax.Precision.HIGHEST)
    pooled = sums / jnp.maximum(cnt, 1.0)
    z = jnp.dot(pooled, w1_ref[...], preferred_element_type=jnp.float32)
    z = z + b1_ref[...]
    mu = jnp.mean(z, axis=0, keepdims=True)
    d = z - mu
    var = jnp.mean(d * d, axis=0, keepdims=True)
    z = d / jnp.sqrt(var + EPS) * gamma_ref[...] + beta_ref[...]
    z = jnp.maximum(z, 0.0)
    z = jnp.dot(z, w2_ref[...], preferred_element_type=jnp.float32) + b2_ref[...]
    z = jnp.maximum(z, 0.0)
    z_ref[...] = (jnp.dot(z, w3_ref[...], preferred_element_type=jnp.float32)
                  + b3_ref[...])


def kernel(x, params, edge_index, batch):
    e = edge_index.shape[1]
    pad = EPAD - e
    src_r = jnp.concatenate(
        [edge_index[0], jnp.zeros((pad,), jnp.int32)]).reshape(NC, NS, CHUNKS, CH)
    dst_r = jnp.concatenate(
        [edge_index[1], jnp.full((pad,), N, jnp.int32)]).reshape(NC, NS, CHUNKS, CH)
    zeros_stripe = jnp.zeros((STRIPE, H), jnp.float32)

    ones_tab = jnp.ones((8, H), jnp.float32)
    zidx_r = jnp.zeros((NC, NS, CHUNKS, CH), jnp.int32)
    deg2 = _sc_edge_pass(ones_tab, zidx_r, dst_r,
                         jnp.ones((NPAD, L), jnp.float32), zeros_stripe)[:, :, :1]

    dinv_tab, dinv2_full, hw = _tc_prologue(x, params["convs"][0]["W"], deg2)
    dinv2 = dinv2_full[:N]

    for l in range(5):
        s2 = _sc_edge_pass(hw, src_r, dst_r, dinv_tab, zeros_stripe)
        c = params["convs"][l]
        nm = params["norms"][l]
        hw = _tc_mid(s2[:, :N], hw, dinv2,
                     c["b"].reshape(1, H), nm["gamma"].reshape(1, H),
                     nm["beta"].reshape(1, H), params["convs"][l + 1]["W"])

    s2 = _sc_edge_pass(hw, src_r, dst_r, dinv_tab, zeros_stripe)
    p = params["head"]
    out_dim = p["W3"].shape[1]
    tc_final = pl.pallas_call(
        _tc_final_body,
        out_shape=jax.ShapeDtypeStruct((NGRAPH, out_dim), jnp.float32),
    )
    return tc_final(s2[:, :N], hw, dinv2, params["convs"][5]["b"].reshape(1, H),
                    batch.reshape(N, 1), p["W1"], p["b1"].reshape(1, H),
                    p["gamma"].reshape(1, H), p["beta"].reshape(1, H),
                    p["W2"], p["b2"].reshape(1, H), p["W3"],
                    p["b3"].reshape(1, out_dim))

# --- scband reference (transcript-rebuilt; emitter-appended) ---
"""Pipeline reference for scband-new-gcn-429496729849 (READ-ONLY COPY).

The authoritative reference and input builder live on the scoring server;
editing this copy changes nothing except your own understanding.
"""

import jax, jax.numpy as jnp
import numpy as np

N = 10000
E = 320000
D_IN = 128
H = 128
OUT = 64
G = 64
EPS = 1e-5

def _bn(x, gamma, beta):
    mu = jnp.mean(x, axis=0, keepdims=True)
    var = jnp.var(x, axis=0, keepdims=True)
    return (x - mu) / jnp.sqrt(var + EPS) * gamma + beta

def _gcn_conv(x, src, dst, W, b):
    n = x.shape[0]
    h = x @ W
    deg = jax.ops.segment_sum(jnp.ones(dst.shape[0], dtype=x.dtype), dst, num_segments=n)
    dinv = jnp.where(deg > 0, jax.lax.rsqrt(jnp.maximum(deg, 1e-12)), 0.0)
    norm = dinv[src] * dinv[dst]
    msg = h[src] * norm[:, None]
    out = jax.ops.segment_sum(msg, dst, num_segments=n)
    return out + b

def _forward(x, params, edge_index, batch):
    n = x.shape[0]
    loops = jnp.arange(n, dtype=edge_index.dtype)
    src = jnp.concatenate([edge_index[0], loops])
    dst = jnp.concatenate([edge_index[1], loops])
    h = x
    for i in range(6):
        c = params["convs"][i]
        h = _gcn_conv(h, src, dst, c["W"], c["b"])
        if i < 5:
            nm = params["norms"][i]
            h = _bn(h, nm["gamma"], nm["beta"])
            h = jax.nn.relu(h)
            # dropout p=0.1 is identity in eval mode
    sums = jax.ops.segment_sum(h, batch, num_segments=G)
    cnt = jax.ops.segment_sum(jnp.ones((n,), h.dtype), batch, num_segments=G)
    pooled = sums / jnp.maximum(cnt, 1.0)[:, None]
    p = params["head"]
    z = pooled @ p["W1"] + p["b1"]
    z = _bn(z, p["gamma"], p["beta"])
    z = jax.nn.relu(z)
    # dropout p=0.2 identity in eval mode
    z = z @ p["W2"] + p["b2"]
    z = jax.nn.relu(z)
    z = z @ p["W3"] + p["b3"]
    return z

def setup_inputs(seed: int = 0):
    key = jax.random.key(seed)
    ks = jax.random.split(key, 40)
    x = jax.random.normal(ks[0], (N, D_IN), dtype=jnp.float32)
    edge_index = jax.random.randint(ks[1], (2, E), 0, N, dtype=jnp.int32)
    batch = jnp.sort(jax.random.randint(ks[2], (N,), 0, G, dtype=jnp.int32))
    convs = []
    for i in range(6):
        din = D_IN if i == 0 else H
        W = jax.random.normal(ks[3 + i], (din, H), dtype=jnp.float32) * (1.0 / np.sqrt(din))
        convs.append({"W": W, "b": jnp.zeros((H,), jnp.float32)})
    norms = [{"gamma": jnp.ones((H,), jnp.float32), "beta": jnp.zeros((H,), jnp.float32)} for _ in range(5)]
    head = {
        "W1": jax.random.normal(ks[10], (H, H), dtype=jnp.float32) * (1.0 / np.sqrt(H)),
        "b1": jnp.zeros((H,), jnp.float32),
        "gamma": jnp.ones((H,), jnp.float32),
        "beta": jnp.zeros((H,), jnp.float32),
        "W2": jax.random.normal(ks[11], (H, H), dtype=jnp.float32) * (1.0 / np.sqrt(H)),
        "b2": jnp.zeros((H,), jnp.float32),
        "W3": jax.random.normal(ks[12], (H, OUT), dtype=jnp.float32) * (1.0 / np.sqrt(H)),
        "b3": jnp.zeros((OUT,), jnp.float32),
    }
    params = {"convs": convs, "norms": norms, "head": head}
    return {"x": x, "params": params, "edge_index": edge_index, "batch": batch}

def reference(x, params, edge_index, batch):
    return _forward(x, params, edge_index, batch)

if __name__ == "__main__":
    import jax
    _d = setup_inputs()
    print(jax.jit(kernel)(*tuple(_d.values())))

</pallas_src>

<mosaic_0001>
#map = affine_map<(d0, d1) -> (0, 0)>
#map1 = affine_map<(d0, d1) -> (0, 0, 0, 0)>
#map2 = affine_map<(d0, d1) -> (0, 0, 0)>
module attributes {stable_mosaic.version = 14 : i64} {
  func.func @_sc_edge_pass(%arg0: i32, %arg1: i32, %arg2: memref<10000x128xf32, #tpu.memory_space<hbm>>, %arg3: memref<2x16x80x128xi32, #tpu.memory_space<hbm>>, %arg4: memref<2x16x80x128xi32, #tpu.memory_space<hbm>>, %arg5: memref<10240x16xf32, #tpu.memory_space<hbm>>, %arg6: memref<640x128xf32, #tpu.memory_space<hbm>>, %arg7: memref<2x10240x128xf32, #tpu.memory_space<hbm>>, %arg8: memref<80x128xi32, #tpu.memory_space<vmem>>, %arg9: memref<80x128xi32, #tpu.memory_space<vmem>>, %arg10: memref<128x16xf32, #tpu.memory_space<vmem>>, %arg11: memref<128x16xf32, #tpu.memory_space<vmem>>, %arg12: memref<128x128xf32, #tpu.memory_space<vmem>>, %arg13: memref<10240x128xf32, #tpu.memory_space<vmem_shared>>, %arg14: memref<!tpu.dma_semaphore, #tpu.memory_space<semaphore_mem>>, %arg15: memref<!tpu.dma_semaphore, #tpu.memory_space<semaphore_mem>>, %arg16: memref<!tpu.dma_semaphore, #tpu.memory_space<semaphore_mem>>) attributes {dimension_semantics = [#tpu.dimension_semantics<core_parallel>, #tpu.dimension_semantics<subcore_parallel>], iteration_bounds = array<i64: 2, 16>, scalar_prefetch = 0 : i64, scratch_operands = 9 : i64, tpu.core_type = #tpu.core_type<sc_vector_subcore>, window_params = [{transform_indices = #map}, {transform_indices = #map1}, {transform_indices = #map1}, {transform_indices = #map}, {transform_indices = #map}, {transform_indices = #map2}]} {
    "tpu.region"() ({
      %run_scoped3A = tpu.sem_alloc : memref<!tpu.dma_semaphore, #tpu.memory_space<semaphore_mem>>
      %dma_start3A = arith.constant 0 : i32
      %dma_start3A_10 = arith.constant 0 : i32
      %dma_start3A_11 = tpu.memref_slice %arg3[%arg0, %arg1, %dma_start3A, %dma_start3A_10] : memref<2x16x80x128xi32, #tpu.memory_space<hbm>> -> memref<1x1x80x128xi32, #tpu.memory_space<hbm>>
      %dma_start3A_12 = tpu.memref_squeeze %dma_start3A_11 : memref<1x1x80x128xi32, #tpu.memory_space<hbm>> -> memref<80x128xi32, #tpu.memory_space<hbm>>
      %dma_start3A_13 = arith.constant 0 : i32
      %dma_start3A_14 = arith.constant 0 : i32
      %dma_start3A_15 = tpu.memref_slice %arg3[%arg0, %arg1, %dma_start3A_13, %dma_start3A_14] : memref<2x16x80x128xi32, #tpu.memory_space<hbm>> -> memref<1x1x80x128xi32, #tpu.memory_space<hbm>>
      %dma_start3A_16 = tpu.memref_squeeze %dma_start3A_15 : memref<1x1x80x128xi32, #tpu.memory_space<hbm>> -> memref<80x128xi32, #tpu.memory_space<hbm>>
      tpu.enqueue_dma source(%dma_start3A_16 : memref<80x128xi32, #tpu.memory_space<hbm>>) target(%arg8 : memref<80x128xi32, #tpu.memory_space<vmem>>) target_semaphore(%run_scoped3A : memref<!tpu.dma_semaphore, #tpu.memory_space<semaphore_mem>>)
      %dma_wait3A = arith.constant 0 : i32
      %dma_wait3A_17 = arith.constant 0 : i32
      %dma_wait3A_18 = tpu.memref_slice %arg3[%arg0, %arg1, %dma_wait3A, %dma_wait3A_17] : memref<2x16x80x128xi32, #tpu.memory_space<hbm>> -> memref<1x1x80x128xi32, #tpu.memory_space<hbm>>
      %dma_wait3A_19 = tpu.memref_squeeze %dma_wait3A_18 : memref<1x1x80x128xi32, #tpu.memory_space<hbm>> -> memref<80x128xi32, #tpu.memory_space<hbm>>
      %dma_wait3A_20 = arith.constant 0 : i32
      %dma_wait3A_21 = arith.constant 0 : i32
      %dma_wait3A_22 = tpu.memref_slice %arg3[%arg0, %arg1, %dma_wait3A_20, %dma_wait3A_21] : memref<2x16x80x128xi32, #tpu.memory_space<hbm>> -> memref<1x1x80x128xi32, #tpu.memory_space<hbm>>
      %dma_wait3A_23 = tpu.memref_squeeze %dma_wait3A_22 : memref<1x1x80x128xi32, #tpu.memory_space<hbm>> -> memref<80x128xi32, #tpu.memory_space<hbm>>
      tpu.wait_dma2 semaphore(%run_scoped3A : memref<!tpu.dma_semaphore, #tpu.memory_space<semaphore_mem>>) src(%dma_wait3A_23 : memref<80x128xi32, #tpu.memory_space<hbm>>) dst(%arg8 : memref<80x128xi32, #tpu.memory_space<vmem>>)
      tpu.yield
    }) : () -> ()
    "tpu.region"() ({
      %run_scoped3A = tpu.sem_alloc : memref<!tpu.dma_semaphore, #tpu.memory_space<semaphore_mem>>
      %dma_start3A = arith.constant 0 : i32
      %dma_start3A_10 = arith.constant 0 : i32
      %dma_start3A_11 = tpu.memref_slice %arg4[%arg0, %arg1, %dma_start3A, %dma_start3A_10] : memref<2x16x80x128xi32, #tpu.memory_space<hbm>> -> memref<1x1x80x128xi32, #tpu.memory_space<hbm>>
      %dma_start3A_12 = tpu.memref_squeeze %dma_start3A_11 : memref<1x1x80x128xi32, #tpu.memory_space<hbm>> -> memref<80x128xi32, #tpu.memory_space<hbm>>
      %dma_start3A_13 = arith.constant 0 : i32
      %dma_start3A_14 = arith.constant 0 : i32
      %dma_start3A_15 = tpu.memref_slice %arg4[%arg0, %arg1, %dma_start3A_13, %dma_start3A_14] : memref<2x16x80x128xi32, #tpu.memory_space<hbm>> -> memref<1x1x80x128xi32, #tpu.memory_space<hbm>>
      %dma_start3A_16 = tpu.memref_squeeze %dma_start3A_15 : memref<1x1x80x128xi32, #tpu.memory_space<hbm>> -> memref<80x128xi32, #tpu.memory_space<hbm>>
      tpu.enqueue_dma source(%dma_start3A_16 : memref<80x128xi32, #tpu.memory_space<hbm>>) target(%arg9 : memref<80x128xi32, #tpu.memory_space<vmem>>) target_semaphore(%run_scoped3A : memref<!tpu.dma_semaphore, #tpu.memory_space<semaphore_mem>>)
      %dma_wait3A = arith.constant 0 : i32
      %dma_wait3A_17 = arith.constant 0 : i32
      %dma_wait3A_18 = tpu.memref_slice %arg4[%arg0, %arg1, %dma_wait3A, %dma_wait3A_17] : memref<2x16x80x128xi32, #tpu.memory_space<hbm>> -> memref<1x1x80x128xi32, #tpu.memory_space<hbm>>
      %dma_wait3A_19 = tpu.memref_squeeze %dma_wait3A_18 : memref<1x1x80x128xi32, #tpu.memory_space<hbm>> -> memref<80x128xi32, #tpu.memory_space<hbm>>
      %dma_wait3A_20 = arith.constant 0 : i32
      %dma_wait3A_21 = arith.constant 0 : i32
      %dma_wait3A_22 = tpu.memref_slice %arg4[%arg0, %arg1, %dma_wait3A_20, %dma_wait3A_21] : memref<2x16x80x128xi32, #tpu.memory_space<hbm>> -> memref<1x1x80x128xi32, #tpu.memory_space<hbm>>
      %dma_wait3A_23 = tpu.memref_squeeze %dma_wait3A_22 : memref<1x1x80x128xi32, #tpu.memory_space<hbm>> -> memref<80x128xi32, #tpu.memory_space<hbm>>
      tpu.wait_dma2 semaphore(%run_scoped3A : memref<!tpu.dma_semaphore, #tpu.memory_space<semaphore_mem>>) src(%dma_wait3A_23 : memref<80x128xi32, #tpu.memory_space<hbm>>) dst(%arg9 : memref<80x128xi32, #tpu.memory_space<vmem>>)
      tpu.yield
    }) : () -> ()
    %mul3A = arith.constant 640 : i32
    %mul3A_0 = arith.muli %arg1, %mul3A : i32
    "tpu.region"() ({
      %run_scoped3A = tpu.sem_alloc : memref<!tpu.dma_semaphore, #tpu.memory_space<semaphore_mem>>
      %dma_start3A = arith.constant 0 : i32
      %dma_start3A_10 = tpu.memref_slice %arg13[%mul3A_0, %dma_start3A] : memref<10240x128xf32, #tpu.memory_space<vmem_shared>> -> memref<640x128xf32, #tpu.memory_space<vmem_shared>>
      tpu.enqueue_dma source(%arg6 : memref<640x128xf32, #tpu.memory_space<hbm>>) target(%dma_start3A_10 : memref<640x128xf32, #tpu.memory_space<vmem_shared>>) target_semaphore(%run_scoped3A : memref<!tpu.dma_semaphore, #tpu.memory_space<semaphore_mem>>)
      %dma_wait3A = arith.constant 0 : i32
      %dma_wait3A_11 = tpu.memref_slice %arg13[%mul3A_0, %dma_wait3A] : memref<10240x128xf32, #tpu.memory_space<vmem_shared>> -> memref<640x128xf32, #tpu.memory_space<vmem_shared>>
      tpu.wait_dma2 semaphore(%run_scoped3A : memref<!tpu.dma_semaphore, #tpu.memory_space<semaphore_mem>>) src(%arg6 : memref<640x128xf32, #tpu.memory_space<hbm>>) dst(%dma_wait3A_11 : memref<640x128xf32, #tpu.memory_space<vmem_shared>>)
      tpu.yield
    }) : () -> ()
    %barrier3A = arith.constant 0 : index
    tpu.barrier barrier_id(%barrier3A)
    %scan3A = arith.constant 0 : i32
    %scan3A_1 = arith.constant 80 : i32
    %scan3A_2 = arith.addi %scan3A, %scan3A_1 : i32
    %scan3A_3 = arith.constant 1 : i32
    scf.for %scan3A_10 = %scan3A to %scan3A_2 step %scan3A_3  : i32 {
      %mul3A_11 = arith.constant 1 : i32
      %mul3A_12 = arith.muli %scan3A_10, %mul3A_11 : i32
      %add3A = arith.constant 0 : i32
      %add3A_13 = arith.addi %add3A, %mul3A_12 : i32
      %dma_start3A = arith.constant 0 : i32
      %dma_start3A_14 = tpu.memref_slice %arg8[%add3A_13, %dma_start3A] : memref<80x128xi32, #tpu.memory_space<vmem>> -> memref<1x128xi32, #tpu.memory_space<vmem>>
      %dma_start3A_15 = tpu.memref_squeeze %dma_start3A_14 : memref<1x128xi32, #tpu.memory_space<vmem>> -> memref<128xi32, #tpu.memory_space<vmem>>
      %dma_start3A_16 = arith.constant 0 : i32
      %dma_start3A_17 = arith.constant 0 : i32
      %dma_start3A_18 = tpu.memref_slice %arg2[%dma_start3A_16, %dma_start3A_17] : memref<10000x128xf32, #tpu.memory_space<hbm>> -> memref<10000x128xf32, #tpu.memory_space<hbm>>
      tpu.enqueue_indirect_dma source(%dma_start3A_18 : memref<10000x128xf32, #tpu.memory_space<hbm>>) target(%arg12 : memref<128x128xf32, #tpu.memory_space<vmem>>) offsets(%dma_start3A_15 : memref<128xi32, #tpu.memory_space<vmem>>) semaphore(%arg14 : memref<!tpu.dma_semaphore, #tpu.memory_space<semaphore_mem>>)
      %dma_start3A_19 = arith.constant 0 : i32
      %dma_start3A_20 = tpu.memref_slice %arg8[%add3A_13, %dma_start3A_19] : memref<80x128xi32, #tpu.memory_space<vmem>> -> memref<1x128xi32, #tpu.memory_space<vmem>>
      %dma_start3A_21 = tpu.memref_squeeze %dma_start3A_20 : memref<1x128xi32, #tpu.memory_space<vmem>> -> memref<128xi32, #tpu.memory_space<vmem>>
      %dma_start3A_22 = arith.constant 0 : i32
      %dma_start3A_23 = arith.constant 0 : i32
      %dma_start3A_24 = tpu.memref_slice %arg5[%dma_start3A_22, %dma_start3A_23] : memref<10240x16xf32, #tpu.memory_space<hbm>> -> memref<10240x16xf32, #tpu.memory_space<hbm>>
      tpu.enqueue_indirect_dma source(%dma_start3A_24 : memref<10240x16xf32, #tpu.memory_space<hbm>>) target(%arg10 : memref<128x16xf32, #tpu.memory_space<vmem>>) offsets(%dma_start3A_21 : memref<128xi32, #tpu.memory_space<vmem>>) semaphore(%arg15 : memref<!tpu.dma_semaphore, #tpu.memory_space<semaphore_mem>>)
      %dma_start3A_25 = arith.constant 0 : i32
      %dma_start3A_26 = tpu.memref_slice %arg9[%add3A_13, %dma_start3A_25] : memref<80x128xi32, #tpu.memory_space<vmem>> -> memref<1x128xi32, #tpu.memory_space<vmem>>
      %dma_start3A_27 = tpu.memref_squeeze %dma_start3A_26 : memref<1x128xi32, #tpu.memory_space<vmem>> -> memref<128xi32, #tpu.memory_space<vmem>>
      %dma_start3A_28 = arith.constant 0 : i32
      %dma_start3A_29 = arith.constant 0 : i32
      %dma_start3A_30 = tpu.memref_slice %arg5[%dma_start3A_28, %dma_start3A_29] : memref<10240x16xf32, #tpu.memory_space<hbm>> -> memref<10240x16xf32, #tpu.memory_space<hbm>>
      tpu.enqueue_indirect_dma source(%dma_start3A_30 : memref<10240x16xf32, #tpu.memory_space<hbm>>) target(%arg11 : memref<128x16xf32, #tpu.memory_space<vmem>>) offsets(%dma_start3A_27 : memref<128xi32, #tpu.memory_space<vmem>>) semaphore(%arg16 : memref<!tpu.dma_semaphore, #tpu.memory_space<semaphore_mem>>)
      %dma_wait3A = arith.constant 0 : i32
      %dma_wait3A_31 = tpu.memref_slice %arg8[%add3A_13, %dma_wait3A] : memref<80x128xi32, #tpu.memory_space<vmem>> -> memref<1x128xi32, #tpu.memory_space<vmem>>
      %dma_wait3A_32 = tpu.memref_squeeze %dma_wait3A_31 : memref<1x128xi32, #tpu.memory_space<vmem>> -> memref<128xi32, #tpu.memory_space<vmem>>
      %dma_wait3A_33 = arith.constant 0 : i32
      %dma_wait3A_34 = arith.constant 0 : i32
      %dma_wait3A_35 = tpu.memref_slice %arg2[%dma_wait3A_33, %dma_wait3A_34] : memref<10000x128xf32, #tpu.memory_space<hbm>> -> memref<10000x128xf32, #tpu.memory_space<hbm>>
      tpu.wait_indirect_dma semaphore(%arg14 : memref<!tpu.dma_semaphore, #tpu.memory_space<semaphore_mem>>) src(%dma_wait3A_35 : memref<10000x128xf32, #tpu.memory_space<hbm>>) dst(%arg12 : memref<128x128xf32, #tpu.memory_space<vmem>>)
      %dma_wait3A_36 = arith.constant 0 : i32
      %dma_wait3A_37 = tpu.memref_slice %arg8[%add3A_13, %dma_wait3A_36] : memref<80x128xi32, #tpu.memory_space<vmem>> -> memref<1x128xi32, #tpu.memory_space<vmem>>
      %dma_wait3A_38 = tpu.memref_squeeze %dma_wait3A_37 : memref<1x128xi32, #tpu.memory_space<vmem>> -> memref<128xi32, #tpu.memory_space<vmem>>
      %dma_wait3A_39 = arith.constant 0 : i32
      %dma_wait3A_40 = arith.constant 0 : i32
      %dma_wait3A_41 = tpu.memref_slice %arg5[%dma_wait3A_39, %dma_wait3A_40] : memref<10240x16xf32, #tpu.memory_space<hbm>> -> memref<10240x16xf32, #tpu.memory_space<hbm>>
      tpu.wait_indirect_dma semaphore(%arg15 : memref<!tpu.dma_semaphore, #tpu.memory_space<semaphore_mem>>) src(%dma_wait3A_41 : memref<10240x16xf32, #tpu.memory_space<hbm>>) dst(%arg10 : memref<128x16xf32, #tpu.memory_space<vmem>>)
      %dma_wait3A_42 = arith.constant 0 : i32
      %dma_wait3A_43 = tpu.memref_slice %arg9[%add3A_13, %dma_wait3A_42] : memref<80x128xi32, #tpu.memory_space<vmem>> -> memref<1x128xi32, #tpu.memory_space<vmem>>
      %dma_wait3A_44 = tpu.memref_squeeze %dma_wait3A_43 : memref<1x128xi32, #tpu.memory_space<vmem>> -> memref<128xi32, #tpu.memory_space<vmem>>
      %dma_wait3A_45 = arith.constant 0 : i32
      %dma_wait3A_46 = arith.constant 0 : i32
      %dma_wait3A_47 = tpu.memref_slice %arg5[%dma_wait3A_45, %dma_wait3A_46] : memref<10240x16xf32, #tpu.memory_space<hbm>> -> memref<10240x16xf32, #tpu.memory_space<hbm>>
      tpu.wait_indirect_dma semaphore(%arg16 : memref<!tpu.dma_semaphore, #tpu.memory_space<semaphore_mem>>) src(%dma_wait3A_47 : memref<10240x16xf32, #tpu.memory_space<hbm>>) dst(%arg11 : memref<128x16xf32, #tpu.memory_space<vmem>>)
      %scan3A_48 = arith.constant 0 : i32
      %scan3A_49 = arith.constant 128 : i32
      %scan3A_50 = arith.addi %scan3A_48, %scan3A_49 : i32
      %scan3A_51 = arith.constant 1 : i32
      scf.for %scan3A_53 = %scan3A_48 to %scan3A_50 step %scan3A_51  : i32 {
        %mul3A_54 = arith.constant 1 : i32
        %mul3A_55 = arith.muli %scan3A_53, %mul3A_54 : i32
        %add3A_56 = arith.constant 0 : i32
        %add3A_57 = arith.addi %add3A_56, %mul3A_55 : i32
        %get3A = arith.index_cast %add3A_57 : i32 to index
        %get3A_58 = arith.constant 0 : index
        %get3A_59 = tpu.vector_load %arg10[%get3A, %get3A_58] {strides = array<i32>} : memref<128x16xf32, #tpu.memory_space<vmem>>, vector<1x16xf32>,
        %get3A_60 = vector.shape_cast %get3A_59 : vector<1x16xf32> to vector<16xf32>
        %get3A_61 = arith.index_cast %add3A_57 : i32 to index
        %get3A_62 = arith.constant 0 : index
        %get3A_63 = tpu.vector_load %arg11[%get3A_61, %get3A_62] {strides = array<i32>} : memref<128x16xf32, #tpu.memory_space<vmem>>, vector<1x16xf32>,
        %get3A_64 = vector.shape_cast %get3A_63 : vector<1x16xf32> to vector<16xf32>
        %mul3A_65 = arith.mulf %get3A_60, %get3A_64 : vector<16xf32>
        %get3A_66 = arith.index_cast %add3A_57 : i32 to index
        %get3A_67 = arith.constant 0 : index
        %get3A_68 = tpu.vector_load %arg12[%get3A_66, %get3A_67] {strides = array<i32>} : memref<128x128xf32, #tpu.memory_space<vmem>>, vector<1x16xf32>,
        %get3A_69 = vector.shape_cast %get3A_68 : vector<1x16xf32> to vector<16xf32>
        %mul3A_70 = arith.mulf %get3A_69, %mul3A_65 : vector<16xf32>
        %swap3A = arith.index_cast %add3A_57 : i32 to index
        %swap3A_71 = arith.constant 0 : index
        %swap3A_72 = tpu.vector_load %arg12[%swap3A, %swap3A_71] {strides = array<i32>} : memref<128x128xf32, #tpu.memory_space<vmem>>, vector<1x16xf32>,
        %swap3A_73 = vector.shape_cast %swap3A_72 : vector<1x16xf32> to vector<16xf32>
        %swap3A_74 = vector.shape_cast %mul3A_70 : vector<16xf32> to vector<1x16xf32>
        tpu.vector_store %arg12[%swap3A, %swap3A_71], %swap3A_74 {strides = array<i32>} : memref<128x128xf32, #tpu.memory_space<vmem>>, vector<1x16xf32>,
        %get3A_75 = arith.index_cast %add3A_57 : i32 to index
        %get3A_76 = arith.constant 16 : index
        %get3A_77 = tpu.vector_load %arg12[%get3A_75, %get3A_76] {strides = array<i32>} : memref<128x128xf32, #tpu.memory_space<vmem>>, vector<1x16xf32>,
        %get3A_78 = vector.shape_cast %get3A_77 : vector<1x16xf32> to vector<16xf32>
        %mul3A_79 = arith.mulf %get3A_78, %mul3A_65 : vector<16xf32>
        %swap3A_80 = arith.index_cast %add3A_57 : i32 to index
        %swap3A_81 = arith.constant 16 : index
        %swap3A_82 = tpu.vector_load %arg12[%swap3A_80, %swap3A_81] {strides = array<i32>} : memref<128x128xf32, #tpu.memory_space<vmem>>, vector<1x16xf32>,
        %swap3A_83 = vector.shape_cast %swap3A_82 : vector<1x16xf32> to vector<16xf32>
        %swap3A_84 = vector.shape_cast %mul3A_79 : vector<16xf32> to vector<1x16xf32>
        tpu.vector_store %arg12[%swap3A_80, %swap3A_81], %swap3A_84 {strides = array<i32>} : memref<128x128xf32, #tpu.memory_space<vmem>>, vector<1x16xf32>,
        %get3A_85 = arith.index_cast %add3A_57 : i32 to index
        %get3A_86 = arith.constant 32 : index
        %get3A_87 = tpu.vector_load %arg12[%get3A_85, %get3A_86] {strides = array<i32>} : memref<128x128xf32, #tpu.memory_space<vmem>>, vector<1x16xf32>,
        %get3A_88 = vector.shape_cast %get3A_87 : vector<1x16xf32> to vector<16xf32>
        %mul3A_89 = arith.mulf %get3A_88, %mul3A_65 : vector<16xf32>
        %swap3A_90 = arith.index_cast %add3A_57 : i32 to index
        %swap3A_91 = arith.constant 32 : index
        %swap3A_92 = tpu.vector_load %arg12[%swap3A_90, %swap3A_91] {strides = array<i32>} : memref<128x128xf32, #tpu.memory_space<vmem>>, vector<1x16xf32>,
        %swap3A_93 = vector.shape_cast %swap3A_92 : vector<1x16xf32> to vector<16xf32>
        %swap3A_94 = vector.shape_cast %mul3A_89 : vector<16xf32> to vector<1x16xf32>
        tpu.vector_store %arg12[%swap3A_90, %swap3A_91], %swap3A_94 {strides = array<i32>} : memref<128x128xf32, #tpu.memory_space<vmem>>, vector<1x16xf32>,
        %get3A_95 = arith.index_cast %add3A_57 : i32 to index
        %get3A_96 = arith.constant 48 : index
        %get3A_97 = tpu.vector_load %arg12[%get3A_95, %get3A_96] {strides = array<i32>} : memref<128x128xf32, #tpu.memory_space<vmem>>, vector<1x16xf32>,
        %get3A_98 = vector.shape_cast %get3A_97 : vector<1x16xf32> to vector<16xf32>
        %mul3A_99 = arith.mulf %get3A_98, %mul3A_65 : vector<16xf32>
        %swap3A_100 = arith.index_cast %add3A_57 : i32 to index
        %swap3A_101 = arith.constant 48 : index
        %swap3A_102 = tpu.vector_load %arg12[%swap3A_100, %swap3A_101] {strides = array<i32>} : memref<128x128xf32, #tpu.memory_space<vmem>>, vector<1x16xf32>,
        %swap3A_103 = vector.shape_cast %swap3A_102 : vector<1x16xf32> to vector<16xf32>
        %swap3A_104 = vector.shape_cast %mul3A_99 : vector<16xf32> to vector<1x16xf32>
        tpu.vector_store %arg12[%swap3A_100, %swap3A_101], %swap3A_104 {strides = array<i32>} : memref<128x128xf32, #tpu.memory_space<vmem>>, vector<1x16xf32>,
        %get3A_105 = arith.index_cast %add3A_57 : i32 to index
        %get3A_106 = arith.constant 64 : index
        %get3A_107 = tpu.vector_load %arg12[%get3A_105, %get3A_106] {strides = array<i32>} : memref<128x128xf32, #tpu.memory_space<vmem>>, vector<1x16xf32>,
        %get3A_108 = vector.shape_cast %get3A_107 : vector<1x16xf32> to vector<16xf32>
        %mul3A_109 = arith.mulf %get3A_108, %mul3A_65 : vector<16xf32>
        %swap3A_110 = arith.index_cast %add3A_57 : i32 to index
        %swap3A_111 = arith.constant 64 : index
        %swap3A_112 = tpu.vector_load %arg12[%swap3A_110, %swap3A_111] {strides = array<i32>} : memref<128x128xf32, #tpu.memory_space<vmem>>, vector<1x16xf32>,
        %swap3A_113 = vector.shape_cast %swap3A_112 : vector<1x16xf32> to vector<16xf32>
        %swap3A_114 = vector.shape_cast %mul3A_109 : vector<16xf32> to vector<1x16xf32>
        tpu.vector_store %arg12[%swap3A_110, %swap3A_111], %swap3A_114 {strides = array<i32>} : memref<128x128xf32, #tpu.memory_space<vmem>>, vector<1x16xf32>,
        %get3A_115 = arith.index_cast %add3A_57 : i32 to index
        %get3A_116 = arith.constant 80 : index
        %get3A_117 = tpu.vector_load %arg12[%get3A_115, %get3A_116] {strides = array<i32>} : memref<128x128xf32, #tpu.memory_space<vmem>>, vector<1x16xf32>,
        %get3A_118 = vector.shape_cast %get3A_117 : vector<1x16xf32> to vector<16xf32>
        %mul3A_119 = arith.mulf %get3A_118, %mul3A_65 : vector<16xf32>
        %swap3A_120 = arith.index_cast %add3A_57 : i32 to index
        %swap3A_121 = arith.constant 80 : index
        %swap3A_122 = tpu.vector_load %arg12[%swap3A_120, %swap3A_121] {strides = array<i32>} : memref<128x128xf32, #tpu.memory_space<vmem>>, vector<1x16xf32>,
        %swap3A_123 = vector.shape_cast %swap3A_122 : vector<1x16xf32> to vector<16xf32>
        %swap3A_124 = vector.shape_cast %mul3A_119 : vector<16xf32> to vector<1x16xf32>
        tpu.vector_store %arg12[%swap3A_120, %swap3A_121], %swap3A_124 {strides = array<i32>} : memref<128x128xf32, #tpu.memory_space<vmem>>, vector<1x16xf32>,
        %get3A_125 = arith.index_cast %add3A_57 : i32 to index
        %get3A_126 = arith.constant 96 : index
        %get3A_127 = tpu.vector_load %arg12[%get3A_125, %get3A_126] {strides = array<i32>} : memref<128x128xf32, #tpu.memory_space<vmem>>, vector<1x16xf32>,
        %get3A_128 = vector.shape_cast %get3A_127 : vector<1x16xf32> to vector<16xf32>
        %mul3A_129 = arith.mulf %get3A_128, %mul3A_65 : vector<16xf32>
        %swap3A_130 = arith.index_cast %add3A_57 : i32 to index
        %swap3A_131 = arith.constant 96 : index
        %swap3A_132 = tpu.vector_load %arg12[%swap3A_130, %swap3A_131] {strides = array<i32>} : memref<128x128xf32, #tpu.memory_space<vmem>>, vector<1x16xf32>,
        %swap3A_133 = vector.shape_cast %swap3A_132 : vector<1x16xf32> to vector<16xf32>
        %swap3A_134 = vector.shape_cast %mul3A_129 : vector<16xf32> to vector<1x16xf32>
        tpu.vector_store %arg12[%swap3A_130, %swap3A_131], %swap3A_134 {strides = array<i32>} : memref<128x128xf32, #tpu.memory_space<vmem>>, vector<1x16xf32>,
        %get3A_135 = arith.index_cast %add3A_57 : i32 to index
        %get3A_136 = arith.constant 112 : index
        %get3A_137 = tpu.vector_load %arg12[%get3A_135, %get3A_136] {strides = array<i32>} : memref<128x128xf32, #tpu.memory_space<vmem>>, vector<1x16xf32>,
        %get3A_138 = vector.shape_cast %get3A_137 : vector<1x16xf32> to vector<16xf32>
        %mul3A_139 = arith.mulf %get3A_138, %mul3A_65 : vector<16xf32>
        %swap3A_140 = arith.index_cast %add3A_57 : i32 to index
        %swap3A_141 = arith.constant 112 : index
        %swap3A_142 = tpu.vector_load %arg12[%swap3A_140, %swap3A_141] {strides = array<i32>} : memref<128x128xf32, #tpu.memory_space<vmem>>, vector<1x16xf32>,
        %swap3A_143 = vector.shape_cast %swap3A_142 : vector<1x16xf32> to vector<16xf32>
        %swap3A_144 = vector.shape_cast %mul3A_139 : vector<16xf32> to vector<1x16xf32>
        tpu.vector_store %arg12[%swap3A_140, %swap3A_141], %swap3A_144 {strides = array<i32>} : memref<128x128xf32, #tpu.memory_space<vmem>>, vector<1x16xf32>,
      }
      %scan3A_52 = arith.constant 128 : i32
      "tpu.region"() ({
        %run_scoped3A = tpu.sem_alloc : memref<!tpu.dma_semaphore, #tpu.memory_space<semaphore_mem>>
        %dma_start3A_53 = arith.constant 0 : i32
        %dma_start3A_54 = tpu.memref_slice %arg9[%add3A_13, %dma_start3A_53] : memref<80x128xi32, #tpu.memory_space<vmem>> -> memref<1x128xi32, #tpu.memory_space<vmem>>
        %dma_start3A_55 = tpu.memref_squeeze %dma_start3A_54 : memref<1x128xi32, #tpu.memory_space<vmem>> -> memref<128xi32, #tpu.memory_space<vmem>>
        %dma_start3A_56 = arith.constant 0 : i32
        %dma_start3A_57 = arith.constant 0 : i32
        %dma_start3A_58 = tpu.memref_slice %arg13[%dma_start3A_56, %dma_start3A_57] : memref<10240x128xf32, #tpu.memory_space<vmem_shared>> -> memref<10240x128xf32, #tpu.memory_space<vmem_shared>>
        tpu.enqueue_indirect_dma source(%arg12 : memref<128x128xf32, #tpu.memory_space<vmem>>) target(%dma_start3A_58 : memref<10240x128xf32, #tpu.memory_space<vmem_shared>>) offsets(%dma_start3A_55 : memref<128xi32, #tpu.memory_space<vmem>>) semaphore(%run_scoped3A : memref<!tpu.dma_semaphore, #tpu.memory_space<semaphore_mem>>) {add = true}
        %dma_wait3A_59 = arith.constant 0 : i32
        %dma_wait3A_60 = tpu.memref_slice %arg9[%add3A_13, %dma_wait3A_59] : memref<80x128xi32, #tpu.memory_space<vmem>> -> memref<1x128xi32, #tpu.memory_space<vmem>>
        %dma_wait3A_61 = tpu.memref_squeeze %dma_wait3A_60 : memref<1x128xi32, #tpu.memory_space<vmem>> -> memref<128xi32, #tpu.memory_space<vmem>>
        %dma_wait3A_62 = arith.constant 0 : i32
        %dma_wait3A_63 = arith.constant 0 : i32
        %dma_wait3A_64 = tpu.memref_slice %arg13[%dma_wait3A_62, %dma_wait3A_63] : memref<10240x128xf32, #tpu.memory_space<vmem_shared>> -> memref<10240x128xf32, #tpu.memory_space<vmem_shared>>
        tpu.wait_indirect_dma semaphore(%run_scoped3A : memref<!tpu.dma_semaphore, #tpu.memory_space<semaphore_mem>>) src(%arg12 : memref<128x128xf32, #tpu.memory_space<vmem>>) dst(%dma_wait3A_64 : memref<10240x128xf32, #tpu.memory_space<vmem_shared>>)
        tpu.yield
      }) : () -> ()
    }
    %scan3A_4 = arith.constant 80 : i32
    %barrier3A_5 = arith.constant 0 : index
    tpu.barrier barrier_id(%barrier3A_5)
    %mul3A_6 = arith.constant 640 : i32
    %mul3A_7 = arith.muli %arg1, %mul3A_6 : i32
    %mul3A_8 = arith.constant 640 : i32
    %mul3A_9 = arith.muli %arg1, %mul3A_8 : i32
    "tpu.region"() ({
      %run_scoped3A = tpu.sem_alloc : memref<!tpu.dma_semaphore, #tpu.memory_space<semaphore_mem>>
      %dma_start3A = arith.constant 0 : i32
      %dma_start3A_10 = tpu.memref_slice %arg7[%arg0, %mul3A_9, %dma_start3A] : memref<2x10240x128xf32, #tpu.memory_space<hbm>> -> memref<1x640x128xf32, #tpu.memory_space<hbm>>
      %dma_start3A_11 = tpu.memref_squeeze %dma_start3A_10 : memref<1x640x128xf32, #tpu.memory_space<hbm>> -> memref<640x128xf32, #tpu.memory_space<hbm>>
      %dma_start3A_12 = arith.constant 0 : i32
      %dma_start3A_13 = tpu.memref_slice %arg13[%mul3A_7, %dma_start3A_12] : memref<10240x128xf32, #tpu.memory_space<vmem_shared>> -> memref<640x128xf32, #tpu.memory_space<vmem_shared>>
      tpu.enqueue_dma source(%dma_start3A_13 : memref<640x128xf32, #tpu.memory_space<vmem_shared>>) target(%dma_start3A_11 : memref<640x128xf32, #tpu.memory_space<hbm>>) target_semaphore(%run_scoped3A : memref<!tpu.dma_semaphore, #tpu.memory_space<semaphore_mem>>)
      %dma_wait3A = arith.constant 0 : i32
      %dma_wait3A_14 = tpu.memref_slice %arg7[%arg0, %mul3A_9, %dma_wait3A] : memref<2x10240x128xf32, #tpu.memory_space<hbm>> -> memref<1x640x128xf32, #tpu.memory_space<hbm>>
      %dma_wait3A_15 = tpu.memref_squeeze %dma_wait3A_14 : memref<1x640x128xf32, #tpu.memory_space<hbm>> -> memref<640x128xf32, #tpu.memory_space<hbm>>
      %dma_wait3A_16 = arith.constant 0 : i32
      %dma_wait3A_17 = tpu.memref_slice %arg13[%mul3A_7, %dma_wait3A_16] : memref<10240x128xf32, #tpu.memory_space<vmem_shared>> -> memref<640x128xf32, #tpu.memory_space<vmem_shared>>
      tpu.wait_dma2 semaphore(%run_scoped3A : memref<!tpu.dma_semaphore, #tpu.memory_space<semaphore_mem>>) src(%dma_wait3A_17 : memref<640x128xf32, #tpu.memory_space<vmem_shared>>) dst(%dma_wait3A_15 : memref<640x128xf32, #tpu.memory_space<hbm>>)
      tpu.yield
    }) : () -> ()
    return
  }
}

#map = affine_map<(d0, d1) -> (0, 0)>
#map1 = affine_map<(d0, d1) -> (0, 0, 0, 0)>
#map2 = affine_map<(d0, d1) -> (0, 0, 0)>
module attributes {stable_mosaic.version = 14 : i64} {
  func.func @_sc_edge_pass(%arg0: i32, %arg1: i32, %arg2: memref<10000x128xf32, #tpu.memory_space<hbm>>, %arg3: memref<2x16x80x128xi32, #tpu.memory_space<hbm>>, %arg4: memref<2x16x80x128xi32, #tpu.memory_space<hbm>>, %arg5: memref<10240x16xf32, #tpu.memory_space<hbm>>, %arg6: memref<640x128xf32, #tpu.memory_space<hbm>>, %arg7: memref<2x10240x128xf32, #tpu.memory_space<hbm>>, %arg8: memref<80x128xi32, #tpu.memory_space<vmem>>, %arg9: memref<80x128xi32, #tpu.memory_space<vmem>>, %arg10: memref<128x16xf32, #tpu.memory_space<vmem>>, %arg11: memref<128x16xf32, #tpu.memory_space<vmem>>, %arg12: memref<128x128xf32, #tpu.memory_space<vmem>>, %arg13: memref<10240x128xf32, #tpu.memory_space<vmem_shared>>, %arg14: memref<!tpu.dma_semaphore, #tpu.memory_space<semaphore_mem>>, %arg15: memref<!tpu.dma_semaphore, #tpu.memory_space<semaphore_mem>>, %arg16: memref<!tpu.dma_semaphore, #tpu.memory_space<semaphore_mem>>) attributes {dimension_semantics = [#tpu.dimension_semantics<core_parallel>, #tpu.dimension_semantics<subcore_parallel>], iteration_bounds = array<i64: 2, 16>, scalar_prefetch = 0 : i64, scratch_operands = 9 : i64, tpu.core_type = #tpu.core_type<sc_vector_subcore>, window_params = [{transform_indices = #map}, {transform_indices = #map1}, {transform_indices = #map1}, {transform_indices = #map}, {transform_indices = #map}, {transform_indices = #map2}]} {
    "tpu.region"() ({
      %run_scoped3A = tpu.sem_alloc : memref<!tpu.dma_semaphore, #tpu.memory_space<semaphore_mem>>
      %dma_start3A = arith.constant 0 : i32
      %dma_start3A_10 = arith.constant 0 : i32
      %dma_start3A_11 = tpu.memref_slice %arg3[%arg0, %arg1, %dma_start3A, %dma_start3A_10] : memref<2x16x80x128xi32, #tpu.memory_space<hbm>> -> memref<1x1x80x128xi32, #tpu.memory_space<hbm>>
      %dma_start3A_12 = tpu.memref_squeeze %dma_start3A_11 : memref<1x1x80x128xi32, #tpu.memory_space<hbm>> -> memref<80x128xi32, #tpu.memory_space<hbm>>
      %dma_start3A_13 = arith.constant 0 : i32
      %dma_start3A_14 = arith.constant 0 : i32
      %dma_start3A_15 = tpu.memref_slice %arg3[%arg0, %arg1, %dma_start3A_13, %dma_start3A_14] : memref<2x16x80x128xi32, #tpu.memory_space<hbm>> -> memref<1x1x80x128xi32, #tpu.memory_space<hbm>>
      %dma_start3A_16 = tpu.memref_squeeze %dma_start3A_15 : memref<1x1x80x128xi32, #tpu.memory_space<hbm>> -> memref<80x128xi32, #tpu.memory_space<hbm>>
      tpu.enqueue_dma source(%dma_start3A_16 : memref<80x128xi32, #tpu.memory_space<hbm>>) target(%arg8 : memref<80x128xi32, #tpu.memory_space<vmem>>) target_semaphore(%run_scoped3A : memref<!tpu.dma_semaphore, #tpu.memory_space<semaphore_mem>>)
      %dma_wait3A = arith.constant 0 : i32
      %dma_wait3A_17 = arith.constant 0 : i32
      %dma_wait3A_18 = tpu.memref_slice %arg3[%arg0, %arg1, %dma_wait3A, %dma_wait3A_17] : memref<2x16x80x128xi32, #tpu.memory_space<hbm>> -> memref<1x1x80x128xi32, #tpu.memory_space<hbm>>
      %dma_wait3A_19 = tpu.memref_squeeze %dma_wait3A_18 : memref<1x1x80x128xi32, #tpu.memory_space<hbm>> -> memref<80x128xi32, #tpu.memory_space<hbm>>
      %dma_wait3A_20 = arith.constant 0 : i32
      %dma_wait3A_21 = arith.constant 0 : i32
      %dma_wait3A_22 = tpu.memref_slice %arg3[%arg0, %arg1, %dma_wait3A_20, %dma_wait3A_21] : memref<2x16x80x128xi32, #tpu.memory_space<hbm>> -> memref<1x1x80x128xi32, #tpu.memory_space<hbm>>
      %dma_wait3A_23 = tpu.memref_squeeze %dma_wait3A_22 : memref<1x1x80x128xi32, #tpu.memory_space<hbm>> -> memref<80x128xi32, #tpu.memory_space<hbm>>
      tpu.wait_dma2 semaphore(%run_scoped3A : memref<!tpu.dma_semaphore, #tpu.memory_space<semaphore_mem>>) src(%dma_wait3A_23 : memref<80x128xi32, #tpu.memory_space<hbm>>) dst(%arg8 : memref<80x128xi32, #tpu.memory_space<vmem>>)
      tpu.yield
    }) : () -> ()
    "tpu.region"() ({
      %run_scoped3A = tpu.sem_alloc : memref<!tpu.dma_semaphore, #tpu.memory_space<semaphore_mem>>
      %dma_start3A = arith.constant 0 : i32
      %dma_start3A_10 = arith.constant 0 : i32
      %dma_start3A_11 = tpu.memref_slice %arg4[%arg0, %arg1, %dma_start3A, %dma_start3A_10] : memref<2x16x80x128xi32, #tpu.memory_space<hbm>> -> memref<1x1x80x128xi32, #tpu.memory_space<hbm>>
      %dma_start3A_12 = tpu.memref_squeeze %dma_start3A_11 : memref<1x1x80x128xi32, #tpu.memory_space<hbm>> -> memref<80x128xi32, #tpu.memory_space<hbm>>
      %dma_start3A_13 = arith.constant 0 : i32
      %dma_start3A_14 = arith.constant 0 : i32
      %dma_start3A_15 = tpu.memref_slice %arg4[%arg0, %arg1, %dma_start3A_13, %dma_start3A_14] : memref<2x16x80x128xi32, #tpu.memory_space<hbm>> -> memref<1x1x80x128xi32, #tpu.memory_space<hbm>>
      %dma_start3A_16 = tpu.memref_squeeze %dma_start3A_15 : memref<1x1x80x128xi32, #tpu.memory_space<hbm>> -> memref<80x128xi32, #tpu.memory_space<hbm>>
      tpu.enqueue_dma source(%dma_start3A_16 : memref<80x128xi32, #tpu.memory_space<hbm>>) target(%arg9 : memref<80x128xi32, #tpu.memory_space<vmem>>) target_semaphore(%run_scoped3A : memref<!tpu.dma_semaphore, #tpu.memory_space<semaphore_mem>>)
      %dma_wait3A = arith.constant 0 : i32
      %dma_wait3A_17 = arith.constant 0 : i32
      %dma_wait3A_18 = tpu.memref_slice %arg4[%arg0, %arg1, %dma_wait3A, %dma_wait3A_17] : memref<2x16x80x128xi32, #tpu.memory_space<hbm>> -> memref<1x1x80x128xi32, #tpu.memory_space<hbm>>
      %dma_wait3A_19 = tpu.memref_squeeze %dma_wait3A_18 : memref<1x1x80x128xi32, #tpu.memory_space<hbm>> -> memref<80x128xi32, #tpu.memory_space<hbm>>
      %dma_wait3A_20 = arith.constant 0 : i32
      %dma_wait3A_21 = arith.constant 0 : i32
      %dma_wait3A_22 = tpu.memref_slice %arg4[%arg0, %arg1, %dma_wait3A_20, %dma_wait3A_21] : memref<2x16x80x128xi32, #tpu.memory_space<hbm>> -> memref<1x1x80x128xi32, #tpu.memory_space<hbm>>
      %dma_wait3A_23 = tpu.memref_squeeze %dma_wait3A_22 : memref<1x1x80x128xi32, #tpu.memory_space<hbm>> -> memref<80x128xi32, #tpu.memory_space<hbm>>
      tpu.wait_dma2 semaphore(%run_scoped3A : memref<!tpu.dma_semaphore, #tpu.memory_space<semaphore_mem>>) src(%dma_wait3A_23 : memref<80x128xi32, #tpu.memory_space<hbm>>) dst(%arg9 : memref<80x128xi32, #tpu.memory_space<vmem>>)
      tpu.yield
    }) : () -> ()
    %mul3A = arith.constant 640 : i32
    %mul3A_0 = arith.muli %arg1, %mul3A : i32
    "tpu.region"() ({
      %run_scoped3A = tpu.sem_alloc : memref<!tpu.dma_semaphore, #tpu.memory_space<semaphore_mem>>
      %dma_start3A = arith.constant 0 : i32
      %dma_start3A_10 = tpu.memref_slice %arg13[%mul3A_0, %dma_start3A] : memref<10240x128xf32, #tpu.memory_space<vmem_shared>> -> memref<640x128xf32, #tpu.memory_space<vmem_shared>>
      tpu.enqueue_dma source(%arg6 : memref<640x128xf32, #tpu.memory_space<hbm>>) target(%dma_start3A_10 : memref<640x128xf32, #tpu.memory_space<vmem_shared>>) target_semaphore(%run_scoped3A : memref<!tpu.dma_semaphore, #tpu.memory_space<semaphore_mem>>)
      %dma_wait3A = arith.constant 0 : i32
      %dma_wait3A_11 = tpu.memref_slice %arg13[%mul3A_0, %dma_wait3A] : memref<10240x128xf32, #tpu.memory_space<vmem_shared>> -> memref<640x128xf32, #tpu.memory_space<vmem_shared>>
      tpu.wait_dma2 semaphore(%run_scoped3A : memref<!tpu.dma_semaphore, #tpu.memory_space<semaphore_mem>>) src(%arg6 : memref<640x128xf32, #tpu.memory_space<hbm>>) dst(%dma_wait3A_11 : memref<640x128xf32, #tpu.memory_space<vmem_shared>>)
      tpu.yield
    }) : () -> ()
    %barrier3A = arith.constant 0 : index
    tpu.barrier barrier_id(%barrier3A)
    %scan3A = arith.constant 0 : i32
    %scan3A_1 = arith.constant 80 : i32
    %scan3A_2 = arith.addi %scan3A, %scan3A_1 : i32
    %scan3A_3 = arith.constant 1 : i32
    scf.for %scan3A_10 = %scan3A to %scan3A_2 step %scan3A_3  : i32 {
      %mul3A_11 = arith.constant 1 : i32
      %mul3A_12 = arith.muli %scan3A_10, %mul3A_11 : i32
      %add3A = arith.constant 0 : i32
      %add3A_13 = arith.addi %add3A, %mul3A_12 : i32
      %dma_start3A = arith.constant 0 : i32
      %dma_start3A_14 = tpu.memref_slice %arg8[%add3A_13, %dma_start3A] : memref<80x128xi32, #tpu.memory_space<vmem>> -> memref<1x128xi32, #tpu.memory_space<vmem>>
      %dma_start3A_15 = tpu.memref_squeeze %dma_start3A_14 : memref<1x128xi32, #tpu.memory_space<vmem>> -> memref<128xi32, #tpu.memory_space<vmem>>
      %dma_start3A_16 = arith.constant 0 : i32
      %dma_start3A_17 = arith.constant 0 : i32
      %dma_start3A_18 = tpu.memref_slice %arg2[%dma_start3A_16, %dma_start3A_17] : memref<10000x128xf32, #tpu.memory_space<hbm>> -> memref<10000x128xf32, #tpu.memory_space<hbm>>
      tpu.enqueue_indirect_dma source(%dma_start3A_18 : memref<10000x128xf32, #tpu.memory_space<hbm>>) target(%arg12 : memref<128x128xf32, #tpu.memory_space<vmem>>) offsets(%dma_start3A_15 : memref<128xi32, #tpu.memory_space<vmem>>) semaphore(%arg14 : memref<!tpu.dma_semaphore, #tpu.memory_space<semaphore_mem>>)
      %dma_start3A_19 = arith.constant 0 : i32
      %dma_start3A_20 = tpu.memref_slice %arg8[%add3A_13, %dma_start3A_19] : memref<80x128xi32, #tpu.memory_space<vmem>> -> memref<1x128xi32, #tpu.memory_space<vmem>>
      %dma_start3A_21 = tpu.memref_squeeze %dma_start3A_20 : memref<1x128xi32, #tpu.memory_space<vmem>> -> memref<128xi32, #tpu.memory_space<vmem>>
      %dma_start3A_22 = arith.constant 0 : i32
      %dma_start3A_23 = arith.constant 0 : i32
      %dma_start3A_24 = tpu.memref_slice %arg5[%dma_start3A_22, %dma_start3A_23] : memref<10240x16xf32, #tpu.memory_space<hbm>> -> memref<10240x16xf32, #tpu.memory_space<hbm>>
      tpu.enqueue_indirect_dma source(%dma_start3A_24 : memref<10240x16xf32, #tpu.memory_space<hbm>>) target(%arg10 : memref<128x16xf32, #tpu.memory_space<vmem>>) offsets(%dma_start3A_21 : memref<128xi32, #tpu.memory_space<vmem>>) semaphore(%arg15 : memref<!tpu.dma_semaphore, #tpu.memory_space<semaphore_mem>>)
      %dma_start3A_25 = arith.constant 0 : i32
      %dma_start3A_26 = tpu.memref_slice %arg9[%add3A_13, %dma_start3A_25] : memref<80x128xi32, #tpu.memory_space<vmem>> -> memref<1x128xi32, #tpu.memory_space<vmem>>
      %dma_start3A_27 = tpu.memref_squeeze %dma_start3A_26 : memref<1x128xi32, #tpu.memory_space<vmem>> -> memref<128xi32, #tpu.memory_space<vmem>>
      %dma_start3A_28 = arith.constant 0 : i32
      %dma_start3A_29 = arith.constant 0 : i32
      %dma_start3A_30 = tpu.memref_slice %arg5[%dma_start3A_28, %dma_start3A_29] : memref<10240x16xf32, #tpu.memory_space<hbm>> -> memref<10240x16xf32, #tpu.memory_space<hbm>>
      tpu.enqueue_indirect_dma source(%dma_start3A_30 : memref<10240x16xf32, #tpu.memory_space<hbm>>) target(%arg11 : memref<128x16xf32, #tpu.memory_space<vmem>>) offsets(%dma_start3A_27 : memref<128xi32, #tpu.memory_space<vmem>>) semaphore(%arg16 : memref<!tpu.dma_semaphore, #tpu.memory_space<semaphore_mem>>)
      %dma_wait3A = arith.constant 0 : i32
      %dma_wait3A_31 = tpu.memref_slice %arg8[%add3A_13, %dma_wait3A] : memref<80x128xi32, #tpu.memory_space<vmem>> -> memref<1x128xi32, #tpu.memory_space<vmem>>
      %dma_wait3A_32 = tpu.memref_squeeze %dma_wait3A_31 : memref<1x128xi32, #tpu.memory_space<vmem>> -> memref<128xi32, #tpu.memory_space<vmem>>
      %dma_wait3A_33 = arith.constant 0 : i32
      %dma_wait3A_34 = arith.constant 0 : i32
      %dma_wait3A_35 = tpu.memref_slice %arg2[%dma_wait3A_33, %dma_wait3A_34] : memref<10000x128xf32, #tpu.memory_space<hbm>> -> memref<10000x128xf32, #tpu.memory_space<hbm>>
      tpu.wait_indirect_dma semaphore(%arg14 : memref<!tpu.dma_semaphore, #tpu.memory_space<semaphore_mem>>) src(%dma_wait3A_35 : memref<10000x128xf32, #tpu.memory_space<hbm>>) dst(%arg12 : memref<128x128xf32, #tpu.memory_space<vmem>>)
      %dma_wait3A_36 = arith.constant 0 : i32
      %dma_wait3A_37 = tpu.memref_slice %arg8[%add3A_13, %dma_wait3A_36] : memref<80x128xi32, #tpu.memory_space<vmem>> -> memref<1x128xi32, #tpu.memory_space<vmem>>
      %dma_wait3A_38 = tpu.memref_squeeze %dma_wait3A_37 : memref<1x128xi32, #tpu.memory_space<vmem>> -> memref<128xi32, #tpu.memory_space<vmem>>
      %dma_wait3A_39 = arith.constant 0 : i32
      %dma_wait3A_40 = arith.constant 0 : i32
      %dma_wait3A_41 = tpu.memref_slice %arg5[%dma_wait3A_39, %dma_wait3A_40] : memref<10240x16xf32, #tpu.memory_space<hbm>> -> memref<10240x16xf32, #tpu.memory_space<hbm>>
      tpu.wait_indirect_dma semaphore(%arg15 : memref<!tpu.dma_semaphore, #tpu.memory_space<semaphore_mem>>) src(%dma_wait3A_41 : memref<10240x16xf32, #tpu.memory_space<hbm>>) dst(%arg10 : memref<128x16xf32, #tpu.memory_space<vmem>>)
      %dma_wait3A_42 = arith.constant 0 : i32
      %dma_wait3A_43 = tpu.memref_slice %arg9[%add3A_13, %dma_wait3A_42] : memref<80x128xi32, #tpu.memory_space<vmem>> -> memref<1x128xi32, #tpu.memory_space<vmem>>
      %dma_wait3A_44 = tpu.memref_squeeze %dma_wait3A_43 : memref<1x128xi32, #tpu.memory_space<vmem>> -> memref<128xi32, #tpu.memory_space<vmem>>
      %dma_wait3A_45 = arith.constant 0 : i32
      %dma_wait3A_46 = arith.constant 0 : i32
      %dma_wait3A_47 = tpu.memref_slice %arg5[%dma_wait3A_45, %dma_wait3A_46] : memref<10240x16xf32, #tpu.memory_space<hbm>> -> memref<10240x16xf32, #tpu.memory_space<hbm>>
      tpu.wait_indirect_dma semaphore(%arg16 : memref<!tpu.dma_semaphore, #tpu.memory_space<semaphore_mem>>) src(%dma_wait3A_47 : memref<10240x16xf32, #tpu.memory_space<hbm>>) dst(%arg11 : memref<128x16xf32, #tpu.memory_space<vmem>>)
      %scan3A_48 = arith.constant 0 : i32
      %scan3A_49 = arith.constant 128 : i32
      %scan3A_50 = arith.addi %scan3A_48, %scan3A_49 : i32
      %scan3A_51 = arith.constant 1 : i32
      scf.for %scan3A_53 = %scan3A_48 to %scan3A_50 step %scan3A_51  : i32 {
        %mul3A_54 = arith.constant 1 : i32
        %mul3A_55 = arith.muli %scan3A_53, %mul3A_54 : i32
        %add3A_56 = arith.constant 0 : i32
        %add3A_57 = arith.addi %add3A_56, %mul3A_55 : i32
        %get3A = arith.index_cast %add3A_57 : i32 to index
        %get3A_58 = arith.constant 0 : index
        %get3A_59 = tpu.vector_load %arg10[%get3A, %get3A_58] {strides = array<i32>} : memref<128x16xf32, #tpu.memory_space<vmem>>, vector<1x16xf32>,
        %get3A_60 = vector.shape_cast %get3A_59 : vector<1x16xf32> to vector<16xf32>
        %get3A_61 = arith.index_cast %add3A_57 : i32 to index
        %get3A_62 = arith.constant 0 : index
        %get3A_63 = tpu.vector_load %arg11[%get3A_61, %get3A_62] {strides = array<i32>} : memref<128x16xf32, #tpu.memory_space<vmem>>, vector<1x16xf32>,
        %get3A_64 = vector.shape_cast %get3A_63 : vector<1x16xf32> to vector<16xf32>
        %mul3A_65 = arith.mulf %get3A_60, %get3A_64 : vector<16xf32>
        %get3A_66 = arith.index_cast %add3A_57 : i32 to index
        %get3A_67 = arith.constant 0 : index
        %get3A_68 = tpu.vector_load %arg12[%get3A_66, %get3A_67] {strides = array<i32>} : memref<128x128xf32, #tpu.memory_space<vmem>>, vector<1x16xf32>,
        %get3A_69 = vector.shape_cast %get3A_68 : vector<1x16xf32> to vector<16xf32>
        %mul3A_70 = arith.mulf %get3A_69, %mul3A_65 : vector<16xf32>
        %swap3A = arith.index_cast %add3A_57 : i32 to index
        %swap3A_71 = arith.constant 0 : index
        %swap3A_72 = tpu.vector_load %arg12[%swap3A, %swap3A_71] {strides = array<i32>} : memref<128x128xf32, #tpu.memory_space<vmem>>, vector<1x16xf32>,
        %swap3A_73 = vector.shape_cast %swap3A_72 : vector<1x16xf32> to vector<16xf32>
        %swap3A_74 = vector.shape_cast %mul3A_70 : vector<16xf32> to vector<1x16xf32>
        tpu.vector_store %arg12[%swap3A, %swap3A_71], %swap3A_74 {strides = array<i32>} : memref<128x128xf32, #tpu.memory_space<vmem>>, vector<1x16xf32>,
        %get3A_75 = arith.index_cast %add3A_57 : i32 to index
        %get3A_76 = arith.constant 16 : index
        %get3A_77 = tpu.vector_load %arg12[%get3A_75, %get3A_76] {strides = array<i32>} : memref<128x128xf32, #tpu.memory_space<vmem>>, vector<1x16xf32>,
        %get3A_78 = vector.shape_cast %get3A_77 : vector<1x16xf32> to vector<16xf32>
        %mul3A_79 = arith.mulf %get3A_78, %mul3A_65 : vector<16xf32>
        %swap3A_80 = arith.index_cast %add3A_57 : i32 to index
        %swap3A_81 = arith.constant 16 : index
        %swap3A_82 = tpu.vector_load %arg12[%swap3A_80, %swap3A_81] {strides = array<i32>} : memref<128x128xf32, #tpu.memory_space<vmem>>, vector<1x16xf32>,
        %swap3A_83 = vector.shape_cast %swap3A_82 : vector<1x16xf32> to vector<16xf32>
        %swap3A_84 = vector.shape_cast %mul3A_79 : vector<16xf32> to vector<1x16xf32>
        tpu.vector_store %arg12[%swap3A_80, %swap3A_81], %swap3A_84 {strides = array<i32>} : memref<128x128xf32, #tpu.memory_space<vmem>>, vector<1x16xf32>,
        %get3A_85 = arith.index_cast %add3A_57 : i32 to index
        %get3A_86 = arith.constant 32 : index
        %get3A_87 = tpu.vector_load %arg12[%get3A_85, %get3A_86] {strides = array<i32>} : memref<128x128xf32, #tpu.memory_space<vmem>>, vector<1x16xf32>,
        %get3A_88 = vector.shape_cast %get3A_87 : vector<1x16xf32> to vector<16xf32>
        %mul3A_89 = arith.mulf %get3A_88, %mul3A_65 : vector<16xf32>
        %swap3A_90 = arith.index_cast %add3A_57 : i32 to index
        %swap3A_91 = arith.constant 32 : index
        %swap3A_92 = tpu.vector_load %arg12[%swap3A_90, %swap3A_91] {strides = array<i32>} : memref<128x128xf32, #tpu.memory_space<vmem>>, vector<1x16xf32>,
        %swap3A_93 = vector.shape_cast %swap3A_92 : vector<1x16xf32> to vector<16xf32>
        %swap3A_94 = vector.shape_cast %mul3A_89 : vector<16xf32> to vector<1x16xf32>
        tpu.vector_store %arg12[%swap3A_90, %swap3A_91], %swap3A_94 {strides = array<i32>} : memref<128x128xf32, #tpu.memory_space<vmem>>, vector<1x16xf32>,
        %get3A_95 = arith.index_cast %add3A_57 : i32 to index
        %get3A_96 = arith.constant 48 : index
        %get3A_97 = tpu.vector_load %arg12[%get3A_95, %get3A_96] {strides = array<i32>} : memref<128x128xf32, #tpu.memory_space<vmem>>, vector<1x16xf32>,
        %get3A_98 = vector.shape_cast %get3A_97 : vector<1x16xf32> to vector<16xf32>
        %mul3A_99 = arith.mulf %get3A_98, %mul3A_65 : vector<16xf32>
        %swap3A_100 = arith.index_cast %add3A_57 : i32 to index
        %swap3A_101 = arith.constant 48 : index
        %swap3A_102 = tpu.vector_load %arg12[%swap3A_100, %swap3A_101] {strides = array<i32>} : memref<128x128xf32, #tpu.memory_space<vmem>>, vector<1x16xf32>,
        %swap3A_103 = vector.shape_cast %swap3A_102 : vector<1x16xf32> to vector<16xf32>
        %swap3A_104 = vector.shape_cast %mul3A_99 : vector<16xf32> to vector<1x16xf32>
        tpu.vector_store %arg12[%swap3A_100, %swap3A_101], %swap3A_104 {strides = array<i32>} : memref<128x128xf32, #tpu.memory_space<vmem>>, vector<1x16xf32>,
        %get3A_105 = arith.index_cast %add3A_57 : i32 to index
        %get3A_106 = arith.constant 64 : index
        %get3A_107 = tpu.vector_load %arg12[%get3A_105, %get3A_106] {strides = array<i32>} : memref<128x128xf32, #tpu.memory_space<vmem>>, vector<1x16xf32>,
        %get3A_108 = vector.shape_cast %get3A_107 : vector<1x16xf32> to vector<16xf32>
        %mul3A_109 = arith.mulf %get3A_108, %mul3A_65 : vector<16xf32>
        %swap3A_110 = arith.index_cast %add3A_57 : i32 to index
        %swap3A_111 = arith.constant 64 : index
        %swap3A_112 = tpu.vector_load %arg12[%swap3A_110, %swap3A_111] {strides = array<i32>} : memref<128x128xf32, #tpu.memory_space<vmem>>, vector<1x16xf32>,
        %swap3A_113 = vector.shape_cast %swap3A_112 : vector<1x16xf32> to vector<16xf32>
        %swap3A_114 = vector.shape_cast %mul3A_109 : vector<16xf32> to vector<1x16xf32>
        tpu.vector_store %arg12[%swap3A_110, %swap3A_111], %swap3A_114 {strides = array<i32>} : memref<128x128xf32, #tpu.memory_space<vmem>>, vector<1x16xf32>,
        %get3A_115 = arith.index_cast %add3A_57 : i32 to index
        %get3A_116 = arith.constant 80 : index
        %get3A_117 = tpu.vector_load %arg12[%get3A_115, %get3A_116] {strides = array<i32>} : memref<128x128xf32, #tpu.memory_space<vmem>>, vector<1x16xf32>,
        %get3A_118 = vector.shape_cast %get3A_117 : vector<1x16xf32> to vector<16xf32>
        %mul3A_119 = arith.mulf %get3A_118, %mul3A_65 : vector<16xf32>
        %swap3A_120 = arith.index_cast %add3A_57 : i32 to index
        %swap3A_121 = arith.constant 80 : index
        %swap3A_122 = tpu.vector_load %arg12[%swap3A_120, %swap3A_121] {strides = array<i32>} : memref<128x128xf32, #tpu.memory_space<vmem>>, vector<1x16xf32>,
        %swap3A_123 = vector.shape_cast %swap3A_122 : vector<1x16xf32> to vector<16xf32>
        %swap3A_124 = vector.shape_cast %mul3A_119 : vector<16xf32> to vector<1x16xf32>
        tpu.vector_store %arg12[%swap3A_120, %swap3A_121], %swap3A_124 {strides = array<i32>} : memref<128x128xf32, #tpu.memory_space<vmem>>, vector<1x16xf32>,
        %get3A_125 = arith.index_cast %add3A_57 : i32 to index
        %get3A_126 = arith.constant 96 : index
        %get3A_127 = tpu.vector_load %arg12[%get3A_125, %get3A_126] {strides = array<i32>} : memref<128x128xf32, #tpu.memory_space<vmem>>, vector<1x16xf32>,
        %get3A_128 = vector.shape_cast %get3A_127 : vector<1x16xf32> to vector<16xf32>
        %mul3A_129 = arith.mulf %get3A_128, %mul3A_65 : vector<16xf32>
        %swap3A_130 = arith.index_cast %add3A_57 : i32 to index
        %swap3A_131 = arith.constant 96 : index
        %swap3A_132 = tpu.vector_load %arg12[%swap3A_130, %swap3A_131] {strides = array<i32>} : memref<128x128xf32, #tpu.memory_space<vmem>>, vector<1x16xf32>,
        %swap3A_133 = vector.shape_cast %swap3A_132 : vector<1x16xf32> to vector<16xf32>
        %swap3A_134 = vector.shape_cast %mul3A_129 : vector<16xf32> to vector<1x16xf32>
        tpu.vector_store %arg12[%swap3A_130, %swap3A_131], %swap3A_134 {strides = array<i32>} : memref<128x128xf32, #tpu.memory_space<vmem>>, vector<1x16xf32>,
        %get3A_135 = arith.index_cast %add3A_57 : i32 to index
        %get3A_136 = arith.constant 112 : index
        %get3A_137 = tpu.vector_load %arg12[%get3A_135, %get3A_136] {strides = array<i32>} : memref<128x128xf32, #tpu.memory_space<vmem>>, vector<1x16xf32>,
        %get3A_138 = vector.shape_cast %get3A_137 : vector<1x16xf32> to vector<16xf32>
        %mul3A_139 = arith.mulf %get3A_138, %mul3A_65 : vector<16xf32>
        %swap3A_140 = arith.index_cast %add3A_57 : i32 to index
        %swap3A_141 = arith.constant 112 : index
        %swap3A_142 = tpu.vector_load %arg12[%swap3A_140, %swap3A_141] {strides = array<i32>} : memref<128x128xf32, #tpu.memory_space<vmem>>, vector<1x16xf32>,
        %swap3A_143 = vector.shape_cast %swap3A_142 : vector<1x16xf32> to vector<16xf32>
        %swap3A_144 = vector.shape_cast %mul3A_139 : vector<16xf32> to vector<1x16xf32>
        tpu.vector_store %arg12[%swap3A_140, %swap3A_141], %swap3A_144 {strides = array<i32>} : memref<128x128xf32, #tpu.memory_space<vmem>>, vector<1x16xf32>,
      }
      %scan3A_52 = arith.constant 128 : i32
      "tpu.region"() ({
        %run_scoped3A = tpu.sem_alloc : memref<!tpu.dma_semaphore, #tpu.memory_space<semaphore_mem>>
        %dma_start3A_53 = arith.constant 0 : i32
        %dma_start3A_54 = tpu.memref_slice %arg9[%add3A_13, %dma_start3A_53] : memref<80x128xi32, #tpu.memory_space<vmem>> -> memref<1x128xi32, #tpu.memory_space<vmem>>
        %dma_start3A_55 = tpu.memref_squeeze %dma_start3A_54 : memref<1x128xi32, #tpu.memory_space<vmem>> -> memref<128xi32, #tpu.memory_space<vmem>>
        %dma_start3A_56 = arith.constant 0 : i32
        %dma_start3A_57 = arith.constant 0 : i32
        %dma_start3A_58 = tpu.memref_slice %arg13[%dma_start3A_56, %dma_start3A_57] : memref<10240x128xf32, #tpu.memory_space<vmem_shared>> -> memref<10240x128xf32, #tpu.memory_space<vmem_shared>>
        tpu.enqueue_indirect_dma source(%arg12 : memref<128x128xf32, #tpu.memory_space<vmem>>) target(%dma_start3A_58 : memref<10240x128xf32, #tpu.memory_space<vmem_shared>>) offsets(%dma_start3A_55 : memref<128xi32, #tpu.memory_space<vmem>>) semaphore(%run_scoped3A : memref<!tpu.dma_semaphore, #tpu.memory_space<semaphore_mem>>) {add = true}
        %dma_wait3A_59 = arith.constant 0 : i32
        %dma_wait3A_60 = tpu.memref_slice %arg9[%add3A_13, %dma_wait3A_59] : memref<80x128xi32, #tpu.memory_space<vmem>> -> memref<1x128xi32, #tpu.memory_space<vmem>>
        %dma_wait3A_61 = tpu.memref_squeeze %dma_wait3A_60 : memref<1x128xi32, #tpu.memory_space<vmem>> -> memref<128xi32, #tpu.memory_space<vmem>>
        %dma_wait3A_62 = arith.constant 0 : i32
        %dma_wait3A_63 = arith.constant 0 : i32
        %dma_wait3A_64 = tpu.memref_slice %arg13[%dma_wait3A_62, %dma_wait3A_63] : memref<10240x128xf32, #tpu.memory_space<vmem_shared>> -> memref<10240x128xf32, #tpu.memory_space<vmem_shared>>
        tpu.wait_indirect_dma semaphore(%run_scoped3A : memref<!tpu.dma_semaphore, #tpu.memory_space<semaphore_mem>>) src(%arg12 : memref<128x128xf32, #tpu.memory_space<vmem>>) dst(%dma_wait3A_64 : memref<10240x128xf32, #tpu.memory_space<vmem_shared>>)
        tpu.yield
      }) : () -> ()
    }
    %scan3A_4 = arith.constant 80 : i32
    %barrier3A_5 = arith.constant 0 : index
    tpu.barrier barrier_id(%barrier3A_5)
    %mul3A_6 = arith.constant 640 : i32
    %mul3A_7 = arith.muli %arg1, %mul3A_6 : i32
    %mul3A_8 = arith.constant 640 : i32
    %mul3A_9 = arith.muli %arg1, %mul3A_8 : i32
    "tpu.region"() ({
      %run_scoped3A = tpu.sem_alloc : memref<!tpu.dma_semaphore, #tpu.memory_space<semaphore_mem>>
      %dma_start3A = arith.constant 0 : i32
      %dma_start3A_10 = tpu.memref_slice %arg7[%arg0, %mul3A_9, %dma_start3A] : memref<2x10240x128xf32, #tpu.memory_space<hbm>> -> memref<1x640x128xf32, #tpu.memory_space<hbm>>
      %dma_start3A_11 = tpu.memref_squeeze %dma_start3A_10 : memref<1x640x128xf32, #tpu.memory_space<hbm>> -> memref<640x128xf32, #tpu.memory_space<hbm>>
      %dma_start3A_12 = arith.constant 0 : i32
      %dma_start3A_13 = tpu.memref_slice %arg13[%mul3A_7, %dma_start3A_12] : memref<10240x128xf32, #tpu.memory_space<vmem_shared>> -> memref<640x128xf32, #tpu.memory_space<vmem_shared>>
      tpu.enqueue_dma source(%dma_start3A_13 : memref<640x128xf32, #tpu.memory_space<vmem_shared>>) target(%dma_start3A_11 : memref<640x128xf32, #tpu.memory_space<hbm>>) target_semaphore(%run_scoped3A : memref<!tpu.dma_semaphore, #tpu.memory_space<semaphore_mem>>)
      %dma_wait3A = arith.constant 0 : i32
      %dma_wait3A_14 = tpu.memref_slice %arg7[%arg0, %mul3A_9, %dma_wait3A] : memref<2x10240x128xf32, #tpu.memory_space<hbm>> -> memref<1x640x128xf32, #tpu.memory_space<hbm>>
      %dma_wait3A_15 = tpu.memref_squeeze %dma_wait3A_14 : memref<1x640x128xf32, #tpu.memory_space<hbm>> -> memref<640x128xf32, #tpu.memory_space<hbm>>
      %dma_wait3A_16 = arith.constant 0 : i32
      %dma_wait3A_17 = tpu.memref_slice %arg13[%mul3A_7, %dma_wait3A_16] : memref<10240x128xf32, #tpu.memory_space<vmem_shared>> -> memref<640x128xf32, #tpu.memory_space<vmem_shared>>
      tpu.wait_dma2 semaphore(%run_scoped3A : memref<!tpu.dma_semaphore, #tpu.memory_space<semaphore_mem>>) src(%dma_wait3A_17 : memref<640x128xf32, #tpu.memory_space<vmem_shared>>) dst(%dma_wait3A_15 : memref<640x128xf32, #tpu.memory_space<hbm>>)
      tpu.yield
    }) : () -> ()
    return
  }
}

#map = affine_map<(d0, d1) -> (0, 0)>
#map1 = affine_map<(d0, d1) -> (0, 0, 0, 0)>
#map2 = affine_map<(d0, d1) -> (0, 0, 0)>
module attributes {stable_mosaic.version = 14 : i64} {
  func.func @_sc_edge_pass(%arg0: i32, %arg1: i32, %arg2: memref<10000x128xf32, #tpu.memory_space<hbm>>, %arg3: memref<2x16x80x128xi32, #tpu.memory_space<hbm>>, %arg4: memref<2x16x80x128xi32, #tpu.memory_space<hbm>>, %arg5: memref<10240x16xf32, #tpu.memory_space<hbm>>, %arg6: memref<640x128xf32, #tpu.memory_space<hbm>>, %arg7: memref<2x10240x128xf32, #tpu.memory_space<hbm>>, %arg8: memref<80x128xi32, #tpu.memory_space<vmem>>, %arg9: memref<80x128xi32, #tpu.memory_space<vmem>>, %arg10: memref<128x16xf32, #tpu.memory_space<vmem>>, %arg11: memref<128x16xf32, #tpu.memory_space<vmem>>, %arg12: memref<128x128xf32, #tpu.memory_space<vmem>>, %arg13: memref<10240x128xf32, #tpu.memory_space<vmem_shared>>, %arg14: memref<!tpu.dma_semaphore, #tpu.memory_space<semaphore_mem>>, %arg15: memref<!tpu.dma_semaphore, #tpu.memory_space<semaphore_mem>>, %arg16: memref<!tpu.dma_semaphore, #tpu.memory_space<semaphore_mem>>) attributes {dimension_semantics = [#tpu.dimension_semantics<core_parallel>, #tpu.dimension_semantics<subcore_parallel>], iteration_bounds = array<i64: 2, 16>, scalar_prefetch = 0 : i64, scratch_operands = 9 : i64, tpu.core_type = #tpu.core_type<sc_vector_subcore>, window_params = [{transform_indices = #map}, {transform_indices = #map1}, {transform_indices = #map1}, {transform_indices = #map}, {transform_indices = #map}, {transform_indices = #map2}]} {
    "tpu.region"() ({
      %run_scoped3A = tpu.sem_alloc : memref<!tpu.dma_semaphore, #tpu.memory_space<semaphore_mem>>
      %dma_start3A = arith.constant 0 : i32
      %dma_start3A_10 = arith.constant 0 : i32
      %dma_start3A_11 = tpu.memref_slice %arg3[%arg0, %arg1, %dma_start3A, %dma_start3A_10] : memref<2x16x80x128xi32, #tpu.memory_space<hbm>> -> memref<1x1x80x128xi32, #tpu.memory_space<hbm>>
      %dma_start3A_12 = tpu.memref_squeeze %dma_start3A_11 : memref<1x1x80x128xi32, #tpu.memory_space<hbm>> -> memref<80x128xi32, #tpu.memory_space<hbm>>
      %dma_start3A_13 = arith.constant 0 : i32
      %dma_start3A_14 = arith.constant 0 : i32
      %dma_start3A_15 = tpu.memref_slice %arg3[%arg0, %arg1, %dma_start3A_13, %dma_start3A_14] : memref<2x16x80x128xi32, #tpu.memory_space<hbm>> -> memref<1x1x80x128xi32, #tpu.memory_space<hbm>>
      %dma_start3A_16 = tpu.memref_squeeze %dma_start3A_15 : memref<1x1x80x128xi32, #tpu.memory_space<hbm>> -> memref<80x128xi32, #tpu.memory_space<hbm>>
      tpu.enqueue_dma source(%dma_start3A_16 : memref<80x128xi32, #tpu.memory_space<hbm>>) target(%arg8 : memref<80x128xi32, #tpu.memory_space<vmem>>) target_semaphore(%run_scoped3A : memref<!tpu.dma_semaphore, #tpu.memory_space<semaphore_mem>>)
      %dma_wait3A = arith.constant 0 : i32
      %dma_wait3A_17 = arith.constant 0 : i32
      %dma_wait3A_18 = tpu.memref_slice %arg3[%arg0, %arg1, %dma_wait3A, %dma_wait3A_17] : memref<2x16x80x128xi32, #tpu.memory_space<hbm>> -> memref<1x1x80x128xi32, #tpu.memory_space<hbm>>
      %dma_wait3A_19 = tpu.memref_squeeze %dma_wait3A_18 : memref<1x1x80x128xi32, #tpu.memory_space<hbm>> -> memref<80x128xi32, #tpu.memory_space<hbm>>
      %dma_wait3A_20 = arith.constant 0 : i32
      %dma_wait3A_21 = arith.constant 0 : i32
      %dma_wait3A_22 = tpu.memref_slice %arg3[%arg0, %arg1, %dma_wait3A_20, %dma_wait3A_21] : memref<2x16x80x128xi32, #tpu.memory_space<hbm>> -> memref<1x1x80x128xi32, #tpu.memory_space<hbm>>
      %dma_wait3A_23 = tpu.memref_squeeze %dma_wait3A_22 : memref<1x1x80x128xi32, #tpu.memory_space<hbm>> -> memref<80x128xi32, #tpu.memory_space<hbm>>
      tpu.wait_dma2 semaphore(%run_scoped3A : memref<!tpu.dma_semaphore, #tpu.memory_space<semaphore_mem>>) src(%dma_wait3A_23 : memref<80x128xi32, #tpu.memory_space<hbm>>) dst(%arg8 : memref<80x128xi32, #tpu.memory_space<vmem>>)
      tpu.yield
    }) : () -> ()
    "tpu.region"() ({
      %run_scoped3A = tpu.sem_alloc : memref<!tpu.dma_semaphore, #tpu.memory_space<semaphore_mem>>
      %dma_start3A = arith.constant 0 : i32
      %dma_start3A_10 = arith.constant 0 : i32
      %dma_start3A_11 = tpu.memref_slice %arg4[%arg0, %arg1, %dma_start3A, %dma_start3A_10] : memref<2x16x80x128xi32, #tpu.memory_space<hbm>> -> memref<1x1x80x128xi32, #tpu.memory_space<hbm>>
      %dma_start3A_12 = tpu.memref_squeeze %dma_start3A_11 : memref<1x1x80x128xi32, #tpu.memory_space<hbm>> -> memref<80x128xi32, #tpu.memory_space<hbm>>
      %dma_start3A_13 = arith.constant 0 : i32
      %dma_start3A_14 = arith.constant 0 : i32
      %dma_start3A_15 = tpu.memref_slice %arg4[%arg0, %arg1, %dma_start3A_13, %dma_start3A_14] : memref<2x16x80x128xi32, #tpu.memory_space<hbm>> -> memref<1x1x80x128xi32, #tpu.memory_space<hbm>>
      %dma_start3A_16 = tpu.memref_squeeze %dma_start3A_15 : memref<1x1x80x128xi32, #tpu.memory_space<hbm>> -> memref<80x128xi32, #tpu.memory_space<hbm>>
      tpu.enqueue_dma source(%dma_start3A_16 : memref<80x128xi32, #tpu.memory_space<hbm>>) target(%arg9 : memref<80x128xi32, #tpu.memory_space<vmem>>) target_semaphore(%run_scoped3A : memref<!tpu.dma_semaphore, #tpu.memory_space<semaphore_mem>>)
      %dma_wait3A = arith.constant 0 : i32
      %dma_wait3A_17 = arith.constant 0 : i32
      %dma_wait3A_18 = tpu.memref_slice %arg4[%arg0, %arg1, %dma_wait3A, %dma_wait3A_17] : memref<2x16x80x128xi32, #tpu.memory_space<hbm>> -> memref<1x1x80x128xi32, #tpu.memory_space<hbm>>
      %dma_wait3A_19 = tpu.memref_squeeze %dma_wait3A_18 : memref<1x1x80x128xi32, #tpu.memory_space<hbm>> -> memref<80x128xi32, #tpu.memory_space<hbm>>
      %dma_wait3A_20 = arith.constant 0 : i32
      %dma_wait3A_21 = arith.constant 0 : i32
      %dma_wait3A_22 = tpu.memref_slice %arg4[%arg0, %arg1, %dma_wait3A_20, %dma_wait3A_21] : memref<2x16x80x128xi32, #tpu.memory_space<hbm>> -> memref<1x1x80x128xi32, #tpu.memory_space<hbm>>
      %dma_wait3A_23 = tpu.memref_squeeze %dma_wait3A_22 : memref<1x1x80x128xi32, #tpu.memory_space<hbm>> -> memref<80x128xi32, #tpu.memory_space<hbm>>
      tpu.wait_dma2 semaphore(%run_scoped3A : memref<!tpu.dma_semaphore, #tpu.memory_space<semaphore_mem>>) src(%dma_wait3A_23 : memref<80x128xi32, #tpu.memory_space<hbm>>) dst(%arg9 : memref<80x128xi32, #tpu.memory_space<vmem>>)
      tpu.yield
    }) : () -> ()
    %mul3A = arith.constant 640 : i32
    %mul3A_0 = arith.muli %arg1, %mul3A : i32
    "tpu.region"() ({
      %run_scoped3A = tpu.sem_alloc : memref<!tpu.dma_semaphore, #tpu.memory_space<semaphore_mem>>
      %dma_start3A = arith.constant 0 : i32
      %dma_start3A_10 = tpu.memref_slice %arg13[%mul3A_0, %dma_start3A] : memref<10240x128xf32, #tpu.memory_space<vmem_shared>> -> memref<640x128xf32, #tpu.memory_space<vmem_shared>>
      tpu.enqueue_dma source(%arg6 : memref<640x128xf32, #tpu.memory_space<hbm>>) target(%dma_start3A_10 : memref<640x128xf32, #tpu.memory_space<vmem_shared>>) target_semaphore(%run_scoped3A : memref<!tpu.dma_semaphore, #tpu.memory_space<semaphore_mem>>)
      %dma_wait3A = arith.constant 0 : i32
      %dma_wait3A_11 = tpu.memref_slice %arg13[%mul3A_0, %dma_wait3A] : memref<10240x128xf32, #tpu.memory_space<vmem_shared>> -> memref<640x128xf32, #tpu.memory_space<vmem_shared>>
      tpu.wait_dma2 semaphore(%run_scoped3A : memref<!tpu.dma_semaphore, #tpu.memory_space<semaphore_mem>>) src(%arg6 : memref<640x128xf32, #tpu.memory_space<hbm>>) dst(%dma_wait3A_11 : memref<640x128xf32, #tpu.memory_space<vmem_shared>>)
      tpu.yield
    }) : () -> ()
    %barrier3A = arith.constant 0 : index
    tpu.barrier barrier_id(%barrier3A)
    %scan3A = arith.constant 0 : i32
    %scan3A_1 = arith.constant 80 : i32
    %scan3A_2 = arith.addi %scan3A, %scan3A_1 : i32
    %scan3A_3 = arith.constant 1 : i32
    scf.for %scan3A_10 = %scan3A to %scan3A_2 step %scan3A_3  : i32 {
      %mul3A_11 = arith.constant 1 : i32
      %mul3A_12 = arith.muli %scan3A_10, %mul3A_11 : i32
      %add3A = arith.constant 0 : i32
      %add3A_13 = arith.addi %add3A, %mul3A_12 : i32
      %dma_start3A = arith.constant 0 : i32
      %dma_start3A_14 = tpu.memref_slice %arg8[%add3A_13, %dma_start3A] : memref<80x128xi32, #tpu.memory_space<vmem>> -> memref<1x128xi32, #tpu.memory_space<vmem>>
      %dma_start3A_15 = tpu.memref_squeeze %dma_start3A_14 : memref<1x128xi32, #tpu.memory_space<vmem>> -> memref<128xi32, #tpu.memory_space<vmem>>
      %dma_start3A_16 = arith.constant 0 : i32
      %dma_start3A_17 = arith.constant 0 : i32
      %dma_start3A_18 = tpu.memref_slice %arg2[%dma_start3A_16, %dma_start3A_17] : memref<10000x128xf32, #tpu.memory_space<hbm>> -> memref<10000x128xf32, #tpu.memory_space<hbm>>
      tpu.enqueue_indirect_dma source(%dma_start3A_18 : memref<10000x128xf32, #tpu.memory_space<hbm>>) target(%arg12 : memref<128x128xf32, #tpu.memory_space<vmem>>) offsets(%dma_start3A_15 : memref<128xi32, #tpu.memory_space<vmem>>) semaphore(%arg14 : memref<!tpu.dma_semaphore, #tpu.memory_space<semaphore_mem>>)
      %dma_start3A_19 = arith.constant 0 : i32
      %dma_start3A_20 = tpu.memref_slice %arg8[%add3A_13, %dma_start3A_19] : memref<80x128xi32, #tpu.memory_space<vmem>> -> memref<1x128xi32, #tpu.memory_space<vmem>>
      %dma_start3A_21 = tpu.memref_squeeze %dma_start3A_20 : memref<1x128xi32, #tpu.memory_space<vmem>> -> memref<128xi32, #tpu.memory_space<vmem>>
      %dma_start3A_22 = arith.constant 0 : i32
      %dma_start3A_23 = arith.constant 0 : i32
      %dma_start3A_24 = tpu.memref_slice %arg5[%dma_start3A_22, %dma_start3A_23] : memref<10240x16xf32, #tpu.memory_space<hbm>> -> memref<10240x16xf32, #tpu.memory_space<hbm>>
      tpu.enqueue_indirect_dma source(%dma_start3A_24 : memref<10240x16xf32, #tpu.memory_space<hbm>>) target(%arg10 : memref<128x16xf32, #tpu.memory_space<vmem>>) offsets(%dma_start3A_21 : memref<128xi32, #tpu.memory_space<vmem>>) semaphore(%arg15 : memref<!tpu.dma_semaphore, #tpu.memory_space<semaphore_mem>>)
      %dma_start3A_25 = arith.constant 0 : i32
      %dma_start3A_26 = tpu.memref_slice %arg9[%add3A_13, %dma_start3A_25] : memref<80x128xi32, #tpu.memory_space<vmem>> -> memref<1x128xi32, #tpu.memory_space<vmem>>
      %dma_start3A_27 = tpu.memref_squeeze %dma_start3A_26 : memref<1x128xi32, #tpu.memory_space<vmem>> -> memref<128xi32, #tpu.memory_space<vmem>>
      %dma_start3A_28 = arith.constant 0 : i32
      %dma_start3A_29 = arith.constant 0 : i32
      %dma_start3A_30 = tpu.memref_slice %arg5[%dma_start3A_28, %dma_start3A_29] : memref<10240x16xf32, #tpu.memory_space<hbm>> -> memref<10240x16xf32, #tpu.memory_space<hbm>>
      tpu.enqueue_indirect_dma source(%dma_start3A_30 : memref<10240x16xf32, #tpu.memory_space<hbm>>) target(%arg11 : memref<128x16xf32, #tpu.memory_space<vmem>>) offsets(%dma_start3A_27 : memref<128xi32, #tpu.memory_space<vmem>>) semaphore(%arg16 : memref<!tpu.dma_semaphore, #tpu.memory_space<semaphore_mem>>)
      %dma_wait3A = arith.constant 0 : i32
      %dma_wait3A_31 = tpu.memref_slice %arg8[%add3A_13, %dma_wait3A] : memref<80x128xi32, #tpu.memory_space<vmem>> -> memref<1x128xi32, #tpu.memory_space<vmem>>
      %dma_wait3A_32 = tpu.memref_squeeze %dma_wait3A_31 : memref<1x128xi32, #tpu.memory_space<vmem>> -> memref<128xi32, #tpu.memory_space<vmem>>
      %dma_wait3A_33 = arith.constant 0 : i32
      %dma_wait3A_34 = arith.constant 0 : i32
      %dma_wait3A_35 = tpu.memref_slice %arg2[%dma_wait3A_33, %dma_wait3A_34] : memref<10000x128xf32, #tpu.memory_space<hbm>> -> memref<10000x128xf32, #tpu.memory_space<hbm>>
      tpu.wait_indirect_dma semaphore(%arg14 : memref<!tpu.dma_semaphore, #tpu.memory_space<semaphore_mem>>) src(%dma_wait3A_35 : memref<10000x128xf32, #tpu.memory_space<hbm>>) dst(%arg12 : memref<128x128xf32, #tpu.memory_space<vmem>>)
      %dma_wait3A_36 = arith.constant 0 : i32
      %dma_wait3A_37 = tpu.memref_slice %arg8[%add3A_13, %dma_wait3A_36] : memref<80x128xi32, #tpu.memory_space<vmem>> -> memref<1x128xi32, #tpu.memory_space<vmem>>
      %dma_wait3A_38 = tpu.memref_squeeze %dma_wait3A_37 : memref<1x128xi32, #tpu.memory_space<vmem>> -> memref<128xi32, #tpu.memory_space<vmem>>
      %dma_wait3A_39 = arith.constant 0 : i32
      %dma_wait3A_40 = arith.constant 0 : i32
      %dma_wait3A_41 = tpu.memref_slice %arg5[%dma_wait3A_39, %dma_wait3A_40] : memref<10240x16xf32, #tpu.memory_space<hbm>> -> memref<10240x16xf32, #tpu.memory_space<hbm>>
      tpu.wait_indirect_dma semaphore(%arg15 : memref<!tpu.dma_semaphore, #tpu.memory_space<semaphore_mem>>) src(%dma_wait3A_41 : memref<10240x16xf32, #tpu.memory_space<hbm>>) dst(%arg10 : memref<128x16xf32, #tpu.memory_space<vmem>>)
      %dma_wait3A_42 = arith.constant 0 : i32
      %dma_wait3A_43 = tpu.memref_slice %arg9[%add3A_13, %dma_wait3A_42] : memref<80x128xi32, #tpu.memory_space<vmem>> -> memref<1x128xi32, #tpu.memory_space<vmem>>
      %dma_wait3A_44 = tpu.memref_squeeze %dma_wait3A_43 : memref<1x128xi32, #tpu.memory_space<vmem>> -> memref<128xi32, #tpu.memory_space<vmem>>
      %dma_wait3A_45 = arith.constant 0 : i32
      %dma_wait3A_46 = arith.constant 0 : i32
      %dma_wait3A_47 = tpu.memref_slice %arg5[%dma_wait3A_45, %dma_wait3A_46] : memref<10240x16xf32, #tpu.memory_space<hbm>> -> memref<10240x16xf32, #tpu.memory_space<hbm>>
      tpu.wait_indirect_dma semaphore(%arg16 : memref<!tpu.dma_semaphore, #tpu.memory_space<semaphore_mem>>) src(%dma_wait3A_47 : memref<10240x16xf32, #tpu.memory_space<hbm>>) dst(%arg11 : memref<128x16xf32, #tpu.memory_space<vmem>>)
      %scan3A_48 = arith.constant 0 : i32
      %scan3A_49 = arith.constant 128 : i32
      %scan3A_50 = arith.addi %scan3A_48, %scan3A_49 : i32
      %scan3A_51 = arith.constant 1 : i32
      scf.for %scan3A_53 = %scan3A_48 to %scan3A_50 step %scan3A_51  : i32 {
        %mul3A_54 = arith.constant 1 : i32
        %mul3A_55 = arith.muli %scan3A_53, %mul3A_54 : i32
        %add3A_56 = arith.constant 0 : i32
        %add3A_57 = arith.addi %add3A_56, %mul3A_55 : i32
        %get3A = arith.index_cast %add3A_57 : i32 to index
        %get3A_58 = arith.constant 0 : index
        %get3A_59 = tpu.vector_load %arg10[%get3A, %get3A_58] {strides = array<i32>} : memref<128x16xf32, #tpu.memory_space<vmem>>, vector<1x16xf32>,
        %get3A_60 = vector.shape_cast %get3A_59 : vector<1x16xf32> to vector<16xf32>
        %get3A_61 = arith.index_cast %add3A_57 : i32 to index
        %get3A_62 = arith.constant 0 : index
        %get3A_63 = tpu.vector_load %arg11[%get3A_61, %get3A_62] {strides = array<i32>} : memref<128x16xf32, #tpu.memory_space<vmem>>, vector<1x16xf32>,
        %get3A_64 = vector.shape_cast %get3A_63 : vector<1x16xf32> to vector<16xf32>
        %mul3A_65 = arith.mulf %get3A_60, %get3A_64 : vector<16xf32>
        %get3A_66 = arith.index_cast %add3A_57 : i32 to index
        %get3A_67 = arith.constant 0 : index
        %get3A_68 = tpu.vector_load %arg12[%get3A_66, %get3A_67] {strides = array<i32>} : memref<128x128xf32, #tpu.memory_space<vmem>>, vector<1x16xf32>,
        %get3A_69 = vector.shape_cast %get3A_68 : vector<1x16xf32> to vector<16xf32>
        %mul3A_70 = arith.mulf %get3A_69, %mul3A_65 : vector<16xf32>
        %swap3A = arith.index_cast %add3A_57 : i32 to index
        %swap3A_71 = arith.constant 0 : index
        %swap3A_72 = tpu.vector_load %arg12[%swap3A, %swap3A_71] {strides = array<i32>} : memref<128x128xf32, #tpu.memory_space<vmem>>, vector<1x16xf32>,
        %swap3A_73 = vector.shape_cast %swap3A_72 : vector<1x16xf32> to vector<16xf32>
        %swap3A_74 = vector.shape_cast %mul3A_70 : vector<16xf32> to vector<1x16xf32>
        tpu.vector_store %arg12[%swap3A, %swap3A_71], %swap3A_74 {strides = array<i32>} : memref<128x128xf32, #tpu.memory_space<vmem>>, vector<1x16xf32>,
        %get3A_75 = arith.index_cast %add3A_57 : i32 to index
        %get3A_76 = arith.constant 16 : index
        %get3A_77 = tpu.vector_load %arg12[%get3A_75, %get3A_76] {strides = array<i32>} : memref<128x128xf32, #tpu.memory_space<vmem>>, vector<1x16xf32>,
        %get3A_78 = vector.shape_cast %get3A_77 : vector<1x16xf32> to vector<16xf32>
        %mul3A_79 = arith.mulf %get3A_78, %mul3A_65 : vector<16xf32>
        %swap3A_80 = arith.index_cast %add3A_57 : i32 to index
        %swap3A_81 = arith.constant 16 : index
        %swap3A_82 = tpu.vector_load %arg12[%swap3A_80, %swap3A_81] {strides = array<i32>} : memref<128x128xf32, #tpu.memory_space<vmem>>, vector<1x16xf32>,
        %swap3A_83 = vector.shape_cast %swap3A_82 : vector<1x16xf32> to vector<16xf32>
        %swap3A_84 = vector.shape_cast %mul3A_79 : vector<16xf32> to vector<1x16xf32>
        tpu.vector_store %arg12[%swap3A_80, %swap3A_81], %swap3A_84 {strides = array<i32>} : memref<128x128xf32, #tpu.memory_space<vmem>>, vector<1x16xf32>,
        %get3A_85 = arith.index_cast %add3A_57 : i32 to index
        %get3A_86 = arith.constant 32 : index
        %get3A_87 = tpu.vector_load %arg12[%get3A_85, %get3A_86] {strides = array<i32>} : memref<128x128xf32, #tpu.memory_space<vmem>>, vector<1x16xf32>,
        %get3A_88 = vector.shape_cast %get3A_87 : vector<1x16xf32> to vector<16xf32>
        %mul3A_89 = arith.mulf %get3A_88, %mul3A_65 : vector<16xf32>
        %swap3A_90 = arith.index_cast %add3A_57 : i32 to index
        %swap3A_91 = arith.constant 32 : index
        %swap3A_92 = tpu.vector_load %arg12[%swap3A_90, %swap3A_91] {strides = array<i32>} : memref<128x128xf32, #tpu.memory_space<vmem>>, vector<1x16xf32>,
        %swap3A_93 = vector.shape_cast %swap3A_92 : vector<1x16xf32> to vector<16xf32>
        %swap3A_94 = vector.shape_cast %mul3A_89 : vector<16xf32> to vector<1x16xf32>
        tpu.vector_store %arg12[%swap3A_90, %swap3A_91], %swap3A_94 {strides = array<i32>} : memref<128x128xf32, #tpu.memory_space<vmem>>, vector<1x16xf32>,
        %get3A_95 = arith.index_cast %add3A_57 : i32 to index
        %get3A_96 = arith.constant 48 : index
        %get3A_97 = tpu.vector_load %arg12[%get3A_95, %get3A_96] {strides = array<i32>} : memref<128x128xf32, #tpu.memory_space<vmem>>, vector<1x16xf32>,
        %get3A_98 = vector.shape_cast %get3A_97 : vector<1x16xf32> to vector<16xf32>
        %mul3A_99 = arith.mulf %get3A_98, %mul3A_65 : vector<16xf32>
        %swap3A_100 = arith.index_cast %add3A_57 : i32 to index
        %swap3A_101 = arith.constant 48 : index
        %swap3A_102 = tpu.vector_load %arg12[%swap3A_100, %swap3A_101] {strides = array<i32>} : memref<128x128xf32, #tpu.memory_space<vmem>>, vector<1x16xf32>,
        %swap3A_103 = vector.shape_cast %swap3A_102 : vector<1x16xf32> to vector<16xf32>
        %swap3A_104 = vector.shape_cast %mul3A_99 : vector<16xf32> to vector<1x16xf32>
        tpu.vector_store %arg12[%swap3A_100, %swap3A_101], %swap3A_104 {strides = array<i32>} : memref<128x128xf32, #tpu.memory_space<vmem>>, vector<1x16xf32>,
        %get3A_105 = arith.index_cast %add3A_57 : i32 to index
        %get3A_106 = arith.constant 64 : index
        %get3A_107 = tpu.vector_load %arg12[%get3A_105, %get3A_106] {strides = array<i32>} : memref<128x128xf32, #tpu.memory_space<vmem>>, vector<1x16xf32>,
        %get3A_108 = vector.shape_cast %get3A_107 : vector<1x16xf32> to vector<16xf32>
        %mul3A_109 = arith.mulf %get3A_108, %mul3A_65 : vector<16xf32>
        %swap3A_110 = arith.index_cast %add3A_57 : i32 to index
        %swap3A_111 = arith.constant 64 : index
        %swap3A_112 = tpu.vector_load %arg12[%swap3A_110, %swap3A_111] {strides = array<i32>} : memref<128x128xf32, #tpu.memory_space<vmem>>, vector<1x16xf32>,
        %swap3A_113 = vector.shape_cast %swap3A_112 : vector<1x16xf32> to vector<16xf32>
        %swap3A_114 = vector.shape_cast %mul3A_109 : vector<16xf32> to vector<1x16xf32>
        tpu.vector_store %arg12[%swap3A_110, %swap3A_111], %swap3A_114 {strides = array<i32>} : memref<128x128xf32, #tpu.memory_space<vmem>>, vector<1x16xf32>,
        %get3A_115 = arith.index_cast %add3A_57 : i32 to index
        %get3A_116 = arith.constant 80 : index
        %get3A_117 = tpu.vector_load %arg12[%get3A_115, %get3A_116] {strides = array<i32>} : memref<128x128xf32, #tpu.memory_space<vmem>>, vector<1x16xf32>,
        %get3A_118 = vector.shape_cast %get3A_117 : vector<1x16xf32> to vector<16xf32>
        %mul3A_119 = arith.mulf %get3A_118, %mul3A_65 : vector<16xf32>
        %swap3A_120 = arith.index_cast %add3A_57 : i32 to index
        %swap3A_121 = arith.constant 80 : index
        %swap3A_122 = tpu.vector_load %arg12[%swap3A_120, %swap3A_121] {strides = array<i32>} : memref<128x128xf32, #tpu.memory_space<vmem>>, vector<1x16xf32>,
        %swap3A_123 = vector.shape_cast %swap3A_122 : vector<1x16xf32> to vector<16xf32>
        %swap3A_124 = vector.shape_cast %mul3A_119 : vector<16xf32> to vector<1x16xf32>
        tpu.vector_store %arg12[%swap3A_120, %swap3A_121], %swap3A_124 {strides = array<i32>} : memref<128x128xf32, #tpu.memory_space<vmem>>, vector<1x16xf32>,
        %get3A_125 = arith.index_cast %add3A_57 : i32 to index
        %get3A_126 = arith.constant 96 : index
        %get3A_127 = tpu.vector_load %arg12[%get3A_125, %get3A_126] {strides = array<i32>} : memref<128x128xf32, #tpu.memory_space<vmem>>, vector<1x16xf32>,
        %get3A_128 = vector.shape_cast %get3A_127 : vector<1x16xf32> to vector<16xf32>
        %mul3A_129 = arith.mulf %get3A_128, %mul3A_65 : vector<16xf32>
        %swap3A_130 = arith.index_cast %add3A_57 : i32 to index
        %swap3A_131 = arith.constant 96 : index
        %swap3A_132 = tpu.vector_load %arg12[%swap3A_130, %swap3A_131] {strides = array<i32>} : memref<128x128xf32, #tpu.memory_space<vmem>>, vector<1x16xf32>,
        %swap3A_133 = vector.shape_cast %swap3A_132 : vector<1x16xf32> to vector<16xf32>
        %swap3A_134 = vector.shape_cast %mul3A_129 : vector<16xf32> to vector<1x16xf32>
        tpu.vector_store %arg12[%swap3A_130, %swap3A_131], %swap3A_134 {strides = array<i32>} : memref<128x128xf32, #tpu.memory_space<vmem>>, vector<1x16xf32>,
        %get3A_135 = arith.index_cast %add3A_57 : i32 to index
        %get3A_136 = arith.constant 112 : index
        %get3A_137 = tpu.vector_load %arg12[%get3A_135, %get3A_136] {strides = array<i32>} : memref<128x128xf32, #tpu.memory_space<vmem>>, vector<1x16xf32>,
        %get3A_138 = vector.shape_cast %get3A_137 : vector<1x16xf32> to vector<16xf32>
        %mul3A_139 = arith.mulf %get3A_138, %mul3A_65 : vector<16xf32>
        %swap3A_140 = arith.index_cast %add3A_57 : i32 to index
        %swap3A_141 = arith.constant 112 : index
        %swap3A_142 = tpu.vector_load %arg12[%swap3A_140, %swap3A_141] {strides = array<i32>} : memref<128x128xf32, #tpu.memory_space<vmem>>, vector<1x16xf32>,
        %swap3A_143 = vector.shape_cast %swap3A_142 : vector<1x16xf32> to vector<16xf32>
        %swap3A_144 = vector.shape_cast %mul3A_139 : vector<16xf32> to vector<1x16xf32>
        tpu.vector_store %arg12[%swap3A_140, %swap3A_141], %swap3A_144 {strides = array<i32>} : memref<128x128xf32, #tpu.memory_space<vmem>>, vector<1x16xf32>,
      }
      %scan3A_52 = arith.constant 128 : i32
      "tpu.region"() ({
        %run_scoped3A = tpu.sem_alloc : memref<!tpu.dma_semaphore, #tpu.memory_space<semaphore_mem>>
        %dma_start3A_53 = arith.constant 0 : i32
        %dma_start3A_54 = tpu.memref_slice %arg9[%add3A_13, %dma_start3A_53] : memref<80x128xi32, #tpu.memory_space<vmem>> -> memref<1x128xi32, #tpu.memory_space<vmem>>
        %dma_start3A_55 = tpu.memref_squeeze %dma_start3A_54 : memref<1x128xi32, #tpu.memory_space<vmem>> -> memref<128xi32, #tpu.memory_space<vmem>>
        %dma_start3A_56 = arith.constant 0 : i32
        %dma_start3A_57 = arith.constant 0 : i32
        %dma_start3A_58 = tpu.memref_slice %arg13[%dma_start3A_56, %dma_start3A_57] : memref<10240x128xf32, #tpu.memory_space<vmem_shared>> -> memref<10240x128xf32, #tpu.memory_space<vmem_shared>>
        tpu.enqueue_indirect_dma source(%arg12 : memref<128x128xf32, #tpu.memory_space<vmem>>) target(%dma_start3A_58 : memref<10240x128xf32, #tpu.memory_space<vmem_shared>>) offsets(%dma_start3A_55 : memref<128xi32, #tpu.memory_space<vmem>>) semaphore(%run_scoped3A : memref<!tpu.dma_semaphore, #tpu.memory_space<semaphore_mem>>) {add = true}
        %dma_wait3A_59 = arith.constant 0 : i32
        %dma_wait3A_60 = tpu.memref_slice %arg9[%add3A_13, %dma_wait3A_59] : memref<80x128xi32, #tpu.memory_space<vmem>> -> memref<1x128xi32, #tpu.memory_space<vmem>>
        %dma_wait3A_61 = tpu.memref_squeeze %dma_wait3A_60 : memref<1x128xi32, #tpu.memory_space<vmem>> -> memref<128xi32, #tpu.memory_space<vmem>>
        %dma_wait3A_62 = arith.constant 0 : i32
        %dma_wait3A_63 = arith.constant 0 : i32
        %dma_wait3A_64 = tpu.memref_slice %arg13[%dma_wait3A_62, %dma_wait3A_63] : memref<10240x128xf32, #tpu.memory_space<vmem_shared>> -> memref<10240x128xf32, #tpu.memory_space<vmem_shared>>
        tpu.wait_indirect_dma semaphore(%run_scoped3A : memref<!tpu.dma_semaphore, #tpu.memory_space<semaphore_mem>>) src(%arg12 : memref<128x128xf32, #tpu.memory_space<vmem>>) dst(%dma_wait3A_64 : memref<10240x128xf32, #tpu.memory_space<vmem_shared>>)
        tpu.yield
      }) : () -> ()
    }
    %scan3A_4 = arith.constant 80 : i32
    %barrier3A_5 = arith.constant 0 : index
    tpu.barrier barrier_id(%barrier3A_5)
    %mul3A_6 = arith.constant 640 : i32
    %mul3A_7 = arith.muli %arg1, %mul3A_6 : i32
    %mul3A_8 = arith.constant 640 : i32
    %mul3A_9 = arith.muli %arg1, %mul3A_8 : i32
    "tpu.region"() ({
      %run_scoped3A = tpu.sem_alloc : memref<!tpu.dma_semaphore, #tpu.memory_space<semaphore_mem>>
      %dma_start3A = arith.constant 0 : i32
      %dma_start3A_10 = tpu.memref_slice %arg7[%arg0, %mul3A_9, %dma_start3A] : memref<2x10240x128xf32, #tpu.memory_space<hbm>> -> memref<1x640x128xf32, #tpu.memory_space<hbm>>
      %dma_start3A_11 = tpu.memref_squeeze %dma_start3A_10 : memref<1x640x128xf32, #tpu.memory_space<hbm>> -> memref<640x128xf32, #tpu.memory_space<hbm>>
      %dma_start3A_12 = arith.constant 0 : i32
      %dma_start3A_13 = tpu.memref_slice %arg13[%mul3A_7, %dma_start3A_12] : memref<10240x128xf32, #tpu.memory_space<vmem_shared>> -> memref<640x128xf32, #tpu.memory_space<vmem_shared>>
      tpu.enqueue_dma source(%dma_start3A_13 : memref<640x128xf32, #tpu.memory_space<vmem_shared>>) target(%dma_start3A_11 : memref<640x128xf32, #tpu.memory_space<hbm>>) target_semaphore(%run_scoped3A : memref<!tpu.dma_semaphore, #tpu.memory_space<semaphore_mem>>)
      %dma_wait3A = arith.constant 0 : i32
      %dma_wait3A_14 = tpu.memref_slice %arg7[%arg0, %mul3A_9, %dma_wait3A] : memref<2x10240x128xf32, #tpu.memory_space<hbm>> -> memref<1x640x128xf32, #tpu.memory_space<hbm>>
      %dma_wait3A_15 = tpu.memref_squeeze %dma_wait3A_14 : memref<1x640x128xf32, #tpu.memory_space<hbm>> -> memref<640x128xf32, #tpu.memory_space<hbm>>
      %dma_wait3A_16 = arith.constant 0 : i32
      %dma_wait3A_17 = tpu.memref_slice %arg13[%mul3A_7, %dma_wait3A_16] : memref<10240x128xf32, #tpu.memory_space<vmem_shared>> -> memref<640x128xf32, #tpu.memory_space<vmem_shared>>
      tpu.wait_dma2 semaphore(%run_scoped3A : memref<!tpu.dma_semaphore, #tpu.memory_space<semaphore_mem>>) src(%dma_wait3A_17 : memref<640x128xf32, #tpu.memory_space<vmem_shared>>) dst(%dma_wait3A_15 : memref<640x128xf32, #tpu.memory_space<hbm>>)
      tpu.yield
    }) : () -> ()
    return
  }
}

#map = affine_map<(d0, d1) -> (0, 0)>
#map1 = affine_map<(d0, d1) -> (0, 0, 0, 0)>
#map2 = affine_map<(d0, d1) -> (0, 0, 0)>
module attributes {stable_mosaic.version = 14 : i64} {
  func.func @_sc_edge_pass(%arg0: i32, %arg1: i32, %arg2: memref<8x128xf32, #tpu.memory_space<hbm>>, %arg3: memref<2x16x80x128xi32, #tpu.memory_space<hbm>>, %arg4: memref<2x16x80x128xi32, #tpu.memory_space<hbm>>, %arg5: memref<10240x16xf32, #tpu.memory_space<hbm>>, %arg6: memref<640x128xf32, #tpu.memory_space<hbm>>, %arg7: memref<2x10240x128xf32, #tpu.memory_space<hbm>>, %arg8: memref<80x128xi32, #tpu.memory_space<vmem>>, %arg9: memref<80x128xi32, #tpu.memory_space<vmem>>, %arg10: memref<128x16xf32, #tpu.memory_space<vmem>>, %arg11: memref<128x16xf32, #tpu.memory_space<vmem>>, %arg12: memref<128x128xf32, #tpu.memory_space<vmem>>, %arg13: memref<10240x128xf32, #tpu.memory_space<vmem_shared>>, %arg14: memref<!tpu.dma_semaphore, #tpu.memory_space<semaphore_mem>>, %arg15: memref<!tpu.dma_semaphore, #tpu.memory_space<semaphore_mem>>, %arg16: memref<!tpu.dma_semaphore, #tpu.memory_space<semaphore_mem>>) attributes {dimension_semantics = [#tpu.dimension_semantics<core_parallel>, #tpu.dimension_semantics<subcore_parallel>], iteration_bounds = array<i64: 2, 16>, scalar_prefetch = 0 : i64, scratch_operands = 9 : i64, tpu.core_type = #tpu.core_type<sc_vector_subcore>, window_params = [{transform_indices = #map}, {transform_indices = #map1}, {transform_indices = #map1}, {transform_indices = #map}, {transform_indices = #map}, {transform_indices = #map2}]} {
    "tpu.region"() ({
      %run_scoped3A = tpu.sem_alloc : memref<!tpu.dma_semaphore, #tpu.memory_space<semaphore_mem>>
      %dma_start3A = arith.constant 0 : i32
      %dma_start3A_10 = arith.constant 0 : i32
      %dma_start3A_11 = tpu.memref_slice %arg3[%arg0, %arg1, %dma_start3A, %dma_start3A_10] : memref<2x16x80x128xi32, #tpu.memory_space<hbm>> -> memref<1x1x80x128xi32, #tpu.memory_space<hbm>>
      %dma_start3A_12 = tpu.memref_squeeze %dma_start3A_11 : memref<1x1x80x128xi32, #tpu.memory_space<hbm>> -> memref<80x128xi32, #tpu.memory_space<hbm>>
      %dma_start3A_13 = arith.constant 0 : i32
      %dma_start3A_14 = arith.constant 0 : i32
      %dma_start3A_15 = tpu.memref_slice %arg3[%arg0, %arg1, %dma_start3A_13, %dma_start3A_14] : memref<2x16x80x128xi32, #tpu.memory_space<hbm>> -> memref<1x1x80x128xi32, #tpu.memory_space<hbm>>
      %dma_start3A_16 = tpu.memref_squeeze %dma_start3A_15 : memref<1x1x80x128xi32, #tpu.memory_space<hbm>> -> memref<80x128xi32, #tpu.memory_space<hbm>>
      tpu.enqueue_dma source(%dma_start3A_16 : memref<80x128xi32, #tpu.memory_space<hbm>>) target(%arg8 : memref<80x128xi32, #tpu.memory_space<vmem>>) target_semaphore(%run_scoped3A : memref<!tpu.dma_semaphore, #tpu.memory_space<semaphore_mem>>)
      %dma_wait3A = arith.constant 0 : i32
      %dma_wait3A_17 = arith.constant 0 : i32
      %dma_wait3A_18 = tpu.memref_slice %arg3[%arg0, %arg1, %dma_wait3A, %dma_wait3A_17] : memref<2x16x80x128xi32, #tpu.memory_space<hbm>> -> memref<1x1x80x128xi32, #tpu.memory_space<hbm>>
      %dma_wait3A_19 = tpu.memref_squeeze %dma_wait3A_18 : memref<1x1x80x128xi32, #tpu.memory_space<hbm>> -> memref<80x128xi32, #tpu.memory_space<hbm>>
      %dma_wait3A_20 = arith.constant 0 : i32
      %dma_wait3A_21 = arith.constant 0 : i32
      %dma_wait3A_22 = tpu.memref_slice %arg3[%arg0, %arg1, %dma_wait3A_20, %dma_wait3A_21] : memref<2x16x80x128xi32, #tpu.memory_space<hbm>> -> memref<1x1x80x128xi32, #tpu.memory_space<hbm>>
      %dma_wait3A_23 = tpu.memref_squeeze %dma_wait3A_22 : memref<1x1x80x128xi32, #tpu.memory_space<hbm>> -> memref<80x128xi32, #tpu.memory_space<hbm>>
      tpu.wait_dma2 semaphore(%run_scoped3A : memref<!tpu.dma_semaphore, #tpu.memory_space<semaphore_mem>>) src(%dma_wait3A_23 : memref<80x128xi32, #tpu.memory_space<hbm>>) dst(%arg8 : memref<80x128xi32, #tpu.memory_space<vmem>>)
      tpu.yield
    }) : () -> ()
    "tpu.region"() ({
      %run_scoped3A = tpu.sem_alloc : memref<!tpu.dma_semaphore, #tpu.memory_space<semaphore_mem>>
      %dma_start3A = arith.constant 0 : i32
      %dma_start3A_10 = arith.constant 0 : i32
      %dma_start3A_11 = tpu.memref_slice %arg4[%arg0, %arg1, %dma_start3A, %dma_start3A_10] : memref<2x16x80x128xi32, #tpu.memory_space<hbm>> -> memref<1x1x80x128xi32, #tpu.memory_space<hbm>>
      %dma_start3A_12 = tpu.memref_squeeze %dma_start3A_11 : memref<1x1x80x128xi32, #tpu.memory_space<hbm>> -> memref<80x128xi32, #tpu.memory_space<hbm>>
      %dma_start3A_13 = arith.constant 0 : i32
      %dma_start3A_14 = arith.constant 0 : i32
      %dma_start3A_15 = tpu.memref_slice %arg4[%arg0, %arg1, %dma_start3A_13, %dma_start3A_14] : memref<2x16x80x128xi32, #tpu.memory_space<hbm>> -> memref<1x1x80x128xi32, #tpu.memory_space<hbm>>
      %dma_start3A_16 = tpu.memref_squeeze %dma_start3A_15 : memref<1x1x80x128xi32, #tpu.memory_space<hbm>> -> memref<80x128xi32, #tpu.memory_space<hbm>>
      tpu.enqueue_dma source(%dma_start3A_16 : memref<80x128xi32, #tpu.memory_space<hbm>>) target(%arg9 : memref<80x128xi32, #tpu.memory_space<vmem>>) target_semaphore(%run_scoped3A : memref<!tpu.dma_semaphore, #tpu.memory_space<semaphore_mem>>)
      %dma_wait3A = arith.constant 0 : i32
      %dma_wait3A_17 = arith.constant 0 : i32
      %dma_wait3A_18 = tpu.memref_slice %arg4[%arg0, %arg1, %dma_wait3A, %dma_wait3A_17] : memref<2x16x80x128xi32, #tpu.memory_space<hbm>> -> memref<1x1x80x128xi32, #tpu.memory_space<hbm>>
      %dma_wait3A_19 = tpu.memref_squeeze %dma_wait3A_18 : memref<1x1x80x128xi32, #tpu.memory_space<hbm>> -> memref<80x128xi32, #tpu.memory_space<hbm>>
      %dma_wait3A_20 = arith.constant 0 : i32
      %dma_wait3A_21 = arith.constant 0 : i32
      %dma_wait3A_22 = tpu.memref_slice %arg4[%arg0, %arg1, %dma_wait3A_20, %dma_wait3A_21] : memref<2x16x80x128xi32, #tpu.memory_space<hbm>> -> memref<1x1x80x128xi32, #tpu.memory_space<hbm>>
      %dma_wait3A_23 = tpu.memref_squeeze %dma_wait3A_22 : memref<1x1x80x128xi32, #tpu.memory_space<hbm>> -> memref<80x128xi32, #tpu.memory_space<hbm>>
      tpu.wait_dma2 semaphore(%run_scoped3A : memref<!tpu.dma_semaphore, #tpu.memory_space<semaphore_mem>>) src(%dma_wait3A_23 : memref<80x128xi32, #tpu.memory_space<hbm>>) dst(%arg9 : memref<80x128xi32, #tpu.memory_space<vmem>>)
      tpu.yield
    }) : () -> ()
    %mul3A = arith.constant 640 : i32
    %mul3A_0 = arith.muli %arg1, %mul3A : i32
    "tpu.region"() ({
      %run_scoped3A = tpu.sem_alloc : memref<!tpu.dma_semaphore, #tpu.memory_space<semaphore_mem>>
      %dma_start3A = arith.constant 0 : i32
      %dma_start3A_10 = tpu.memref_slice %arg13[%mul3A_0, %dma_start3A] : memref<10240x128xf32, #tpu.memory_space<vmem_shared>> -> memref<640x128xf32, #tpu.memory_space<vmem_shared>>
      tpu.enqueue_dma source(%arg6 : memref<640x128xf32, #tpu.memory_space<hbm>>) target(%dma_start3A_10 : memref<640x128xf32, #tpu.memory_space<vmem_shared>>) target_semaphore(%run_scoped3A : memref<!tpu.dma_semaphore, #tpu.memory_space<semaphore_mem>>)
      %dma_wait3A = arith.constant 0 : i32
      %dma_wait3A_11 = tpu.memref_slice %arg13[%mul3A_0, %dma_wait3A] : memref<10240x128xf32, #tpu.memory_space<vmem_shared>> -> memref<640x128xf32, #tpu.memory_space<vmem_shared>>
      tpu.wait_dma2 semaphore(%run_scoped3A : memref<!tpu.dma_semaphore, #tpu.memory_space<semaphore_mem>>) src(%arg6 : memref<640x128xf32, #tpu.memory_space<hbm>>) dst(%dma_wait3A_11 : memref<640x128xf32, #tpu.memory_space<vmem_shared>>)
      tpu.yield
    }) : () -> ()
    %barrier3A = arith.constant 0 : index
    tpu.barrier barrier_id(%barrier3A)
    %scan3A = arith.constant 0 : i32
    %scan3A_1 = arith.constant 80 : i32
    %scan3A_2 = arith.addi %scan3A, %scan3A_1 : i32
    %scan3A_3 = arith.constant 1 : i32
    scf.for %scan3A_10 = %scan3A to %scan3A_2 step %scan3A_3  : i32 {
      %mul3A_11 = arith.constant 1 : i32
      %mul3A_12 = arith.muli %scan3A_10, %mul3A_11 : i32
      %add3A = arith.constant 0 : i32
      %add3A_13 = arith.addi %add3A, %mul3A_12 : i32
      %dma_start3A = arith.constant 0 : i32
      %dma_start3A_14 = tpu.memref_slice %arg8[%add3A_13, %dma_start3A] : memref<80x128xi32, #tpu.memory_space<vmem>> -> memref<1x128xi32, #tpu.memory_space<vmem>>
      %dma_start3A_15 = tpu.memref_squeeze %dma_start3A_14 : memref<1x128xi32, #tpu.memory_space<vmem>> -> memref<128xi32, #tpu.memory_space<vmem>>
      %dma_start3A_16 = arith.constant 0 : i32
      %dma_start3A_17 = arith.constant 0 : i32
      %dma_start3A_18 = tpu.memref_slice %arg2[%dma_start3A_16, %dma_start3A_17] : memref<8x128xf32, #tpu.memory_space<hbm>> -> memref<8x128xf32, #tpu.memory_space<hbm>>
      tpu.enqueue_indirect_dma source(%dma_start3A_18 : memref<8x128xf32, #tpu.memory_space<hbm>>) target(%arg12 : memref<128x128xf32, #tpu.memory_space<vmem>>) offsets(%dma_start3A_15 : memref<128xi32, #tpu.memory_space<vmem>>) semaphore(%arg14 : memref<!tpu.dma_semaphore, #tpu.memory_space<semaphore_mem>>)
      %dma_start3A_19 = arith.constant 0 : i32
      %dma_start3A_20 = tpu.memref_slice %arg8[%add3A_13, %dma_start3A_19] : memref<80x128xi32, #tpu.memory_space<vmem>> -> memref<1x128xi32, #tpu.memory_space<vmem>>
      %dma_start3A_21 = tpu.memref_squeeze %dma_start3A_20 : memref<1x128xi32, #tpu.memory_space<vmem>> -> memref<128xi32, #tpu.memory_space<vmem>>
      %dma_start3A_22 = arith.constant 0 : i32
      %dma_start3A_23 = arith.constant 0 : i32
      %dma_start3A_24 = tpu.memref_slice %arg5[%dma_start3A_22, %dma_start3A_23] : memref<10240x16xf32, #tpu.memory_space<hbm>> -> memref<10240x16xf32, #tpu.memory_space<hbm>>
      tpu.enqueue_indirect_dma source(%dma_start3A_24 : memref<10240x16xf32, #tpu.memory_space<hbm>>) target(%arg10 : memref<128x16xf32, #tpu.memory_space<vmem>>) offsets(%dma_start3A_21 : memref<128xi32, #tpu.memory_space<vmem>>) semaphore(%arg15 : memref<!tpu.dma_semaphore, #tpu.memory_space<semaphore_mem>>)
      %dma_start3A_25 = arith.constant 0 : i32
      %dma_start3A_26 = tpu.memref_slice %arg9[%add3A_13, %dma_start3A_25] : memref<80x128xi32, #tpu.memory_space<vmem>> -> memref<1x128xi32, #tpu.memory_space<vmem>>
      %dma_start3A_27 = tpu.memref_squeeze %dma_start3A_26 : memref<1x128xi32, #tpu.memory_space<vmem>> -> memref<128xi32, #tpu.memory_space<vmem>>
      %dma_start3A_28 = arith.constant 0 : i32
      %dma_start3A_29 = arith.constant 0 : i32
      %dma_start3A_30 = tpu.memref_slice %arg5[%dma_start3A_28, %dma_start3A_29] : memref<10240x16xf32, #tpu.memory_space<hbm>> -> memref<10240x16xf32, #tpu.memory_space<hbm>>
      tpu.enqueue_indirect_dma source(%dma_start3A_30 : memref<10240x16xf32, #tpu.memory_space<hbm>>) target(%arg11 : memref<128x16xf32, #tpu.memory_space<vmem>>) offsets(%dma_start3A_27 : memref<128xi32, #tpu.memory_space<vmem>>) semaphore(%arg16 : memref<!tpu.dma_semaphore, #tpu.memory_space<semaphore_mem>>)
      %dma_wait3A = arith.constant 0 : i32
      %dma_wait3A_31 = tpu.memref_slice %arg8[%add3A_13, %dma_wait3A] : memref<80x128xi32, #tpu.memory_space<vmem>> -> memref<1x128xi32, #tpu.memory_space<vmem>>
      %dma_wait3A_32 = tpu.memref_squeeze %dma_wait3A_31 : memref<1x128xi32, #tpu.memory_space<vmem>> -> memref<128xi32, #tpu.memory_space<vmem>>
      %dma_wait3A_33 = arith.constant 0 : i32
      %dma_wait3A_34 = arith.constant 0 : i32
      %dma_wait3A_35 = tpu.memref_slice %arg2[%dma_wait3A_33, %dma_wait3A_34] : memref<8x128xf32, #tpu.memory_space<hbm>> -> memref<8x128xf32, #tpu.memory_space<hbm>>
      tpu.wait_indirect_dma semaphore(%arg14 : memref<!tpu.dma_semaphore, #tpu.memory_space<semaphore_mem>>) src(%dma_wait3A_35 : memref<8x128xf32, #tpu.memory_space<hbm>>) dst(%arg12 : memref<128x128xf32, #tpu.memory_space<vmem>>)
      %dma_wait3A_36 = arith.constant 0 : i32
      %dma_wait3A_37 = tpu.memref_slice %arg8[%add3A_13, %dma_wait3A_36] : memref<80x128xi32, #tpu.memory_space<vmem>> -> memref<1x128xi32, #tpu.memory_space<vmem>>
      %dma_wait3A_38 = tpu.memref_squeeze %dma_wait3A_37 : memref<1x128xi32, #tpu.memory_space<vmem>> -> memref<128xi32, #tpu.memory_space<vmem>>
      %dma_wait3A_39 = arith.constant 0 : i32
      %dma_wait3A_40 = arith.constant 0 : i32
      %dma_wait3A_41 = tpu.memref_slice %arg5[%dma_wait3A_39, %dma_wait3A_40] : memref<10240x16xf32, #tpu.memory_space<hbm>> -> memref<10240x16xf32, #tpu.memory_space<hbm>>
      tpu.wait_indirect_dma semaphore(%arg15 : memref<!tpu.dma_semaphore, #tpu.memory_space<semaphore_mem>>) src(%dma_wait3A_41 : memref<10240x16xf32, #tpu.memory_space<hbm>>) dst(%arg10 : memref<128x16xf32, #tpu.memory_space<vmem>>)
      %dma_wait3A_42 = arith.constant 0 : i32
      %dma_wait3A_43 = tpu.memref_slice %arg9[%add3A_13, %dma_wait3A_42] : memref<80x128xi32, #tpu.memory_space<vmem>> -> memref<1x128xi32, #tpu.memory_space<vmem>>
      %dma_wait3A_44 = tpu.memref_squeeze %dma_wait3A_43 : memref<1x128xi32, #tpu.memory_space<vmem>> -> memref<128xi32, #tpu.memory_space<vmem>>
      %dma_wait3A_45 = arith.constant 0 : i32
      %dma_wait3A_46 = arith.constant 0 : i32
      %dma_wait3A_47 = tpu.memref_slice %arg5[%dma_wait3A_45, %dma_wait3A_46] : memref<10240x16xf32, #tpu.memory_space<hbm>> -> memref<10240x16xf32, #tpu.memory_space<hbm>>
      tpu.wait_indirect_dma semaphore(%arg16 : memref<!tpu.dma_semaphore, #tpu.memory_space<semaphore_mem>>) src(%dma_wait3A_47 : memref<10240x16xf32, #tpu.memory_space<hbm>>) dst(%arg11 : memref<128x16xf32, #tpu.memory_space<vmem>>)
      %scan3A_48 = arith.constant 0 : i32
      %scan3A_49 = arith.constant 128 : i32
      %scan3A_50 = arith.addi %scan3A_48, %scan3A_49 : i32
      %scan3A_51 = arith.constant 1 : i32
      scf.for %scan3A_53 = %scan3A_48 to %scan3A_50 step %scan3A_51  : i32 {
        %mul3A_54 = arith.constant 1 : i32
        %mul3A_55 = arith.muli %scan3A_53, %mul3A_54 : i32
        %add3A_56 = arith.constant 0 : i32
        %add3A_57 = arith.addi %add3A_56, %mul3A_55 : i32
        %get3A = arith.index_cast %add3A_57 : i32 to index
        %get3A_58 = arith.constant 0 : index
        %get3A_59 = tpu.vector_load %arg10[%get3A, %get3A_58] {strides = array<i32>} : memref<128x16xf32, #tpu.memory_space<vmem>>, vector<1x16xf32>,
        %get3A_60 = vector.shape_cast %get3A_59 : vector<1x16xf32> to vector<16xf32>
        %get3A_61 = arith.index_cast %add3A_57 : i32 to index
        %get3A_62 = arith.constant 0 : index
        %get3A_63 = tpu.vector_load %arg11[%get3A_61, %get3A_62] {strides = array<i32>} : memref<128x16xf32, #tpu.memory_space<vmem>>, vector<1x16xf32>,
        %get3A_64 = vector.shape_cast %get3A_63 : vector<1x16xf32> to vector<16xf32>
        %mul3A_65 = arith.mulf %get3A_60, %get3A_64 : vector<16xf32>
        %get3A_66 = arith.index_cast %add3A_57 : i32 to index
        %get3A_67 = arith.constant 0 : index
        %get3A_68 = tpu.vector_load %arg12[%get3A_66, %get3A_67] {strides = array<i32>} : memref<128x128xf32, #tpu.memory_space<vmem>>, vector<1x16xf32>,
        %get3A_69 = vector.shape_cast %get3A_68 : vector<1x16xf32> to vector<16xf32>
        %mul3A_70 = arith.mulf %get3A_69, %mul3A_65 : vector<16xf32>
        %swap3A = arith.index_cast %add3A_57 : i32 to index
        %swap3A_71 = arith.constant 0 : index
        %swap3A_72 = tpu.vector_load %arg12[%swap3A, %swap3A_71] {strides = array<i32>} : memref<128x128xf32, #tpu.memory_space<vmem>>, vector<1x16xf32>,
        %swap3A_73 = vector.shape_cast %swap3A_72 : vector<1x16xf32> to vector<16xf32>
        %swap3A_74 = vector.shape_cast %mul3A_70 : vector<16xf32> to vector<1x16xf32>
        tpu.vector_store %arg12[%swap3A, %swap3A_71], %swap3A_74 {strides = array<i32>} : memref<128x128xf32, #tpu.memory_space<vmem>>, vector<1x16xf32>,
        %get3A_75 = arith.index_cast %add3A_57 : i32 to index
        %get3A_76 = arith.constant 16 : index
        %get3A_77 = tpu.vector_load %arg12[%get3A_75, %get3A_76] {strides = array<i32>} : memref<128x128xf32, #tpu.memory_space<vmem>>, vector<1x16xf32>,
        %get3A_78 = vector.shape_cast %get3A_77 : vector<1x16xf32> to vector<16xf32>
        %mul3A_79 = arith.mulf %get3A_78, %mul3A_65 : vector<16xf32>
        %swap3A_80 = arith.index_cast %add3A_57 : i32 to index
        %swap3A_81 = arith.constant 16 : index
        %swap3A_82 = tpu.vector_load %arg12[%swap3A_80, %swap3A_81] {strides = array<i32>} : memref<128x128xf32, #tpu.memory_space<vmem>>, vector<1x16xf32>,
        %swap3A_83 = vector.shape_cast %swap3A_82 : vector<1x16xf32> to vector<16xf32>
        %swap3A_84 = vector.shape_cast %mul3A_79 : vector<16xf32> to vector<1x16xf32>
        tpu.vector_store %arg12[%swap3A_80, %swap3A_81], %swap3A_84 {strides = array<i32>} : memref<128x128xf32, #tpu.memory_space<vmem>>, vector<1x16xf32>,
        %get3A_85 = arith.index_cast %add3A_57 : i32 to index
        %get3A_86 = arith.constant 32 : index
        %get3A_87 = tpu.vector_load %arg12[%get3A_85, %get3A_86] {strides = array<i32>} : memref<128x128xf32, #tpu.memory_space<vmem>>, vector<1x16xf32>,
        %get3A_88 = vector.shape_cast %get3A_87 : vector<1x16xf32> to vector<16xf32>
        %mul3A_89 = arith.mulf %get3A_88, %mul3A_65 : vector<16xf32>
        %swap3A_90 = arith.index_cast %add3A_57 : i32 to index
        %swap3A_91 = arith.constant 32 : index
        %swap3A_92 = tpu.vector_load %arg12[%swap3A_90, %swap3A_91] {strides = array<i32>} : memref<128x128xf32, #tpu.memory_space<vmem>>, vector<1x16xf32>,
        %swap3A_93 = vector.shape_cast %swap3A_92 : vector<1x16xf32> to vector<16xf32>
        %swap3A_94 = vector.shape_cast %mul3A_89 : vector<16xf32> to vector<1x16xf32>
        tpu.vector_store %arg12[%swap3A_90, %swap3A_91], %swap3A_94 {strides = array<i32>} : memref<128x128xf32, #tpu.memory_space<vmem>>, vector<1x16xf32>,
        %get3A_95 = arith.index_cast %add3A_57 : i32 to index
        %get3A_96 = arith.constant 48 : index
        %get3A_97 = tpu.vector_load %arg12[%get3A_95, %get3A_96] {strides = array<i32>} : memref<128x128xf32, #tpu.memory_space<vmem>>, vector<1x16xf32>,
        %get3A_98 = vector.shape_cast %get3A_97 : vector<1x16xf32> to vector<16xf32>
        %mul3A_99 = arith.mulf %get3A_98, %mul3A_65 : vector<16xf32>
        %swap3A_100 = arith.index_cast %add3A_57 : i32 to index
        %swap3A_101 = arith.constant 48 : index
        %swap3A_102 = tpu.vector_load %arg12[%swap3A_100, %swap3A_101] {strides = array<i32>} : memref<128x128xf32, #tpu.memory_space<vmem>>, vector<1x16xf32>,
        %swap3A_103 = vector.shape_cast %swap3A_102 : vector<1x16xf32> to vector<16xf32>
        %swap3A_104 = vector.shape_cast %mul3A_99 : vector<16xf32> to vector<1x16xf32>
        tpu.vector_store %arg12[%swap3A_100, %swap3A_101], %swap3A_104 {strides = array<i32>} : memref<128x128xf32, #tpu.memory_space<vmem>>, vector<1x16xf32>,
        %get3A_105 = arith.index_cast %add3A_57 : i32 to index
        %get3A_106 = arith.constant 64 : index
        %get3A_107 = tpu.vector_load %arg12[%get3A_105, %get3A_106] {strides = array<i32>} : memref<128x128xf32, #tpu.memory_space<vmem>>, vector<1x16xf32>,
        %get3A_108 = vector.shape_cast %get3A_107 : vector<1x16xf32> to vector<16xf32>
        %mul3A_109 = arith.mulf %get3A_108, %mul3A_65 : vector<16xf32>
        %swap3A_110 = arith.index_cast %add3A_57 : i32 to index
        %swap3A_111 = arith.constant 64 : index
        %swap3A_112 = tpu.vector_load %arg12[%swap3A_110, %swap3A_111] {strides = array<i32>} : memref<128x128xf32, #tpu.memory_space<vmem>>, vector<1x16xf32>,
        %swap3A_113 = vector.shape_cast %swap3A_112 : vector<1x16xf32> to vector<16xf32>
        %swap3A_114 = vector.shape_cast %mul3A_109 : vector<16xf32> to vector<1x16xf32>
        tpu.vector_store %arg12[%swap3A_110, %swap3A_111], %swap3A_114 {strides = array<i32>} : memref<128x128xf32, #tpu.memory_space<vmem>>, vector<1x16xf32>,
        %get3A_115 = arith.index_cast %add3A_57 : i32 to index
        %get3A_116 = arith.constant 80 : index
        %get3A_117 = tpu.vector_load %arg12[%get3A_115, %get3A_116] {strides = array<i32>} : memref<128x128xf32, #tpu.memory_space<vmem>>, vector<1x16xf32>,
        %get3A_118 = vector.shape_cast %get3A_117 : vector<1x16xf32> to vector<16xf32>
        %mul3A_119 = arith.mulf %get3A_118, %mul3A_65 : vector<16xf32>
        %swap3A_120 = arith.index_cast %add3A_57 : i32 to index
        %swap3A_121 = arith.constant 80 : index
        %swap3A_122 = tpu.vector_load %arg12[%swap3A_120, %swap3A_121] {strides = array<i32>} : memref<128x128xf32, #tpu.memory_space<vmem>>, vector<1x16xf32>,
        %swap3A_123 = vector.shape_cast %swap3A_122 : vector<1x16xf32> to vector<16xf32>
        %swap3A_124 = vector.shape_cast %mul3A_119 : vector<16xf32> to vector<1x16xf32>
        tpu.vector_store %arg12[%swap3A_120, %swap3A_121], %swap3A_124 {strides = array<i32>} : memref<128x128xf32, #tpu.memory_space<vmem>>, vector<1x16xf32>,
        %get3A_125 = arith.index_cast %add3A_57 : i32 to index
        %get3A_126 = arith.constant 96 : index
        %get3A_127 = tpu.vector_load %arg12[%get3A_125, %get3A_126] {strides = array<i32>} : memref<128x128xf32, #tpu.memory_space<vmem>>, vector<1x16xf32>,
        %get3A_128 = vector.shape_cast %get3A_127 : vector<1x16xf32> to vector<16xf32>
        %mul3A_129 = arith.mulf %get3A_128, %mul3A_65 : vector<16xf32>
        %swap3A_130 = arith.index_cast %add3A_57 : i32 to index
        %swap3A_131 = arith.constant 96 : index
        %swap3A_132 = tpu.vector_load %arg12[%swap3A_130, %swap3A_131] {strides = array<i32>} : memref<128x128xf32, #tpu.memory_space<vmem>>, vector<1x16xf32>,
        %swap3A_133 = vector.shape_cast %swap3A_132 : vector<1x16xf32> to vector<16xf32>
        %swap3A_134 = vector.shape_cast %mul3A_129 : vector<16xf32> to vector<1x16xf32>
        tpu.vector_store %arg12[%swap3A_130, %swap3A_131], %swap3A_134 {strides = array<i32>} : memref<128x128xf32, #tpu.memory_space<vmem>>, vector<1x16xf32>,
        %get3A_135 = arith.index_cast %add3A_57 : i32 to index
        %get3A_136 = arith.constant 112 : index
        %get3A_137 = tpu.vector_load %arg12[%get3A_135, %get3A_136] {strides = array<i32>} : memref<128x128xf32, #tpu.memory_space<vmem>>, vector<1x16xf32>,
        %get3A_138 = vector.shape_cast %get3A_137 : vector<1x16xf32> to vector<16xf32>
        %mul3A_139 = arith.mulf %get3A_138, %mul3A_65 : vector<16xf32>
        %swap3A_140 = arith.index_cast %add3A_57 : i32 to index
        %swap3A_141 = arith.constant 112 : index
        %swap3A_142 = tpu.vector_load %arg12[%swap3A_140, %swap3A_141] {strides = array<i32>} : memref<128x128xf32, #tpu.memory_space<vmem>>, vector<1x16xf32>,
        %swap3A_143 = vector.shape_cast %swap3A_142 : vector<1x16xf32> to vector<16xf32>
        %swap3A_144 = vector.shape_cast %mul3A_139 : vector<16xf32> to vector<1x16xf32>
        tpu.vector_store %arg12[%swap3A_140, %swap3A_141], %swap3A_144 {strides = array<i32>} : memref<128x128xf32, #tpu.memory_space<vmem>>, vector<1x16xf32>,
      }
      %scan3A_52 = arith.constant 128 : i32
      "tpu.region"() ({
        %run_scoped3A = tpu.sem_alloc : memref<!tpu.dma_semaphore, #tpu.memory_space<semaphore_mem>>
        %dma_start3A_53 = arith.constant 0 : i32
        %dma_start3A_54 = tpu.memref_slice %arg9[%add3A_13, %dma_start3A_53] : memref<80x128xi32, #tpu.memory_space<vmem>> -> memref<1x128xi32, #tpu.memory_space<vmem>>
        %dma_start3A_55 = tpu.memref_squeeze %dma_start3A_54 : memref<1x128xi32, #tpu.memory_space<vmem>> -> memref<128xi32, #tpu.memory_space<vmem>>
        %dma_start3A_56 = arith.constant 0 : i32
        %dma_start3A_57 = arith.constant 0 : i32
        %dma_start3A_58 = tpu.memref_slice %arg13[%dma_start3A_56, %dma_start3A_57] : memref<10240x128xf32, #tpu.memory_space<vmem_shared>> -> memref<10240x128xf32, #tpu.memory_space<vmem_shared>>
        tpu.enqueue_indirect_dma source(%arg12 : memref<128x128xf32, #tpu.memory_space<vmem>>) target(%dma_start3A_58 : memref<10240x128xf32, #tpu.memory_space<vmem_shared>>) offsets(%dma_start3A_55 : memref<128xi32, #tpu.memory_space<vmem>>) semaphore(%run_scoped3A : memref<!tpu.dma_semaphore, #tpu.memory_space<semaphore_mem>>) {add = true}
        %dma_wait3A_59 = arith.constant 0 : i32
        %dma_wait3A_60 = tpu.memref_slice %arg9[%add3A_13, %dma_wait3A_59] : memref<80x128xi32, #tpu.memory_space<vmem>> -> memref<1x128xi32, #tpu.memory_space<vmem>>
        %dma_wait3A_61 = tpu.memref_squeeze %dma_wait3A_60 : memref<1x128xi32, #tpu.memory_space<vmem>> -> memref<128xi32, #tpu.memory_space<vmem>>
        %dma_wait3A_62 = arith.constant 0 : i32
        %dma_wait3A_63 = arith.constant 0 : i32
        %dma_wait3A_64 = tpu.memref_slice %arg13[%dma_wait3A_62, %dma_wait3A_63] : memref<10240x128xf32, #tpu.memory_space<vmem_shared>> -> memref<10240x128xf32, #tpu.memory_space<vmem_shared>>
        tpu.wait_indirect_dma semaphore(%run_scoped3A : memref<!tpu.dma_semaphore, #tpu.memory_space<semaphore_mem>>) src(%arg12 : memref<128x128xf32, #tpu.memory_space<vmem>>) dst(%dma_wait3A_64 : memref<10240x128xf32, #tpu.memory_space<vmem_shared>>)
        tpu.yield
      }) : () -> ()
    }
    %scan3A_4 = arith.constant 80 : i32
    %barrier3A_5 = arith.constant 0 : index
    tpu.barrier barrier_id(%barrier3A_5)
    %mul3A_6 = arith.constant 640 : i32
    %mul3A_7 = arith.muli %arg1, %mul3A_6 : i32
    %mul3A_8 = arith.constant 640 : i32
    %mul3A_9 = arith.muli %arg1, %mul3A_8 : i32
    "tpu.region"() ({
      %run_scoped3A = tpu.sem_alloc : memref<!tpu.dma_semaphore, #tpu.memory_space<semaphore_mem>>
      %dma_start3A = arith.constant 0 : i32
      %dma_start3A_10 = tpu.memref_slice %arg7[%arg0, %mul3A_9, %dma_start3A] : memref<2x10240x128xf32, #tpu.memory_space<hbm>> -> memref<1x640x128xf32, #tpu.memory_space<hbm>>
      %dma_start3A_11 = tpu.memref_squeeze %dma_start3A_10 : memref<1x640x128xf32, #tpu.memory_space<hbm>> -> memref<640x128xf32, #tpu.memory_space<hbm>>
      %dma_start3A_12 = arith.constant 0 : i32
      %dma_start3A_13 = tpu.memref_slice %arg13[%mul3A_7, %dma_start3A_12] : memref<10240x128xf32, #tpu.memory_space<vmem_shared>> -> memref<640x128xf32, #tpu.memory_space<vmem_shared>>
      tpu.enqueue_dma source(%dma_start3A_13 : memref<640x128xf32, #tpu.memory_space<vmem_shared>>) target(%dma_start3A_11 : memref<640x128xf32, #tpu.memory_space<hbm>>) target_semaphore(%run_scoped3A : memref<!tpu.dma_semaphore, #tpu.memory_space<semaphore_mem>>)
      %dma_wait3A = arith.constant 0 : i32
      %dma_wait3A_14 = tpu.memref_slice %arg7[%arg0, %mul3A_9, %dma_wait3A] : memref<2x10240x128xf32, #tpu.memory_space<hbm>> -> memref<1x640x128xf32, #tpu.memory_space<hbm>>
      %dma_wait3A_15 = tpu.memref_squeeze %dma_wait3A_14 : memref<1x640x128xf32, #tpu.memory_space<hbm>> -> memref<640x128xf32, #tpu.memory_space<hbm>>
      %dma_wait3A_16 = arith.constant 0 : i32
      %dma_wait3A_17 = tpu.memref_slice %arg13[%mul3A_7, %dma_wait3A_16] : memref<10240x128xf32, #tpu.memory_space<vmem_shared>> -> memref<640x128xf32, #tpu.memory_space<vmem_shared>>
      tpu.wait_dma2 semaphore(%run_scoped3A : memref<!tpu.dma_semaphore, #tpu.memory_space<semaphore_mem>>) src(%dma_wait3A_17 : memref<640x128xf32, #tpu.memory_space<vmem_shared>>) dst(%dma_wait3A_15 : memref<640x128xf32, #tpu.memory_space<hbm>>)
      tpu.yield
    }) : () -> ()
    return
  }
}

#map = affine_map<(d0, d1) -> (0, 0)>
#map1 = affine_map<(d0, d1) -> (0, 0, 0, 0)>
#map2 = affine_map<(d0, d1) -> (0, 0, 0)>
module attributes {stable_mosaic.version = 14 : i64} {
  func.func @_sc_edge_pass(%arg0: i32, %arg1: i32, %arg2: memref<10000x128xf32, #tpu.memory_space<hbm>>, %arg3: memref<2x16x80x128xi32, #tpu.memory_space<hbm>>, %arg4: memref<2x16x80x128xi32, #tpu.memory_space<hbm>>, %arg5: memref<10240x16xf32, #tpu.memory_space<hbm>>, %arg6: memref<640x128xf32, #tpu.memory_space<hbm>>, %arg7: memref<2x10240x128xf32, #tpu.memory_space<hbm>>, %arg8: memref<80x128xi32, #tpu.memory_space<vmem>>, %arg9: memref<80x128xi32, #tpu.memory_space<vmem>>, %arg10: memref<128x16xf32, #tpu.memory_space<vmem>>, %arg11: memref<128x16xf32, #tpu.memory_space<vmem>>, %arg12: memref<128x128xf32, #tpu.memory_space<vmem>>, %arg13: memref<10240x128xf32, #tpu.memory_space<vmem_shared>>, %arg14: memref<!tpu.dma_semaphore, #tpu.memory_space<semaphore_mem>>, %arg15: memref<!tpu.dma_semaphore, #tpu.memory_space<semaphore_mem>>, %arg16: memref<!tpu.dma_semaphore, #tpu.memory_space<semaphore_mem>>) attributes {dimension_semantics = [#tpu.dimension_semantics<core_parallel>, #tpu.dimension_semantics<subcore_parallel>], iteration_bounds = array<i64: 2, 16>, scalar_prefetch = 0 : i64, scratch_operands = 9 : i64, tpu.core_type = #tpu.core_type<sc_vector_subcore>, window_params = [{transform_indices = #map}, {transform_indices = #map1}, {transform_indices = #map1}, {transform_indices = #map}, {transform_indices = #map}, {transform_indices = #map2}]} {
    "tpu.region"() ({
      %run_scoped3A = tpu.sem_alloc : memref<!tpu.dma_semaphore, #tpu.memory_space<semaphore_mem>>
      %dma_start3A = arith.constant 0 : i32
      %dma_start3A_10 = arith.constant 0 : i32
      %dma_start3A_11 = tpu.memref_slice %arg3[%arg0, %arg1, %dma_start3A, %dma_start3A_10] : memref<2x16x80x128xi32, #tpu.memory_space<hbm>> -> memref<1x1x80x128xi32, #tpu.memory_space<hbm>>
      %dma_start3A_12 = tpu.memref_squeeze %dma_start3A_11 : memref<1x1x80x128xi32, #tpu.memory_space<hbm>> -> memref<80x128xi32, #tpu.memory_space<hbm>>
      %dma_start3A_13 = arith.constant 0 : i32
      %dma_start3A_14 = arith.constant 0 : i32
      %dma_start3A_15 = tpu.memref_slice %arg3[%arg0, %arg1, %dma_start3A_13, %dma_start3A_14] : memref<2x16x80x128xi32, #tpu.memory_space<hbm>> -> memref<1x1x80x128xi32, #tpu.memory_space<hbm>>
      %dma_start3A_16 = tpu.memref_squeeze %dma_start3A_15 : memref<1x1x80x128xi32, #tpu.memory_space<hbm>> -> memref<80x128xi32, #tpu.memory_space<hbm>>
      tpu.enqueue_dma source(%dma_start3A_16 : memref<80x128xi32, #tpu.memory_space<hbm>>) target(%arg8 : memref<80x128xi32, #tpu.memory_space<vmem>>) target_semaphore(%run_scoped3A : memref<!tpu.dma_semaphore, #tpu.memory_space<semaphore_mem>>)
      %dma_wait3A = arith.constant 0 : i32
      %dma_wait3A_17 = arith.constant 0 : i32
      %dma_wait3A_18 = tpu.memref_slice %arg3[%arg0, %arg1, %dma_wait3A, %dma_wait3A_17] : memref<2x16x80x128xi32, #tpu.memory_space<hbm>> -> memref<1x1x80x128xi32, #tpu.memory_space<hbm>>
      %dma_wait3A_19 = tpu.memref_squeeze %dma_wait3A_18 : memref<1x1x80x128xi32, #tpu.memory_space<hbm>> -> memref<80x128xi32, #tpu.memory_space<hbm>>
      %dma_wait3A_20 = arith.constant 0 : i32
      %dma_wait3A_21 = arith.constant 0 : i32
      %dma_wait3A_22 = tpu.memref_slice %arg3[%arg0, %arg1, %dma_wait3A_20, %dma_wait3A_21] : memref<2x16x80x128xi32, #tpu.memory_space<hbm>> -> memref<1x1x80x128xi32, #tpu.memory_space<hbm>>
      %dma_wait3A_23 = tpu.memref_squeeze %dma_wait3A_22 : memref<1x1x80x128xi32, #tpu.memory_space<hbm>> -> memref<80x128xi32, #tpu.memory_space<hbm>>
      tpu.wait_dma2 semaphore(%run_scoped3A : memref<!tpu.dma_semaphore, #tpu.memory_space<semaphore_mem>>) src(%dma_wait3A_23 : memref<80x128xi32, #tpu.memory_space<hbm>>) dst(%arg8 : memref<80x128xi32, #tpu.memory_space<vmem>>)
      tpu.yield
    }) : () -> ()
    "tpu.region"() ({
      %run_scoped3A = tpu.sem_alloc : memref<!tpu.dma_semaphore, #tpu.memory_space<semaphore_mem>>
      %dma_start3A = arith.constant 0 : i32
      %dma_start3A_10 = arith.constant 0 : i32
      %dma_start3A_11 = tpu.memref_slice %arg4[%arg0, %arg1, %dma_start3A, %dma_start3A_10] : memref<2x16x80x128xi32, #tpu.memory_space<hbm>> -> memref<1x1x80x128xi32, #tpu.memory_space<hbm>>
      %dma_start3A_12 = tpu.memref_squeeze %dma_start3A_11 : memref<1x1x80x128xi32, #tpu.memory_space<hbm>> -> memref<80x128xi32, #tpu.memory_space<hbm>>
      %dma_start3A_13 = arith.constant 0 : i32
      %dma_start3A_14 = arith.constant 0 : i32
      %dma_start3A_15 = tpu.memref_slice %arg4[%arg0, %arg1, %dma_start3A_13, %dma_start3A_14] : memref<2x16x80x128xi32, #tpu.memory_space<hbm>> -> memref<1x1x80x128xi32, #tpu.memory_space<hbm>>
      %dma_start3A_16 = tpu.memref_squeeze %dma_start3A_15 : memref<1x1x80x128xi32, #tpu.memory_space<hbm>> -> memref<80x128xi32, #tpu.memory_space<hbm>>
      tpu.enqueue_dma source(%dma_start3A_16 : memref<80x128xi32, #tpu.memory_space<hbm>>) target(%arg9 : memref<80x128xi32, #tpu.memory_space<vmem>>) target_semaphore(%run_scoped3A : memref<!tpu.dma_semaphore, #tpu.memory_space<semaphore_mem>>)
      %dma_wait3A = arith.constant 0 : i32
      %dma_wait3A_17 = arith.constant 0 : i32
      %dma_wait3A_18 = tpu.memref_slice %arg4[%arg0, %arg1, %dma_wait3A, %dma_wait3A_17] : memref<2x16x80x128xi32, #tpu.memory_space<hbm>> -> memref<1x1x80x128xi32, #tpu.memory_space<hbm>>
      %dma_wait3A_19 = tpu.memref_squeeze %dma_wait3A_18 : memref<1x1x80x128xi32, #tpu.memory_space<hbm>> -> memref<80x128xi32, #tpu.memory_space<hbm>>
      %dma_wait3A_20 = arith.constant 0 : i32
      %dma_wait3A_21 = arith.constant 0 : i32
      %dma_wait3A_22 = tpu.memref_slice %arg4[%arg0, %arg1, %dma_wait3A_20, %dma_wait3A_21] : memref<2x16x80x128xi32, #tpu.memory_space<hbm>> -> memref<1x1x80x128xi32, #tpu.memory_space<hbm>>
      %dma_wait3A_23 = tpu.memref_squeeze %dma_wait3A_22 : memref<1x1x80x128xi32, #tpu.memory_space<hbm>> -> memref<80x128xi32, #tpu.memory_space<hbm>>
      tpu.wait_dma2 semaphore(%run_scoped3A : memref<!tpu.dma_semaphore, #tpu.memory_space<semaphore_mem>>) src(%dma_wait3A_23 : memref<80x128xi32, #tpu.memory_space<hbm>>) dst(%arg9 : memref<80x128xi32, #tpu.memory_space<vmem>>)
      tpu.yield
    }) : () -> ()
    %mul3A = arith.constant 640 : i32
    %mul3A_0 = arith.muli %arg1, %mul3A : i32
    "tpu.region"() ({
      %run_scoped3A = tpu.sem_alloc : memref<!tpu.dma_semaphore, #tpu.memory_space<semaphore_mem>>
      %dma_start3A = arith.constant 0 : i32
      %dma_start3A_10 = tpu.memref_slice %arg13[%mul3A_0, %dma_start3A] : memref<10240x128xf32, #tpu.memory_space<vmem_shared>> -> memref<640x128xf32, #tpu.memory_space<vmem_shared>>
      tpu.enqueue_dma source(%arg6 : memref<640x128xf32, #tpu.memory_space<hbm>>) target(%dma_start3A_10 : memref<640x128xf32, #tpu.memory_space<vmem_shared>>) target_semaphore(%run_scoped3A : memref<!tpu.dma_semaphore, #tpu.memory_space<semaphore_mem>>)
      %dma_wait3A = arith.constant 0 : i32
      %dma_wait3A_11 = tpu.memref_slice %arg13[%mul3A_0, %dma_wait3A] : memref<10240x128xf32, #tpu.memory_space<vmem_shared>> -> memref<640x128xf32, #tpu.memory_space<vmem_shared>>
      tpu.wait_dma2 semaphore(%run_scoped3A : memref<!tpu.dma_semaphore, #tpu.memory_space<semaphore_mem>>) src(%arg6 : memref<640x128xf32, #tpu.memory_space<hbm>>) dst(%dma_wait3A_11 : memref<640x128xf32, #tpu.memory_space<vmem_shared>>)
      tpu.yield
    }) : () -> ()
    %barrier3A = arith.constant 0 : index
    tpu.barrier barrier_id(%barrier3A)
    %scan3A = arith.constant 0 : i32
    %scan3A_1 = arith.constant 80 : i32
    %scan3A_2 = arith.addi %scan3A, %scan3A_1 : i32
    %scan3A_3 = arith.constant 1 : i32
    scf.for %scan3A_10 = %scan3A to %scan3A_2 step %scan3A_3  : i32 {
      %mul3A_11 = arith.constant 1 : i32
      %mul3A_12 = arith.muli %scan3A_10, %mul3A_11 : i32
      %add3A = arith.constant 0 : i32
      %add3A_13 = arith.addi %add3A, %mul3A_12 : i32
      %dma_start3A = arith.constant 0 : i32
      %dma_start3A_14 = tpu.memref_slice %arg8[%add3A_13, %dma_start3A] : memref<80x128xi32, #tpu.memory_space<vmem>> -> memref<1x128xi32, #tpu.memory_space<vmem>>
      %dma_start3A_15 = tpu.memref_squeeze %dma_start3A_14 : memref<1x128xi32, #tpu.memory_space<vmem>> -> memref<128xi32, #tpu.memory_space<vmem>>
      %dma_start3A_16 = arith.constant 0 : i32
      %dma_start3A_17 = arith.constant 0 : i32
      %dma_start3A_18 = tpu.memref_slice %arg2[%dma_start3A_16, %dma_start3A_17] : memref<10000x128xf32, #tpu.memory_space<hbm>> -> memref<10000x128xf32, #tpu.memory_space<hbm>>
      tpu.enqueue_indirect_dma source(%dma_start3A_18 : memref<10000x128xf32, #tpu.memory_space<hbm>>) target(%arg12 : memref<128x128xf32, #tpu.memory_space<vmem>>) offsets(%dma_start3A_15 : memref<128xi32, #tpu.memory_space<vmem>>) semaphore(%arg14 : memref<!tpu.dma_semaphore, #tpu.memory_space<semaphore_mem>>)
      %dma_start3A_19 = arith.constant 0 : i32
      %dma_start3A_20 = tpu.memref_slice %arg8[%add3A_13, %dma_start3A_19] : memref<80x128xi32, #tpu.memory_space<vmem>> -> memref<1x128xi32, #tpu.memory_space<vmem>>
      %dma_start3A_21 = tpu.memref_squeeze %dma_start3A_20 : memref<1x128xi32, #tpu.memory_space<vmem>> -> memref<128xi32, #tpu.memory_space<vmem>>
      %dma_start3A_22 = arith.constant 0 : i32
      %dma_start3A_23 = arith.constant 0 : i32
      %dma_start3A_24 = tpu.memref_slice %arg5[%dma_start3A_22, %dma_start3A_23] : memref<10240x16xf32, #tpu.memory_space<hbm>> -> memref<10240x16xf32, #tpu.memory_space<hbm>>
      tpu.enqueue_indirect_dma source(%dma_start3A_24 : memref<10240x16xf32, #tpu.memory_space<hbm>>) target(%arg10 : memref<128x16xf32, #tpu.memory_space<vmem>>) offsets(%dma_start3A_21 : memref<128xi32, #tpu.memory_space<vmem>>) semaphore(%arg15 : memref<!tpu.dma_semaphore, #tpu.memory_space<semaphore_mem>>)
      %dma_start3A_25 = arith.constant 0 : i32
      %dma_start3A_26 = tpu.memref_slice %arg9[%add3A_13, %dma_start3A_25] : memref<80x128xi32, #tpu.memory_space<vmem>> -> memref<1x128xi32, #tpu.memory_space<vmem>>
      %dma_start3A_27 = tpu.memref_squeeze %dma_start3A_26 : memref<1x128xi32, #tpu.memory_space<vmem>> -> memref<128xi32, #tpu.memory_space<vmem>>
      %dma_start3A_28 = arith.constant 0 : i32
      %dma_start3A_29 = arith.constant 0 : i32
      %dma_start3A_30 = tpu.memref_slice %arg5[%dma_start3A_28, %dma_start3A_29] : memref<10240x16xf32, #tpu.memory_space<hbm>> -> memref<10240x16xf32, #tpu.memory_space<hbm>>
      tpu.enqueue_indirect_dma source(%dma_start3A_30 : memref<10240x16xf32, #tpu.memory_space<hbm>>) target(%arg11 : memref<128x16xf32, #tpu.memory_space<vmem>>) offsets(%dma_start3A_27 : memref<128xi32, #tpu.memory_space<vmem>>) semaphore(%arg16 : memref<!tpu.dma_semaphore, #tpu.memory_space<semaphore_mem>>)
      %dma_wait3A = arith.constant 0 : i32
      %dma_wait3A_31 = tpu.memref_slice %arg8[%add3A_13, %dma_wait3A] : memref<80x128xi32, #tpu.memory_space<vmem>> -> memref<1x128xi32, #tpu.memory_space<vmem>>
      %dma_wait3A_32 = tpu.memref_squeeze %dma_wait3A_31 : memref<1x128xi32, #tpu.memory_space<vmem>> -> memref<128xi32, #tpu.memory_space<vmem>>
      %dma_wait3A_33 = arith.constant 0 : i32
      %dma_wait3A_34 = arith.constant 0 : i32
      %dma_wait3A_35 = tpu.memref_slice %arg2[%dma_wait3A_33, %dma_wait3A_34] : memref<10000x128xf32, #tpu.memory_space<hbm>> -> memref<10000x128xf32, #tpu.memory_space<hbm>>
      tpu.wait_indirect_dma semaphore(%arg14 : memref<!tpu.dma_semaphore, #tpu.memory_space<semaphore_mem>>) src(%dma_wait3A_35 : memref<10000x128xf32, #tpu.memory_space<hbm>>) dst(%arg12 : memref<128x128xf32, #tpu.memory_space<vmem>>)
      %dma_wait3A_36 = arith.constant 0 : i32
      %dma_wait3A_37 = tpu.memref_slice %arg8[%add3A_13, %dma_wait3A_36] : memref<80x128xi32, #tpu.memory_space<vmem>> -> memref<1x128xi32, #tpu.memory_space<vmem>>
      %dma_wait3A_38 = tpu.memref_squeeze %dma_wait3A_37 : memref<1x128xi32, #tpu.memory_space<vmem>> -> memref<128xi32, #tpu.memory_space<vmem>>
      %dma_wait3A_39 = arith.constant 0 : i32
      %dma_wait3A_40 = arith.constant 0 : i32
      %dma_wait3A_41 = tpu.memref_slice %arg5[%dma_wait3A_39, %dma_wait3A_40] : memref<10240x16xf32, #tpu.memory_space<hbm>> -> memref<10240x16xf32, #tpu.memory_space<hbm>>
      tpu.wait_indirect_dma semaphore(%arg15 : memref<!tpu.dma_semaphore, #tpu.memory_space<semaphore_mem>>) src(%dma_wait3A_41 : memref<10240x16xf32, #tpu.memory_space<hbm>>) dst(%arg10 : memref<128x16xf32, #tpu.memory_space<vmem>>)
      %dma_wait3A_42 = arith.constant 0 : i32
      %dma_wait3A_43 = tpu.memref_slice %arg9[%add3A_13, %dma_wait3A_42] : memref<80x128xi32, #tpu.memory_space<vmem>> -> memref<1x128xi32, #tpu.memory_space<vmem>>
      %dma_wait3A_44 = tpu.memref_squeeze %dma_wait3A_43 : memref<1x128xi32, #tpu.memory_space<vmem>> -> memref<128xi32, #tpu.memory_space<vmem>>
      %dma_wait3A_45 = arith.constant 0 : i32
      %dma_wait3A_46 = arith.constant 0 : i32
      %dma_wait3A_47 = tpu.memref_slice %arg5[%dma_wait3A_45, %dma_wait3A_46] : memref<10240x16xf32, #tpu.memory_space<hbm>> -> memref<10240x16xf32, #tpu.memory_space<hbm>>
      tpu.wait_indirect_dma semaphore(%arg16 : memref<!tpu.dma_semaphore, #tpu.memory_space<semaphore_mem>>) src(%dma_wait3A_47 : memref<10240x16xf32, #tpu.memory_space<hbm>>) dst(%arg11 : memref<128x16xf32, #tpu.memory_space<vmem>>)
      %scan3A_48 = arith.constant 0 : i32
      %scan3A_49 = arith.constant 128 : i32
      %scan3A_50 = arith.addi %scan3A_48, %scan3A_49 : i32
      %scan3A_51 = arith.constant 1 : i32
      scf.for %scan3A_53 = %scan3A_48 to %scan3A_50 step %scan3A_51  : i32 {
        %mul3A_54 = arith.constant 1 : i32
        %mul3A_55 = arith.muli %scan3A_53, %mul3A_54 : i32
        %add3A_56 = arith.constant 0 : i32
        %add3A_57 = arith.addi %add3A_56, %mul3A_55 : i32
        %get3A = arith.index_cast %add3A_57 : i32 to index
        %get3A_58 = arith.constant 0 : index
        %get3A_59 = tpu.vector_load %arg10[%get3A, %get3A_58] {strides = array<i32>} : memref<128x16xf32, #tpu.memory_space<vmem>>, vector<1x16xf32>,
        %get3A_60 = vector.shape_cast %get3A_59 : vector<1x16xf32> to vector<16xf32>
        %get3A_61 = arith.index_cast %add3A_57 : i32 to index
        %get3A_62 = arith.constant 0 : index
        %get3A_63 = tpu.vector_load %arg11[%get3A_61, %get3A_62] {strides = array<i32>} : memref<128x16xf32, #tpu.memory_space<vmem>>, vector<1x16xf32>,
        %get3A_64 = vector.shape_cast %get3A_63 : vector<1x16xf32> to vector<16xf32>
        %mul3A_65 = arith.mulf %get3A_60, %get3A_64 : vector<16xf32>
        %get3A_66 = arith.index_cast %add3A_57 : i32 to index
        %get3A_67 = arith.constant 0 : index
        %get3A_68 = tpu.vector_load %arg12[%get3A_66, %get3A_67] {strides = array<i32>} : memref<128x128xf32, #tpu.memory_space<vmem>>, vector<1x16xf32>,
        %get3A_69 = vector.shape_cast %get3A_68 : vector<1x16xf32> to vector<16xf32>
        %mul3A_70 = arith.mulf %get3A_69, %mul3A_65 : vector<16xf32>
        %swap3A = arith.index_cast %add3A_57 : i32 to index
        %swap3A_71 = arith.constant 0 : index
        %swap3A_72 = tpu.vector_load %arg12[%swap3A, %swap3A_71] {strides = array<i32>} : memref<128x128xf32, #tpu.memory_space<vmem>>, vector<1x16xf32>,
        %swap3A_73 = vector.shape_cast %swap3A_72 : vector<1x16xf32> to vector<16xf32>
        %swap3A_74 = vector.shape_cast %mul3A_70 : vector<16xf32> to vector<1x16xf32>
        tpu.vector_store %arg12[%swap3A, %swap3A_71], %swap3A_74 {strides = array<i32>} : memref<128x128xf32, #tpu.memory_space<vmem>>, vector<1x16xf32>,
        %get3A_75 = arith.index_cast %add3A_57 : i32 to index
        %get3A_76 = arith.constant 16 : index
        %get3A_77 = tpu.vector_load %arg12[%get3A_75, %get3A_76] {strides = array<i32>} : memref<128x128xf32, #tpu.memory_space<vmem>>, vector<1x16xf32>,
        %get3A_78 = vector.shape_cast %get3A_77 : vector<1x16xf32> to vector<16xf32>
        %mul3A_79 = arith.mulf %get3A_78, %mul3A_65 : vector<16xf32>
        %swap3A_80 = arith.index_cast %add3A_57 : i32 to index
        %swap3A_81 = arith.constant 16 : index
        %swap3A_82 = tpu.vector_load %arg12[%swap3A_80, %swap3A_81] {strides = array<i32>} : memref<128x128xf32, #tpu.memory_space<vmem>>, vector<1x16xf32>,
        %swap3A_83 = vector.shape_cast %swap3A_82 : vector<1x16xf32> to vector<16xf32>
        %swap3A_84 = vector.shape_cast %mul3A_79 : vector<16xf32> to vector<1x16xf32>
        tpu.vector_store %arg12[%swap3A_80, %swap3A_81], %swap3A_84 {strides = array<i32>} : memref<128x128xf32, #tpu.memory_space<vmem>>, vector<1x16xf32>,
        %get3A_85 = arith.index_cast %add3A_57 : i32 to index
        %get3A_86 = arith.constant 32 : index
        %get3A_87 = tpu.vector_load %arg12[%get3A_85, %get3A_86] {strides = array<i32>} : memref<128x128xf32, #tpu.memory_space<vmem>>, vector<1x16xf32>,
        %get3A_88 = vector.shape_cast %get3A_87 : vector<1x16xf32> to vector<16xf32>
        %mul3A_89 = arith.mulf %get3A_88, %mul3A_65 : vector<16xf32>
        %swap3A_90 = arith.index_cast %add3A_57 : i32 to index
        %swap3A_91 = arith.constant 32 : index
        %swap3A_92 = tpu.vector_load %arg12[%swap3A_90, %swap3A_91] {strides = array<i32>} : memref<128x128xf32, #tpu.memory_space<vmem>>, vector<1x16xf32>,
        %swap3A_93 = vector.shape_cast %swap3A_92 : vector<1x16xf32> to vector<16xf32>
        %swap3A_94 = vector.shape_cast %mul3A_89 : vector<16xf32> to vector<1x16xf32>
        tpu.vector_store %arg12[%swap3A_90, %swap3A_91], %swap3A_94 {strides = array<i32>} : memref<128x128xf32, #tpu.memory_space<vmem>>, vector<1x16xf32>,
        %get3A_95 = arith.index_cast %add3A_57 : i32 to index
        %get3A_96 = arith.constant 48 : index
        %get3A_97 = tpu.vector_load %arg12[%get3A_95, %get3A_96] {strides = array<i32>} : memref<128x128xf32, #tpu.memory_space<vmem>>, vector<1x16xf32>,
        %get3A_98 = vector.shape_cast %get3A_97 : vector<1x16xf32> to vector<16xf32>
        %mul3A_99 = arith.mulf %get3A_98, %mul3A_65 : vector<16xf32>
        %swap3A_100 = arith.index_cast %add3A_57 : i32 to index
        %swap3A_101 = arith.constant 48 : index
        %swap3A_102 = tpu.vector_load %arg12[%swap3A_100, %swap3A_101] {strides = array<i32>} : memref<128x128xf32, #tpu.memory_space<vmem>>, vector<1x16xf32>,
        %swap3A_103 = vector.shape_cast %swap3A_102 : vector<1x16xf32> to vector<16xf32>
        %swap3A_104 = vector.shape_cast %mul3A_99 : vector<16xf32> to vector<1x16xf32>
        tpu.vector_store %arg12[%swap3A_100, %swap3A_101], %swap3A_104 {strides = array<i32>} : memref<128x128xf32, #tpu.memory_space<vmem>>, vector<1x16xf32>,
        %get3A_105 = arith.index_cast %add3A_57 : i32 to index
        %get3A_106 = arith.constant 64 : index
        %get3A_107 = tpu.vector_load %arg12[%get3A_105, %get3A_106] {strides = array<i32>} : memref<128x128xf32, #tpu.memory_space<vmem>>, vector<1x16xf32>,
        %get3A_108 = vector.shape_cast %get3A_107 : vector<1x16xf32> to vector<16xf32>
        %mul3A_109 = arith.mulf %get3A_108, %mul3A_65 : vector<16xf32>
        %swap3A_110 = arith.index_cast %add3A_57 : i32 to index
        %swap3A_111 = arith.constant 64 : index
        %swap3A_112 = tpu.vector_load %arg12[%swap3A_110, %swap3A_111] {strides = array<i32>} : memref<128x128xf32, #tpu.memory_space<vmem>>, vector<1x16xf32>,
        %swap3A_113 = vector.shape_cast %swap3A_112 : vector<1x16xf32> to vector<16xf32>
        %swap3A_114 = vector.shape_cast %mul3A_109 : vector<16xf32> to vector<1x16xf32>
        tpu.vector_store %arg12[%swap3A_110, %swap3A_111], %swap3A_114 {strides = array<i32>} : memref<128x128xf32, #tpu.memory_space<vmem>>, vector<1x16xf32>,
        %get3A_115 = arith.index_cast %add3A_57 : i32 to index
        %get3A_116 = arith.constant 80 : index
        %get3A_117 = tpu.vector_load %arg12[%get3A_115, %get3A_116] {strides = array<i32>} : memref<128x128xf32, #tpu.memory_space<vmem>>, vector<1x16xf32>,
        %get3A_118 = vector.shape_cast %get3A_117 : vector<1x16xf32> to vector<16xf32>
        %mul3A_119 = arith.mulf %get3A_118, %mul3A_65 : vector<16xf32>
        %swap3A_120 = arith.index_cast %add3A_57 : i32 to index
        %swap3A_121 = arith.constant 80 : index
        %swap3A_122 = tpu.vector_load %arg12[%swap3A_120, %swap3A_121] {strides = array<i32>} : memref<128x128xf32, #tpu.memory_space<vmem>>, vector<1x16xf32>,
        %swap3A_123 = vector.shape_cast %swap3A_122 : vector<1x16xf32> to vector<16xf32>
        %swap3A_124 = vector.shape_cast %mul3A_119 : vector<16xf32> to vector<1x16xf32>
        tpu.vector_store %arg12[%swap3A_120, %swap3A_121], %swap3A_124 {strides = array<i32>} : memref<128x128xf32, #tpu.memory_space<vmem>>, vector<1x16xf32>,
        %get3A_125 = arith.index_cast %add3A_57 : i32 to index
        %get3A_126 = arith.constant 96 : index
        %get3A_127 = tpu.vector_load %arg12[%get3A_125, %get3A_126] {strides = array<i32>} : memref<128x128xf32, #tpu.memory_space<vmem>>, vector<1x16xf32>,
        %get3A_128 = vector.shape_cast %get3A_127 : vector<1x16xf32> to vector<16xf32>
        %mul3A_129 = arith.mulf %get3A_128, %mul3A_65 : vector<16xf32>
        %swap3A_130 = arith.index_cast %add3A_57 : i32 to index
        %swap3A_131 = arith.constant 96 : index
        %swap3A_132 = tpu.vector_load %arg12[%swap3A_130, %swap3A_131] {strides = array<i32>} : memref<128x128xf32, #tpu.memory_space<vmem>>, vector<1x16xf32>,
        %swap3A_133 = vector.shape_cast %swap3A_132 : vector<1x16xf32> to vector<16xf32>
        %swap3A_134 = vector.shape_cast %mul3A_129 : vector<16xf32> to vector<1x16xf32>
        tpu.vector_store %arg12[%swap3A_130, %swap3A_131], %swap3A_134 {strides = array<i32>} : memref<128x128xf32, #tpu.memory_space<vmem>>, vector<1x16xf32>,
        %get3A_135 = arith.index_cast %add3A_57 : i32 to index
        %get3A_136 = arith.constant 112 : index
        %get3A_137 = tpu.vector_load %arg12[%get3A_135, %get3A_136] {strides = array<i32>} : memref<128x128xf32, #tpu.memory_space<vmem>>, vector<1x16xf32>,
        %get3A_138 = vector.shape_cast %get3A_137 : vector<1x16xf32> to vector<16xf32>
        %mul3A_139 = arith.mulf %get3A_138, %mul3A_65 : vector<16xf32>
        %swap3A_140 = arith.index_cast %add3A_57 : i32 to index
        %swap3A_141 = arith.constant 112 : index
        %swap3A_142 = tpu.vector_load %arg12[%swap3A_140, %swap3A_141] {strides = array<i32>} : memref<128x128xf32, #tpu.memory_space<vmem>>, vector<1x16xf32>,
        %swap3A_143 = vector.shape_cast %swap3A_142 : vector<1x16xf32> to vector<16xf32>
        %swap3A_144 = vector.shape_cast %mul3A_139 : vector<16xf32> to vector<1x16xf32>
        tpu.vector_store %arg12[%swap3A_140, %swap3A_141], %swap3A_144 {strides = array<i32>} : memref<128x128xf32, #tpu.memory_space<vmem>>, vector<1x16xf32>,
      }
      %scan3A_52 = arith.constant 128 : i32
      "tpu.region"() ({
        %run_scoped3A = tpu.sem_alloc : memref<!tpu.dma_semaphore, #tpu.memory_space<semaphore_mem>>
        %dma_start3A_53 = arith.constant 0 : i32
        %dma_start3A_54 = tpu.memref_slice %arg9[%add3A_13, %dma_start3A_53] : memref<80x128xi32, #tpu.memory_space<vmem>> -> memref<1x128xi32, #tpu.memory_space<vmem>>
        %dma_start3A_55 = tpu.memref_squeeze %dma_start3A_54 : memref<1x128xi32, #tpu.memory_space<vmem>> -> memref<128xi32, #tpu.memory_space<vmem>>
        %dma_start3A_56 = arith.constant 0 : i32
        %dma_start3A_57 = arith.constant 0 : i32
        %dma_start3A_58 = tpu.memref_slice %arg13[%dma_start3A_56, %dma_start3A_57] : memref<10240x128xf32, #tpu.memory_space<vmem_shared>> -> memref<10240x128xf32, #tpu.memory_space<vmem_shared>>
        tpu.enqueue_indirect_dma source(%arg12 : memref<128x128xf32, #tpu.memory_space<vmem>>) target(%dma_start3A_58 : memref<10240x128xf32, #tpu.memory_space<vmem_shared>>) offsets(%dma_start3A_55 : memref<128xi32, #tpu.memory_space<vmem>>) semaphore(%run_scoped3A : memref<!tpu.dma_semaphore, #tpu.memory_space<semaphore_mem>>) {add = true}
        %dma_wait3A_59 = arith.constant 0 : i32
        %dma_wait3A_60 = tpu.memref_slice %arg9[%add3A_13, %dma_wait3A_59] : memref<80x128xi32, #tpu.memory_space<vmem>> -> memref<1x128xi32, #tpu.memory_space<vmem>>
        %dma_wait3A_61 = tpu.memref_squeeze %dma_wait3A_60 : memref<1x128xi32, #tpu.memory_space<vmem>> -> memref<128xi32, #tpu.memory_space<vmem>>
        %dma_wait3A_62 = arith.constant 0 : i32
        %dma_wait3A_63 = arith.constant 0 : i32
        %dma_wait3A_64 = tpu.memref_slice %arg13[%dma_wait3A_62, %dma_wait3A_63] : memref<10240x128xf32, #tpu.memory_space<vmem_shared>> -> memref<10240x128xf32, #tpu.memory_space<vmem_shared>>
        tpu.wait_indirect_dma semaphore(%run_scoped3A : memref<!tpu.dma_semaphore, #tpu.memory_space<semaphore_mem>>) src(%arg12 : memref<128x128xf32, #tpu.memory_space<vmem>>) dst(%dma_wait3A_64 : memref<10240x128xf32, #tpu.memory_space<vmem_shared>>)
        tpu.yield
      }) : () -> ()
    }
    %scan3A_4 = arith.constant 80 : i32
    %barrier3A_5 = arith.constant 0 : index
    tpu.barrier barrier_id(%barrier3A_5)
    %mul3A_6 = arith.constant 640 : i32
    %mul3A_7 = arith.muli %arg1, %mul3A_6 : i32
    %mul3A_8 = arith.constant 640 : i32
    %mul3A_9 = arith.muli %arg1, %mul3A_8 : i32
    "tpu.region"() ({
      %run_scoped3A = tpu.sem_alloc : memref<!tpu.dma_semaphore, #tpu.memory_space<semaphore_mem>>
      %dma_start3A = arith.constant 0 : i32
      %dma_start3A_10 = tpu.memref_slice %arg7[%arg0, %mul3A_9, %dma_start3A] : memref<2x10240x128xf32, #tpu.memory_space<hbm>> -> memref<1x640x128xf32, #tpu.memory_space<hbm>>
      %dma_start3A_11 = tpu.memref_squeeze %dma_start3A_10 : memref<1x640x128xf32, #tpu.memory_space<hbm>> -> memref<640x128xf32, #tpu.memory_space<hbm>>
      %dma_start3A_12 = arith.constant 0 : i32
      %dma_start3A_13 = tpu.memref_slice %arg13[%mul3A_7, %dma_start3A_12] : memref<10240x128xf32, #tpu.memory_space<vmem_shared>> -> memref<640x128xf32, #tpu.memory_space<vmem_shared>>
      tpu.enqueue_dma source(%dma_start3A_13 : memref<640x128xf32, #tpu.memory_space<vmem_shared>>) target(%dma_start3A_11 : memref<640x128xf32, #tpu.memory_space<hbm>>) target_semaphore(%run_scoped3A : memref<!tpu.dma_semaphore, #tpu.memory_space<semaphore_mem>>)
      %dma_wait3A = arith.constant 0 : i32
      %dma_wait3A_14 = tpu.memref_slice %arg7[%arg0, %mul3A_9, %dma_wait3A] : memref<2x10240x128xf32, #tpu.memory_space<hbm>> -> memref<1x640x128xf32, #tpu.memory_space<hbm>>
      %dma_wait3A_15 = tpu.memref_squeeze %dma_wait3A_14 : memref<1x640x128xf32, #tpu.memory_space<hbm>> -> memref<640x128xf32, #tpu.memory_space<hbm>>
      %dma_wait3A_16 = arith.constant 0 : i32
      %dma_wait3A_17 = tpu.memref_slice %arg13[%mul3A_7, %dma_wait3A_16] : memref<10240x128xf32, #tpu.memory_space<vmem_shared>> -> memref<640x128xf32, #tpu.memory_space<vmem_shared>>
      tpu.wait_dma2 semaphore(%run_scoped3A : memref<!tpu.dma_semaphore, #tpu.memory_space<semaphore_mem>>) src(%dma_wait3A_17 : memref<640x128xf32, #tpu.memory_space<vmem_shared>>) dst(%dma_wait3A_15 : memref<640x128xf32, #tpu.memory_space<hbm>>)
      tpu.yield
    }) : () -> ()
    return
  }
}

#map = affine_map<(d0, d1) -> (0, 0)>
#map1 = affine_map<(d0, d1) -> (0, 0, 0, 0)>
#map2 = affine_map<(d0, d1) -> (0, 0, 0)>
module attributes {stable_mosaic.version = 14 : i64} {
  func.func @_sc_edge_pass(%arg0: i32, %arg1: i32, %arg2: memref<10000x128xf32, #tpu.memory_space<hbm>>, %arg3: memref<2x16x80x128xi32, #tpu.memory_space<hbm>>, %arg4: memref<2x16x80x128xi32, #tpu.memory_space<hbm>>, %arg5: memref<10240x16xf32, #tpu.memory_space<hbm>>, %arg6: memref<640x128xf32, #tpu.memory_space<hbm>>, %arg7: memref<2x10240x128xf32, #tpu.memory_space<hbm>>, %arg8: memref<80x128xi32, #tpu.memory_space<vmem>>, %arg9: memref<80x128xi32, #tpu.memory_space<vmem>>, %arg10: memref<128x16xf32, #tpu.memory_space<vmem>>, %arg11: memref<128x16xf32, #tpu.memory_space<vmem>>, %arg12: memref<128x128xf32, #tpu.memory_space<vmem>>, %arg13: memref<10240x128xf32, #tpu.memory_space<vmem_shared>>, %arg14: memref<!tpu.dma_semaphore, #tpu.memory_space<semaphore_mem>>, %arg15: memref<!tpu.dma_semaphore, #tpu.memory_space<semaphore_mem>>, %arg16: memref<!tpu.dma_semaphore, #tpu.memory_space<semaphore_mem>>) attributes {dimension_semantics = [#tpu.dimension_semantics<core_parallel>, #tpu.dimension_semantics<subcore_parallel>], iteration_bounds = array<i64: 2, 16>, scalar_prefetch = 0 : i64, scratch_operands = 9 : i64, tpu.core_type = #tpu.core_type<sc_vector_subcore>, window_params = [{transform_indices = #map}, {transform_indices = #map1}, {transform_indices = #map1}, {transform_indices = #map}, {transform_indices = #map}, {transform_indices = #map2}]} {
    "tpu.region"() ({
      %run_scoped3A = tpu.sem_alloc : memref<!tpu.dma_semaphore, #tpu.memory_space<semaphore_mem>>
      %dma_start3A = arith.constant 0 : i32
      %dma_start3A_10 = arith.constant 0 : i32
      %dma_start3A_11 = tpu.memref_slice %arg3[%arg0, %arg1, %dma_start3A, %dma_start3A_10] : memref<2x16x80x128xi32, #tpu.memory_space<hbm>> -> memref<1x1x80x128xi32, #tpu.memory_space<hbm>>
      %dma_start3A_12 = tpu.memref_squeeze %dma_start3A_11 : memref<1x1x80x128xi32, #tpu.memory_space<hbm>> -> memref<80x128xi32, #tpu.memory_space<hbm>>
      %dma_start3A_13 = arith.constant 0 : i32
      %dma_start3A_14 = arith.constant 0 : i32
      %dma_start3A_15 = tpu.memref_slice %arg3[%arg0, %arg1, %dma_start3A_13, %dma_start3A_14] : memref<2x16x80x128xi32, #tpu.memory_space<hbm>> -> memref<1x1x80x128xi32, #tpu.memory_space<hbm>>
      %dma_start3A_16 = tpu.memref_squeeze %dma_start3A_15 : memref<1x1x80x128xi32, #tpu.memory_space<hbm>> -> memref<80x128xi32, #tpu.memory_space<hbm>>
      tpu.enqueue_dma source(%dma_start3A_16 : memref<80x128xi32, #tpu.memory_space<hbm>>) target(%arg8 : memref<80x128xi32, #tpu.memory_space<vmem>>) target_semaphore(%run_scoped3A : memref<!tpu.dma_semaphore, #tpu.memory_space<semaphore_mem>>)
      %dma_wait3A = arith.constant 0 : i32
      %dma_wait3A_17 = arith.constant 0 : i32
      %dma_wait3A_18 = tpu.memref_slice %arg3[%arg0, %arg1, %dma_wait3A, %dma_wait3A_17] : memref<2x16x80x128xi32, #tpu.memory_space<hbm>> -> memref<1x1x80x128xi32, #tpu.memory_space<hbm>>
      %dma_wait3A_19 = tpu.memref_squeeze %dma_wait3A_18 : memref<1x1x80x128xi32, #tpu.memory_space<hbm>> -> memref<80x128xi32, #tpu.memory_space<hbm>>
      %dma_wait3A_20 = arith.constant 0 : i32
      %dma_wait3A_21 = arith.constant 0 : i32
      %dma_wait3A_22 = tpu.memref_slice %arg3[%arg0, %arg1, %dma_wait3A_20, %dma_wait3A_21] : memref<2x16x80x128xi32, #tpu.memory_space<hbm>> -> memref<1x1x80x128xi32, #tpu.memory_space<hbm>>
      %dma_wait3A_23 = tpu.memref_squeeze %dma_wait3A_22 : memref<1x1x80x128xi32, #tpu.memory_space<hbm>> -> memref<80x128xi32, #tpu.memory_space<hbm>>
      tpu.wait_dma2 semaphore(%run_scoped3A : memref<!tpu.dma_semaphore, #tpu.memory_space<semaphore_mem>>) src(%dma_wait3A_23 : memref<80x128xi32, #tpu.memory_space<hbm>>) dst(%arg8 : memref<80x128xi32, #tpu.memory_space<vmem>>)
      tpu.yield
    }) : () -> ()
    "tpu.region"() ({
      %run_scoped3A = tpu.sem_alloc : memref<!tpu.dma_semaphore, #tpu.memory_space<semaphore_mem>>
      %dma_start3A = arith.constant 0 : i32
      %dma_start3A_10 = arith.constant 0 : i32
      %dma_start3A_11 = tpu.memref_slice %arg4[%arg0, %arg1, %dma_start3A, %dma_start3A_10] : memref<2x16x80x128xi32, #tpu.memory_space<hbm>> -> memref<1x1x80x128xi32, #tpu.memory_space<hbm>>
      %dma_start3A_12 = tpu.memref_squeeze %dma_start3A_11 : memref<1x1x80x128xi32, #tpu.memory_space<hbm>> -> memref<80x128xi32, #tpu.memory_space<hbm>>
      %dma_start3A_13 = arith.constant 0 : i32
      %dma_start3A_14 = arith.constant 0 : i32
      %dma_start3A_15 = tpu.memref_slice %arg4[%arg0, %arg1, %dma_start3A_13, %dma_start3A_14] : memref<2x16x80x128xi32, #tpu.memory_space<hbm>> -> memref<1x1x80x128xi32, #tpu.memory_space<hbm>>
      %dma_start3A_16 = tpu.memref_squeeze %dma_start3A_15 : memref<1x1x80x128xi32, #tpu.memory_space<hbm>> -> memref<80x128xi32, #tpu.memory_space<hbm>>
      tpu.enqueue_dma source(%dma_start3A_16 : memref<80x128xi32, #tpu.memory_space<hbm>>) target(%arg9 : memref<80x128xi32, #tpu.memory_space<vmem>>) target_semaphore(%run_scoped3A : memref<!tpu.dma_semaphore, #tpu.memory_space<semaphore_mem>>)
      %dma_wait3A = arith.constant 0 : i32
      %dma_wait3A_17 = arith.constant 0 : i32
      %dma_wait3A_18 = tpu.memref_slice %arg4[%arg0, %arg1, %dma_wait3A, %dma_wait3A_17] : memref<2x16x80x128xi32, #tpu.memory_space<hbm>> -> memref<1x1x80x128xi32, #tpu.memory_space<hbm>>
      %dma_wait3A_19 = tpu.memref_squeeze %dma_wait3A_18 : memref<1x1x80x128xi32, #tpu.memory_space<hbm>> -> memref<80x128xi32, #tpu.memory_space<hbm>>
      %dma_wait3A_20 = arith.constant 0 : i32
      %dma_wait3A_21 = arith.constant 0 : i32
      %dma_wait3A_22 = tpu.memref_slice %arg4[%arg0, %arg1, %dma_wait3A_20, %dma_wait3A_21] : memref<2x16x80x128xi32, #tpu.memory_space<hbm>> -> memref<1x1x80x128xi32, #tpu.memory_space<hbm>>
      %dma_wait3A_23 = tpu.memref_squeeze %dma_wait3A_22 : memref<1x1x80x128xi32, #tpu.memory_space<hbm>> -> memref<80x128xi32, #tpu.memory_space<hbm>>
      tpu.wait_dma2 semaphore(%run_scoped3A : memref<!tpu.dma_semaphore, #tpu.memory_space<semaphore_mem>>) src(%dma_wait3A_23 : memref<80x128xi32, #tpu.memory_space<hbm>>) dst(%arg9 : memref<80x128xi32, #tpu.memory_space<vmem>>)
      tpu.yield
    }) : () -> ()
    %mul3A = arith.constant 640 : i32
    %mul3A_0 = arith.muli %arg1, %mul3A : i32
    "tpu.region"() ({
      %run_scoped3A = tpu.sem_alloc : memref<!tpu.dma_semaphore, #tpu.memory_space<semaphore_mem>>
      %dma_start3A = arith.constant 0 : i32
      %dma_start3A_10 = tpu.memref_slice %arg13[%mul3A_0, %dma_start3A] : memref<10240x128xf32, #tpu.memory_space<vmem_shared>> -> memref<640x128xf32, #tpu.memory_space<vmem_shared>>
      tpu.enqueue_dma source(%arg6 : memref<640x128xf32, #tpu.memory_space<hbm>>) target(%dma_start3A_10 : memref<640x128xf32, #tpu.memory_space<vmem_shared>>) target_semaphore(%run_scoped3A : memref<!tpu.dma_semaphore, #tpu.memory_space<semaphore_mem>>)
      %dma_wait3A = arith.constant 0 : i32
      %dma_wait3A_11 = tpu.memref_slice %arg13[%mul3A_0, %dma_wait3A] : memref<10240x128xf32, #tpu.memory_space<vmem_shared>> -> memref<640x128xf32, #tpu.memory_space<vmem_shared>>
      tpu.wait_dma2 semaphore(%run_scoped3A : memref<!tpu.dma_semaphore, #tpu.memory_space<semaphore_mem>>) src(%arg6 : memref<640x128xf32, #tpu.memory_space<hbm>>) dst(%dma_wait3A_11 : memref<640x128xf32, #tpu.memory_space<vmem_shared>>)
      tpu.yield
    }) : () -> ()
    %barrier3A = arith.constant 0 : index
    tpu.barrier barrier_id(%barrier3A)
    %scan3A = arith.constant 0 : i32
    %scan3A_1 = arith.constant 80 : i32
    %scan3A_2 = arith.addi %scan3A, %scan3A_1 : i32
    %scan3A_3 = arith.constant 1 : i32
    scf.for %scan3A_10 = %scan3A to %scan3A_2 step %scan3A_3  : i32 {
      %mul3A_11 = arith.constant 1 : i32
      %mul3A_12 = arith.muli %scan3A_10, %mul3A_11 : i32
      %add3A = arith.constant 0 : i32
      %add3A_13 = arith.addi %add3A, %mul3A_12 : i32
      %dma_start3A = arith.constant 0 : i32
      %dma_start3A_14 = tpu.memref_slice %arg8[%add3A_13, %dma_start3A] : memref<80x128xi32, #tpu.memory_space<vmem>> -> memref<1x128xi32, #tpu.memory_space<vmem>>
      %dma_start3A_15 = tpu.memref_squeeze %dma_start3A_14 : memref<1x128xi32, #tpu.memory_space<vmem>> -> memref<128xi32, #tpu.memory_space<vmem>>
      %dma_start3A_16 = arith.constant 0 : i32
      %dma_start3A_17 = arith.constant 0 : i32
      %dma_start3A_18 = tpu.memref_slice %arg2[%dma_start3A_16, %dma_start3A_17] : memref<10000x128xf32, #tpu.memory_space<hbm>> -> memref<10000x128xf32, #tpu.memory_space<hbm>>
      tpu.enqueue_indirect_dma source(%dma_start3A_18 : memref<10000x128xf32, #tpu.memory_space<hbm>>) target(%arg12 : memref<128x128xf32, #tpu.memory_space<vmem>>) offsets(%dma_start3A_15 : memref<128xi32, #tpu.memory_space<vmem>>) semaphore(%arg14 : memref<!tpu.dma_semaphore, #tpu.memory_space<semaphore_mem>>)
      %dma_start3A_19 = arith.constant 0 : i32
      %dma_start3A_20 = tpu.memref_slice %arg8[%add3A_13, %dma_start3A_19] : memref<80x128xi32, #tpu.memory_space<vmem>> -> memref<1x128xi32, #tpu.memory_space<vmem>>
      %dma_start3A_21 = tpu.memref_squeeze %dma_start3A_20 : memref<1x128xi32, #tpu.memory_space<vmem>> -> memref<128xi32, #tpu.memory_space<vmem>>
      %dma_start3A_22 = arith.constant 0 : i32
      %dma_start3A_23 = arith.constant 0 : i32
      %dma_start3A_24 = tpu.memref_slice %arg5[%dma_start3A_22, %dma_start3A_23] : memref<10240x16xf32, #tpu.memory_space<hbm>> -> memref<10240x16xf32, #tpu.memory_space<hbm>>
      tpu.enqueue_indirect_dma source(%dma_start3A_24 : memref<10240x16xf32, #tpu.memory_space<hbm>>) target(%arg10 : memref<128x16xf32, #tpu.memory_space<vmem>>) offsets(%dma_start3A_21 : memref<128xi32, #tpu.memory_space<vmem>>) semaphore(%arg15 : memref<!tpu.dma_semaphore, #tpu.memory_space<semaphore_mem>>)
      %dma_start3A_25 = arith.constant 0 : i32
      %dma_start3A_26 = tpu.memref_slice %arg9[%add3A_13, %dma_start3A_25] : memref<80x128xi32, #tpu.memory_space<vmem>> -> memref<1x128xi32, #tpu.memory_space<vmem>>
      %dma_start3A_27 = tpu.memref_squeeze %dma_start3A_26 : memref<1x128xi32, #tpu.memory_space<vmem>> -> memref<128xi32, #tpu.memory_space<vmem>>
      %dma_start3A_28 = arith.constant 0 : i32
      %dma_start3A_29 = arith.constant 0 : i32
      %dma_start3A_30 = tpu.memref_slice %arg5[%dma_start3A_28, %dma_start3A_29] : memref<10240x16xf32, #tpu.memory_space<hbm>> -> memref<10240x16xf32, #tpu.memory_space<hbm>>
      tpu.enqueue_indirect_dma source(%dma_start3A_30 : memref<10240x16xf32, #tpu.memory_space<hbm>>) target(%arg11 : memref<128x16xf32, #tpu.memory_space<vmem>>) offsets(%dma_start3A_27 : memref<128xi32, #tpu.memory_space<vmem>>) semaphore(%arg16 : memref<!tpu.dma_semaphore, #tpu.memory_space<semaphore_mem>>)
      %dma_wait3A = arith.constant 0 : i32
      %dma_wait3A_31 = tpu.memref_slice %arg8[%add3A_13, %dma_wait3A] : memref<80x128xi32, #tpu.memory_space<vmem>> -> memref<1x128xi32, #tpu.memory_space<vmem>>
      %dma_wait3A_32 = tpu.memref_squeeze %dma_wait3A_31 : memref<1x128xi32, #tpu.memory_space<vmem>> -> memref<128xi32, #tpu.memory_space<vmem>>
      %dma_wait3A_33 = arith.constant 0 : i32
      %dma_wait3A_34 = arith.constant 0 : i32
      %dma_wait3A_35 = tpu.memref_slice %arg2[%dma_wait3A_33, %dma_wait3A_34] : memref<10000x128xf32, #tpu.memory_space<hbm>> -> memref<10000x128xf32, #tpu.memory_space<hbm>>
      tpu.wait_indirect_dma semaphore(%arg14 : memref<!tpu.dma_semaphore, #tpu.memory_space<semaphore_mem>>) src(%dma_wait3A_35 : memref<10000x128xf32, #tpu.memory_space<hbm>>) dst(%arg12 : memref<128x128xf32, #tpu.memory_space<vmem>>)
      %dma_wait3A_36 = arith.constant 0 : i32
      %dma_wait3A_37 = tpu.memref_slice %arg8[%add3A_13, %dma_wait3A_36] : memref<80x128xi32, #tpu.memory_space<vmem>> -> memref<1x128xi32, #tpu.memory_space<vmem>>
      %dma_wait3A_38 = tpu.memref_squeeze %dma_wait3A_37 : memref<1x128xi32, #tpu.memory_space<vmem>> -> memref<128xi32, #tpu.memory_space<vmem>>
      %dma_wait3A_39 = arith.constant 0 : i32
      %dma_wait3A_40 = arith.constant 0 : i32
      %dma_wait3A_41 = tpu.memref_slice %arg5[%dma_wait3A_39, %dma_wait3A_40] : memref<10240x16xf32, #tpu.memory_space<hbm>> -> memref<10240x16xf32, #tpu.memory_space<hbm>>
      tpu.wait_indirect_dma semaphore(%arg15 : memref<!tpu.dma_semaphore, #tpu.memory_space<semaphore_mem>>) src(%dma_wait3A_41 : memref<10240x16xf32, #tpu.memory_space<hbm>>) dst(%arg10 : memref<128x16xf32, #tpu.memory_space<vmem>>)
      %dma_wait3A_42 = arith.constant 0 : i32
      %dma_wait3A_43 = tpu.memref_slice %arg9[%add3A_13, %dma_wait3A_42] : memref<80x128xi32, #tpu.memory_space<vmem>> -> memref<1x128xi32, #tpu.memory_space<vmem>>
      %dma_wait3A_44 = tpu.memref_squeeze %dma_wait3A_43 : memref<1x128xi32, #tpu.memory_space<vmem>> -> memref<128xi32, #tpu.memory_space<vmem>>
      %dma_wait3A_45 = arith.constant 0 : i32
      %dma_wait3A_46 = arith.constant 0 : i32
      %dma_wait3A_47 = tpu.memref_slice %arg5[%dma_wait3A_45, %dma_wait3A_46] : memref<10240x16xf32, #tpu.memory_space<hbm>> -> memref<10240x16xf32, #tpu.memory_space<hbm>>
      tpu.wait_indirect_dma semaphore(%arg16 : memref<!tpu.dma_semaphore, #tpu.memory_space<semaphore_mem>>) src(%dma_wait3A_47 : memref<10240x16xf32, #tpu.memory_space<hbm>>) dst(%arg11 : memref<128x16xf32, #tpu.memory_space<vmem>>)
      %scan3A_48 = arith.constant 0 : i32
      %scan3A_49 = arith.constant 128 : i32
      %scan3A_50 = arith.addi %scan3A_48, %scan3A_49 : i32
      %scan3A_51 = arith.constant 1 : i32
      scf.for %scan3A_53 = %scan3A_48 to %scan3A_50 step %scan3A_51  : i32 {
        %mul3A_54 = arith.constant 1 : i32
        %mul3A_55 = arith.muli %scan3A_53, %mul3A_54 : i32
        %add3A_56 = arith.constant 0 : i32
        %add3A_57 = arith.addi %add3A_56, %mul3A_55 : i32
        %get3A = arith.index_cast %add3A_57 : i32 to index
        %get3A_58 = arith.constant 0 : index
        %get3A_59 = tpu.vector_load %arg10[%get3A, %get3A_58] {strides = array<i32>} : memref<128x16xf32, #tpu.memory_space<vmem>>, vector<1x16xf32>,
        %get3A_60 = vector.shape_cast %get3A_59 : vector<1x16xf32> to vector<16xf32>
        %get3A_61 = arith.index_cast %add3A_57 : i32 to index
        %get3A_62 = arith.constant 0 : index
        %get3A_63 = tpu.vector_load %arg11[%get3A_61, %get3A_62] {strides = array<i32>} : memref<128x16xf32, #tpu.memory_space<vmem>>, vector<1x16xf32>,
        %get3A_64 = vector.shape_cast %get3A_63 : vector<1x16xf32> to vector<16xf32>
        %mul3A_65 = arith.mulf %get3A_60, %get3A_64 : vector<16xf32>
        %get3A_66 = arith.index_cast %add3A_57 : i32 to index
        %get3A_67 = arith.constant 0 : index
        %get3A_68 = tpu.vector_load %arg12[%get3A_66, %get3A_67] {strides = array<i32>} : memref<128x128xf32, #tpu.memory_space<vmem>>, vector<1x16xf32>,
        %get3A_69 = vector.shape_cast %get3A_68 : vector<1x16xf32> to vector<16xf32>
        %mul3A_70 = arith.mulf %get3A_69, %mul3A_65 : vector<16xf32>
        %swap3A = arith.index_cast %add3A_57 : i32 to index
        %swap3A_71 = arith.constant 0 : index
        %swap3A_72 = tpu.vector_load %arg12[%swap3A, %swap3A_71] {strides = array<i32>} : memref<128x128xf32, #tpu.memory_space<vmem>>, vector<1x16xf32>,
        %swap3A_73 = vector.shape_cast %swap3A_72 : vector<1x16xf32> to vector<16xf32>
        %swap3A_74 = vector.shape_cast %mul3A_70 : vector<16xf32> to vector<1x16xf32>
        tpu.vector_store %arg12[%swap3A, %swap3A_71], %swap3A_74 {strides = array<i32>} : memref<128x128xf32, #tpu.memory_space<vmem>>, vector<1x16xf32>,
        %get3A_75 = arith.index_cast %add3A_57 : i32 to index
        %get3A_76 = arith.constant 16 : index
        %get3A_77 = tpu.vector_load %arg12[%get3A_75, %get3A_76] {strides = array<i32>} : memref<128x128xf32, #tpu.memory_space<vmem>>, vector<1x16xf32>,
        %get3A_78 = vector.shape_cast %get3A_77 : vector<1x16xf32> to vector<16xf32>
        %mul3A_79 = arith.mulf %get3A_78, %mul3A_65 : vector<16xf32>
        %swap3A_80 = arith.index_cast %add3A_57 : i32 to index
        %swap3A_81 = arith.constant 16 : index
        %swap3A_82 = tpu.vector_load %arg12[%swap3A_80, %swap3A_81] {strides = array<i32>} : memref<128x128xf32, #tpu.memory_space<vmem>>, vector<1x16xf32>,
        %swap3A_83 = vector.shape_cast %swap3A_82 : vector<1x16xf32> to vector<16xf32>
        %swap3A_84 = vector.shape_cast %mul3A_79 : vector<16xf32> to vector<1x16xf32>
        tpu.vector_store %arg12[%swap3A_80, %swap3A_81], %swap3A_84 {strides = array<i32>} : memref<128x128xf32, #tpu.memory_space<vmem>>, vector<1x16xf32>,
        %get3A_85 = arith.index_cast %add3A_57 : i32 to index
        %get3A_86 = arith.constant 32 : index
        %get3A_87 = tpu.vector_load %arg12[%get3A_85, %get3A_86] {strides = array<i32>} : memref<128x128xf32, #tpu.memory_space<vmem>>, vector<1x16xf32>,
        %get3A_88 = vector.shape_cast %get3A_87 : vector<1x16xf32> to vector<16xf32>
        %mul3A_89 = arith.mulf %get3A_88, %mul3A_65 : vector<16xf32>
        %swap3A_90 = arith.index_cast %add3A_57 : i32 to index
        %swap3A_91 = arith.constant 32 : index
        %swap3A_92 = tpu.vector_load %arg12[%swap3A_90, %swap3A_91] {strides = array<i32>} : memref<128x128xf32, #tpu.memory_space<vmem>>, vector<1x16xf32>,
        %swap3A_93 = vector.shape_cast %swap3A_92 : vector<1x16xf32> to vector<16xf32>
        %swap3A_94 = vector.shape_cast %mul3A_89 : vector<16xf32> to vector<1x16xf32>
        tpu.vector_store %arg12[%swap3A_90, %swap3A_91], %swap3A_94 {strides = array<i32>} : memref<128x128xf32, #tpu.memory_space<vmem>>, vector<1x16xf32>,
        %get3A_95 = arith.index_cast %add3A_57 : i32 to index
        %get3A_96 = arith.constant 48 : index
        %get3A_97 = tpu.vector_load %arg12[%get3A_95, %get3A_96] {strides = array<i32>} : memref<128x128xf32, #tpu.memory_space<vmem>>, vector<1x16xf32>,
        %get3A_98 = vector.shape_cast %get3A_97 : vector<1x16xf32> to vector<16xf32>
        %mul3A_99 = arith.mulf %get3A_98, %mul3A_65 : vector<16xf32>
        %swap3A_100 = arith.index_cast %add3A_57 : i32 to index
        %swap3A_101 = arith.constant 48 : index
        %swap3A_102 = tpu.vector_load %arg12[%swap3A_100, %swap3A_101] {strides = array<i32>} : memref<128x128xf32, #tpu.memory_space<vmem>>, vector<1x16xf32>,
        %swap3A_103 = vector.shape_cast %swap3A_102 : vector<1x16xf32> to vector<16xf32>
        %swap3A_104 = vector.shape_cast %mul3A_99 : vector<16xf32> to vector<1x16xf32>
        tpu.vector_store %arg12[%swap3A_100, %swap3A_101], %swap3A_104 {strides = array<i32>} : memref<128x128xf32, #tpu.memory_space<vmem>>, vector<1x16xf32>,
        %get3A_105 = arith.index_cast %add3A_57 : i32 to index
        %get3A_106 = arith.constant 64 : index
        %get3A_107 = tpu.vector_load %arg12[%get3A_105, %get3A_106] {strides = array<i32>} : memref<128x128xf32, #tpu.memory_space<vmem>>, vector<1x16xf32>,
        %get3A_108 = vector.shape_cast %get3A_107 : vector<1x16xf32> to vector<16xf32>
        %mul3A_109 = arith.mulf %get3A_108, %mul3A_65 : vector<16xf32>
        %swap3A_110 = arith.index_cast %add3A_57 : i32 to index
        %swap3A_111 = arith.constant 64 : index
        %swap3A_112 = tpu.vector_load %arg12[%swap3A_110, %swap3A_111] {strides = array<i32>} : memref<128x128xf32, #tpu.memory_space<vmem>>, vector<1x16xf32>,
        %swap3A_113 = vector.shape_cast %swap3A_112 : vector<1x16xf32> to vector<16xf32>
        %swap3A_114 = vector.shape_cast %mul3A_109 : vector<16xf32> to vector<1x16xf32>
        tpu.vector_store %arg12[%swap3A_110, %swap3A_111], %swap3A_114 {strides = array<i32>} : memref<128x128xf32, #tpu.memory_space<vmem>>, vector<1x16xf32>,
        %get3A_115 = arith.index_cast %add3A_57 : i32 to index
        %get3A_116 = arith.constant 80 : index
        %get3A_117 = tpu.vector_load %arg12[%get3A_115, %get3A_116] {strides = array<i32>} : memref<128x128xf32, #tpu.memory_space<vmem>>, vector<1x16xf32>,
        %get3A_118 = vector.shape_cast %get3A_117 : vector<1x16xf32> to vector<16xf32>
        %mul3A_119 = arith.mulf %get3A_118, %mul3A_65 : vector<16xf32>
        %swap3A_120 = arith.index_cast %add3A_57 : i32 to index
        %swap3A_121 = arith.constant 80 : index
        %swap3A_122 = tpu.vector_load %arg12[%swap3A_120, %swap3A_121] {strides = array<i32>} : memref<128x128xf32, #tpu.memory_space<vmem>>, vector<1x16xf32>,
        %swap3A_123 = vector.shape_cast %swap3A_122 : vector<1x16xf32> to vector<16xf32>
        %swap3A_124 = vector.shape_cast %mul3A_119 : vector<16xf32> to vector<1x16xf32>
        tpu.vector_store %arg12[%swap3A_120, %swap3A_121], %swap3A_124 {strides = array<i32>} : memref<128x128xf32, #tpu.memory_space<vmem>>, vector<1x16xf32>,
        %get3A_125 = arith.index_cast %add3A_57 : i32 to index
        %get3A_126 = arith.constant 96 : index
        %get3A_127 = tpu.vector_load %arg12[%get3A_125, %get3A_126] {strides = array<i32>} : memref<128x128xf32, #tpu.memory_space<vmem>>, vector<1x16xf32>,
        %get3A_128 = vector.shape_cast %get3A_127 : vector<1x16xf32> to vector<16xf32>
        %mul3A_129 = arith.mulf %get3A_128, %mul3A_65 : vector<16xf32>
        %swap3A_130 = arith.index_cast %add3A_57 : i32 to index
        %swap3A_131 = arith.constant 96 : index
        %swap3A_132 = tpu.vector_load %arg12[%swap3A_130, %swap3A_131] {strides = array<i32>} : memref<128x128xf32, #tpu.memory_space<vmem>>, vector<1x16xf32>,
        %swap3A_133 = vector.shape_cast %swap3A_132 : vector<1x16xf32> to vector<16xf32>
        %swap3A_134 = vector.shape_cast %mul3A_129 : vector<16xf32> to vector<1x16xf32>
        tpu.vector_store %arg12[%swap3A_130, %swap3A_131], %swap3A_134 {strides = array<i32>} : memref<128x128xf32, #tpu.memory_space<vmem>>, vector<1x16xf32>,
        %get3A_135 = arith.index_cast %add3A_57 : i32 to index
        %get3A_136 = arith.constant 112 : index
        %get3A_137 = tpu.vector_load %arg12[%get3A_135, %get3A_136] {strides = array<i32>} : memref<128x128xf32, #tpu.memory_space<vmem>>, vector<1x16xf32>,
        %get3A_138 = vector.shape_cast %get3A_137 : vector<1x16xf32> to vector<16xf32>
        %mul3A_139 = arith.mulf %get3A_138, %mul3A_65 : vector<16xf32>
        %swap3A_140 = arith.index_cast %add3A_57 : i32 to index
        %swap3A_141 = arith.constant 112 : index
        %swap3A_142 = tpu.vector_load %arg12[%swap3A_140, %swap3A_141] {strides = array<i32>} : memref<128x128xf32, #tpu.memory_space<vmem>>, vector<1x16xf32>,
        %swap3A_143 = vector.shape_cast %swap3A_142 : vector<1x16xf32> to vector<16xf32>
        %swap3A_144 = vector.shape_cast %mul3A_139 : vector<16xf32> to vector<1x16xf32>
        tpu.vector_store %arg12[%swap3A_140, %swap3A_141], %swap3A_144 {strides = array<i32>} : memref<128x128xf32, #tpu.memory_space<vmem>>, vector<1x16xf32>,
      }
      %scan3A_52 = arith.constant 128 : i32
      "tpu.region"() ({
        %run_scoped3A = tpu.sem_alloc : memref<!tpu.dma_semaphore, #tpu.memory_space<semaphore_mem>>
        %dma_start3A_53 = arith.constant 0 : i32
        %dma_start3A_54 = tpu.memref_slice %arg9[%add3A_13, %dma_start3A_53] : memref<80x128xi32, #tpu.memory_space<vmem>> -> memref<1x128xi32, #tpu.memory_space<vmem>>
        %dma_start3A_55 = tpu.memref_squeeze %dma_start3A_54 : memref<1x128xi32, #tpu.memory_space<vmem>> -> memref<128xi32, #tpu.memory_space<vmem>>
        %dma_start3A_56 = arith.constant 0 : i32
        %dma_start3A_57 = arith.constant 0 : i32
        %dma_start3A_58 = tpu.memref_slice %arg13[%dma_start3A_56, %dma_start3A_57] : memref<10240x128xf32, #tpu.memory_space<vmem_shared>> -> memref<10240x128xf32, #tpu.memory_space<vmem_shared>>
        tpu.enqueue_indirect_dma source(%arg12 : memref<128x128xf32, #tpu.memory_space<vmem>>) target(%dma_start3A_58 : memref<10240x128xf32, #tpu.memory_space<vmem_shared>>) offsets(%dma_start3A_55 : memref<128xi32, #tpu.memory_space<vmem>>) semaphore(%run_scoped3A : memref<!tpu.dma_semaphore, #tpu.memory_space<semaphore_mem>>) {add = true}
        %dma_wait3A_59 = arith.constant 0 : i32
        %dma_wait3A_60 = tpu.memref_slice %arg9[%add3A_13, %dma_wait3A_59] : memref<80x128xi32, #tpu.memory_space<vmem>> -> memref<1x128xi32, #tpu.memory_space<vmem>>
        %dma_wait3A_61 = tpu.memref_squeeze %dma_wait3A_60 : memref<1x128xi32, #tpu.memory_space<vmem>> -> memref<128xi32, #tpu.memory_space<vmem>>
        %dma_wait3A_62 = arith.constant 0 : i32
        %dma_wait3A_63 = arith.constant 0 : i32
        %dma_wait3A_64 = tpu.memref_slice %arg13[%dma_wait3A_62, %dma_wait3A_63] : memref<10240x128xf32, #tpu.memory_space<vmem_shared>> -> memref<10240x128xf32, #tpu.memory_space<vmem_shared>>
        tpu.wait_indirect_dma semaphore(%run_scoped3A : memref<!tpu.dma_semaphore, #tpu.memory_space<semaphore_mem>>) src(%arg12 : memref<128x128xf32, #tpu.memory_space<vmem>>) dst(%dma_wait3A_64 : memref<10240x128xf32, #tpu.memory_space<vmem_shared>>)
        tpu.yield
      }) : () -> ()
    }
    %scan3A_4 = arith.constant 80 : i32
    %barrier3A_5 = arith.constant 0 : index
    tpu.barrier barrier_id(%barrier3A_5)
    %mul3A_6 = arith.constant 640 : i32
    %mul3A_7 = arith.muli %arg1, %mul3A_6 : i32
    %mul3A_8 = arith.constant 640 : i32
    %mul3A_9 = arith.muli %arg1, %mul3A_8 : i32
    "tpu.region"() ({
      %run_scoped3A = tpu.sem_alloc : memref<!tpu.dma_semaphore, #tpu.memory_space<semaphore_mem>>
      %dma_start3A = arith.constant 0 : i32
      %dma_start3A_10 = tpu.memref_slice %arg7[%arg0, %mul3A_9, %dma_start3A] : memref<2x10240x128xf32, #tpu.memory_space<hbm>> -> memref<1x640x128xf32, #tpu.memory_space<hbm>>
      %dma_start3A_11 = tpu.memref_squeeze %dma_start3A_10 : memref<1x640x128xf32, #tpu.memory_space<hbm>> -> memref<640x128xf32, #tpu.memory_space<hbm>>
      %dma_start3A_12 = arith.constant 0 : i32
      %dma_start3A_13 = tpu.memref_slice %arg13[%mul3A_7, %dma_start3A_12] : memref<10240x128xf32, #tpu.memory_space<vmem_shared>> -> memref<640x128xf32, #tpu.memory_space<vmem_shared>>
      tpu.enqueue_dma source(%dma_start3A_13 : memref<640x128xf32, #tpu.memory_space<vmem_shared>>) target(%dma_start3A_11 : memref<640x128xf32, #tpu.memory_space<hbm>>) target_semaphore(%run_scoped3A : memref<!tpu.dma_semaphore, #tpu.memory_space<semaphore_mem>>)
      %dma_wait3A = arith.constant 0 : i32
      %dma_wait3A_14 = tpu.memref_slice %arg7[%arg0, %mul3A_9, %dma_wait3A] : memref<2x10240x128xf32, #tpu.memory_space<hbm>> -> memref<1x640x128xf32, #tpu.memory_space<hbm>>
      %dma_wait3A_15 = tpu.memref_squeeze %dma_wait3A_14 : memref<1x640x128xf32, #tpu.memory_space<hbm>> -> memref<640x128xf32, #tpu.memory_space<hbm>>
      %dma_wait3A_16 = arith.constant 0 : i32
      %dma_wait3A_17 = tpu.memref_slice %arg13[%mul3A_7, %dma_wait3A_16] : memref<10240x128xf32, #tpu.memory_space<vmem_shared>> -> memref<640x128xf32, #tpu.memory_space<vmem_shared>>
      tpu.wait_dma2 semaphore(%run_scoped3A : memref<!tpu.dma_semaphore, #tpu.memory_space<semaphore_mem>>) src(%dma_wait3A_17 : memref<640x128xf32, #tpu.memory_space<vmem_shared>>) dst(%dma_wait3A_15 : memref<640x128xf32, #tpu.memory_space<hbm>>)
      tpu.yield
    }) : () -> ()
    return
  }
}

#map = affine_map<(d0, d1) -> (0, 0)>
#map1 = affine_map<(d0, d1) -> (0, 0, 0, 0)>
#map2 = affine_map<(d0, d1) -> (0, 0, 0)>
module attributes {stable_mosaic.version = 14 : i64} {
  func.func @_sc_edge_pass(%arg0: i32, %arg1: i32, %arg2: memref<10000x128xf32, #tpu.memory_space<hbm>>, %arg3: memref<2x16x80x128xi32, #tpu.memory_space<hbm>>, %arg4: memref<2x16x80x128xi32, #tpu.memory_space<hbm>>, %arg5: memref<10240x16xf32, #tpu.memory_space<hbm>>, %arg6: memref<640x128xf32, #tpu.memory_space<hbm>>, %arg7: memref<2x10240x128xf32, #tpu.memory_space<hbm>>, %arg8: memref<80x128xi32, #tpu.memory_space<vmem>>, %arg9: memref<80x128xi32, #tpu.memory_space<vmem>>, %arg10: memref<128x16xf32, #tpu.memory_space<vmem>>, %arg11: memref<128x16xf32, #tpu.memory_space<vmem>>, %arg12: memref<128x128xf32, #tpu.memory_space<vmem>>, %arg13: memref<10240x128xf32, #tpu.memory_space<vmem_shared>>, %arg14: memref<!tpu.dma_semaphore, #tpu.memory_space<semaphore_mem>>, %arg15: memref<!tpu.dma_semaphore, #tpu.memory_space<semaphore_mem>>, %arg16: memref<!tpu.dma_semaphore, #tpu.memory_space<semaphore_mem>>) attributes {dimension_semantics = [#tpu.dimension_semantics<core_parallel>, #tpu.dimension_semantics<subcore_parallel>], iteration_bounds = array<i64: 2, 16>, scalar_prefetch = 0 : i64, scratch_operands = 9 : i64, tpu.core_type = #tpu.core_type<sc_vector_subcore>, window_params = [{transform_indices = #map}, {transform_indices = #map1}, {transform_indices = #map1}, {transform_indices = #map}, {transform_indices = #map}, {transform_indices = #map2}]} {
    "tpu.region"() ({
      %run_scoped3A = tpu.sem_alloc : memref<!tpu.dma_semaphore, #tpu.memory_space<semaphore_mem>>
      %dma_start3A = arith.constant 0 : i32
      %dma_start3A_10 = arith.constant 0 : i32
      %dma_start3A_11 = tpu.memref_slice %arg3[%arg0, %arg1, %dma_start3A, %dma_start3A_10] : memref<2x16x80x128xi32, #tpu.memory_space<hbm>> -> memref<1x1x80x128xi32, #tpu.memory_space<hbm>>
      %dma_start3A_12 = tpu.memref_squeeze %dma_start3A_11 : memref<1x1x80x128xi32, #tpu.memory_space<hbm>> -> memref<80x128xi32, #tpu.memory_space<hbm>>
      %dma_start3A_13 = arith.constant 0 : i32
      %dma_start3A_14 = arith.constant 0 : i32
      %dma_start3A_15 = tpu.memref_slice %arg3[%arg0, %arg1, %dma_start3A_13, %dma_start3A_14] : memref<2x16x80x128xi32, #tpu.memory_space<hbm>> -> memref<1x1x80x128xi32, #tpu.memory_space<hbm>>
      %dma_start3A_16 = tpu.memref_squeeze %dma_start3A_15 : memref<1x1x80x128xi32, #tpu.memory_space<hbm>> -> memref<80x128xi32, #tpu.memory_space<hbm>>
      tpu.enqueue_dma source(%dma_start3A_16 : memref<80x128xi32, #tpu.memory_space<hbm>>) target(%arg8 : memref<80x128xi32, #tpu.memory_space<vmem>>) target_semaphore(%run_scoped3A : memref<!tpu.dma_semaphore, #tpu.memory_space<semaphore_mem>>)
      %dma_wait3A = arith.constant 0 : i32
      %dma_wait3A_17 = arith.constant 0 : i32
      %dma_wait3A_18 = tpu.memref_slice %arg3[%arg0, %arg1, %dma_wait3A, %dma_wait3A_17] : memref<2x16x80x128xi32, #tpu.memory_space<hbm>> -> memref<1x1x80x128xi32, #tpu.memory_space<hbm>>
      %dma_wait3A_19 = tpu.memref_squeeze %dma_wait3A_18 : memref<1x1x80x128xi32, #tpu.memory_space<hbm>> -> memref<80x128xi32, #tpu.memory_space<hbm>>
      %dma_wait3A_20 = arith.constant 0 : i32
      %dma_wait3A_21 = arith.constant 0 : i32
      %dma_wait3A_22 = tpu.memref_slice %arg3[%arg0, %arg1, %dma_wait3A_20, %dma_wait3A_21] : memref<2x16x80x128xi32, #tpu.memory_space<hbm>> -> memref<1x1x80x128xi32, #tpu.memory_space<hbm>>
      %dma_wait3A_23 = tpu.memref_squeeze %dma_wait3A_22 : memref<1x1x80x128xi32, #tpu.memory_space<hbm>> -> memref<80x128xi32, #tpu.memory_space<hbm>>
      tpu.wait_dma2 semaphore(%run_scoped3A : memref<!tpu.dma_semaphore, #tpu.memory_space<semaphore_mem>>) src(%dma_wait3A_23 : memref<80x128xi32, #tpu.memory_space<hbm>>) dst(%arg8 : memref<80x128xi32, #tpu.memory_space<vmem>>)
      tpu.yield
    }) : () -> ()
    "tpu.region"() ({
      %run_scoped3A = tpu.sem_alloc : memref<!tpu.dma_semaphore, #tpu.memory_space<semaphore_mem>>
      %dma_start3A = arith.constant 0 : i32
      %dma_start3A_10 = arith.constant 0 : i32
      %dma_start3A_11 = tpu.memref_slice %arg4[%arg0, %arg1, %dma_start3A, %dma_start3A_10] : memref<2x16x80x128xi32, #tpu.memory_space<hbm>> -> memref<1x1x80x128xi32, #tpu.memory_space<hbm>>
      %dma_start3A_12 = tpu.memref_squeeze %dma_start3A_11 : memref<1x1x80x128xi32, #tpu.memory_space<hbm>> -> memref<80x128xi32, #tpu.memory_space<hbm>>
      %dma_start3A_13 = arith.constant 0 : i32
      %dma_start3A_14 = arith.constant 0 : i32
      %dma_start3A_15 = tpu.memref_slice %arg4[%arg0, %arg1, %dma_start3A_13, %dma_start3A_14] : memref<2x16x80x128xi32, #tpu.memory_space<hbm>> -> memref<1x1x80x128xi32, #tpu.memory_space<hbm>>
      %dma_start3A_16 = tpu.memref_squeeze %dma_start3A_15 : memref<1x1x80x128xi32, #tpu.memory_space<hbm>> -> memref<80x128xi32, #tpu.memory_space<hbm>>
      tpu.enqueue_dma source(%dma_start3A_16 : memref<80x128xi32, #tpu.memory_space<hbm>>) target(%arg9 : memref<80x128xi32, #tpu.memory_space<vmem>>) target_semaphore(%run_scoped3A : memref<!tpu.dma_semaphore, #tpu.memory_space<semaphore_mem>>)
      %dma_wait3A = arith.constant 0 : i32
      %dma_wait3A_17 = arith.constant 0 : i32
      %dma_wait3A_18 = tpu.memref_slice %arg4[%arg0, %arg1, %dma_wait3A, %dma_wait3A_17] : memref<2x16x80x128xi32, #tpu.memory_space<hbm>> -> memref<1x1x80x128xi32, #tpu.memory_space<hbm>>
      %dma_wait3A_19 = tpu.memref_squeeze %dma_wait3A_18 : memref<1x1x80x128xi32, #tpu.memory_space<hbm>> -> memref<80x128xi32, #tpu.memory_space<hbm>>
      %dma_wait3A_20 = arith.constant 0 : i32
      %dma_wait3A_21 = arith.constant 0 : i32
      %dma_wait3A_22 = tpu.memref_slice %arg4[%arg0, %arg1, %dma_wait3A_20, %dma_wait3A_21] : memref<2x16x80x128xi32, #tpu.memory_space<hbm>> -> memref<1x1x80x128xi32, #tpu.memory_space<hbm>>
      %dma_wait3A_23 = tpu.memref_squeeze %dma_wait3A_22 : memref<1x1x80x128xi32, #tpu.memory_space<hbm>> -> memref<80x128xi32, #tpu.memory_space<hbm>>
      tpu.wait_dma2 semaphore(%run_scoped3A : memref<!tpu.dma_semaphore, #tpu.memory_space<semaphore_mem>>) src(%dma_wait3A_23 : memref<80x128xi32, #tpu.memory_space<hbm>>) dst(%arg9 : memref<80x128xi32, #tpu.memory_space<vmem>>)
      tpu.yield
    }) : () -> ()
    %mul3A = arith.constant 640 : i32
    %mul3A_0 = arith.muli %arg1, %mul3A : i32
    "tpu.region"() ({
      %run_scoped3A = tpu.sem_alloc : memref<!tpu.dma_semaphore, #tpu.memory_space<semaphore_mem>>
      %dma_start3A = arith.constant 0 : i32
      %dma_start3A_10 = tpu.memref_slice %arg13[%mul3A_0, %dma_start3A] : memref<10240x128xf32, #tpu.memory_space<vmem_shared>> -> memref<640x128xf32, #tpu.memory_space<vmem_shared>>
      tpu.enqueue_dma source(%arg6 : memref<640x128xf32, #tpu.memory_space<hbm>>) target(%dma_start3A_10 : memref<640x128xf32, #tpu.memory_space<vmem_shared>>) target_semaphore(%run_scoped3A : memref<!tpu.dma_semaphore, #tpu.memory_space<semaphore_mem>>)
      %dma_wait3A = arith.constant 0 : i32
      %dma_wait3A_11 = tpu.memref_slice %arg13[%mul3A_0, %dma_wait3A] : memref<10240x128xf32, #tpu.memory_space<vmem_shared>> -> memref<640x128xf32, #tpu.memory_space<vmem_shared>>
      tpu.wait_dma2 semaphore(%run_scoped3A : memref<!tpu.dma_semaphore, #tpu.memory_space<semaphore_mem>>) src(%arg6 : memref<640x128xf32, #tpu.memory_space<hbm>>) dst(%dma_wait3A_11 : memref<640x128xf32, #tpu.memory_space<vmem_shared>>)
      tpu.yield
    }) : () -> ()
    %barrier3A = arith.constant 0 : index
    tpu.barrier barrier_id(%barrier3A)
    %scan3A = arith.constant 0 : i32
    %scan3A_1 = arith.constant 80 : i32
    %scan3A_2 = arith.addi %scan3A, %scan3A_1 : i32
    %scan3A_3 = arith.constant 1 : i32
    scf.for %scan3A_10 = %scan3A to %scan3A_2 step %scan3A_3  : i32 {
      %mul3A_11 = arith.constant 1 : i32
      %mul3A_12 = arith.muli %scan3A_10, %mul3A_11 : i32
      %add3A = arith.constant 0 : i32
      %add3A_13 = arith.addi %add3A, %mul3A_12 : i32
      %dma_start3A = arith.constant 0 : i32
      %dma_start3A_14 = tpu.memref_slice %arg8[%add3A_13, %dma_start3A] : memref<80x128xi32, #tpu.memory_space<vmem>> -> memref<1x128xi32, #tpu.memory_space<vmem>>
      %dma_start3A_15 = tpu.memref_squeeze %dma_start3A_14 : memref<1x128xi32, #tpu.memory_space<vmem>> -> memref<128xi32, #tpu.memory_space<vmem>>
      %dma_start3A_16 = arith.constant 0 : i32
      %dma_start3A_17 = arith.constant 0 : i32
      %dma_start3A_18 = tpu.memref_slice %arg2[%dma_start3A_16, %dma_start3A_17] : memref<10000x128xf32, #tpu.memory_space<hbm>> -> memref<10000x128xf32, #tpu.memory_space<hbm>>
      tpu.enqueue_indirect_dma source(%dma_start3A_18 : memref<10000x128xf32, #tpu.memory_space<hbm>>) target(%arg12 : memref<128x128xf32, #tpu.memory_space<vmem>>) offsets(%dma_start3A_15 : memref<128xi32, #tpu.memory_space<vmem>>) semaphore(%arg14 : memref<!tpu.dma_semaphore, #tpu.memory_space<semaphore_mem>>)
      %dma_start3A_19 = arith.constant 0 : i32
      %dma_start3A_20 = tpu.memref_slice %arg8[%add3A_13, %dma_start3A_19] : memref<80x128xi32, #tpu.memory_space<vmem>> -> memref<1x128xi32, #tpu.memory_space<vmem>>
      %dma_start3A_21 = tpu.memref_squeeze %dma_start3A_20 : memref<1x128xi32, #tpu.memory_space<vmem>> -> memref<128xi32, #tpu.memory_space<vmem>>
      %dma_start3A_22 = arith.constant 0 : i32
      %dma_start3A_23 = arith.constant 0 : i32
      %dma_start3A_24 = tpu.memref_slice %arg5[%dma_start3A_22, %dma_start3A_23] : memref<10240x16xf32, #tpu.memory_space<hbm>> -> memref<10240x16xf32, #tpu.memory_space<hbm>>
      tpu.enqueue_indirect_dma source(%dma_start3A_24 : memref<10240x16xf32, #tpu.memory_space<hbm>>) target(%arg10 : memref<128x16xf32, #tpu.memory_space<vmem>>) offsets(%dma_start3A_21 : memref<128xi32, #tpu.memory_space<vmem>>) semaphore(%arg15 : memref<!tpu.dma_semaphore, #tpu.memory_space<semaphore_mem>>)
      %dma_start3A_25 = arith.constant 0 : i32
      %dma_start3A_26 = tpu.memref_slice %arg9[%add3A_13, %dma_start3A_25] : memref<80x128xi32, #tpu.memory_space<vmem>> -> memref<1x128xi32, #tpu.memory_space<vmem>>
      %dma_start3A_27 = tpu.memref_squeeze %dma_start3A_26 : memref<1x128xi32, #tpu.memory_space<vmem>> -> memref<128xi32, #tpu.memory_space<vmem>>
      %dma_start3A_28 = arith.constant 0 : i32
      %dma_start3A_29 = arith.constant 0 : i32
      %dma_start3A_30 = tpu.memref_slice %arg5[%dma_start3A_28, %dma_start3A_29] : memref<10240x16xf32, #tpu.memory_space<hbm>> -> memref<10240x16xf32, #tpu.memory_space<hbm>>
      tpu.enqueue_indirect_dma source(%dma_start3A_30 : memref<10240x16xf32, #tpu.memory_space<hbm>>) target(%arg11 : memref<128x16xf32, #tpu.memory_space<vmem>>) offsets(%dma_start3A_27 : memref<128xi32, #tpu.memory_space<vmem>>) semaphore(%arg16 : memref<!tpu.dma_semaphore, #tpu.memory_space<semaphore_mem>>)
      %dma_wait3A = arith.constant 0 : i32
      %dma_wait3A_31 = tpu.memref_slice %arg8[%add3A_13, %dma_wait3A] : memref<80x128xi32, #tpu.memory_space<vmem>> -> memref<1x128xi32, #tpu.memory_space<vmem>>
      %dma_wait3A_32 = tpu.memref_squeeze %dma_wait3A_31 : memref<1x128xi32, #tpu.memory_space<vmem>> -> memref<128xi32, #tpu.memory_space<vmem>>
      %dma_wait3A_33 = arith.constant 0 : i32
      %dma_wait3A_34 = arith.constant 0 : i32
      %dma_wait3A_35 = tpu.memref_slice %arg2[%dma_wait3A_33, %dma_wait3A_34] : memref<10000x128xf32, #tpu.memory_space<hbm>> -> memref<10000x128xf32, #tpu.memory_space<hbm>>
      tpu.wait_indirect_dma semaphore(%arg14 : memref<!tpu.dma_semaphore, #tpu.memory_space<semaphore_mem>>) src(%dma_wait3A_35 : memref<10000x128xf32, #tpu.memory_space<hbm>>) dst(%arg12 : memref<128x128xf32, #tpu.memory_space<vmem>>)
      %dma_wait3A_36 = arith.constant 0 : i32
      %dma_wait3A_37 = tpu.memref_slice %arg8[%add3A_13, %dma_wait3A_36] : memref<80x128xi32, #tpu.memory_space<vmem>> -> memref<1x128xi32, #tpu.memory_space<vmem>>
      %dma_wait3A_38 = tpu.memref_squeeze %dma_wait3A_37 : memref<1x128xi32, #tpu.memory_space<vmem>> -> memref<128xi32, #tpu.memory_space<vmem>>
      %dma_wait3A_39 = arith.constant 0 : i32
      %dma_wait3A_40 = arith.constant 0 : i32
      %dma_wait3A_41 = tpu.memref_slice %arg5[%dma_wait3A_39, %dma_wait3A_40] : memref<10240x16xf32, #tpu.memory_space<hbm>> -> memref<10240x16xf32, #tpu.memory_space<hbm>>
      tpu.wait_indirect_dma semaphore(%arg15 : memref<!tpu.dma_semaphore, #tpu.memory_space<semaphore_mem>>) src(%dma_wait3A_41 : memref<10240x16xf32, #tpu.memory_space<hbm>>) dst(%arg10 : memref<128x16xf32, #tpu.memory_space<vmem>>)
      %dma_wait3A_42 = arith.constant 0 : i32
      %dma_wait3A_43 = tpu.memref_slice %arg9[%add3A_13, %dma_wait3A_42] : memref<80x128xi32, #tpu.memory_space<vmem>> -> memref<1x128xi32, #tpu.memory_space<vmem>>
      %dma_wait3A_44 = tpu.memref_squeeze %dma_wait3A_43 : memref<1x128xi32, #tpu.memory_space<vmem>> -> memref<128xi32, #tpu.memory_space<vmem>>
      %dma_wait3A_45 = arith.constant 0 : i32
      %dma_wait3A_46 = arith.constant 0 : i32
      %dma_wait3A_47 = tpu.memref_slice %arg5[%dma_wait3A_45, %dma_wait3A_46] : memref<10240x16xf32, #tpu.memory_space<hbm>> -> memref<10240x16xf32, #tpu.memory_space<hbm>>
      tpu.wait_indirect_dma semaphore(%arg16 : memref<!tpu.dma_semaphore, #tpu.memory_space<semaphore_mem>>) src(%dma_wait3A_47 : memref<10240x16xf32, #tpu.memory_space<hbm>>) dst(%arg11 : memref<128x16xf32, #tpu.memory_space<vmem>>)
      %scan3A_48 = arith.constant 0 : i32
      %scan3A_49 = arith.constant 128 : i32
      %scan3A_50 = arith.addi %scan3A_48, %scan3A_49 : i32
      %scan3A_51 = arith.constant 1 : i32
      scf.for %scan3A_53 = %scan3A_48 to %scan3A_50 step %scan3A_51  : i32 {
        %mul3A_54 = arith.constant 1 : i32
        %mul3A_55 = arith.muli %scan3A_53, %mul3A_54 : i32
        %add3A_56 = arith.constant 0 : i32
        %add3A_57 = arith.addi %add3A_56, %mul3A_55 : i32
        %get3A = arith.index_cast %add3A_57 : i32 to index
        %get3A_58 = arith.constant 0 : index
        %get3A_59 = tpu.vector_load %arg10[%get3A, %get3A_58] {strides = array<i32>} : memref<128x16xf32, #tpu.memory_space<vmem>>, vector<1x16xf32>,
        %get3A_60 = vector.shape_cast %get3A_59 : vector<1x16xf32> to vector<16xf32>
        %get3A_61 = arith.index_cast %add3A_57 : i32 to index
        %get3A_62 = arith.constant 0 : index
        %get3A_63 = tpu.vector_load %arg11[%get3A_61, %get3A_62] {strides = array<i32>} : memref<128x16xf32, #tpu.memory_space<vmem>>, vector<1x16xf32>,
        %get3A_64 = vector.shape_cast %get3A_63 : vector<1x16xf32> to vector<16xf32>
        %mul3A_65 = arith.mulf %get3A_60, %get3A_64 : vector<16xf32>
        %get3A_66 = arith.index_cast %add3A_57 : i32 to index
        %get3A_67 = arith.constant 0 : index
        %get3A_68 = tpu.vector_load %arg12[%get3A_66, %get3A_67] {strides = array<i32>} : memref<128x128xf32, #tpu.memory_space<vmem>>, vector<1x16xf32>,
        %get3A_69 = vector.shape_cast %get3A_68 : vector<1x16xf32> to vector<16xf32>
        %mul3A_70 = arith.mulf %get3A_69, %mul3A_65 : vector<16xf32>
        %swap3A = arith.index_cast %add3A_57 : i32 to index
        %swap3A_71 = arith.constant 0 : index
        %swap3A_72 = tpu.vector_load %arg12[%swap3A, %swap3A_71] {strides = array<i32>} : memref<128x128xf32, #tpu.memory_space<vmem>>, vector<1x16xf32>,
        %swap3A_73 = vector.shape_cast %swap3A_72 : vector<1x16xf32> to vector<16xf32>
        %swap3A_74 = vector.shape_cast %mul3A_70 : vector<16xf32> to vector<1x16xf32>
        tpu.vector_store %arg12[%swap3A, %swap3A_71], %swap3A_74 {strides = array<i32>} : memref<128x128xf32, #tpu.memory_space<vmem>>, vector<1x16xf32>,
        %get3A_75 = arith.index_cast %add3A_57 : i32 to index
        %get3A_76 = arith.constant 16 : index
        %get3A_77 = tpu.vector_load %arg12[%get3A_75, %get3A_76] {strides = array<i32>} : memref<128x128xf32, #tpu.memory_space<vmem>>, vector<1x16xf32>,
        %get3A_78 = vector.shape_cast %get3A_77 : vector<1x16xf32> to vector<16xf32>
        %mul3A_79 = arith.mulf %get3A_78, %mul3A_65 : vector<16xf32>
        %swap3A_80 = arith.index_cast %add3A_57 : i32 to index
        %swap3A_81 = arith.constant 16 : index
        %swap3A_82 = tpu.vector_load %arg12[%swap3A_80, %swap3A_81] {strides = array<i32>} : memref<128x128xf32, #tpu.memory_space<vmem>>, vector<1x16xf32>,
        %swap3A_83 = vector.shape_cast %swap3A_82 : vector<1x16xf32> to vector<16xf32>
        %swap3A_84 = vector.shape_cast %mul3A_79 : vector<16xf32> to vector<1x16xf32>
        tpu.vector_store %arg12[%swap3A_80, %swap3A_81], %swap3A_84 {strides = array<i32>} : memref<128x128xf32, #tpu.memory_space<vmem>>, vector<1x16xf32>,
        %get3A_85 = arith.index_cast %add3A_57 : i32 to index
        %get3A_86 = arith.constant 32 : index
        %get3A_87 = tpu.vector_load %arg12[%get3A_85, %get3A_86] {strides = array<i32>} : memref<128x128xf32, #tpu.memory_space<vmem>>, vector<1x16xf32>,
        %get3A_88 = vector.shape_cast %get3A_87 : vector<1x16xf32> to vector<16xf32>
        %mul3A_89 = arith.mulf %get3A_88, %mul3A_65 : vector<16xf32>
        %swap3A_90 = arith.index_cast %add3A_57 : i32 to index
        %swap3A_91 = arith.constant 32 : index
        %swap3A_92 = tpu.vector_load %arg12[%swap3A_90, %swap3A_91] {strides = array<i32>} : memref<128x128xf32, #tpu.memory_space<vmem>>, vector<1x16xf32>,
        %swap3A_93 = vector.shape_cast %swap3A_92 : vector<1x16xf32> to vector<16xf32>
        %swap3A_94 = vector.shape_cast %mul3A_89 : vector<16xf32> to vector<1x16xf32>
        tpu.vector_store %arg12[%swap3A_90, %swap3A_91], %swap3A_94 {strides = array<i32>} : memref<128x128xf32, #tpu.memory_space<vmem>>, vector<1x16xf32>,
        %get3A_95 = arith.index_cast %add3A_57 : i32 to index
        %get3A_96 = arith.constant 48 : index
        %get3A_97 = tpu.vector_load %arg12[%get3A_95, %get3A_96] {strides = array<i32>} : memref<128x128xf32, #tpu.memory_space<vmem>>, vector<1x16xf32>,
        %get3A_98 = vector.shape_cast %get3A_97 : vector<1x16xf32> to vector<16xf32>
        %mul3A_99 = arith.mulf %get3A_98, %mul3A_65 : vector<16xf32>
        %swap3A_100 = arith.index_cast %add3A_57 : i32 to index
        %swap3A_101 = arith.constant 48 : index
        %swap3A_102 = tpu.vector_load %arg12[%swap3A_100, %swap3A_101] {strides = array<i32>} : memref<128x128xf32, #tpu.memory_space<vmem>>, vector<1x16xf32>,
        %swap3A_103 = vector.shape_cast %swap3A_102 : vector<1x16xf32> to vector<16xf32>
        %swap3A_104 = vector.shape_cast %mul3A_99 : vector<16xf32> to vector<1x16xf32>
        tpu.vector_store %arg12[%swap3A_100, %swap3A_101], %swap3A_104 {strides = array<i32>} : memref<128x128xf32, #tpu.memory_space<vmem>>, vector<1x16xf32>,
        %get3A_105 = arith.index_cast %add3A_57 : i32 to index
        %get3A_106 = arith.constant 64 : index
        %get3A_107 = tpu.vector_load %arg12[%get3A_105, %get3A_106] {strides = array<i32>} : memref<128x128xf32, #tpu.memory_space<vmem>>, vector<1x16xf32>,
        %get3A_108 = vector.shape_cast %get3A_107 : vector<1x16xf32> to vector<16xf32>
        %mul3A_109 = arith.mulf %get3A_108, %mul3A_65 : vector<16xf32>
        %swap3A_110 = arith.index_cast %add3A_57 : i32 to index
        %swap3A_111 = arith.constant 64 : index
        %swap3A_112 = tpu.vector_load %arg12[%swap3A_110, %swap3A_111] {strides = array<i32>} : memref<128x128xf32, #tpu.memory_space<vmem>>, vector<1x16xf32>,
        %swap3A_113 = vector.shape_cast %swap3A_112 : vector<1x16xf32> to vector<16xf32>
        %swap3A_114 = vector.shape_cast %mul3A_109 : vector<16xf32> to vector<1x16xf32>
        tpu.vector_store %arg12[%swap3A_110, %swap3A_111], %swap3A_114 {strides = array<i32>} : memref<128x128xf32, #tpu.memory_space<vmem>>, vector<1x16xf32>,
        %get3A_115 = arith.index_cast %add3A_57 : i32 to index
        %get3A_116 = arith.constant 80 : index
        %get3A_117 = tpu.vector_load %arg12[%get3A_115, %get3A_116] {strides = array<i32>} : memref<128x128xf32, #tpu.memory_space<vmem>>, vector<1x16xf32>,
        %get3A_118 = vector.shape_cast %get3A_117 : vector<1x16xf32> to vector<16xf32>
        %mul3A_119 = arith.mulf %get3A_118, %mul3A_65 : vector<16xf32>
        %swap3A_120 = arith.index_cast %add3A_57 : i32 to index
        %swap3A_121 = arith.constant 80 : index
        %swap3A_122 = tpu.vector_load %arg12[%swap3A_120, %swap3A_121] {strides = array<i32>} : memref<128x128xf32, #tpu.memory_space<vmem>>, vector<1x16xf32>,
        %swap3A_123 = vector.shape_cast %swap3A_122 : vector<1x16xf32> to vector<16xf32>
        %swap3A_124 = vector.shape_cast %mul3A_119 : vector<16xf32> to vector<1x16xf32>
        tpu.vector_store %arg12[%swap3A_120, %swap3A_121], %swap3A_124 {strides = array<i32>} : memref<128x128xf32, #tpu.memory_space<vmem>>, vector<1x16xf32>,
        %get3A_125 = arith.index_cast %add3A_57 : i32 to index
        %get3A_126 = arith.constant 96 : index
        %get3A_127 = tpu.vector_load %arg12[%get3A_125, %get3A_126] {strides = array<i32>} : memref<128x128xf32, #tpu.memory_space<vmem>>, vector<1x16xf32>,
        %get3A_128 = vector.shape_cast %get3A_127 : vector<1x16xf32> to vector<16xf32>
        %mul3A_129 = arith.mulf %get3A_128, %mul3A_65 : vector<16xf32>
        %swap3A_130 = arith.index_cast %add3A_57 : i32 to index
        %swap3A_131 = arith.constant 96 : index
        %swap3A_132 = tpu.vector_load %arg12[%swap3A_130, %swap3A_131] {strides = array<i32>} : memref<128x128xf32, #tpu.memory_space<vmem>>, vector<1x16xf32>,
        %swap3A_133 = vector.shape_cast %swap3A_132 : vector<1x16xf32> to vector<16xf32>
        %swap3A_134 = vector.shape_cast %mul3A_129 : vector<16xf32> to vector<1x16xf32>
        tpu.vector_store %arg12[%swap3A_130, %swap3A_131], %swap3A_134 {strides = array<i32>} : memref<128x128xf32, #tpu.memory_space<vmem>>, vector<1x16xf32>,
        %get3A_135 = arith.index_cast %add3A_57 : i32 to index
        %get3A_136 = arith.constant 112 : index
        %get3A_137 = tpu.vector_load %arg12[%get3A_135, %get3A_136] {strides = array<i32>} : memref<128x128xf32, #tpu.memory_space<vmem>>, vector<1x16xf32>,
        %get3A_138 = vector.shape_cast %get3A_137 : vector<1x16xf32> to vector<16xf32>
        %mul3A_139 = arith.mulf %get3A_138, %mul3A_65 : vector<16xf32>
        %swap3A_140 = arith.index_cast %add3A_57 : i32 to index
        %swap3A_141 = arith.constant 112 : index
        %swap3A_142 = tpu.vector_load %arg12[%swap3A_140, %swap3A_141] {strides = array<i32>} : memref<128x128xf32, #tpu.memory_space<vmem>>, vector<1x16xf32>,
        %swap3A_143 = vector.shape_cast %swap3A_142 : vector<1x16xf32> to vector<16xf32>
        %swap3A_144 = vector.shape_cast %mul3A_139 : vector<16xf32> to vector<1x16xf32>
        tpu.vector_store %arg12[%swap3A_140, %swap3A_141], %swap3A_144 {strides = array<i32>} : memref<128x128xf32, #tpu.memory_space<vmem>>, vector<1x16xf32>,
      }
      %scan3A_52 = arith.constant 128 : i32
      "tpu.region"() ({
        %run_scoped3A = tpu.sem_alloc : memref<!tpu.dma_semaphore, #tpu.memory_space<semaphore_mem>>
        %dma_start3A_53 = arith.constant 0 : i32
        %dma_start3A_54 = tpu.memref_slice %arg9[%add3A_13, %dma_start3A_53] : memref<80x128xi32, #tpu.memory_space<vmem>> -> memref<1x128xi32, #tpu.memory_space<vmem>>
        %dma_start3A_55 = tpu.memref_squeeze %dma_start3A_54 : memref<1x128xi32, #tpu.memory_space<vmem>> -> memref<128xi32, #tpu.memory_space<vmem>>
        %dma_start3A_56 = arith.constant 0 : i32
        %dma_start3A_57 = arith.constant 0 : i32
        %dma_start3A_58 = tpu.memref_slice %arg13[%dma_start3A_56, %dma_start3A_57] : memref<10240x128xf32, #tpu.memory_space<vmem_shared>> -> memref<10240x128xf32, #tpu.memory_space<vmem_shared>>
        tpu.enqueue_indirect_dma source(%arg12 : memref<128x128xf32, #tpu.memory_space<vmem>>) target(%dma_start3A_58 : memref<10240x128xf32, #tpu.memory_space<vmem_shared>>) offsets(%dma_start3A_55 : memref<128xi32, #tpu.memory_space<vmem>>) semaphore(%run_scoped3A : memref<!tpu.dma_semaphore, #tpu.memory_space<semaphore_mem>>) {add = true}
        %dma_wait3A_59 = arith.constant 0 : i32
        %dma_wait3A_60 = tpu.memref_slice %arg9[%add3A_13, %dma_wait3A_59] : memref<80x128xi32, #tpu.memory_space<vmem>> -> memref<1x128xi32, #tpu.memory_space<vmem>>
        %dma_wait3A_61 = tpu.memref_squeeze %dma_wait3A_60 : memref<1x128xi32, #tpu.memory_space<vmem>> -> memref<128xi32, #tpu.memory_space<vmem>>
        %dma_wait3A_62 = arith.constant 0 : i32
        %dma_wait3A_63 = arith.constant 0 : i32
        %dma_wait3A_64 = tpu.memref_slice %arg13[%dma_wait3A_62, %dma_wait3A_63] : memref<10240x128xf32, #tpu.memory_space<vmem_shared>> -> memref<10240x128xf32, #tpu.memory_space<vmem_shared>>
        tpu.wait_indirect_dma semaphore(%run_scoped3A : memref<!tpu.dma_semaphore, #tpu.memory_space<semaphore_mem>>) src(%arg12 : memref<128x128xf32, #tpu.memory_space<vmem>>) dst(%dma_wait3A_64 : memref<10240x128xf32, #tpu.memory_space<vmem_shared>>)
        tpu.yield
      }) : () -> ()
    }
    %scan3A_4 = arith.constant 80 : i32
    %barrier3A_5 = arith.constant 0 : index
    tpu.barrier barrier_id(%barrier3A_5)
    %mul3A_6 = arith.constant 640 : i32
    %mul3A_7 = arith.muli %arg1, %mul3A_6 : i32
    %mul3A_8 = arith.constant 640 : i32
    %mul3A_9 = arith.muli %arg1, %mul3A_8 : i32
    "tpu.region"() ({
      %run_scoped3A = tpu.sem_alloc : memref<!tpu.dma_semaphore, #tpu.memory_space<semaphore_mem>>
      %dma_start3A = arith.constant 0 : i32
      %dma_start3A_10 = tpu.memref_slice %arg7[%arg0, %mul3A_9, %dma_start3A] : memref<2x10240x128xf32, #tpu.memory_space<hbm>> -> memref<1x640x128xf32, #tpu.memory_space<hbm>>
      %dma_start3A_11 = tpu.memref_squeeze %dma_start3A_10 : memref<1x640x128xf32, #tpu.memory_space<hbm>> -> memref<640x128xf32, #tpu.memory_space<hbm>>
      %dma_start3A_12 = arith.constant 0 : i32
      %dma_start3A_13 = tpu.memref_slice %arg13[%mul3A_7, %dma_start3A_12] : memref<10240x128xf32, #tpu.memory_space<vmem_shared>> -> memref<640x128xf32, #tpu.memory_space<vmem_shared>>
      tpu.enqueue_dma source(%dma_start3A_13 : memref<640x128xf32, #tpu.memory_space<vmem_shared>>) target(%dma_start3A_11 : memref<640x128xf32, #tpu.memory_space<hbm>>) target_semaphore(%run_scoped3A : memref<!tpu.dma_semaphore, #tpu.memory_space<semaphore_mem>>)
      %dma_wait3A = arith.constant 0 : i32
      %dma_wait3A_14 = tpu.memref_slice %arg7[%arg0, %mul3A_9, %dma_wait3A] : memref<2x10240x128xf32, #tpu.memory_space<hbm>> -> memref<1x640x128xf32, #tpu.memory_space<hbm>>
      %dma_wait3A_15 = tpu.memref_squeeze %dma_wait3A_14 : memref<1x640x128xf32, #tpu.memory_space<hbm>> -> memref<640x128xf32, #tpu.memory_space<hbm>>
      %dma_wait3A_16 = arith.constant 0 : i32
      %dma_wait3A_17 = tpu.memref_slice %arg13[%mul3A_7, %dma_wait3A_16] : memref<10240x128xf32, #tpu.memory_space<vmem_shared>> -> memref<640x128xf32, #tpu.memory_space<vmem_shared>>
      tpu.wait_dma2 semaphore(%run_scoped3A : memref<!tpu.dma_semaphore, #tpu.memory_space<semaphore_mem>>) src(%dma_wait3A_17 : memref<640x128xf32, #tpu.memory_space<vmem_shared>>) dst(%dma_wait3A_15 : memref<640x128xf32, #tpu.memory_space<hbm>>)
      tpu.yield
    }) : () -> ()
    return
  }
}

module attributes {stable_mosaic.version = 14 : i64} {
  func.func @_tc_prologue_body(%arg0: memref<10000x128xf32, #tpu.memory_space<vmem>>, %arg1: memref<128x128xf32, #tpu.memory_space<vmem>>, %arg2: memref<2x10240x1xf32, #tpu.memory_space<vmem>>, %arg3: memref<10240x16xf32, #tpu.memory_space<vmem>>, %arg4: memref<10240x1xf32, #tpu.memory_space<vmem>>, %arg5: memref<10000x128xf32, #tpu.memory_space<vmem>>) attributes {dimension_semantics = [], scalar_prefetch = 0 : i64, scratch_operands = 0 : i64, tpu.core_type = #tpu.core_type<tc>} {
    %get3A = arith.constant 0 : index
    %get3A_0 = arith.constant 0 : index
    %get3A_1 = arith.constant 0 : index
    %get3A_2 = vector.load %arg2[%get3A, %get3A_0, %get3A_1] : memref<2x10240x1xf32, #tpu.memory_space<vmem>>, vector<1x10240x1xf32>
    %get3A_3 = vector.shape_cast %get3A_2 : vector<1x10240x1xf32> to vector<10240x1xf32>
    %get3A_4 = arith.constant 1 : index
    %get3A_5 = arith.constant 0 : index
    %get3A_6 = arith.constant 0 : index
    %get3A_7 = vector.load %arg2[%get3A_4, %get3A_5, %get3A_6] : memref<2x10240x1xf32, #tpu.memory_space<vmem>>, vector<1x10240x1xf32>
    %get3A_8 = vector.shape_cast %get3A_7 : vector<1x10240x1xf32> to vector<10240x1xf32>
    %add3A = arith.addf %get3A_3, %get3A_8 : vector<10240x1xf32>
    %add3A_9 = arith.constant 1.000000e+00 : f32
    %add3A_10 = vector.broadcast %add3A_9 : f32 to vector<10240x1xf32>
    %add3A_11 = arith.addf %add3A, %add3A_10 : vector<10240x1xf32>
    %rsqrt3A = math.rsqrt %add3A_11 : vector<10240x1xf32>
    %broadcast_in_dim3A = vector.shape_cast %rsqrt3A : vector<10240x1xf32> to vector<10240x1xf32>
    %broadcast_in_dim3A_12 = vector.broadcast %broadcast_in_dim3A : vector<10240x1xf32> to vector<10240x16xf32>
    %swap3A = arith.constant 0 : index
    %swap3A_13 = arith.constant 0 : index
    %swap3A_14 = vector.load %arg3[%swap3A, %swap3A_13] : memref<10240x16xf32, #tpu.memory_space<vmem>>, vector<10240x16xf32>
    tpu.vector_store %arg3[%swap3A, %swap3A_13], %broadcast_in_dim3A_12 {strides = array<i32>} : memref<10240x16xf32, #tpu.memory_space<vmem>>, vector<10240x16xf32>,
    %mul3A = arith.mulf %rsqrt3A, %rsqrt3A : vector<10240x1xf32>
    %swap3A_15 = arith.constant 0 : index
    %swap3A_16 = arith.constant 0 : index
    %swap3A_17 = vector.load %arg4[%swap3A_15, %swap3A_16] : memref<10240x1xf32, #tpu.memory_space<vmem>>, vector<10240x1xf32>
    tpu.vector_store %arg4[%swap3A_15, %swap3A_16], %mul3A {strides = array<i32>} : memref<10240x1xf32, #tpu.memory_space<vmem>>, vector<10240x1xf32>,
    %get3A_18 = arith.constant 0 : index
    %get3A_19 = arith.constant 0 : index
    %get3A_20 = vector.load %arg0[%get3A_18, %get3A_19] : memref<10000x128xf32, #tpu.memory_space<vmem>>, vector<10000x128xf32>
    %get3A_21 = arith.constant 0 : index
    %get3A_22 = arith.constant 0 : index
    %get3A_23 = vector.load %arg1[%get3A_21, %get3A_22] : memref<128x128xf32, #tpu.memory_space<vmem>>, vector<128x128xf32>
    %dot_general3A = arith.constant dense<0.000000e+00> : vector<10000x128xf32>
    %dot_general3A_24 = tpu.matmul %get3A_20, %get3A_23, %dot_general3A {dimension_numbers = #tpu.dot_dimension_numbers<[1], [0], [0], [1], [0, 0, 1, 1], [], []>, transpose_lhs_hint = false} : vector<10000x128xf32>, vector<128x128xf32>, vector<10000x128xf32> -> vector<10000x128xf32>
    %swap3A_25 = arith.constant 0 : index
    %swap3A_26 = arith.constant 0 : index
    %swap3A_27 = vector.load %arg5[%swap3A_25, %swap3A_26] : memref<10000x128xf32, #tpu.memory_space<vmem>>, vector<10000x128xf32>
    tpu.vector_store %arg5[%swap3A_25, %swap3A_26], %dot_general3A_24 {strides = array<i32>} : memref<10000x128xf32, #tpu.memory_space<vmem>>, vector<10000x128xf32>,
    return
  }
}

module attributes {stable_mosaic.version = 14 : i64} {
  func.func @_tc_mid_body(%arg0: memref<2x10000x128xf32, #tpu.memory_space<vmem>>, %arg1: memref<10000x128xf32, #tpu.memory_space<vmem>>, %arg2: memref<10000x1xf32, #tpu.memory_space<vmem>>, %arg3: memref<1x128xf32, #tpu.memory_space<vmem>>, %arg4: memref<1x128xf32, #tpu.memory_space<vmem>>, %arg5: memref<1x128xf32, #tpu.memory_space<vmem>>, %arg6: memref<128x128xf32, #tpu.memory_space<vmem>>, %arg7: memref<10000x128xf32, #tpu.memory_space<vmem>>) attributes {dimension_semantics = [], scalar_prefetch = 0 : i64, scratch_operands = 0 : i64, tpu.core_type = #tpu.core_type<tc>} {
    %get3A = arith.constant 0 : index
    %get3A_0 = arith.constant 0 : index
    %get3A_1 = arith.constant 0 : index
    %get3A_2 = vector.load %arg0[%get3A, %get3A_0, %get3A_1] : memref<2x10000x128xf32, #tpu.memory_space<vmem>>, vector<1x10000x128xf32>
    %get3A_3 = vector.shape_cast %get3A_2 : vector<1x10000x128xf32> to vector<10000x128xf32>
    %get3A_4 = arith.constant 1 : index
    %get3A_5 = arith.constant 0 : index
    %get3A_6 = arith.constant 0 : index
    %get3A_7 = vector.load %arg0[%get3A_4, %get3A_5, %get3A_6] : memref<2x10000x128xf32, #tpu.memory_space<vmem>>, vector<1x10000x128xf32>
    %get3A_8 = vector.shape_cast %get3A_7 : vector<1x10000x128xf32> to vector<10000x128xf32>
    %add3A = arith.addf %get3A_3, %get3A_8 : vector<10000x128xf32>
    %get3A_9 = arith.constant 0 : index
    %get3A_10 = arith.constant 0 : index
    %get3A_11 = vector.load %arg1[%get3A_9, %get3A_10] : memref<10000x128xf32, #tpu.memory_space<vmem>>, vector<10000x128xf32>
    %get3A_12 = arith.constant 0 : index
    %get3A_13 = arith.constant 0 : index
    %get3A_14 = vector.load %arg2[%get3A_12, %get3A_13] : memref<10000x1xf32, #tpu.memory_space<vmem>>, vector<10000x1xf32>
    %mul3A = vector.broadcast %get3A_14 : vector<10000x1xf32> to vector<10000x128xf32>
    %mul3A_15 = arith.mulf %get3A_11, %mul3A : vector<10000x128xf32>
    %add3A_16 = arith.addf %add3A, %mul3A_15 : vector<10000x128xf32>
    %get3A_17 = arith.constant 0 : index
    %get3A_18 = arith.constant 0 : index
    %get3A_19 = vector.load %arg3[%get3A_17, %get3A_18] : memref<1x128xf32, #tpu.memory_space<vmem>>, vector<1x128xf32>
    %add3A_20 = vector.broadcast %get3A_19 : vector<1x128xf32> to vector<10000x128xf32>
    %add3A_21 = arith.addf %add3A_16, %add3A_20 : vector<10000x128xf32>
    %reduce_sum3A = arith.constant dense<0.000000e+00> : vector<128xf32>
    %reduce_sum3A_22 = vector.multi_reduction <add>, %add3A_21, %reduce_sum3A [0] : vector<10000x128xf32> to vector<128xf32>
    %broadcast_in_dim3A = vector.shape_cast %reduce_sum3A_22 : vector<128xf32> to vector<1x128xf32>
    %div3A = arith.constant 1.000000e+04 : f32
    %div3A_23 = vector.broadcast %div3A : f32 to vector<1x128xf32>
    %div3A_24 = arith.divf %broadcast_in_dim3A, %div3A_23 : vector<1x128xf32>
    %sub3A = vector.broadcast %div3A_24 : vector<1x128xf32> to vector<10000x128xf32>
    %sub3A_25 = arith.subf %add3A_21, %sub3A : vector<10000x128xf32>
    %mul3A_26 = arith.mulf %sub3A_25, %sub3A_25 : vector<10000x128xf32>
    %reduce_sum3A_27 = arith.constant dense<0.000000e+00> : vector<128xf32>
    %reduce_sum3A_28 = vector.multi_reduction <add>, %mul3A_26, %reduce_sum3A_27 [0] : vector<10000x128xf32> to vector<128xf32>
    %broadcast_in_dim3A_29 = vector.shape_cast %reduce_sum3A_28 : vector<128xf32> to vector<1x128xf32>
    %div3A_30 = arith.constant 1.000000e+04 : f32
    %div3A_31 = vector.broadcast %div3A_30 : f32 to vector<1x128xf32>
    %div3A_32 = arith.divf %broadcast_in_dim3A_29, %div3A_31 : vector<1x128xf32>
    %add3A_33 = arith.constant 9.99999974E-6 : f32
    %add3A_34 = vector.broadcast %add3A_33 : f32 to vector<1x128xf32>
    %add3A_35 = arith.addf %div3A_32, %add3A_34 : vector<1x128xf32>
    %sqrt3A = math.sqrt %add3A_35 : vector<1x128xf32>
    %div3A_36 = vector.broadcast %sqrt3A : vector<1x128xf32> to vector<10000x128xf32>
    %div3A_37 = arith.divf %sub3A_25, %div3A_36 : vector<10000x128xf32>
    %get3A_38 = arith.constant 0 : index
    %get3A_39 = arith.constant 0 : index
    %get3A_40 = vector.load %arg4[%get3A_38, %get3A_39] : memref<1x128xf32, #tpu.memory_space<vmem>>, vector<1x128xf32>
    %mul3A_41 = vector.broadcast %get3A_40 : vector<1x128xf32> to vector<10000x128xf32>
    %mul3A_42 = arith.mulf %div3A_37, %mul3A_41 : vector<10000x128xf32>
    %get3A_43 = arith.constant 0 : index
    %get3A_44 = arith.constant 0 : index
    %get3A_45 = vector.load %arg5[%get3A_43, %get3A_44] : memref<1x128xf32, #tpu.memory_space<vmem>>, vector<1x128xf32>
    %add3A_46 = vector.broadcast %get3A_45 : vector<1x128xf32> to vector<10000x128xf32>
    %add3A_47 = arith.addf %mul3A_42, %add3A_46 : vector<10000x128xf32>
    %max3A = arith.constant 0.000000e+00 : f32
    %max3A_48 = vector.broadcast %max3A : f32 to vector<10000x128xf32>
    %max3A_49 = arith.maximumf %add3A_47, %max3A_48 : vector<10000x128xf32>
    %get3A_50 = arith.constant 0 : index
    %get3A_51 = arith.constant 0 : index
    %get3A_52 = vector.load %arg6[%get3A_50, %get3A_51] : memref<128x128xf32, #tpu.memory_space<vmem>>, vector<128x128xf32>
    %dot_general3A = arith.constant dense<0.000000e+00> : vector<10000x128xf32>
    %dot_general3A_53 = tpu.matmul %max3A_49, %get3A_52, %dot_general3A {dimension_numbers = #tpu.dot_dimension_numbers<[1], [0], [0], [1], [0, 0, 1, 1], [], []>, transpose_lhs_hint = false} : vector<10000x128xf32>, vector<128x128xf32>, vector<10000x128xf32> -> vector<10000x128xf32>
    %swap3A = arith.constant 0 : index
    %swap3A_54 = arith.constant 0 : index
    %swap3A_55 = vector.load %arg7[%swap3A, %swap3A_54] : memref<10000x128xf32, #tpu.memory_space<vmem>>, vector<10000x128xf32>
    tpu.vector_store %arg7[%swap3A, %swap3A_54], %dot_general3A_53 {strides = array<i32>} : memref<10000x128xf32, #tpu.memory_space<vmem>>, vector<10000x128xf32>,
    return
  }
}

module attributes {stable_mosaic.version = 14 : i64} {
  func.func @_tc_final_body(%arg0: memref<2x10000x128xf32, #tpu.memory_space<vmem>>, %arg1: memref<10000x128xf32, #tpu.memory_space<vmem>>, %arg2: memref<10000x1xf32, #tpu.memory_space<vmem>>, %arg3: memref<1x128xf32, #tpu.memory_space<vmem>>, %arg4: memref<10000x1xi32, #tpu.memory_space<vmem>>, %arg5: memref<128x128xf32, #tpu.memory_space<vmem>>, %arg6: memref<1x128xf32, #tpu.memory_space<vmem>>, %arg7: memref<1x128xf32, #tpu.memory_space<vmem>>, %arg8: memref<1x128xf32, #tpu.memory_space<vmem>>, %arg9: memref<128x128xf32, #tpu.memory_space<vmem>>, %arg10: memref<1x128xf32, #tpu.memory_space<vmem>>, %arg11: memref<128x64xf32, #tpu.memory_space<vmem>>, %arg12: memref<1x64xf32, #tpu.memory_space<vmem>>, %arg13: memref<64x64xf32, #tpu.memory_space<vmem>>) attributes {dimension_semantics = [], scalar_prefetch = 0 : i64, scratch_operands = 0 : i64, tpu.core_type = #tpu.core_type<tc>} {
    %get3A = arith.constant 0 : index
    %get3A_0 = arith.constant 0 : index
    %get3A_1 = arith.constant 0 : index
    %get3A_2 = vector.load %arg0[%get3A, %get3A_0, %get3A_1] : memref<2x10000x128xf32, #tpu.memory_space<vmem>>, vector<1x10000x128xf32>
    %get3A_3 = vector.shape_cast %get3A_2 : vector<1x10000x128xf32> to vector<10000x128xf32>
    %get3A_4 = arith.constant 1 : index
    %get3A_5 = arith.constant 0 : index
    %get3A_6 = arith.constant 0 : index
    %get3A_7 = vector.load %arg0[%get3A_4, %get3A_5, %get3A_6] : memref<2x10000x128xf32, #tpu.memory_space<vmem>>, vector<1x10000x128xf32>
    %get3A_8 = vector.shape_cast %get3A_7 : vector<1x10000x128xf32> to vector<10000x128xf32>
    %add3A = arith.addf %get3A_3, %get3A_8 : vector<10000x128xf32>
    %get3A_9 = arith.constant 0 : index
    %get3A_10 = arith.constant 0 : index
    %get3A_11 = vector.load %arg1[%get3A_9, %get3A_10] : memref<10000x128xf32, #tpu.memory_space<vmem>>, vector<10000x128xf32>
    %get3A_12 = arith.constant 0 : index
    %get3A_13 = arith.constant 0 : index
    %get3A_14 = vector.load %arg2[%get3A_12, %get3A_13] : memref<10000x1xf32, #tpu.memory_space<vmem>>, vector<10000x1xf32>
    %mul3A = vector.broadcast %get3A_14 : vector<10000x1xf32> to vector<10000x128xf32>
    %mul3A_15 = arith.mulf %get3A_11, %mul3A : vector<10000x128xf32>
    %add3A_16 = arith.addf %add3A, %mul3A_15 : vector<10000x128xf32>
    %get3A_17 = arith.constant 0 : index
    %get3A_18 = arith.constant 0 : index
    %get3A_19 = vector.load %arg3[%get3A_17, %get3A_18] : memref<1x128xf32, #tpu.memory_space<vmem>>, vector<1x128xf32>
    %add3A_20 = vector.broadcast %get3A_19 : vector<1x128xf32> to vector<10000x128xf32>
    %add3A_21 = arith.addf %add3A_16, %add3A_20 : vector<10000x128xf32>
    %iota3A = tpu.iota {dimensions = array<i32: 1>} : vector<1x64xi32>
    %get3A_22 = arith.constant 0 : index
    %get3A_23 = arith.constant 0 : index
    %get3A_24 = vector.load %arg4[%get3A_22, %get3A_23] : memref<10000x1xi32, #tpu.memory_space<vmem>>, vector<10000x1xi32>
    %eq3A = vector.broadcast %get3A_24 : vector<10000x1xi32> to vector<10000x64xi32>
    %eq3A_25 = vector.broadcast %iota3A : vector<1x64xi32> to vector<10000x64xi32>
    %eq3A_26 = arith.cmpi eq, %eq3A, %eq3A_25 : vector<10000x64xi32>
    %convert_element_type3A = arith.extui %eq3A_26 : vector<10000x64xi1> to vector<10000x64xi32>
    %convert_element_type3A_27 = arith.sitofp %convert_element_type3A : vector<10000x64xi32> to vector<10000x64xf32>
    %dot_general3A = arith.constant dense<0.000000e+00> : vector<64x128xf32>
    %dot_general3A_28 = tpu.matmul %convert_element_type3A_27, %add3A_21, %dot_general3A {dimension_numbers = #tpu.dot_dimension_numbers<[0], [0], [1], [1], [0, 1, 1, 1], [], []>, precision = #tpu.contract_precision<fp32>, transpose_lhs_hint = false} : vector<10000x64xf32>, vector<10000x128xf32>, vector<64x128xf32> -> vector<64x128xf32>
    %broadcast_in_dim3A = arith.constant 1.000000e+00 : f32
    %broadcast_in_dim3A_29 = vector.broadcast %broadcast_in_dim3A : f32 to vector<10000x1xf32>
    %dot_general3A_30 = arith.constant dense<0.000000e+00> : vector<64x1xf32>
    %dot_general3A_31 = tpu.matmul %convert_element_type3A_27, %broadcast_in_dim3A_29, %dot_general3A_30 {dimension_numbers = #tpu.dot_dimension_numbers<[0], [0], [1], [1], [0, 1, 1, 1], [], []>, precision = #tpu.contract_precision<fp32>, transpose_lhs_hint = false} : vector<10000x64xf32>, vector<10000x1xf32>, vector<64x1xf32> -> vector<64x1xf32>
    %max3A = arith.constant 1.000000e+00 : f32
    %max3A_32 = vector.broadcast %max3A : f32 to vector<64x1xf32>
    %max3A_33 = arith.maximumf %dot_general3A_31, %max3A_32 : vector<64x1xf32>
    %div3A = vector.broadcast %max3A_33 : vector<64x1xf32> to vector<64x128xf32>
    %div3A_34 = arith.divf %dot_general3A_28, %div3A : vector<64x128xf32>
    %get3A_35 = arith.constant 0 : index
    %get3A_36 = arith.constant 0 : index
    %get3A_37 = vector.load %arg5[%get3A_35, %get3A_36] : memref<128x128xf32, #tpu.memory_space<vmem>>, vector<128x128xf32>
    %dot_general3A_38 = arith.constant dense<0.000000e+00> : vector<64x128xf32>
    %dot_general3A_39 = tpu.matmul %div3A_34, %get3A_37, %dot_general3A_38 {dimension_numbers = #tpu.dot_dimension_numbers<[1], [0], [0], [1], [0, 0, 1, 1], [], []>, transpose_lhs_hint = false} : vector<64x128xf32>, vector<128x128xf32>, vector<64x128xf32> -> vector<64x128xf32>
    %get3A_40 = arith.constant 0 : index
    %get3A_41 = arith.constant 0 : index
    %get3A_42 = vector.load %arg6[%get3A_40, %get3A_41] : memref<1x128xf32, #tpu.memory_space<vmem>>, vector<1x128xf32>
    %add3A_43 = vector.broadcast %get3A_42 : vector<1x128xf32> to vector<64x128xf32>
    %add3A_44 = arith.addf %dot_general3A_39, %add3A_43 : vector<64x128xf32>
    %reduce_sum3A = arith.constant dense<0.000000e+00> : vector<128xf32>
    %reduce_sum3A_45 = vector.multi_reduction <add>, %add3A_44, %reduce_sum3A [0] : vector<64x128xf32> to vector<128xf32>
    %broadcast_in_dim3A_46 = vector.shape_cast %reduce_sum3A_45 : vector<128xf32> to vector<1x128xf32>
    %div3A_47 = arith.constant 6.400000e+01 : f32
    %div3A_48 = vector.broadcast %div3A_47 : f32 to vector<1x128xf32>
    %div3A_49 = arith.divf %broadcast_in_dim3A_46, %div3A_48 : vector<1x128xf32>
    %sub3A = vector.broadcast %div3A_49 : vector<1x128xf32> to vector<64x128xf32>
    %sub3A_50 = arith.subf %add3A_44, %sub3A : vector<64x128xf32>
    %mul3A_51 = arith.mulf %sub3A_50, %sub3A_50 : vector<64x128xf32>
    %reduce_sum3A_52 = arith.constant dense<0.000000e+00> : vector<128xf32>
    %reduce_sum3A_53 = vector.multi_reduction <add>, %mul3A_51, %reduce_sum3A_52 [0] : vector<64x128xf32> to vector<128xf32>
    %broadcast_in_dim3A_54 = vector.shape_cast %reduce_sum3A_53 : vector<128xf32> to vector<1x128xf32>
    %div3A_55 = arith.constant 6.400000e+01 : f32
    %div3A_56 = vector.broadcast %div3A_55 : f32 to vector<1x128xf32>
    %div3A_57 = arith.divf %broadcast_in_dim3A_54, %div3A_56 : vector<1x128xf32>
    %add3A_58 = arith.constant 9.99999974E-6 : f32
    %add3A_59 = vector.broadcast %add3A_58 : f32 to vector<1x128xf32>
    %add3A_60 = arith.addf %div3A_57, %add3A_59 : vector<1x128xf32>
    %sqrt3A = math.sqrt %add3A_60 : vector<1x128xf32>
    %div3A_61 = vector.broadcast %sqrt3A : vector<1x128xf32> to vector<64x128xf32>
    %div3A_62 = arith.divf %sub3A_50, %div3A_61 : vector<64x128xf32>
    %get3A_63 = arith.constant 0 : index
    %get3A_64 = arith.constant 0 : index
    %get3A_65 = vector.load %arg7[%get3A_63, %get3A_64] : memref<1x128xf32, #tpu.memory_space<vmem>>, vector<1x128xf32>
    %mul3A_66 = vector.broadcast %get3A_65 : vector<1x128xf32> to vector<64x128xf32>
    %mul3A_67 = arith.mulf %div3A_62, %mul3A_66 : vector<64x128xf32>
    %get3A_68 = arith.constant 0 : index
    %get3A_69 = arith.constant 0 : index
    %get3A_70 = vector.load %arg8[%get3A_68, %get3A_69] : memref<1x128xf32, #tpu.memory_space<vmem>>, vector<1x128xf32>
    %add3A_71 = vector.broadcast %get3A_70 : vector<1x128xf32> to vector<64x128xf32>
    %add3A_72 = arith.addf %mul3A_67, %add3A_71 : vector<64x128xf32>
    %max3A_73 = arith.constant 0.000000e+00 : f32
    %max3A_74 = vector.broadcast %max3A_73 : f32 to vector<64x128xf32>
    %max3A_75 = arith.maximumf %add3A_72, %max3A_74 : vector<64x128xf32>
    %get3A_76 = arith.constant 0 : index
    %get3A_77 = arith.constant 0 : index
    %get3A_78 = vector.load %arg9[%get3A_76, %get3A_77] : memref<128x128xf32, #tpu.memory_space<vmem>>, vector<128x128xf32>
    %dot_general3A_79 = arith.constant dense<0.000000e+00> : vector<64x128xf32>
    %dot_general3A_80 = tpu.matmul %max3A_75, %get3A_78, %dot_general3A_79 {dimension_numbers = #tpu.dot_dimension_numbers<[1], [0], [0], [1], [0, 0, 1, 1], [], []>, transpose_lhs_hint = false} : vector<64x128xf32>, vector<128x128xf32>, vector<64x128xf32> -> vector<64x128xf32>
    %get3A_81 = arith.constant 0 : index
    %get3A_82 = arith.constant 0 : index
    %get3A_83 = vector.load %arg10[%get3A_81, %get3A_82] : memref<1x128xf32, #tpu.memory_space<vmem>>, vector<1x128xf32>
    %add3A_84 = vector.broadcast %get3A_83 : vector<1x128xf32> to vector<64x128xf32>
    %add3A_85 = arith.addf %dot_general3A_80, %add3A_84 : vector<64x128xf32>
    %max3A_86 = arith.constant 0.000000e+00 : f32
    %max3A_87 = vector.broadcast %max3A_86 : f32 to vector<64x128xf32>
    %max3A_88 = arith.maximumf %add3A_85, %max3A_87 : vector<64x128xf32>
    %get3A_89 = arith.constant 0 : index
    %get3A_90 = arith.constant 0 : index
    %get3A_91 = vector.load %arg11[%get3A_89, %get3A_90] : memref<128x64xf32, #tpu.memory_space<vmem>>, vector<128x64xf32>
    %dot_general3A_92 = arith.constant dense<0.000000e+00> : vector<64x64xf32>
    %dot_general3A_93 = tpu.matmul %max3A_88, %get3A_91, %dot_general3A_92 {dimension_numbers = #tpu.dot_dimension_numbers<[1], [0], [0], [1], [0, 0, 1, 1], [], []>, transpose_lhs_hint = false} : vector<64x128xf32>, vector<128x64xf32>, vector<64x64xf32> -> vector<64x64xf32>
    %get3A_94 = arith.constant 0 : index
    %get3A_95 = arith.constant 0 : index
    %get3A_96 = vector.load %arg12[%get3A_94, %get3A_95] : memref<1x64xf32, #tpu.memory_space<vmem>>, vector<1x64xf32>
    %add3A_97 = vector.broadcast %get3A_96 : vector<1x64xf32> to vector<64x64xf32>
    %add3A_98 = arith.addf %dot_general3A_93, %add3A_97 : vector<64x64xf32>
    %swap3A = arith.constant 0 : index
    %swap3A_99 = arith.constant 0 : index
    %swap3A_100 = vector.load %arg13[%swap3A, %swap3A_99] : memref<64x64xf32, #tpu.memory_space<vmem>>, vector<64x64xf32>
    tpu.vector_store %arg13[%swap3A, %swap3A_99], %add3A_98 {strides = array<i32>} : memref<64x64xf32, #tpu.memory_space<vmem>>, vector<64x64xf32>,
    return
  }
}

</mosaic_0001>

<sc_bundles>
// kernel: kernel.16.cloned.1.call-start
scs
__scs_entry_jumppad:
0x0: {  	(pc) =	sbr.rel $0x88, $3  }
0x1: {  	(tag) =	ssettag $0x0;
	lr =	simm.s32 $0x1  }
0x2: {  	[smem:$0x3F80] =	sst lr;
	_ =	strace $0xD0000000  }
0x3: {  	_ = 	snop  }
0x4: {  	_ = 	snop  }
0x5: {  	_ = 	snop  }
0x6: {  	_ = 	snop  }
0x7: {  	_ = 	snop  }
__scs_overlays_trampoline_lowered:
0x8: {  	[smem:$0x3F8F] =	sst s0  }
0x9: {  	[smem:$0x3F90] =	sst s1  }
0xa: {  	[smem:$0x3F91] =	sst s2  }
0xb: {  	[smem:$0x3F92] =	sst s3  }
0xc: {  	[smem:$0x3F93] =	sst s4  }
0xd: {  	[smem:$0x3F94] =	sst s5  }
0xe: {  	[smem:$0x3F95] =	sst s6  }
0xf: {  	[smem:$0x3F96] =	sst s7  }
0x10: {  	[smem:$0x3F97] =	sst s8  }
0x11: {  	[smem:$0x3F98] =	sst s9;
	s0 =	simm.s32 @!p0 $0x0  }
0x12: {  	s1 =	sld [smem:$0x3F7E];
	s0 =	simm.s32 @p0 $0x1  }
0x13: {  	[smem:$0x3F99] =	sst s0;
	s0 =	simm.s32 @!p1 $0x0  }
0x14: {  	s2 =	sld [smem:$0x3F7D];
	s0 =	simm.s32 @p1 $0x1  }
0x15: {  	[smem:$0x3F9A] =	sst s0;
	s0 =	simm.s32 @!p2 $0x0  }
0x16: {  	s3 =	sld [smem:$0x3FDB];
	s0 =	simm.s32 @p2 $0x1  }
0x17: {  	s4 =	simm.s32 $0x1BF5;
	[smem:$0x3F9C] =	sst s0  }
0x18: {  	s0 =	sld [smem:$0x3F7F];
	_ =	swait.ge [sflag:s4], $0x0  }
0x19: {  	s7 =	sld [smem:$0x3F80]  }
0x1a: {  	s8 =	sadd.s32 $0xFFFFE003, lr  }
0x1b: {  	s9 =	sadd.s32 $0xFFFFFEF7, lr;
	s5 =	simm.s32 $0xFFFFFFFF;
	p2 =	slt.u32 s8, $0xFFFFF086  }
0x1c: {  	p1 =	slt.u32 s9, $0xF7A;
	s5 =	simm.s32 @!p2 $0x0  }
0x1d: {  	s5 =	simm.s32 @p1 $0x1;
	p0 =	seq.s32 s7, s2  }
0x1e: {  	s7 =	smul.u32 @!p0 $0xF7A, s2;
	p2 =	seq.s32 @!p0 s5, $0x0  }
0x1f: {  	s9 =	smul.u32 $0xF7A, s1;
	s8 =	simm.s32 @!p0 $0x1BF5;
	p2 =	por !p2, p0  }
0x20: {  	[sflag:s8] =	ssyncset.s32 @!p0 $0xFFFFF086;
	s6 =	sadd.s32 @!p0 s3, s7;
	s7 =	simm.s32 @!p0 $0x108  }
0x21: {  	s3 =	sadd.s32 s3, s9;
	s6 =	sadd.s32 @!p0 $0x88, s6;
	s7 =	simm.s32 @p2 $0x1082  }
0x22: {  	[simem:s7], [sflag:s8] =	dma.local @!p0 [hbm:s6], $0xF7A  }
0x23: {  	s9 =	sor.u32 $0xD0000000, s2;
	s6 =	simm.s32 $0x108;
	_ =	swait.ge @!p0 [sflag:s8], $0x0  }
0x24: {  	s3 =	sadd.s32 $0x88, s3;
	s6 =	simm.s32 @!p1 $0x1082;
	[sflag:s4] =	ssyncset.s32 $0xFFFFF086  }
0x25: {  	[simem:s6], [sflag:s4] =	dma.local [hbm:s3], $0xF7A  }
0x26: {  	[smem:$0x3F80] =	sst s1;
	(tag) =	ssettag s2;
	_ =	strace s9  }
0x27: {  	s1 =	sld [smem:$0x3F90]  }
0x28: {  	s2 =	sld [smem:$0x3F91]  }
0x29: {  	s4 =	sld [smem:$0x3F93]  }
0x2a: {  	p0 =	seq.s32 s5, $0x0;
	s5 =	sld [smem:$0x3F94]  }
0x2b: {  	s6 =	sld [smem:$0x3F95]  }
0x2c: {  	s7 =	sld [smem:$0x3F96]  }
0x2d: {  	s3 =	simm.s32 $0x108;
	s8 =	sld [smem:$0x3F97]  }
0x2e: {  	s3 =	simm.s32 @!p0 $0x1082;
	s9 =	sld [smem:$0x3F98]  }
0x2f: {  	lr =	sadd.s32 s0, s3;
	s0 =	sld [smem:$0x3F8F]  }
0x30: {  	s3 =	sld [smem:$0x3F92]  }
0x31: {  	[smem:$0x3F9B] =	sst s10  }
0x32: {  	s10 =	sld [smem:$0x3F99];
	_ =	sdelay $0x3  }
0x33: {  	p0 =	seq.s32 s10, $0x1;
	s10 =	sld [smem:$0x3F9B];
	_ =	sdelay $0x3  }
0x34: {  	[smem:$0x3F9B] =	sst s10  }
0x35: {  	s10 =	sld [smem:$0x3F9A];
	_ =	sdelay $0x3  }
0x36: {  	p1 =	seq.s32 s10, $0x1;
	s10 =	sld [smem:$0x3F9B];
	_ =	sdelay $0x3  }
0x37: {  	[smem:$0x3F9B] =	sst s10  }
0x38: {  	s10 =	sld [smem:$0x3F9C]  }
0x39: {  	_ = 	snop;
	(pc) =	sbr.ind lr, $3  }
0x3a: {  	_ = 	snop  }
0x3b: {  	_ = 	snop  }
0x3c: {  	p2 =	seq.s32 s10, $0x1;
	s10 =	sld [smem:$0x3F9B]  }
0x3d: {  	_ =	shalt  }
0x3e: {  	_ =	shalt  }
0x3f: {  	_ =	shalt  }
0x40: {  	_ =	shalt  }
0x41: {  	_ =	shalt  }
0x42: {  	_ =	shalt  }
0x43: {  	_ =	shalt  }
0x44: {  	_ =	shalt  }
0x45: {  	_ =	shalt  }
0x46: {  	_ =	shalt  }
0x47: {  	_ =	shalt  }
0x48: {  	_ =	shalt  }
0x49: {  	_ =	shalt  }
0x4a: {  	_ =	shalt  }
0x4b: {  	_ =	shalt  }
0x4c: {  	_ =	shalt  }
0x4d: {  	_ =	shalt  }
0x4e: {  	_ =	shalt  }
0x4f: {  	_ =	shalt  }
0x50: {  	_ =	shalt  }
0x51: {  	_ =	shalt  }
0x52: {  	_ =	shalt  }
0x53: {  	_ =	shalt  }
0x54: {  	_ =	shalt  }
0x55: {  	_ =	shalt  }
0x56: {  	_ =	shalt  }
0x57: {  	_ =	shalt  }
0x58: {  	_ =	shalt  }
0x59: {  	_ =	shalt  }
0x5a: {  	_ =	shalt  }
0x5b: {  	_ =	shalt  }
0x5c: {  	_ =	shalt  }
0x5d: {  	_ =	shalt  }
0x5e: {  	_ =	shalt  }
0x5f: {  	_ =	shalt  }
0x60: {  	_ =	shalt  }
0x61: {  	_ =	shalt  }
0x62: {  	_ =	shalt  }
0x63: {  	_ =	shalt  }
0x64: {  	_ =	shalt  }
0x65: {  	_ =	shalt  }
0x66: {  	_ =	shalt  }
0x67: {  	_ =	shalt  }
0x68: {  	_ =	shalt  }
0x69: {  	_ =	shalt  }
0x6a: {  	_ =	shalt  }
0x6b: {  	_ =	shalt  }
0x6c: {  	_ =	shalt  }
0x6d: {  	_ =	shalt  }
0x6e: {  	_ =	shalt  }
0x6f: {  	_ =	shalt  }
0x70: {  	_ =	shalt  }
0x71: {  	_ =	shalt  }
0x72: {  	_ =	shalt  }
0x73: {  	_ =	shalt  }
0x74: {  	_ =	shalt  }
0x75: {  	_ =	shalt  }
0x76: {  	_ =	shalt  }
0x77: {  	_ =	shalt  }
0x78: {  	_ =	shalt  }
0x79: {  	_ =	shalt  }
0x7a: {  	_ =	shalt  }
0x7b: {  	_ =	shalt  }
0x7c: {  	_ =	shalt  }
0x7d: {  	_ =	shalt  }
0x7e: {  	_ =	shalt  }
0x7f: {  	_ =	shalt  }
0x80: {  	_ =	shalt  }
0x81: {  	_ =	shalt  }
0x82: {  	_ =	shalt  }
0x83: {  	_ =	shalt  }
0x84: {  	_ =	shalt  }
0x85: {  	_ =	shalt  }
0x86: {  	_ =	shalt  }
0x87: {  	_ =	shalt  }
.Lfunc_end0:
.L_simem_size_0:
called_computation_lowered:
.L_overlay_start_0:
0x88: {  	s2 =	sld [smem:$0x3FD9]  }
0x89: {  	s3 =	sld [smem:$0x3FFE];
	_ =	sdelay $0x1  }
0x8a: {  	s1 =	srdreg.scid  }
0x8b: {  	s0 =	sand.u32 $0x1, s1  }
0x8c: {  	s17 =	sshll.u32 s0, $0xA;
	s2 =	sadd.s32 s3, s2  }
0x8d: {  	s2 =	sadd.s32 s2, s17  }
0x8e: {  	[smem:$0x3FA7] =	sst s2  }
0x8f: {  	_ = 	snop  }
0x90: {  	s2 =	sld [smem:$0x3FD0];
	(tm) =	ssettm $0x1  }
0x91: {  	s18 =	sld [smem:$0x3FFB];
	_ =	sdelay $0x3  }
0x92: {  	_ =	strace s18  }
0x93: {  	s3 =	sld [smem:$0x3FFC];
	_ =	sdelay $0x3  }
0x94: {  	_ =	strace s3  }
0x95: {  	s3 =	sld [smem:$0x3FFD];
	_ =	sdelay $0x3  }
0x96: {  	_ =	strace s3  }
0x97: {  	_ =	strace $0x8FFFFFFF  }
0x98: {  	s19 =	sld [smem:$0x3FDB];
	_ =	sdelay $0x1  }
0x99: {  	s4 =	simm.s32 $_scs_section_size  }
0x9a: {  	s5 =	simm.s32 $_size__tile_overlayer_lowered;
	s6 =	simm.s32 $_tile_overlayer_lowered  }
0x9b: {  	s22 =	simm.s32 $0x1BFF;
	s21 =	sshll.u32 s6, $0x1;
	s3 =	sadd.s32 s4, s19  }
0x9c: {  	s7 =	simm.s32 $0x0;
	s20 =	sshll.u32 s5, $0x1;
	s5 =	sadd.s32 s21, s3  }
0x9d: {  	[timem:s7], [sflag:s22] =	dma.local [hbm:s5], s20  }
0x9e: {  	_ =	swait.ge [sflag:s22], s20  }
0x9f: {  	s4 =	ssub.s32 $0x0, s20;
	[sflag:s22] =	ssyncset.done $0x0  }
0xa0: {  	[sflag:s22] =	ssyncadd.s32 s4;
	_ =	sdelay $0x1  }
0xa1: {  	s23 =	simm.s32 $0x1B8B  }
0xa2: {  	_ =	swait.ge [sflag:s23], $0x1  }
0xa3: {  	[sflag:s23] =	ssyncset.done $0x0  }
0xa4: {  	s25 =	simm.s32 $0x1B8E;
	s24 =	sld [smem:$0x3FFE];
	[sflag:s23] =	ssyncadd.s32 $0xFFFFFFFF  }
0xa5: {  	s26 =	simm.s32 $execute0_lowered;
	[smem:$0x3FD2] =	sst s25  }
0xa6: {  	s5 =	sshll.u32 s26, $0x1;
	_ =	strace $0x80000046;
	[dreg:$0x1] =	wrdreg $0xFFFFFFFF  }
0xa7: {  	s28 =	simm.s32 $_size_execute0_lowered;
	s3 =	sadd.s32 s3, s5;
	[dreg:$0x0] =	wrdreg $0x0  }
0xa8: {  	s5 =	sshll.u32 s28, $0x1;
	[dreg:$0x2] =	wrdreg s3  }
0xa9: {  	[dreg:$0x3] =	wrdreg s5  }
0xaa: {  	[dreg:$0x4] =	wrdreg $0xC0  }
0xab: {  	_ =	task [dreg:s7], $0x5FFFF  }
0xac: {  	[dreg:$0x1] =	wrdreg $0xFFFFFFFF  }
0xad: {  	[dreg:$0x0] =	wrdreg $0x60  }
0xae: {  	[dreg:$0x2] =	wrdreg s2  }
0xaf: {  	[dreg:$0x3] =	wrdreg s24  }
0xb0: {  	[dreg:$0x4] =	wrdreg $0xA0000  }
0xb1: {  	[dreg:$0x5] =	wrdreg $0x9  }
0xb2: {  	_ =	task.clear_ibuf [dreg:s7], $0x6FFFF;
	_ =	strace $0x90000046  }
0xb3: {  	s29 =	simm.s32 $0x9;
	_ =	strace $0x80000048  }
0xb4: {  	_ =	swait.ge [sflag:s29], $0x1  }
0xb5: {  	[sflag:s29] =	ssyncadd.s32 $0xFFFFFFFF  }
0xb6: {  	_ =	strace $0x90000048  }
0xb7: {  	_ =	sfence  }
0xb8: {  	s30 =	sld [smem:$0x0];
	_ =	sdelay $0x2  }
0xb9: {  	s31 =	sshll.u32 s1, $0xD;
	s1 =	sshrl.u32 s1, $0x2  }
0xba: {  	s3 =	sand.u32 $0x4000, s31;
	s1 =	sadd.s32 s1, s30  }
0xbb: {  	s0 =	sor.u32 s3, s0;
	s1 =	sshll.u32 s1, $0x11  }
0xbc: {  	s0 =	sor.u32 s1, s0  }
0xbd: {  	s0 =	sadd.s32 $0x8F2B, s0  }
0xbe: {  	[sflag:s0] =	ssyncadd.remote.s32 $0x1  }
0xbf: {  	_ =	sfence.sel $0xFFFF  }
0xc0: {  	[dreg:$0x0] =	wrdreg $0xFFFFFFFF;
	(pc) =	sbr.abs _section_cstart, $3  }
0xc1: {  	[dreg:$0x1] =	wrdreg $0xFFFFFFFF  }
0xc2: {  	_ =	task.clear_ibuf [dreg:s7], $0x2FFFF;
	_ =	strace $0x9FFFFFFF  }
0xc3: {  	(tm) =	ssettm $0x7FFFFFFF  }
tec
execute0_lowered:
.L_overlay_start_1:
0x0: {  	(tag) =	ssettag $0x1  }
0x1: {  	s1 =	rddreg [dreg:$0x0]  }
0x2: {  	s7 =	rddreg [dreg:$0x1]  }
0x3: {  	s0 =	srdreg.scid;
	s3 =	rddreg [dreg:$0x2]  }
0x4: {  	s2 =	rddreg [dreg:$0x3];
	s4 =	simm.s32 $0x0;
	s15 =	simm.s32 $0x80  }
0x5: {  	s16 =	simm.s32 $0x6000;
	s17 =	simm.s32 $0x5000;
	s5 =	sand.u32 $0x1, s0  }
0x6: {  	s18 =	simm.s32 $0x5800;
	s0 =	stileid.u32;
	s6 =	smul.u32 $0x28000, s5  }
0x7: {  	s19 =	simm.s32 $0x1;
	s20 =	simm.s32 $0x2;
	s8 =	smul.u32 $0x2800, s0  }
0x8: {  	s21 =	simm.s32 $0x3;
	[smem:$0x7FF] =	sst s4;
	s9 =	smul.u32 $0x14000, s0  }
0x9: {  	s22 =	simm.s32 $0x0;
	s29 =	smul.u32 $0x140000, s5;
	_ =	strace $0x80000047  }
0xa: {  	s31 =	ssub.s32 $0x2, s5;
	s5 =	sadd.s32 $0x1E800, s7;
	s13 =	sshll.u32 s0, $0x6  }
0xb: {  	s12 =	sshrl.u32 s31, $0x1;
	s13 =	sor.u32 $0x1C04, s13;
	s6 =	sadd.s32 s8, s6  }
0xc: {  	s30 =	sadd.s32 s9, s29;
	s12 =	ssub.s32 s31, s12;
	s14 =	sadd.s32 s9, s3  }
0xd: {  	s6 =	sshrl.u32 s6, $0x3;
	s11 =	sshrl.u32 s30, $0x3;
	s14 =	sshrl.u32 s14, $0x3  }
0xe: {  	s10 =	sadd.s32 s6, s7;
	s6 =	sadd.s32 $0x12000, s7;
	s11 =	sadd.s32 s11, s7  }
0xf: {  	s7 =	sadd.s32 $0x14800, s10;
	s8 =	sadd.s32 $0x8000, s10;
	s9 =	sadd.s32 $0x23800, s11  }
0x10: {  	s10 =	smax.u32 s12, $0x1;
	s11 =	simm.s32 $0x4;
	s12 =	simm.s32 $0x2800  }
.LBB2_1:
0x11: {  	[tilespmem:s4], [sflag:$0x4] =	stream.linear.gather [hbm4b:s7+s4], $0x2800, $0x38;
	[tilespmem:$0x1E000] =	vst v63  }
0x12: {  	_ =	swait.ge [sflag:s11], $0x2800  }
0x13: {  	[sflag:s11] =	ssyncset.done $0x0  }
0x14: {  	[sflag:s11] =	ssyncadd.s32 $0xFFFFD800  }
0x15: {  	[tilespmem:s12], [sflag:$0x4] =	stream.linear.gather [hbm4b:s8+s4], $0x2800, $0x38;
	[tilespmem:$0x1E000] =	vst v63  }
0x16: {  	_ =	swait.ge [sflag:s11], $0x2800  }
0x17: {  	[sflag:s11] =	ssyncset.done $0x0  }
0x18: {  	[sflag:s11] =	ssyncadd.s32 $0xFFFFD800  }
0x19: {  	[spmem:s14], [sflag:s13] =	dma.local [hbm:s6], $0x2800  }
0x1a: {  	_ =	swait.ge [sflag:s11], $0x2800  }
0x1b: {  	[sflag:s11] =	ssyncset.done $0x0  }
0x1c: {  	[sflag:s11] =	ssyncadd.s32 $0xFFFFD800  }
0x1d: {  	s23 =	simm.s32 $0x0;
	[bflag:$0x0] =	sbarrier.arrive $0xFFFF  }
.LBB2_2:
0x1e: {  	s24 =	sshll.u32 s23, $0x7  }
0x1f: {  	[tilespmem:s16], [sflag:$0x1] =	stream.indirect.gather [hbm4b:s1+s15], $0x80, s24, s15, $0xb8;
	[tilespmem:$0x1E000] =	vst v63  }
0x20: {  	_ = 	snop  }
0x21: {  	[tilespmem:s17], [sflag:$0x2] =	stream.indirect.gather [hbm4b:s5+s15], $0x10, s24, s15, $0xb8;
	[tilespmem:$0x1E000] =	vst v63  }
0x22: {  	s24 =	sadd.s32 $0x2800, s24  }
0x23: {  	[tilespmem:s18], [sflag:$0x3] =	stream.indirect.gather [hbm4b:s5+s15], $0x10, s24, s15, $0xb8;
	[tilespmem:$0x1E000] =	vst v63  }
0x24: {  	_ =	swait.ge [sflag:s19], $0x4000  }
0x25: {  	[sflag:s19] =	ssyncset.done $0x0  }
0x26: {  	[sflag:s19] =	ssyncadd.s32 $0xFFFFC000  }
0x27: {  	_ =	swait.ge [sflag:s20], $0x800  }
0x28: {  	[sflag:s20] =	ssyncset.done $0x0  }
0x29: {  	[sflag:s20] =	ssyncadd.s32 $0xFFFFF800  }
0x2a: {  	_ =	swait.ge [sflag:s21], $0x800  }
0x2b: {  	[sflag:s21] =	ssyncset.done $0x0  }
0x2c: {  	s25 =	simm.s32 $0x6040;
	[sflag:s21] =	ssyncadd.s32 $0xFFFFF800  }
0x2d: {  	s26 =	simm.s32 $0x0;
	v0 =	vld [tilespmem:s25+$0xFFFFFFF0]  }
0x2e: {  	v1 =	vld [tilespmem:s26+$0x5000]  }
0x2f: {  	v4 =	vld [tilespmem:s26+$0x5800]  }
0x30: {  	v8 =	vld [tilespmem:s25+$0x30]  }
0x31: {  	v7 =	vld [tilespmem:s25+$0xFFFFFFC0]  }
0x32: {  	v2 =	vld [tilespmem:s25+$0x10]  }
0x33: {  	v6 =	vld [tilespmem:s25+$0xFFFFFFE0]  }
0x34: {  	v3 =	vld [tilespmem:s25+$0x20]  }
0x35: {  	v1 =	vmul.f32 v4, v1;
	v4 =	vld [tilespmem:s25+$0xFFFFFFD0]  }
0x36: {  	v5 =	vld [tilespmem:s25+$0x0]  }
0x37: {  	s28 =	simm.s32 $0x40;
	s26 =	simm.s32 $0x6040;
	v7 =	vmul.f32 v1, v7;
	v8 =	vmul.f32 v8, v1  }
.LBB2_3:
0x38: {  	p0 =	sne.s32 s28, $0x1FC0  }
0x39: {  	v6 =	vmul.f32 v6, v1;
	v2 =	vmul.f32 v2, v1;
	s25 =	sadd.s32 $0x80, s25;
	s29 =	smov.u32 s28;
	s28 =	sadd.s32 $0x40, s28  }
0x3a: {  	v3 =	vmul.f32 v3, v1;
	v4 =	vmul.f32 v4, v1;
	[tilespmem:s26+$0x30] =	vst v8  }
0x3b: {  	v0 =	vmul.f32 v0, v1;
	[tilespmem:s26+$0xFFFFFFC0] =	vst v7;
	v1 =	vmul.f32 v5, v1  }
0x3c: {  	[tilespmem:s26+$0x10] =	vst v2  }
0x3d: {  	[tilespmem:s26+$0xFFFFFFE0] =	vst v6  }
0x3e: {  	[tilespmem:s26+$0xFFFFFFF0] =	vst v0  }
0x3f: {  	v0 =	vld [tilespmem:s25+$0xFFFFFFF0];
	[tilespmem:s26+$0x0] =	vst v1  }
0x40: {  	v8 =	vld [tilespmem:s25+$0x30];
	[tilespmem:s26+$0x20] =	vst v3  }
0x41: {  	s29 =	sshra.s32 s29, $0x2;
	v2 =	vld [tilespmem:s25+$0x10];
	[tilespmem:s26+$0xFFFFFFD0] =	vst v4;
	s26 =	smov.u32 s25  }
0x42: {  	v1 =	vld [tilespmem:s29+$0x5000]  }
0x43: {  	v5 =	vld [tilespmem:s29+$0x5800]  }
0x44: {  	v7 =	vld [tilespmem:s25+$0xFFFFFFC0]  }
0x45: {  	v6 =	vld [tilespmem:s25+$0xFFFFFFE0]  }
.Ltmp0:
0x46: {  	v3 =	vld [tilespmem:s25+$0x20];
	(pc) =	sbr.rel @p0 .LBB2_3-.Ltmp0, $3  }
0x47: {  	v4 =	vld [tilespmem:s25+$0xFFFFFFD0]  }
0x48: {  	v1 =	vmul.f32 v5, v1;
	v5 =	vld [tilespmem:s25+$0x0];
	_ =	sdelay $0x1  }
0x49: {  	v7 =	vmul.f32 v1, v7;
	v8 =	vmul.f32 v8, v1  }
0x4a: {  	_ = 	snop  }
0x4b: {  	v2 =	vmul.f32 v2, v1;
	[tilespmem:s26+$0x30] =	vst v8  }
0x4c: {  	v6 =	vmul.f32 v6, v1;
	[tilespmem:s26+$0xFFFFFFC0] =	vst v7  }
0x4d: {  	v0 =	vmul.f32 v0, v1;
	[tilespmem:s26+$0x10] =	vst v2  }
0x4e: {  	v3 =	vmul.f32 v3, v1;
	[tilespmem:s26+$0xFFFFFFE0] =	vst v6  }
0x4f: {  	v63 =	vmul.f32 v4, v1;
	[tilespmem:s26+$0xFFFFFFF0] =	vst v0  }
0x50: {  	s23 =	sadd.s32 $0x1, s23;
	v62 =	vmul.f32 v5, v1;
	[tilespmem:s26+$0x20] =	vst v3  }
0x51: {  	p0 =	sne.s32 s23, $0x50;
	[tilespmem:s26+$0xFFFFFFD0] =	vst v63  }
.Ltmp1:
0x52: {  	[tilespmem:s26+$0x0] =	vst v62;
	(pc) =	sbr.rel @p0 .LBB2_2-.Ltmp1, $4  }
0x53: {  	[spmem:s3] =	stream.indirect.scatter.add.f32 [tilespmem:s16], [sflag:$0x4], $0x80, s24, s15, $0xb8;
	[tilespmem:$0x1E000] =	vst v63  }
0x54: {  	_ =	swait.ge [sflag:s11], $0x4000  }
0x55: {  	[sflag:s11] =	ssyncset.done $0x0  }
0x56: {  	[sflag:s11] =	ssyncadd.s32 $0xFFFFC000  }
0x57: {  	s22 =	sadd.s32 $0x1, s22  }
0x58: {  	p0 =	sne.s32 s22, s10  }
.Ltmp2:
0x59: {  	[bflag:$0x0] =	sbarrier.arrive $0xFFFF;
	(pc) =	sbr.rel @p0 .LBB2_1-.Ltmp2, $4  }
0x5a: {  	[hbm:s9], [sflag:s13] =	dma.local [spmem:s14], $0x2800  }
0x5b: {  	_ =	swait.ge [sflag:s11], $0x2800  }
0x5c: {  	[sflag:s11] =	ssyncset.done $0x0  }
0x5d: {  	[sflag:s11] =	ssyncadd.s32 $0xFFFFD800  }
0x5e: {  	_ =	sfence.sel $0x180000  }
0x5f: {  	[bflag:$0x0] =	sbarrier.arrive $0xFFFF  }
0x60: {  	p0 =	sne.s32 s0, $0x0;
	_ =	strace $0x90000047  }
0x61: {  	s0 =	sadd.s32 @!p0 $0x100000, s2;
	[bflag:$0x2] =	sbarrier.arrive $0xFFFF  }
0x62: {  	[sflag:s0] =	ssyncadd.tile.s32 @!p0 $0x1;
	_ =	shalt  }
.Lfunc_end2:
_tile_overlayer_lowered:
.L_overlay_start_2:
0x63: {  	(tag) =	ssettag $0x2  }
0x64: {  	s0 =	rddreg [dreg:$0x0];
	s2 =	stileid.u32  }
0x65: {  	s1 =	rddreg [dreg:$0x1];
	p0 =	sne.s32 s2, $0x0  }
0x66: {  	s3 =	rddreg [dreg:$0x2];
	[bflag:$0x3] =	sbarrier.arrive $0xFFFF;
	s2 =	simm.s32 @!p0 $0x1C04  }
0x67: {  	[timem:s3], [sflag:s2] =	dma.local @!p0 [hbm:s0], s1  }
0x68: {  	s0 =	simm.s32 @!p0 $0x4  }
0x69: {  	_ =	swait.ge @!p0 [sflag:s0], s1  }
0x6a: {  	s1 =	ssub.s32 @!p0 $0x0, s1;
	[sflag:s0] =	ssyncset.done @!p0 $0x0  }
0x6b: {  	[sflag:s0] =	ssyncadd.s32 @!p0 s1  }
0x6c: {  	[bflag:$0x3] =	sbarrier.arrive $0xFFFF  }
0x6d: {  	_ =	shalt  }

// kernel: kernel.19.cloned.1.call-start
scs
__scs_entry_jumppad:
0x0: {  	(pc) =	sbr.rel $0x88, $3  }
0x1: {  	(tag) =	ssettag $0x0;
	lr =	simm.s32 $0x1  }
0x2: {  	[smem:$0x3F80] =	sst lr;
	_ =	strace $0xD0000000  }
0x3: {  	_ = 	snop  }
0x4: {  	_ = 	snop  }
0x5: {  	_ = 	snop  }
0x6: {  	_ = 	snop  }
0x7: {  	_ = 	snop  }
__scs_overlays_trampoline_lowered:
0x8: {  	[smem:$0x3F8F] =	sst s0  }
0x9: {  	[smem:$0x3F90] =	sst s1  }
0xa: {  	[smem:$0x3F91] =	sst s2  }
0xb: {  	[smem:$0x3F92] =	sst s3  }
0xc: {  	[smem:$0x3F93] =	sst s4  }
0xd: {  	[smem:$0x3F94] =	sst s5  }
0xe: {  	[smem:$0x3F95] =	sst s6  }
0xf: {  	[smem:$0x3F96] =	sst s7  }
0x10: {  	[smem:$0x3F97] =	sst s8  }
0x11: {  	[smem:$0x3F98] =	sst s9;
	s0 =	simm.s32 @!p0 $0x0  }
0x12: {  	s1 =	sld [smem:$0x3F7E];
	s0 =	simm.s32 @p0 $0x1  }
0x13: {  	[smem:$0x3F99] =	sst s0;
	s0 =	simm.s32 @!p1 $0x0  }
0x14: {  	s2 =	sld [smem:$0x3F7D];
	s0 =	simm.s32 @p1 $0x1  }
0x15: {  	[smem:$0x3F9A] =	sst s0;
	s0 =	simm.s32 @!p2 $0x0  }
0x16: {  	s3 =	sld [smem:$0x3FDB];
	s0 =	simm.s32 @p2 $0x1  }
0x17: {  	s4 =	simm.s32 $0x1BF5;
	[smem:$0x3F9C] =	sst s0  }
0x18: {  	s0 =	sld [smem:$0x3F7F];
	_ =	swait.ge [sflag:s4], $0x0  }
0x19: {  	s7 =	sld [smem:$0x3F80]  }
0x1a: {  	s8 =	sadd.s32 $0xFFFFE003, lr  }
0x1b: {  	s9 =	sadd.s32 $0xFFFFFEF7, lr;
	s5 =	simm.s32 $0xFFFFFFFF;
	p2 =	slt.u32 s8, $0xFFFFF086  }
0x1c: {  	p1 =	slt.u32 s9, $0xF7A;
	s5 =	simm.s32 @!p2 $0x0  }
0x1d: {  	s5 =	simm.s32 @p1 $0x1;
	p0 =	seq.s32 s7, s2  }
0x1e: {  	s7 =	smul.u32 @!p0 $0xF7A, s2;
	p2 =	seq.s32 @!p0 s5, $0x0  }
0x1f: {  	s9 =	smul.u32 $0xF7A, s1;
	s8 =	simm.s32 @!p0 $0x1BF5;
	p2 =	por !p2, p0  }
0x20: {  	[sflag:s8] =	ssyncset.s32 @!p0 $0xFFFFF086;
	s6 =	sadd.s32 @!p0 s3, s7;
	s7 =	simm.s32 @!p0 $0x108  }
0x21: {  	s3 =	sadd.s32 s3, s9;
	s6 =	sadd.s32 @!p0 $0x88, s6;
	s7 =	simm.s32 @p2 $0x1082  }
0x22: {  	[simem:s7], [sflag:s8] =	dma.local @!p0 [hbm:s6], $0xF7A  }
0x23: {  	s9 =	sor.u32 $0xD0000000, s2;
	s6 =	simm.s32 $0x108;
	_ =	swait.ge @!p0 [sflag:s8], $0x0  }
0x24: {  	s3 =	sadd.s32 $0x88, s3;
	s6 =	simm.s32 @!p1 $0x1082;
	[sflag:s4] =	ssyncset.s32 $0xFFFFF086  }
0x25: {  	[simem:s6], [sflag:s4] =	dma.local [hbm:s3], $0xF7A  }
0x26: {  	[smem:$0x3F80] =	sst s1;
	(tag) =	ssettag s2;
	_ =	strace s9  }
0x27: {  	s1 =	sld [smem:$0x3F90]  }
0x28: {  	s2 =	sld [smem:$0x3F91]  }
0x29: {  	s4 =	sld [smem:$0x3F93]  }
0x2a: {  	p0 =	seq.s32 s5, $0x0;
	s5 =	sld [smem:$0x3F94]  }
0x2b: {  	s6 =	sld [smem:$0x3F95]  }
0x2c: {  	s7 =	sld [smem:$0x3F96]  }
0x2d: {  	s3 =	simm.s32 $0x108;
	s8 =	sld [smem:$0x3F97]  }
0x2e: {  	s3 =	simm.s32 @!p0 $0x1082;
	s9 =	sld [smem:$0x3F98]  }
0x2f: {  	lr =	sadd.s32 s0, s3;
	s0 =	sld [smem:$0x3F8F]  }
0x30: {  	s3 =	sld [smem:$0x3F92]  }
0x31: {  	[smem:$0x3F9B] =	sst s10  }
0x32: {  	s10 =	sld [smem:$0x3F99];
	_ =	sdelay $0x3  }
0x33: {  	p0 =	seq.s32 s10, $0x1;
	s10 =	sld [smem:$0x3F9B];
	_ =	sdelay $0x3  }
0x34: {  	[smem:$0x3F9B] =	sst s10  }
0x35: {  	s10 =	sld [smem:$0x3F9A];
	_ =	sdelay $0x3  }
0x36: {  	p1 =	seq.s32 s10, $0x1;
	s10 =	sld [smem:$0x3F9B];
	_ =	sdelay $0x3  }
0x37: {  	[smem:$0x3F9B] =	sst s10  }
0x38: {  	s10 =	sld [smem:$0x3F9C]  }
0x39: {  	_ = 	snop;
	(pc) =	sbr.ind lr, $3  }
0x3a: {  	_ = 	snop  }
0x3b: {  	_ = 	snop  }
0x3c: {  	p2 =	seq.s32 s10, $0x1;
	s10 =	sld [smem:$0x3F9B]  }
0x3d: {  	_ =	shalt  }
0x3e: {  	_ =	shalt  }
0x3f: {  	_ =	shalt  }
0x40: {  	_ =	shalt  }
0x41: {  	_ =	shalt  }
0x42: {  	_ =	shalt  }
0x43: {  	_ =	shalt  }
0x44: {  	_ =	shalt  }
0x45: {  	_ =	shalt  }
0x46: {  	_ =	shalt  }
0x47: {  	_ =	shalt  }
0x48: {  	_ =	shalt  }
0x49: {  	_ =	shalt  }
0x4a: {  	_ =	shalt  }
0x4b: {  	_ =	shalt  }
0x4c: {  	_ =	shalt  }
0x4d: {  	_ =	shalt  }
0x4e: {  	_ =	shalt  }
0x4f: {  	_ =	shalt  }
0x50: {  	_ =	shalt  }
0x51: {  	_ =	shalt  }
0x52: {  	_ =	shalt  }
0x53: {  	_ =	shalt  }
0x54: {  	_ =	shalt  }
0x55: {  	_ =	shalt  }
0x56: {  	_ =	shalt  }
0x57: {  	_ =	shalt  }
0x58: {  	_ =	shalt  }
0x59: {  	_ =	shalt  }
0x5a: {  	_ =	shalt  }
0x5b: {  	_ =	shalt  }
0x5c: {  	_ =	shalt  }
0x5d: {  	_ =	shalt  }
0x5e: {  	_ =	shalt  }
0x5f: {  	_ =	shalt  }
0x60: {  	_ =	shalt  }
0x61: {  	_ =	shalt  }
0x62: {  	_ =	shalt  }
0x63: {  	_ =	shalt  }
0x64: {  	_ =	shalt  }
0x65: {  	_ =	shalt  }
0x66: {  	_ =	shalt  }
0x67: {  	_ =	shalt  }
0x68: {  	_ =	shalt  }
0x69: {  	_ =	shalt  }
0x6a: {  	_ =	shalt  }
0x6b: {  	_ =	shalt  }
0x6c: {  	_ =	shalt  }
0x6d: {  	_ =	shalt  }
0x6e: {  	_ =	shalt  }
0x6f: {  	_ =	shalt  }
0x70: {  	_ =	shalt  }
0x71: {  	_ =	shalt  }
0x72: {  	_ =	shalt  }
0x73: {  	_ =	shalt  }
0x74: {  	_ =	shalt  }
0x75: {  	_ =	shalt  }
0x76: {  	_ =	shalt  }
0x77: {  	_ =	shalt  }
0x78: {  	_ =	shalt  }
0x79: {  	_ =	shalt  }
0x7a: {  	_ =	shalt  }
0x7b: {  	_ =	shalt  }
0x7c: {  	_ =	shalt  }
0x7d: {  	_ =	shalt  }
0x7e: {  	_ =	shalt  }
0x7f: {  	_ =	shalt  }
0x80: {  	_ =	shalt  }
0x81: {  	_ =	shalt  }
0x82: {  	_ =	shalt  }
0x83: {  	_ =	shalt  }
0x84: {  	_ =	shalt  }
0x85: {  	_ =	shalt  }
0x86: {  	_ =	shalt  }
0x87: {  	_ =	shalt  }
.Lfunc_end0:
.L_simem_size_0:
called_computation.1_lowered:
.L_overlay_start_0:
0x88: {  	s2 =	sld [smem:$0x3FD9]  }
0x89: {  	s3 =	sld [smem:$0x3FFE];
	_ =	sdelay $0x1  }
0x8a: {  	s1 =	srdreg.scid  }
0x8b: {  	s0 =	sand.u32 $0x1, s1  }
0x8c: {  	s16 =	sshll.u32 s0, $0xA;
	s2 =	sadd.s32 s3, s2  }
0x8d: {  	s2 =	sadd.s32 s2, s16  }
0x8e: {  	[smem:$0x3FA7] =	sst s2  }
0x8f: {  	_ = 	snop  }
0x90: {  	(tm) =	ssettm $0x1  }
0x91: {  	s17 =	sld [smem:$0x3FFB];
	_ =	sdelay $0x3  }
0x92: {  	_ =	strace s17  }
0x93: {  	s2 =	sld [smem:$0x3FFC];
	_ =	sdelay $0x3  }
0x94: {  	_ =	strace s2  }
0x95: {  	s2 =	sld [smem:$0x3FFD];
	_ =	sdelay $0x3  }
0x96: {  	_ =	strace s2  }
0x97: {  	_ =	strace $0x8FFFFFFF  }
0x98: {  	s18 =	sld [smem:$0x3FDB];
	_ =	sdelay $0x1  }
0x99: {  	s19 =	simm.s32 $_scs_section_size  }
0x9a: {  	s4 =	simm.s32 $_size__tile_overlayer_lowered;
	s5 =	simm.s32 $_tile_overlayer_lowered  }
0x9b: {  	s22 =	simm.s32 $0x1BFF;
	s21 =	sshll.u32 s5, $0x1;
	s2 =	sadd.s32 s19, s18  }
0x9c: {  	s6 =	simm.s32 $0x0;
	s20 =	sshll.u32 s4, $0x1;
	s4 =	sadd.s32 s21, s2  }
0x9d: {  	[timem:s6], [sflag:s22] =	dma.local [hbm:s4], s20  }
0x9e: {  	_ =	swait.ge [sflag:s22], s20  }
0x9f: {  	s3 =	ssub.s32 $0x0, s20;
	[sflag:s22] =	ssyncset.done $0x0  }
0xa0: {  	[sflag:s22] =	ssyncadd.s32 s3;
	_ =	sdelay $0x1  }
0xa1: {  	s23 =	simm.s32 $0x1B8B  }
0xa2: {  	_ =	swait.ge [sflag:s23], $0x1  }
0xa3: {  	[sflag:s23] =	ssyncset.done $0x0  }
0xa4: {  	s25 =	simm.s32 $0x1B8E;
	s24 =	sld [smem:$0x3FFE];
	[sflag:s23] =	ssyncadd.s32 $0xFFFFFFFF  }
0xa5: {  	s26 =	simm.s32 $execute0_lowered;
	[smem:$0x3FD2] =	sst s25  }
0xa6: {  	s4 =	sshll.u32 s26, $0x1;
	_ =	strace $0x80000049;
	[dreg:$0x1] =	wrdreg $0xFFFFFFFF  }
0xa7: {  	s28 =	simm.s32 $_size_execute0_lowered;
	s2 =	sadd.s32 s2, s4;
	[dreg:$0x0] =	wrdreg $0x0  }
0xa8: {  	s4 =	sshll.u32 s28, $0x1;
	[dreg:$0x2] =	wrdreg s2  }
0xa9: {  	[dreg:$0x3] =	wrdreg s4  }
0xaa: {  	[dreg:$0x4] =	wrdreg $0xC0  }
0xab: {  	_ =	task [dreg:s6], $0x5FFFF  }
0xac: {  	[dreg:$0x1] =	wrdreg $0xFFFFFFFF  }
0xad: {  	[dreg:$0x0] =	wrdreg $0x60  }
0xae: {  	[dreg:$0x2] =	wrdreg s24  }
0xaf: {  	[dreg:$0x3] =	wrdreg $0xA0000  }
0xb0: {  	[dreg:$0x4] =	wrdreg $0x9  }
0xb1: {  	_ =	task.clear_ibuf [dreg:s6], $0x5FFFF;
	_ =	strace $0x90000049  }
0xb2: {  	s29 =	simm.s32 $0x9;
	_ =	strace $0x8000004B  }
0xb3: {  	_ =	swait.ge [sflag:s29], $0x1  }
0xb4: {  	[sflag:s29] =	ssyncadd.s32 $0xFFFFFFFF  }
0xb5: {  	_ =	strace $0x9000004B  }
0xb6: {  	_ =	sfence  }
0xb7: {  	s30 =	sld [smem:$0x0];
	_ =	sdelay $0x2  }
0xb8: {  	s31 =	sshll.u32 s1, $0xD;
	s1 =	sshrl.u32 s1, $0x2  }
0xb9: {  	s3 =	sand.u32 $0x4000, s31;
	s1 =	sadd.s32 s1, s30  }
0xba: {  	s0 =	sor.u32 s3, s0;
	s1 =	sshll.u32 s1, $0x11  }
0xbb: {  	s0 =	sor.u32 s1, s0  }
0xbc: {  	s0 =	sadd.s32 $0x8F2B, s0  }
0xbd: {  	[sflag:s0] =	ssyncadd.remote.s32 $0x1  }
0xbe: {  	_ =	sfence.sel $0xFFFF  }
0xbf: {  	[dreg:$0x0] =	wrdreg $0xFFFFFFFF;
	(pc) =	sbr.abs _section_cstart, $3  }
0xc0: {  	[dreg:$0x1] =	wrdreg $0xFFFFFFFF  }
0xc1: {  	_ =	task.clear_ibuf [dreg:s6], $0x2FFFF;
	_ =	strace $0x9FFFFFFF  }
0xc2: {  	(tm) =	ssettm $0x7FFFFFFF  }
0xc3: {  	_ =	shalt  }
tec
execute0_lowered:
.L_overlay_start_1:
0x0: {  	(tag) =	ssettag $0x1  }
0x1: {  	s7 =	rddreg [dreg:$0x0]  }
0x2: {  	s2 =	rddreg [dreg:$0x1]  }
0x3: {  	s0 =	srdreg.scid;
	s1 =	rddreg [dreg:$0x2]  }
0x4: {  	s3 =	simm.s32 $0x0;
	s15 =	simm.s32 $0x80;
	s16 =	simm.s32 $0x6000  }
0x5: {  	s17 =	simm.s32 $0x5000;
	s18 =	simm.s32 $0x5800;
	s5 =	sand.u32 $0x1, s0  }
0x6: {  	s19 =	simm.s32 $0x1;
	s0 =	stileid.u32;
	s4 =	smul.u32 $0x28000, s5  }
0x7: {  	s20 =	simm.s32 $0x2;
	s21 =	simm.s32 $0x3;
	s6 =	smul.u32 $0x2800, s0  }
0x8: {  	s22 =	simm.s32 $0x0;
	[smem:$0x7FF] =	sst s3;
	s9 =	smul.u32 $0x14000, s0  }
0x9: {  	s8 =	smul.u32 $0x140000, s5;
	_ =	strace $0x8000004A;
	s31 =	ssub.s32 $0x2, s5  }
0xa: {  	s5 =	sadd.s32 $0x3BA00, s7;
	s13 =	sshll.u32 s0, $0x6;
	s12 =	sshrl.u32 s31, $0x1  }
0xb: {  	s13 =	sor.u32 $0x1C04, s13;
	s6 =	sadd.s32 s6, s4;
	s4 =	sadd.s32 $0x14800, s7  }
0xc: {  	s30 =	sadd.s32 s9, s8;
	s12 =	ssub.s32 s31, s12;
	s14 =	sadd.s32 s9, s2  }
0xd: {  	s6 =	sshrl.u32 s6, $0x3;
	s11 =	sshrl.u32 s30, $0x3;
	s14 =	sshrl.u32 s14, $0x3  }
0xe: {  	s10 =	sadd.s32 s6, s7;
	s6 =	sadd.s32 $0x12000, s7;
	s11 =	sadd.s32 s11, s7  }
0xf: {  	s7 =	sadd.s32 $0x73800, s10;
	s8 =	sadd.s32 $0x8000, s10;
	s9 =	sadd.s32 $0x7D800, s11  }
0x10: {  	s10 =	smax.u32 s12, $0x1;
	s11 =	simm.s32 $0x4;
	s12 =	simm.s32 $0x2800  }
.LBB2_1:
0x11: {  	[tilespmem:s3], [sflag:$0x4] =	stream.linear.gather [hbm4b:s7+s3], $0x2800, $0x38;
	[tilespmem:$0x1E000] =	vst v63  }
0x12: {  	_ =	swait.ge [sflag:s11], $0x2800  }
0x13: {  	[sflag:s11] =	ssyncset.done $0x0  }
0x14: {  	[sflag:s11] =	ssyncadd.s32 $0xFFFFD800  }
0x15: {  	[tilespmem:s12], [sflag:$0x4] =	stream.linear.gather [hbm4b:s8+s3], $0x2800, $0x38;
	[tilespmem:$0x1E000] =	vst v63  }
0x16: {  	_ =	swait.ge [sflag:s11], $0x2800  }
0x17: {  	[sflag:s11] =	ssyncset.done $0x0  }
0x18: {  	[sflag:s11] =	ssyncadd.s32 $0xFFFFD800  }
0x19: {  	[spmem:s14], [sflag:s13] =	dma.local [hbm:s6], $0x2800  }
0x1a: {  	_ =	swait.ge [sflag:s11], $0x2800  }
0x1b: {  	[sflag:s11] =	ssyncset.done $0x0  }
0x1c: {  	[sflag:s11] =	ssyncadd.s32 $0xFFFFD800  }
0x1d: {  	s23 =	simm.s32 $0x0;
	[bflag:$0x0] =	sbarrier.arrive $0xFFFF  }
.LBB2_2:
0x1e: {  	s24 =	sshll.u32 s23, $0x7  }
0x1f: {  	[tilespmem:s16], [sflag:$0x1] =	stream.indirect.gather [hbm4b:s4+s15], $0x80, s24, s15, $0xb8;
	[tilespmem:$0x1E000] =	vst v63  }
0x20: {  	_ = 	snop  }
0x21: {  	[tilespmem:s17], [sflag:$0x2] =	stream.indirect.gather [hbm4b:s5+s15], $0x10, s24, s15, $0xb8;
	[tilespmem:$0x1E000] =	vst v63  }
0x22: {  	s24 =	sadd.s32 $0x2800, s24  }
0x23: {  	[tilespmem:s18], [sflag:$0x3] =	stream.indirect.gather [hbm4b:s5+s15], $0x10, s24, s15, $0xb8;
	[tilespmem:$0x1E000] =	vst v63  }
0x24: {  	_ =	swait.ge [sflag:s19], $0x4000  }
0x25: {  	[sflag:s19] =	ssyncset.done $0x0  }
0x26: {  	[sflag:s19] =	ssyncadd.s32 $0xFFFFC000  }
0x27: {  	_ =	swait.ge [sflag:s20], $0x800  }
0x28: {  	[sflag:s20] =	ssyncset.done $0x0  }
0x29: {  	[sflag:s20] =	ssyncadd.s32 $0xFFFFF800  }
0x2a: {  	_ =	swait.ge [sflag:s21], $0x800  }
0x2b: {  	[sflag:s21] =	ssyncset.done $0x0  }
0x2c: {  	s25 =	simm.s32 $0x6040;
	[sflag:s21] =	ssyncadd.s32 $0xFFFFF800  }
0x2d: {  	s26 =	simm.s32 $0x0;
	v0 =	vld [tilespmem:s25+$0xFFFFFFF0]  }
0x2e: {  	v1 =	vld [tilespmem:s26+$0x5000]  }
0x2f: {  	v4 =	vld [tilespmem:s26+$0x5800]  }
0x30: {  	v8 =	vld [tilespmem:s25+$0x30]  }
0x31: {  	v7 =	vld [tilespmem:s25+$0xFFFFFFC0]  }
0x32: {  	v2 =	vld [tilespmem:s25+$0x10]  }
0x33: {  	v6 =	vld [tilespmem:s25+$0xFFFFFFE0]  }
0x34: {  	v3 =	vld [tilespmem:s25+$0x20]  }
0x35: {  	v1 =	vmul.f32 v4, v1;
	v4 =	vld [tilespmem:s25+$0xFFFFFFD0]  }
0x36: {  	v5 =	vld [tilespmem:s25+$0x0]  }
0x37: {  	s28 =	simm.s32 $0x40;
	s26 =	simm.s32 $0x6040;
	v7 =	vmul.f32 v1, v7;
	v8 =	vmul.f32 v8, v1  }
.LBB2_3:
0x38: {  	p0 =	sne.s32 s28, $0x1FC0  }
0x39: {  	v6 =	vmul.f32 v6, v1;
	v2 =	vmul.f32 v2, v1;
	s25 =	sadd.s32 $0x80, s25;
	s29 =	smov.u32 s28;
	s28 =	sadd.s32 $0x40, s28  }
0x3a: {  	v3 =	vmul.f32 v3, v1;
	v4 =	vmul.f32 v4, v1;
	[tilespmem:s26+$0x30] =	vst v8  }
0x3b: {  	v0 =	vmul.f32 v0, v1;
	[tilespmem:s26+$0xFFFFFFC0] =	vst v7;
	v1 =	vmul.f32 v5, v1  }
0x3c: {  	[tilespmem:s26+$0x10] =	vst v2  }
0x3d: {  	[tilespmem:s26+$0xFFFFFFE0] =	vst v6  }
0x3e: {  	[tilespmem:s26+$0xFFFFFFF0] =	vst v0  }
0x3f: {  	v0 =	vld [tilespmem:s25+$0xFFFFFFF0];
	[tilespmem:s26+$0x0] =	vst v1  }
0x40: {  	v8 =	vld [tilespmem:s25+$0x30];
	[tilespmem:s26+$0x20] =	vst v3  }
0x41: {  	s29 =	sshra.s32 s29, $0x2;
	v2 =	vld [tilespmem:s25+$0x10];
	[tilespmem:s26+$0xFFFFFFD0] =	vst v4;
	s26 =	smov.u32 s25  }
0x42: {  	v1 =	vld [tilespmem:s29+$0x5000]  }
0x43: {  	v5 =	vld [tilespmem:s29+$0x5800]  }
0x44: {  	v7 =	vld [tilespmem:s25+$0xFFFFFFC0]  }
0x45: {  	v6 =	vld [tilespmem:s25+$0xFFFFFFE0]  }
.Ltmp0:
0x46: {  	v3 =	vld [tilespmem:s25+$0x20];
	(pc) =	sbr.rel @p0 .LBB2_3-.Ltmp0, $3  }
0x47: {  	v4 =	vld [tilespmem:s25+$0xFFFFFFD0]  }
0x48: {  	v1 =	vmul.f32 v5, v1;
	v5 =	vld [tilespmem:s25+$0x0];
	_ =	sdelay $0x1  }
0x49: {  	v7 =	vmul.f32 v1, v7;
	v8 =	vmul.f32 v8, v1  }
0x4a: {  	_ = 	snop  }
0x4b: {  	v2 =	vmul.f32 v2, v1;
	[tilespmem:s26+$0x30] =	vst v8  }
0x4c: {  	v6 =	vmul.f32 v6, v1;
	[tilespmem:s26+$0xFFFFFFC0] =	vst v7  }
0x4d: {  	v0 =	vmul.f32 v0, v1;
	[tilespmem:s26+$0x10] =	vst v2  }
0x4e: {  	v3 =	vmul.f32 v3, v1;
	[tilespmem:s26+$0xFFFFFFE0] =	vst v6  }
0x4f: {  	v63 =	vmul.f32 v4, v1;
	[tilespmem:s26+$0xFFFFFFF0] =	vst v0  }
0x50: {  	s23 =	sadd.s32 $0x1, s23;
	v62 =	vmul.f32 v5, v1;
	[tilespmem:s26+$0x20] =	vst v3  }
0x51: {  	p0 =	sne.s32 s23, $0x50;
	[tilespmem:s26+$0xFFFFFFD0] =	vst v63  }
.Ltmp1:
0x52: {  	[tilespmem:s26+$0x0] =	vst v62;
	(pc) =	sbr.rel @p0 .LBB2_2-.Ltmp1, $4  }
0x53: {  	[spmem:s2] =	stream.indirect.scatter.add.f32 [tilespmem:s16], [sflag:$0x4], $0x80, s24, s15, $0xb8;
	[tilespmem:$0x1E000] =	vst v63  }
0x54: {  	_ =	swait.ge [sflag:s11], $0x4000  }
0x55: {  	[sflag:s11] =	ssyncset.done $0x0  }
0x56: {  	[sflag:s11] =	ssyncadd.s32 $0xFFFFC000  }
0x57: {  	s22 =	sadd.s32 $0x1, s22  }
0x58: {  	p0 =	sne.s32 s22, s10  }
.Ltmp2:
0x59: {  	[bflag:$0x0] =	sbarrier.arrive $0xFFFF;
	(pc) =	sbr.rel @p0 .LBB2_1-.Ltmp2, $4  }
0x5a: {  	[hbm:s9], [sflag:s13] =	dma.local [spmem:s14], $0x2800  }
0x5b: {  	_ =	swait.ge [sflag:s11], $0x2800  }
0x5c: {  	[sflag:s11] =	ssyncset.done $0x0  }
0x5d: {  	[sflag:s11] =	ssyncadd.s32 $0xFFFFD800  }
0x5e: {  	_ =	sfence.sel $0x180000  }
0x5f: {  	[bflag:$0x0] =	sbarrier.arrive $0xFFFF  }
0x60: {  	p0 =	sne.s32 s0, $0x0;
	_ =	strace $0x9000004A  }
0x61: {  	s0 =	sadd.s32 @!p0 $0x100000, s1;
	[bflag:$0x2] =	sbarrier.arrive $0xFFFF  }
0x62: {  	[sflag:s0] =	ssyncadd.tile.s32 @!p0 $0x1;
	_ =	shalt  }
.Lfunc_end2:
_tile_overlayer_lowered:
.L_overlay_start_2:
0x63: {  	(tag) =	ssettag $0x2  }
0x64: {  	s0 =	rddreg [dreg:$0x0];
	s2 =	stileid.u32  }
0x65: {  	s1 =	rddreg [dreg:$0x1];
	p0 =	sne.s32 s2, $0x0  }
0x66: {  	s3 =	rddreg [dreg:$0x2];
	[bflag:$0x3] =	sbarrier.arrive $0xFFFF;
	s2 =	simm.s32 @!p0 $0x1C04  }
0x67: {  	[timem:s3], [sflag:s2] =	dma.local @!p0 [hbm:s0], s1  }
0x68: {  	s0 =	simm.s32 @!p0 $0x4  }
0x69: {  	_ =	swait.ge @!p0 [sflag:s0], s1  }
0x6a: {  	s1 =	ssub.s32 @!p0 $0x0, s1;
	[sflag:s0] =	ssyncset.done @!p0 $0x0  }
0x6b: {  	[sflag:s0] =	ssyncadd.s32 @!p0 s1  }
0x6c: {  	[bflag:$0x3] =	sbarrier.arrive $0xFFFF  }
0x6d: {  	_ =	shalt  }

// kernel: kernel.22.cloned.1.call-start
scs
__scs_entry_jumppad:
0x0: {  	(pc) =	sbr.rel $0x88, $3  }
0x1: {  	(tag) =	ssettag $0x0;
	lr =	simm.s32 $0x1  }
0x2: {  	[smem:$0x3F80] =	sst lr;
	_ =	strace $0xD0000000  }
0x3: {  	_ = 	snop  }
0x4: {  	_ = 	snop  }
0x5: {  	_ = 	snop  }
0x6: {  	_ = 	snop  }
0x7: {  	_ = 	snop  }
__scs_overlays_trampoline_lowered:
0x8: {  	[smem:$0x3F8F] =	sst s0  }
0x9: {  	[smem:$0x3F90] =	sst s1  }
0xa: {  	[smem:$0x3F91] =	sst s2  }
0xb: {  	[smem:$0x3F92] =	sst s3  }
0xc: {  	[smem:$0x3F93] =	sst s4  }
0xd: {  	[smem:$0x3F94] =	sst s5  }
0xe: {  	[smem:$0x3F95] =	sst s6  }
0xf: {  	[smem:$0x3F96] =	sst s7  }
0x10: {  	[smem:$0x3F97] =	sst s8  }
0x11: {  	[smem:$0x3F98] =	sst s9;
	s0 =	simm.s32 @!p0 $0x0  }
0x12: {  	s1 =	sld [smem:$0x3F7E];
	s0 =	simm.s32 @p0 $0x1  }
0x13: {  	[smem:$0x3F99] =	sst s0;
	s0 =	simm.s32 @!p1 $0x0  }
0x14: {  	s2 =	sld [smem:$0x3F7D];
	s0 =	simm.s32 @p1 $0x1  }
0x15: {  	[smem:$0x3F9A] =	sst s0;
	s0 =	simm.s32 @!p2 $0x0  }
0x16: {  	s3 =	sld [smem:$0x3FDB];
	s0 =	simm.s32 @p2 $0x1  }
0x17: {  	s4 =	simm.s32 $0x1BF5;
	[smem:$0x3F9C] =	sst s0  }
0x18: {  	s0 =	sld [smem:$0x3F7F];
	_ =	swait.ge [sflag:s4], $0x0  }
0x19: {  	s7 =	sld [smem:$0x3F80]  }
0x1a: {  	s8 =	sadd.s32 $0xFFFFE003, lr  }
0x1b: {  	s9 =	sadd.s32 $0xFFFFFEF7, lr;
	s5 =	simm.s32 $0xFFFFFFFF;
	p2 =	slt.u32 s8, $0xFFFFF086  }
0x1c: {  	p1 =	slt.u32 s9, $0xF7A;
	s5 =	simm.s32 @!p2 $0x0  }
0x1d: {  	s5 =	simm.s32 @p1 $0x1;
	p0 =	seq.s32 s7, s2  }
0x1e: {  	s7 =	smul.u32 @!p0 $0xF7A, s2;
	p2 =	seq.s32 @!p0 s5, $0x0  }
0x1f: {  	s9 =	smul.u32 $0xF7A, s1;
	s8 =	simm.s32 @!p0 $0x1BF5;
	p2 =	por !p2, p0  }
0x20: {  	[sflag:s8] =	ssyncset.s32 @!p0 $0xFFFFF086;
	s6 =	sadd.s32 @!p0 s3, s7;
	s7 =	simm.s32 @!p0 $0x108  }
0x21: {  	s3 =	sadd.s32 s3, s9;
	s6 =	sadd.s32 @!p0 $0x88, s6;
	s7 =	simm.s32 @p2 $0x1082  }
0x22: {  	[simem:s7], [sflag:s8] =	dma.local @!p0 [hbm:s6], $0xF7A  }
0x23: {  	s9 =	sor.u32 $0xD0000000, s2;
	s6 =	simm.s32 $0x108;
	_ =	swait.ge @!p0 [sflag:s8], $0x0  }
0x24: {  	s3 =	sadd.s32 $0x88, s3;
	s6 =	simm.s32 @!p1 $0x1082;
	[sflag:s4] =	ssyncset.s32 $0xFFFFF086  }
0x25: {  	[simem:s6], [sflag:s4] =	dma.local [hbm:s3], $0xF7A  }
0x26: {  	[smem:$0x3F80] =	sst s1;
	(tag) =	ssettag s2;
	_ =	strace s9  }
0x27: {  	s1 =	sld [smem:$0x3F90]  }
0x28: {  	s2 =	sld [smem:$0x3F91]  }
0x29: {  	s4 =	sld [smem:$0x3F93]  }
0x2a: {  	p0 =	seq.s32 s5, $0x0;
	s5 =	sld [smem:$0x3F94]  }
0x2b: {  	s6 =	sld [smem:$0x3F95]  }
0x2c: {  	s7 =	sld [smem:$0x3F96]  }
0x2d: {  	s3 =	simm.s32 $0x108;
	s8 =	sld [smem:$0x3F97]  }
0x2e: {  	s3 =	simm.s32 @!p0 $0x1082;
	s9 =	sld [smem:$0x3F98]  }
0x2f: {  	lr =	sadd.s32 s0, s3;
	s0 =	sld [smem:$0x3F8F]  }
0x30: {  	s3 =	sld [smem:$0x3F92]  }
0x31: {  	[smem:$0x3F9B] =	sst s10  }
0x32: {  	s10 =	sld [smem:$0x3F99];
	_ =	sdelay $0x3  }
0x33: {  	p0 =	seq.s32 s10, $0x1;
	s10 =	sld [smem:$0x3F9B];
	_ =	sdelay $0x3  }
0x34: {  	[smem:$0x3F9B] =	sst s10  }
0x35: {  	s10 =	sld [smem:$0x3F9A];
	_ =	sdelay $0x3  }
0x36: {  	p1 =	seq.s32 s10, $0x1;
	s10 =	sld [smem:$0x3F9B];
	_ =	sdelay $0x3  }
0x37: {  	[smem:$0x3F9B] =	sst s10  }
0x38: {  	s10 =	sld [smem:$0x3F9C]  }
0x39: {  	_ = 	snop;
	(pc) =	sbr.ind lr, $3  }
0x3a: {  	_ = 	snop  }
0x3b: {  	_ = 	snop  }
0x3c: {  	p2 =	seq.s32 s10, $0x1;
	s10 =	sld [smem:$0x3F9B]  }
0x3d: {  	_ =	shalt  }
0x3e: {  	_ =	shalt  }
0x3f: {  	_ =	shalt  }
0x40: {  	_ =	shalt  }
0x41: {  	_ =	shalt  }
0x42: {  	_ =	shalt  }
0x43: {  	_ =	shalt  }
0x44: {  	_ =	shalt  }
0x45: {  	_ =	shalt  }
0x46: {  	_ =	shalt  }
0x47: {  	_ =	shalt  }
0x48: {  	_ =	shalt  }
0x49: {  	_ =	shalt  }
0x4a: {  	_ =	shalt  }
0x4b: {  	_ =	shalt  }
0x4c: {  	_ =	shalt  }
0x4d: {  	_ =	shalt  }
0x4e: {  	_ =	shalt  }
0x4f: {  	_ =	shalt  }
0x50: {  	_ =	shalt  }
0x51: {  	_ =	shalt  }
0x52: {  	_ =	shalt  }
0x53: {  	_ =	shalt  }
0x54: {  	_ =	shalt  }
0x55: {  	_ =	shalt  }
0x56: {  	_ =	shalt  }
0x57: {  	_ =	shalt  }
0x58: {  	_ =	shalt  }
0x59: {  	_ =	shalt  }
0x5a: {  	_ =	shalt  }
0x5b: {  	_ =	shalt  }
0x5c: {  	_ =	shalt  }
0x5d: {  	_ =	shalt  }
0x5e: {  	_ =	shalt  }
0x5f: {  	_ =	shalt  }
0x60: {  	_ =	shalt  }
0x61: {  	_ =	shalt  }
0x62: {  	_ =	shalt  }
0x63: {  	_ =	shalt  }
0x64: {  	_ =	shalt  }
0x65: {  	_ =	shalt  }
0x66: {  	_ =	shalt  }
0x67: {  	_ =	shalt  }
0x68: {  	_ =	shalt  }
0x69: {  	_ =	shalt  }
0x6a: {  	_ =	shalt  }
0x6b: {  	_ =	shalt  }
0x6c: {  	_ =	shalt  }
0x6d: {  	_ =	shalt  }
0x6e: {  	_ =	shalt  }
0x6f: {  	_ =	shalt  }
0x70: {  	_ =	shalt  }
0x71: {  	_ =	shalt  }
0x72: {  	_ =	shalt  }
0x73: {  	_ =	shalt  }
0x74: {  	_ =	shalt  }
0x75: {  	_ =	shalt  }
0x76: {  	_ =	shalt  }
0x77: {  	_ =	shalt  }
0x78: {  	_ =	shalt  }
0x79: {  	_ =	shalt  }
0x7a: {  	_ =	shalt  }
0x7b: {  	_ =	shalt  }
0x7c: {  	_ =	shalt  }
0x7d: {  	_ =	shalt  }
0x7e: {  	_ =	shalt  }
0x7f: {  	_ =	shalt  }
0x80: {  	_ =	shalt  }
0x81: {  	_ =	shalt  }
0x82: {  	_ =	shalt  }
0x83: {  	_ =	shalt  }
0x84: {  	_ =	shalt  }
0x85: {  	_ =	shalt  }
0x86: {  	_ =	shalt  }
0x87: {  	_ =	shalt  }
.Lfunc_end0:
.L_simem_size_0:
called_computation.2_lowered:
.L_overlay_start_0:
0x88: {  	s2 =	sld [smem:$0x3FD9]  }
0x89: {  	s3 =	sld [smem:$0x3FFE];
	_ =	sdelay $0x1  }
0x8a: {  	s1 =	srdreg.scid  }
0x8b: {  	s0 =	sand.u32 $0x1, s1  }
0x8c: {  	s16 =	sshll.u32 s0, $0xA;
	s2 =	sadd.s32 s3, s2  }
0x8d: {  	s2 =	sadd.s32 s2, s16  }
0x8e: {  	[smem:$0x3FA7] =	sst s2  }
0x8f: {  	_ = 	snop  }
0x90: {  	(tm) =	ssettm $0x1  }
0x91: {  	s17 =	sld [smem:$0x3FFB];
	_ =	sdelay $0x3  }
0x92: {  	_ =	strace s17  }
0x93: {  	s2 =	sld [smem:$0x3FFC];
	_ =	sdelay $0x3  }
0x94: {  	_ =	strace s2  }
0x95: {  	s2 =	sld [smem:$0x3FFD];
	_ =	sdelay $0x3  }
0x96: {  	_ =	strace s2  }
0x97: {  	_ =	strace $0x8FFFFFFF  }
0x98: {  	s18 =	sld [smem:$0x3FDB];
	_ =	sdelay $0x1  }
0x99: {  	s19 =	simm.s32 $_scs_section_size  }
0x9a: {  	s4 =	simm.s32 $_size__tile_overlayer_lowered;
	s5 =	simm.s32 $_tile_overlayer_lowered  }
0x9b: {  	s22 =	simm.s32 $0x1BFF;
	s21 =	sshll.u32 s5, $0x1;
	s2 =	sadd.s32 s19, s18  }
0x9c: {  	s6 =	simm.s32 $0x0;
	s20 =	sshll.u32 s4, $0x1;
	s4 =	sadd.s32 s21, s2  }
0x9d: {  	[timem:s6], [sflag:s22] =	dma.local [hbm:s4], s20  }
0x9e: {  	_ =	swait.ge [sflag:s22], s20  }
0x9f: {  	s3 =	ssub.s32 $0x0, s20;
	[sflag:s22] =	ssyncset.done $0x0  }
0xa0: {  	[sflag:s22] =	ssyncadd.s32 s3;
	_ =	sdelay $0x1  }
0xa1: {  	s23 =	simm.s32 $0x1B8B  }
0xa2: {  	_ =	swait.ge [sflag:s23], $0x1  }
0xa3: {  	[sflag:s23] =	ssyncset.done $0x0  }
0xa4: {  	s25 =	simm.s32 $0x1B8E;
	s24 =	sld [smem:$0x3FFE];
	[sflag:s23] =	ssyncadd.s32 $0xFFFFFFFF  }
0xa5: {  	s26 =	simm.s32 $execute0_lowered;
	[smem:$0x3FD2] =	sst s25  }
0xa6: {  	s4 =	sshll.u32 s26, $0x1;
	_ =	strace $0x8000004C;
	[dreg:$0x1] =	wrdreg $0xFFFFFFFF  }
0xa7: {  	s28 =	simm.s32 $_size_execute0_lowered;
	s2 =	sadd.s32 s2, s4;
	[dreg:$0x0] =	wrdreg $0x0  }
0xa8: {  	s4 =	sshll.u32 s28, $0x1;
	[dreg:$0x2] =	wrdreg s2  }
0xa9: {  	[dreg:$0x3] =	wrdreg s4  }
0xaa: {  	[dreg:$0x4] =	wrdreg $0xC0  }
0xab: {  	_ =	task [dreg:s6], $0x5FFFF  }
0xac: {  	[dreg:$0x1] =	wrdreg $0xFFFFFFFF  }
0xad: {  	[dreg:$0x0] =	wrdreg $0x60  }
0xae: {  	[dreg:$0x2] =	wrdreg s24  }
0xaf: {  	[dreg:$0x3] =	wrdreg $0xA0000  }
0xb0: {  	[dreg:$0x4] =	wrdreg $0x9  }
0xb1: {  	_ =	task.clear_ibuf [dreg:s6], $0x5FFFF;
	_ =	strace $0x9000004C  }
0xb2: {  	s29 =	simm.s32 $0x9;
	_ =	strace $0x8000004E  }
0xb3: {  	_ =	swait.ge [sflag:s29], $0x1  }
0xb4: {  	[sflag:s29] =	ssyncadd.s32 $0xFFFFFFFF  }
0xb5: {  	_ =	strace $0x9000004E  }
0xb6: {  	_ =	sfence  }
0xb7: {  	s30 =	sld [smem:$0x0];
	_ =	sdelay $0x2  }
0xb8: {  	s31 =	sshll.u32 s1, $0xD;
	s1 =	sshrl.u32 s1, $0x2  }
0xb9: {  	s3 =	sand.u32 $0x4000, s31;
	s1 =	sadd.s32 s1, s30  }
0xba: {  	s0 =	sor.u32 s3, s0;
	s1 =	sshll.u32 s1, $0x11  }
0xbb: {  	s0 =	sor.u32 s1, s0  }
0xbc: {  	s0 =	sadd.s32 $0x8F2B, s0  }
0xbd: {  	[sflag:s0] =	ssyncadd.remote.s32 $0x1  }
0xbe: {  	_ =	sfence.sel $0xFFFF  }
0xbf: {  	[dreg:$0x0] =	wrdreg $0xFFFFFFFF;
	(pc) =	sbr.abs _section_cstart, $3  }
0xc0: {  	[dreg:$0x1] =	wrdreg $0xFFFFFFFF  }
0xc1: {  	_ =	task.clear_ibuf [dreg:s6], $0x2FFFF;
	_ =	strace $0x9FFFFFFF  }
0xc2: {  	(tm) =	ssettm $0x7FFFFFFF  }
0xc3: {  	_ =	shalt  }
tec
execute0_lowered:
.L_overlay_start_1:
0x0: {  	(tag) =	ssettag $0x1  }
0x1: {  	s7 =	rddreg [dreg:$0x0]  }
0x2: {  	s2 =	rddreg [dreg:$0x1]  }
0x3: {  	s0 =	srdreg.scid;
	s1 =	rddreg [dreg:$0x2]  }
0x4: {  	s3 =	simm.s32 $0x0;
	s15 =	simm.s32 $0x80;
	s16 =	simm.s32 $0x6000  }
0x5: {  	s17 =	simm.s32 $0x5000;
	s18 =	simm.s32 $0x5800;
	s5 =	sand.u32 $0x1, s0  }
0x6: {  	s19 =	simm.s32 $0x1;
	s0 =	stileid.u32;
	s4 =	smul.u32 $0x28000, s5  }
0x7: {  	s20 =	simm.s32 $0x2;
	s21 =	simm.s32 $0x3;
	s6 =	smul.u32 $0x2800, s0  }
0x8: {  	s22 =	simm.s32 $0x0;
	[smem:$0x7FF] =	sst s3;
	s9 =	smul.u32 $0x14000, s0  }
0x9: {  	s8 =	smul.u32 $0x140000, s5;
	_ =	strace $0x8000004D;
	s31 =	ssub.s32 $0x2, s5  }
0xa: {  	s5 =	sadd.s32 $0x3BA00, s7;
	s13 =	sshll.u32 s0, $0x6;
	s12 =	sshrl.u32 s31, $0x1  }
0xb: {  	s13 =	sor.u32 $0x1C04, s13;
	s6 =	sadd.s32 s6, s4;
	s4 =	sadd.s32 $0x14800, s7  }
0xc: {  	s30 =	sadd.s32 s9, s8;
	s12 =	ssub.s32 s31, s12;
	s14 =	sadd.s32 s9, s2  }
0xd: {  	s6 =	sshrl.u32 s6, $0x3;
	s11 =	sshrl.u32 s30, $0x3;
	s14 =	sshrl.u32 s14, $0x3  }
0xe: {  	s10 =	sadd.s32 s6, s7;
	s6 =	sadd.s32 $0x12000, s7;
	s11 =	sadd.s32 s11, s7  }
0xf: {  	s7 =	sadd.s32 $0x73800, s10;
	s8 =	sadd.s32 $0x8000, s10;
	s9 =	sadd.s32 $0x7D800, s11  }
0x10: {  	s10 =	smax.u32 s12, $0x1;
	s11 =	simm.s32 $0x4;
	s12 =	simm.s32 $0x2800  }
.LBB2_1:
0x11: {  	[tilespmem:s3], [sflag:$0x4] =	stream.linear.gather [hbm4b:s7+s3], $0x2800, $0x38;
	[tilespmem:$0x1E000] =	vst v63  }
0x12: {  	_ =	swait.ge [sflag:s11], $0x2800  }
0x13: {  	[sflag:s11] =	ssyncset.done $0x0  }
0x14: {  	[sflag:s11] =	ssyncadd.s32 $0xFFFFD800  }
0x15: {  	[tilespmem:s12], [sflag:$0x4] =	stream.linear.gather [hbm4b:s8+s3], $0x2800, $0x38;
	[tilespmem:$0x1E000] =	vst v63  }
0x16: {  	_ =	swait.ge [sflag:s11], $0x2800  }
0x17: {  	[sflag:s11] =	ssyncset.done $0x0  }
0x18: {  	[sflag:s11] =	ssyncadd.s32 $0xFFFFD800  }
0x19: {  	[spmem:s14], [sflag:s13] =	dma.local [hbm:s6], $0x2800  }
0x1a: {  	_ =	swait.ge [sflag:s11], $0x2800  }
0x1b: {  	[sflag:s11] =	ssyncset.done $0x0  }
0x1c: {  	[sflag:s11] =	ssyncadd.s32 $0xFFFFD800  }
0x1d: {  	s23 =	simm.s32 $0x0;
	[bflag:$0x0] =	sbarrier.arrive $0xFFFF  }
.LBB2_2:
0x1e: {  	s24 =	sshll.u32 s23, $0x7  }
0x1f: {  	[tilespmem:s16], [sflag:$0x1] =	stream.indirect.gather [hbm4b:s4+s15], $0x80, s24, s15, $0xb8;
	[tilespmem:$0x1E000] =	vst v63  }
0x20: {  	_ = 	snop  }
0x21: {  	[tilespmem:s17], [sflag:$0x2] =	stream.indirect.gather [hbm4b:s5+s15], $0x10, s24, s15, $0xb8;
	[tilespmem:$0x1E000] =	vst v63  }
0x22: {  	s24 =	sadd.s32 $0x2800, s24  }
0x23: {  	[tilespmem:s18], [sflag:$0x3] =	stream.indirect.gather [hbm4b:s5+s15], $0x10, s24, s15, $0xb8;
	[tilespmem:$0x1E000] =	vst v63  }
0x24: {  	_ =	swait.ge [sflag:s19], $0x4000  }
0x25: {  	[sflag:s19] =	ssyncset.done $0x0  }
0x26: {  	[sflag:s19] =	ssyncadd.s32 $0xFFFFC000  }
0x27: {  	_ =	swait.ge [sflag:s20], $0x800  }
0x28: {  	[sflag:s20] =	ssyncset.done $0x0  }
0x29: {  	[sflag:s20] =	ssyncadd.s32 $0xFFFFF800  }
0x2a: {  	_ =	swait.ge [sflag:s21], $0x800  }
0x2b: {  	[sflag:s21] =	ssyncset.done $0x0  }
0x2c: {  	s25 =	simm.s32 $0x6040;
	[sflag:s21] =	ssyncadd.s32 $0xFFFFF800  }
0x2d: {  	s26 =	simm.s32 $0x0;
	v0 =	vld [tilespmem:s25+$0xFFFFFFF0]  }
0x2e: {  	v1 =	vld [tilespmem:s26+$0x5000]  }
0x2f: {  	v4 =	vld [tilespmem:s26+$0x5800]  }
0x30: {  	v8 =	vld [tilespmem:s25+$0x30]  }
0x31: {  	v7 =	vld [tilespmem:s25+$0xFFFFFFC0]  }
0x32: {  	v2 =	vld [tilespmem:s25+$0x10]  }
0x33: {  	v6 =	vld [tilespmem:s25+$0xFFFFFFE0]  }
0x34: {  	v3 =	vld [tilespmem:s25+$0x20]  }
0x35: {  	v1 =	vmul.f32 v4, v1;
	v4 =	vld [tilespmem:s25+$0xFFFFFFD0]  }
0x36: {  	v5 =	vld [tilespmem:s25+$0x0]  }
0x37: {  	s28 =	simm.s32 $0x40;
	s26 =	simm.s32 $0x6040;
	v7 =	vmul.f32 v1, v7;
	v8 =	vmul.f32 v8, v1  }
.LBB2_3:
0x38: {  	p0 =	sne.s32 s28, $0x1FC0  }
0x39: {  	v6 =	vmul.f32 v6, v1;
	v2 =	vmul.f32 v2, v1;
	s25 =	sadd.s32 $0x80, s25;
	s29 =	smov.u32 s28;
	s28 =	sadd.s32 $0x40, s28  }
0x3a: {  	v3 =	vmul.f32 v3, v1;
	v4 =	vmul.f32 v4, v1;
	[tilespmem:s26+$0x30] =	vst v8  }
0x3b: {  	v0 =	vmul.f32 v0, v1;
	[tilespmem:s26+$0xFFFFFFC0] =	vst v7;
	v1 =	vmul.f32 v5, v1  }
0x3c: {  	[tilespmem:s26+$0x10] =	vst v2  }
0x3d: {  	[tilespmem:s26+$0xFFFFFFE0] =	vst v6  }
0x3e: {  	[tilespmem:s26+$0xFFFFFFF0] =	vst v0  }
0x3f: {  	v0 =	vld [tilespmem:s25+$0xFFFFFFF0];
	[tilespmem:s26+$0x0] =	vst v1  }
0x40: {  	v8 =	vld [tilespmem:s25+$0x30];
	[tilespmem:s26+$0x20] =	vst v3  }
0x41: {  	s29 =	sshra.s32 s29, $0x2;
	v2 =	vld [tilespmem:s25+$0x10];
	[tilespmem:s26+$0xFFFFFFD0] =	vst v4;
	s26 =	smov.u32 s25  }
0x42: {  	v1 =	vld [tilespmem:s29+$0x5000]  }
0x43: {  	v5 =	vld [tilespmem:s29+$0x5800]  }
0x44: {  	v7 =	vld [tilespmem:s25+$0xFFFFFFC0]  }
0x45: {  	v6 =	vld [tilespmem:s25+$0xFFFFFFE0]  }
.Ltmp0:
0x46: {  	v3 =	vld [tilespmem:s25+$0x20];
	(pc) =	sbr.rel @p0 .LBB2_3-.Ltmp0, $3  }
0x47: {  	v4 =	vld [tilespmem:s25+$0xFFFFFFD0]  }
0x48: {  	v1 =	vmul.f32 v5, v1;
	v5 =	vld [tilespmem:s25+$0x0];
	_ =	sdelay $0x1  }
0x49: {  	v7 =	vmul.f32 v1, v7;
	v8 =	vmul.f32 v8, v1  }
0x4a: {  	_ = 	snop  }
0x4b: {  	v2 =	vmul.f32 v2, v1;
	[tilespmem:s26+$0x30] =	vst v8  }
0x4c: {  	v6 =	vmul.f32 v6, v1;
	[tilespmem:s26+$0xFFFFFFC0] =	vst v7  }
0x4d: {  	v0 =	vmul.f32 v0, v1;
	[tilespmem:s26+$0x10] =	vst v2  }
0x4e: {  	v3 =	vmul.f32 v3, v1;
	[tilespmem:s26+$0xFFFFFFE0] =	vst v6  }
0x4f: {  	v63 =	vmul.f32 v4, v1;
	[tilespmem:s26+$0xFFFFFFF0] =	vst v0  }
0x50: {  	s23 =	sadd.s32 $0x1, s23;
	v62 =	vmul.f32 v5, v1;
	[tilespmem:s26+$0x20] =	vst v3  }
0x51: {  	p0 =	sne.s32 s23, $0x50;
	[tilespmem:s26+$0xFFFFFFD0] =	vst v63  }
.Ltmp1:
0x52: {  	[tilespmem:s26+$0x0] =	vst v62;
	(pc) =	sbr.rel @p0 .LBB2_2-.Ltmp1, $4  }
0x53: {  	[spmem:s2] =	stream.indirect.scatter.add.f32 [tilespmem:s16], [sflag:$0x4], $0x80, s24, s15, $0xb8;
	[tilespmem:$0x1E000] =	vst v63  }
0x54: {  	_ =	swait.ge [sflag:s11], $0x4000  }
0x55: {  	[sflag:s11] =	ssyncset.done $0x0  }
0x56: {  	[sflag:s11] =	ssyncadd.s32 $0xFFFFC000  }
0x57: {  	s22 =	sadd.s32 $0x1, s22  }
0x58: {  	p0 =	sne.s32 s22, s10  }
.Ltmp2:
0x59: {  	[bflag:$0x0] =	sbarrier.arrive $0xFFFF;
	(pc) =	sbr.rel @p0 .LBB2_1-.Ltmp2, $4  }
0x5a: {  	[hbm:s9], [sflag:s13] =	dma.local [spmem:s14], $0x2800  }
0x5b: {  	_ =	swait.ge [sflag:s11], $0x2800  }
0x5c: {  	[sflag:s11] =	ssyncset.done $0x0  }
0x5d: {  	[sflag:s11] =	ssyncadd.s32 $0xFFFFD800  }
0x5e: {  	_ =	sfence.sel $0x180000  }
0x5f: {  	[bflag:$0x0] =	sbarrier.arrive $0xFFFF  }
0x60: {  	p0 =	sne.s32 s0, $0x0;
	_ =	strace $0x9000004D  }
0x61: {  	s0 =	sadd.s32 @!p0 $0x100000, s1;
	[bflag:$0x2] =	sbarrier.arrive $0xFFFF  }
0x62: {  	[sflag:s0] =	ssyncadd.tile.s32 @!p0 $0x1;
	_ =	shalt  }
.Lfunc_end2:
_tile_overlayer_lowered:
.L_overlay_start_2:
0x63: {  	(tag) =	ssettag $0x2  }
0x64: {  	s0 =	rddreg [dreg:$0x0];
	s2 =	stileid.u32  }
0x65: {  	s1 =	rddreg [dreg:$0x1];
	p0 =	sne.s32 s2, $0x0  }
0x66: {  	s3 =	rddreg [dreg:$0x2];
	[bflag:$0x3] =	sbarrier.arrive $0xFFFF;
	s2 =	simm.s32 @!p0 $0x1C04  }
0x67: {  	[timem:s3], [sflag:s2] =	dma.local @!p0 [hbm:s0], s1  }
0x68: {  	s0 =	simm.s32 @!p0 $0x4  }
0x69: {  	_ =	swait.ge @!p0 [sflag:s0], s1  }
0x6a: {  	s1 =	ssub.s32 @!p0 $0x0, s1;
	[sflag:s0] =	ssyncset.done @!p0 $0x0  }
0x6b: {  	[sflag:s0] =	ssyncadd.s32 @!p0 s1  }
0x6c: {  	[bflag:$0x3] =	sbarrier.arrive $0xFFFF  }
0x6d: {  	_ =	shalt  }

// kernel: kernel.25.cloned.1.call-start
scs
__scs_entry_jumppad:
0x0: {  	(pc) =	sbr.rel $0x88, $3  }
0x1: {  	(tag) =	ssettag $0x0;
	lr =	simm.s32 $0x1  }
0x2: {  	[smem:$0x3F80] =	sst lr;
	_ =	strace $0xD0000000  }
0x3: {  	_ = 	snop  }
0x4: {  	_ = 	snop  }
0x5: {  	_ = 	snop  }
0x6: {  	_ = 	snop  }
0x7: {  	_ = 	snop  }
__scs_overlays_trampoline_lowered:
0x8: {  	[smem:$0x3F8F] =	sst s0  }
0x9: {  	[smem:$0x3F90] =	sst s1  }
0xa: {  	[smem:$0x3F91] =	sst s2  }
0xb: {  	[smem:$0x3F92] =	sst s3  }
0xc: {  	[smem:$0x3F93] =	sst s4  }
0xd: {  	[smem:$0x3F94] =	sst s5  }
0xe: {  	[smem:$0x3F95] =	sst s6  }
0xf: {  	[smem:$0x3F96] =	sst s7  }
0x10: {  	[smem:$0x3F97] =	sst s8  }
0x11: {  	[smem:$0x3F98] =	sst s9;
	s0 =	simm.s32 @!p0 $0x0  }
0x12: {  	s1 =	sld [smem:$0x3F7E];
	s0 =	simm.s32 @p0 $0x1  }
0x13: {  	[smem:$0x3F99] =	sst s0;
	s0 =	simm.s32 @!p1 $0x0  }
0x14: {  	s2 =	sld [smem:$0x3F7D];
	s0 =	simm.s32 @p1 $0x1  }
0x15: {  	[smem:$0x3F9A] =	sst s0;
	s0 =	simm.s32 @!p2 $0x0  }
0x16: {  	s3 =	sld [smem:$0x3FDB];
	s0 =	simm.s32 @p2 $0x1  }
0x17: {  	s4 =	simm.s32 $0x1BF5;
	[smem:$0x3F9C] =	sst s0  }
0x18: {  	s0 =	sld [smem:$0x3F7F];
	_ =	swait.ge [sflag:s4], $0x0  }
0x19: {  	s7 =	sld [smem:$0x3F80]  }
0x1a: {  	s8 =	sadd.s32 $0xFFFFE003, lr  }
0x1b: {  	s9 =	sadd.s32 $0xFFFFFEF7, lr;
	s5 =	simm.s32 $0xFFFFFFFF;
	p2 =	slt.u32 s8, $0xFFFFF086  }
0x1c: {  	p1 =	slt.u32 s9, $0xF7A;
	s5 =	simm.s32 @!p2 $0x0  }
0x1d: {  	s5 =	simm.s32 @p1 $0x1;
	p0 =	seq.s32 s7, s2  }
0x1e: {  	s7 =	smul.u32 @!p0 $0xF7A, s2;
	p2 =	seq.s32 @!p0 s5, $0x0  }
0x1f: {  	s9 =	smul.u32 $0xF7A, s1;
	s8 =	simm.s32 @!p0 $0x1BF5;
	p2 =	por !p2, p0  }
0x20: {  	[sflag:s8] =	ssyncset.s32 @!p0 $0xFFFFF086;
	s6 =	sadd.s32 @!p0 s3, s7;
	s7 =	simm.s32 @!p0 $0x108  }
0x21: {  	s3 =	sadd.s32 s3, s9;
	s6 =	sadd.s32 @!p0 $0x88, s6;
	s7 =	simm.s32 @p2 $0x1082  }
0x22: {  	[simem:s7], [sflag:s8] =	dma.local @!p0 [hbm:s6], $0xF7A  }
0x23: {  	s9 =	sor.u32 $0xD0000000, s2;
	s6 =	simm.s32 $0x108;
	_ =	swait.ge @!p0 [sflag:s8], $0x0  }
0x24: {  	s3 =	sadd.s32 $0x88, s3;
	s6 =	simm.s32 @!p1 $0x1082;
	[sflag:s4] =	ssyncset.s32 $0xFFFFF086  }
0x25: {  	[simem:s6], [sflag:s4] =	dma.local [hbm:s3], $0xF7A  }
0x26: {  	[smem:$0x3F80] =	sst s1;
	(tag) =	ssettag s2;
	_ =	strace s9  }
0x27: {  	s1 =	sld [smem:$0x3F90]  }
0x28: {  	s2 =	sld [smem:$0x3F91]  }
0x29: {  	s4 =	sld [smem:$0x3F93]  }
0x2a: {  	p0 =	seq.s32 s5, $0x0;
	s5 =	sld [smem:$0x3F94]  }
0x2b: {  	s6 =	sld [smem:$0x3F95]  }
0x2c: {  	s7 =	sld [smem:$0x3F96]  }
0x2d: {  	s3 =	simm.s32 $0x108;
	s8 =	sld [smem:$0x3F97]  }
0x2e: {  	s3 =	simm.s32 @!p0 $0x1082;
	s9 =	sld [smem:$0x3F98]  }
0x2f: {  	lr =	sadd.s32 s0, s3;
	s0 =	sld [smem:$0x3F8F]  }
0x30: {  	s3 =	sld [smem:$0x3F92]  }
0x31: {  	[smem:$0x3F9B] =	sst s10  }
0x32: {  	s10 =	sld [smem:$0x3F99];
	_ =	sdelay $0x3  }
0x33: {  	p0 =	seq.s32 s10, $0x1;
	s10 =	sld [smem:$0x3F9B];
	_ =	sdelay $0x3  }
0x34: {  	[smem:$0x3F9B] =	sst s10  }
0x35: {  	s10 =	sld [smem:$0x3F9A];
	_ =	sdelay $0x3  }
0x36: {  	p1 =	seq.s32 s10, $0x1;
	s10 =	sld [smem:$0x3F9B];
	_ =	sdelay $0x3  }
0x37: {  	[smem:$0x3F9B] =	sst s10  }
0x38: {  	s10 =	sld [smem:$0x3F9C]  }
0x39: {  	_ = 	snop;
	(pc) =	sbr.ind lr, $3  }
0x3a: {  	_ = 	snop  }
0x3b: {  	_ = 	snop  }
0x3c: {  	p2 =	seq.s32 s10, $0x1;
	s10 =	sld [smem:$0x3F9B]  }
0x3d: {  	_ =	shalt  }
0x3e: {  	_ =	shalt  }
0x3f: {  	_ =	shalt  }
0x40: {  	_ =	shalt  }
0x41: {  	_ =	shalt  }
0x42: {  	_ =	shalt  }
0x43: {  	_ =	shalt  }
0x44: {  	_ =	shalt  }
0x45: {  	_ =	shalt  }
0x46: {  	_ =	shalt  }
0x47: {  	_ =	shalt  }
0x48: {  	_ =	shalt  }
0x49: {  	_ =	shalt  }
0x4a: {  	_ =	shalt  }
0x4b: {  	_ =	shalt  }
0x4c: {  	_ =	shalt  }
0x4d: {  	_ =	shalt  }
0x4e: {  	_ =	shalt  }
0x4f: {  	_ =	shalt  }
0x50: {  	_ =	shalt  }
0x51: {  	_ =	shalt  }
0x52: {  	_ =	shalt  }
0x53: {  	_ =	shalt  }
0x54: {  	_ =	shalt  }
0x55: {  	_ =	shalt  }
0x56: {  	_ =	shalt  }
0x57: {  	_ =	shalt  }
0x58: {  	_ =	shalt  }
0x59: {  	_ =	shalt  }
0x5a: {  	_ =	shalt  }
0x5b: {  	_ =	shalt  }
0x5c: {  	_ =	shalt  }
0x5d: {  	_ =	shalt  }
0x5e: {  	_ =	shalt  }
0x5f: {  	_ =	shalt  }
0x60: {  	_ =	shalt  }
0x61: {  	_ =	shalt  }
0x62: {  	_ =	shalt  }
0x63: {  	_ =	shalt  }
0x64: {  	_ =	shalt  }
0x65: {  	_ =	shalt  }
0x66: {  	_ =	shalt  }
0x67: {  	_ =	shalt  }
0x68: {  	_ =	shalt  }
0x69: {  	_ =	shalt  }
0x6a: {  	_ =	shalt  }
0x6b: {  	_ =	shalt  }
0x6c: {  	_ =	shalt  }
0x6d: {  	_ =	shalt  }
0x6e: {  	_ =	shalt  }
0x6f: {  	_ =	shalt  }
0x70: {  	_ =	shalt  }
0x71: {  	_ =	shalt  }
0x72: {  	_ =	shalt  }
0x73: {  	_ =	shalt  }
0x74: {  	_ =	shalt  }
0x75: {  	_ =	shalt  }
0x76: {  	_ =	shalt  }
0x77: {  	_ =	shalt  }
0x78: {  	_ =	shalt  }
0x79: {  	_ =	shalt  }
0x7a: {  	_ =	shalt  }
0x7b: {  	_ =	shalt  }
0x7c: {  	_ =	shalt  }
0x7d: {  	_ =	shalt  }
0x7e: {  	_ =	shalt  }
0x7f: {  	_ =	shalt  }
0x80: {  	_ =	shalt  }
0x81: {  	_ =	shalt  }
0x82: {  	_ =	shalt  }
0x83: {  	_ =	shalt  }
0x84: {  	_ =	shalt  }
0x85: {  	_ =	shalt  }
0x86: {  	_ =	shalt  }
0x87: {  	_ =	shalt  }
.Lfunc_end0:
.L_simem_size_0:
called_computation.3_lowered:
.L_overlay_start_0:
0x88: {  	s2 =	sld [smem:$0x3FD9]  }
0x89: {  	s3 =	sld [smem:$0x3FFE];
	_ =	sdelay $0x1  }
0x8a: {  	s1 =	srdreg.scid  }
0x8b: {  	s0 =	sand.u32 $0x1, s1  }
0x8c: {  	s16 =	sshll.u32 s0, $0xA;
	s2 =	sadd.s32 s3, s2  }
0x8d: {  	s2 =	sadd.s32 s2, s16  }
0x8e: {  	[smem:$0x3FA7] =	sst s2  }
0x8f: {  	_ = 	snop  }
0x90: {  	(tm) =	ssettm $0x1  }
0x91: {  	s17 =	sld [smem:$0x3FFB];
	_ =	sdelay $0x3  }
0x92: {  	_ =	strace s17  }
0x93: {  	s2 =	sld [smem:$0x3FFC];
	_ =	sdelay $0x3  }
0x94: {  	_ =	strace s2  }
0x95: {  	s2 =	sld [smem:$0x3FFD];
	_ =	sdelay $0x3  }
0x96: {  	_ =	strace s2  }
0x97: {  	_ =	strace $0x8FFFFFFF  }
0x98: {  	s18 =	sld [smem:$0x3FDB];
	_ =	sdelay $0x1  }
0x99: {  	s19 =	simm.s32 $_scs_section_size  }
0x9a: {  	s4 =	simm.s32 $_size__tile_overlayer_lowered;
	s5 =	simm.s32 $_tile_overlayer_lowered  }
0x9b: {  	s22 =	simm.s32 $0x1BFF;
	s21 =	sshll.u32 s5, $0x1;
	s2 =	sadd.s32 s19, s18  }
0x9c: {  	s6 =	simm.s32 $0x0;
	s20 =	sshll.u32 s4, $0x1;
	s4 =	sadd.s32 s21, s2  }
0x9d: {  	[timem:s6], [sflag:s22] =	dma.local [hbm:s4], s20  }
0x9e: {  	_ =	swait.ge [sflag:s22], s20  }
0x9f: {  	s3 =	ssub.s32 $0x0, s20;
	[sflag:s22] =	ssyncset.done $0x0  }
0xa0: {  	[sflag:s22] =	ssyncadd.s32 s3;
	_ =	sdelay $0x1  }
0xa1: {  	s23 =	simm.s32 $0x1B8B  }
0xa2: {  	_ =	swait.ge [sflag:s23], $0x1  }
0xa3: {  	[sflag:s23] =	ssyncset.done $0x0  }
0xa4: {  	s25 =	simm.s32 $0x1B8E;
	s24 =	sld [smem:$0x3FFE];
	[sflag:s23] =	ssyncadd.s32 $0xFFFFFFFF  }
0xa5: {  	s26 =	simm.s32 $execute0_lowered;
	[smem:$0x3FD2] =	sst s25  }
0xa6: {  	s4 =	sshll.u32 s26, $0x1;
	_ =	strace $0x8000004F;
	[dreg:$0x1] =	wrdreg $0xFFFFFFFF  }
0xa7: {  	s28 =	simm.s32 $_size_execute0_lowered;
	s2 =	sadd.s32 s2, s4;
	[dreg:$0x0] =	wrdreg $0x0  }
0xa8: {  	s4 =	sshll.u32 s28, $0x1;
	[dreg:$0x2] =	wrdreg s2  }
0xa9: {  	[dreg:$0x3] =	wrdreg s4  }
0xaa: {  	[dreg:$0x4] =	wrdreg $0xC0  }
0xab: {  	_ =	task [dreg:s6], $0x5FFFF  }
0xac: {  	[dreg:$0x1] =	wrdreg $0xFFFFFFFF  }
0xad: {  	[dreg:$0x0] =	wrdreg $0x60  }
0xae: {  	[dreg:$0x2] =	wrdreg s24  }
0xaf: {  	[dreg:$0x3] =	wrdreg $0xA0000  }
0xb0: {  	[dreg:$0x4] =	wrdreg $0x9  }
0xb1: {  	_ =	task.clear_ibuf [dreg:s6], $0x5FFFF;
	_ =	strace $0x9000004F  }
0xb2: {  	s29 =	simm.s32 $0x9;
	_ =	strace $0x80000051  }
0xb3: {  	_ =	swait.ge [sflag:s29], $0x1  }
0xb4: {  	[sflag:s29] =	ssyncadd.s32 $0xFFFFFFFF  }
0xb5: {  	_ =	strace $0x90000051  }
0xb6: {  	_ =	sfence  }
0xb7: {  	s30 =	sld [smem:$0x0];
	_ =	sdelay $0x2  }
0xb8: {  	s31 =	sshll.u32 s1, $0xD;
	s1 =	sshrl.u32 s1, $0x2  }
0xb9: {  	s3 =	sand.u32 $0x4000, s31;
	s1 =	sadd.s32 s1, s30  }
0xba: {  	s0 =	sor.u32 s3, s0;
	s1 =	sshll.u32 s1, $0x11  }
0xbb: {  	s0 =	sor.u32 s1, s0  }
0xbc: {  	s0 =	sadd.s32 $0x8F2B, s0  }
0xbd: {  	[sflag:s0] =	ssyncadd.remote.s32 $0x1  }
0xbe: {  	_ =	sfence.sel $0xFFFF  }
0xbf: {  	[dreg:$0x0] =	wrdreg $0xFFFFFFFF;
	(pc) =	sbr.abs _section_cstart, $3  }
0xc0: {  	[dreg:$0x1] =	wrdreg $0xFFFFFFFF  }
0xc1: {  	_ =	task.clear_ibuf [dreg:s6], $0x2FFFF;
	_ =	strace $0x9FFFFFFF  }
0xc2: {  	(tm) =	ssettm $0x7FFFFFFF  }
0xc3: {  	_ =	shalt  }
tec
execute0_lowered:
.L_overlay_start_1:
0x0: {  	(tag) =	ssettag $0x1  }
0x1: {  	s7 =	rddreg [dreg:$0x0]  }
0x2: {  	s2 =	rddreg [dreg:$0x1]  }
0x3: {  	s0 =	srdreg.scid;
	s1 =	rddreg [dreg:$0x2]  }
0x4: {  	s3 =	simm.s32 $0x0;
	s15 =	simm.s32 $0x80;
	s16 =	simm.s32 $0x6000  }
0x5: {  	s17 =	simm.s32 $0x5000;
	s18 =	simm.s32 $0x5800;
	s5 =	sand.u32 $0x1, s0  }
0x6: {  	s19 =	simm.s32 $0x1;
	s0 =	stileid.u32;
	s4 =	smul.u32 $0x28000, s5  }
0x7: {  	s20 =	simm.s32 $0x2;
	s21 =	simm.s32 $0x3;
	s6 =	smul.u32 $0x2800, s0  }
0x8: {  	s22 =	simm.s32 $0x0;
	[smem:$0x7FF] =	sst s3;
	s9 =	smul.u32 $0x14000, s0  }
0x9: {  	s8 =	smul.u32 $0x140000, s5;
	_ =	strace $0x80000050;
	s31 =	ssub.s32 $0x2, s5  }
0xa: {  	s5 =	sadd.s32 $0x3BA00, s7;
	s13 =	sshll.u32 s0, $0x6;
	s12 =	sshrl.u32 s31, $0x1  }
0xb: {  	s13 =	sor.u32 $0x1C04, s13;
	s6 =	sadd.s32 s6, s4;
	s4 =	sadd.s32 $0x14800, s7  }
0xc: {  	s30 =	sadd.s32 s9, s8;
	s12 =	ssub.s32 s31, s12;
	s14 =	sadd.s32 s9, s2  }
0xd: {  	s6 =	sshrl.u32 s6, $0x3;
	s11 =	sshrl.u32 s30, $0x3;
	s14 =	sshrl.u32 s14, $0x3  }
0xe: {  	s10 =	sadd.s32 s6, s7;
	s6 =	sadd.s32 $0x12000, s7;
	s11 =	sadd.s32 s11, s7  }
0xf: {  	s7 =	sadd.s32 $0x73800, s10;
	s8 =	sadd.s32 $0x8000, s10;
	s9 =	sadd.s32 $0x7D800, s11  }
0x10: {  	s10 =	smax.u32 s12, $0x1;
	s11 =	simm.s32 $0x4;
	s12 =	simm.s32 $0x2800  }
.LBB2_1:
0x11: {  	[tilespmem:s3], [sflag:$0x4] =	stream.linear.gather [hbm4b:s7+s3], $0x2800, $0x38;
	[tilespmem:$0x1E000] =	vst v63  }
0x12: {  	_ =	swait.ge [sflag:s11], $0x2800  }
0x13: {  	[sflag:s11] =	ssyncset.done $0x0  }
0x14: {  	[sflag:s11] =	ssyncadd.s32 $0xFFFFD800  }
0x15: {  	[tilespmem:s12], [sflag:$0x4] =	stream.linear.gather [hbm4b:s8+s3], $0x2800, $0x38;
	[tilespmem:$0x1E000] =	vst v63  }
0x16: {  	_ =	swait.ge [sflag:s11], $0x2800  }
0x17: {  	[sflag:s11] =	ssyncset.done $0x0  }
0x18: {  	[sflag:s11] =	ssyncadd.s32 $0xFFFFD800  }
0x19: {  	[spmem:s14], [sflag:s13] =	dma.local [hbm:s6], $0x2800  }
0x1a: {  	_ =	swait.ge [sflag:s11], $0x2800  }
0x1b: {  	[sflag:s11] =	ssyncset.done $0x0  }
0x1c: {  	[sflag:s11] =	ssyncadd.s32 $0xFFFFD800  }
0x1d: {  	s23 =	simm.s32 $0x0;
	[bflag:$0x0] =	sbarrier.arrive $0xFFFF  }
.LBB2_2:
0x1e: {  	s24 =	sshll.u32 s23, $0x7  }
0x1f: {  	[tilespmem:s16], [sflag:$0x1] =	stream.indirect.gather [hbm4b:s4+s15], $0x80, s24, s15, $0xb8;
	[tilespmem:$0x1E000] =	vst v63  }
0x20: {  	_ = 	snop  }
0x21: {  	[tilespmem:s17], [sflag:$0x2] =	stream.indirect.gather [hbm4b:s5+s15], $0x10, s24, s15, $0xb8;
	[tilespmem:$0x1E000] =	vst v63  }
0x22: {  	s24 =	sadd.s32 $0x2800, s24  }
0x23: {  	[tilespmem:s18], [sflag:$0x3] =	stream.indirect.gather [hbm4b:s5+s15], $0x10, s24, s15, $0xb8;
	[tilespmem:$0x1E000] =	vst v63  }
0x24: {  	_ =	swait.ge [sflag:s19], $0x4000  }
0x25: {  	[sflag:s19] =	ssyncset.done $0x0  }
0x26: {  	[sflag:s19] =	ssyncadd.s32 $0xFFFFC000  }
0x27: {  	_ =	swait.ge [sflag:s20], $0x800  }
0x28: {  	[sflag:s20] =	ssyncset.done $0x0  }
0x29: {  	[sflag:s20] =	ssyncadd.s32 $0xFFFFF800  }
0x2a: {  	_ =	swait.ge [sflag:s21], $0x800  }
0x2b: {  	[sflag:s21] =	ssyncset.done $0x0  }
0x2c: {  	s25 =	simm.s32 $0x6040;
	[sflag:s21] =	ssyncadd.s32 $0xFFFFF800  }
0x2d: {  	s26 =	simm.s32 $0x0;
	v0 =	vld [tilespmem:s25+$0xFFFFFFF0]  }
0x2e: {  	v1 =	vld [tilespmem:s26+$0x5000]  }
0x2f: {  	v4 =	vld [tilespmem:s26+$0x5800]  }
0x30: {  	v8 =	vld [tilespmem:s25+$0x30]  }
0x31: {  	v7 =	vld [tilespmem:s25+$0xFFFFFFC0]  }
0x32: {  	v2 =	vld [tilespmem:s25+$0x10]  }
0x33: {  	v6 =	vld [tilespmem:s25+$0xFFFFFFE0]  }
0x34: {  	v3 =	vld [tilespmem:s25+$0x20]  }
0x35: {  	v1 =	vmul.f32 v4, v1;
	v4 =	vld [tilespmem:s25+$0xFFFFFFD0]  }
0x36: {  	v5 =	vld [tilespmem:s25+$0x0]  }
0x37: {  	s28 =	simm.s32 $0x40;
	s26 =	simm.s32 $0x6040;
	v7 =	vmul.f32 v1, v7;
	v8 =	vmul.f32 v8, v1  }
.LBB2_3:
0x38: {  	p0 =	sne.s32 s28, $0x1FC0  }
0x39: {  	v6 =	vmul.f32 v6, v1;
	v2 =	vmul.f32 v2, v1;
	s25 =	sadd.s32 $0x80, s25;
	s29 =	smov.u32 s28;
	s28 =	sadd.s32 $0x40, s28  }
0x3a: {  	v3 =	vmul.f32 v3, v1;
	v4 =	vmul.f32 v4, v1;
	[tilespmem:s26+$0x30] =	vst v8  }
0x3b: {  	v0 =	vmul.f32 v0, v1;
	[tilespmem:s26+$0xFFFFFFC0] =	vst v7;
	v1 =	vmul.f32 v5, v1  }
0x3c: {  	[tilespmem:s26+$0x10] =	vst v2  }
0x3d: {  	[tilespmem:s26+$0xFFFFFFE0] =	vst v6  }
0x3e: {  	[tilespmem:s26+$0xFFFFFFF0] =	vst v0  }
0x3f: {  	v0 =	vld [tilespmem:s25+$0xFFFFFFF0];
	[tilespmem:s26+$0x0] =	vst v1  }
0x40: {  	v8 =	vld [tilespmem:s25+$0x30];
	[tilespmem:s26+$0x20] =	vst v3  }
0x41: {  	s29 =	sshra.s32 s29, $0x2;
	v2 =	vld [tilespmem:s25+$0x10];
	[tilespmem:s26+$0xFFFFFFD0] =	vst v4;
	s26 =	smov.u32 s25  }
0x42: {  	v1 =	vld [tilespmem:s29+$0x5000]  }
0x43: {  	v5 =	vld [tilespmem:s29+$0x5800]  }
0x44: {  	v7 =	vld [tilespmem:s25+$0xFFFFFFC0]  }
0x45: {  	v6 =	vld [tilespmem:s25+$0xFFFFFFE0]  }
.Ltmp0:
0x46: {  	v3 =	vld [tilespmem:s25+$0x20];
	(pc) =	sbr.rel @p0 .LBB2_3-.Ltmp0, $3  }
0x47: {  	v4 =	vld [tilespmem:s25+$0xFFFFFFD0]  }
0x48: {  	v1 =	vmul.f32 v5, v1;
	v5 =	vld [tilespmem:s25+$0x0];
	_ =	sdelay $0x1  }
0x49: {  	v7 =	vmul.f32 v1, v7;
	v8 =	vmul.f32 v8, v1  }
0x4a: {  	_ = 	snop  }
0x4b: {  	v2 =	vmul.f32 v2, v1;
	[tilespmem:s26+$0x30] =	vst v8  }
0x4c: {  	v6 =	vmul.f32 v6, v1;
	[tilespmem:s26+$0xFFFFFFC0] =	vst v7  }
0x4d: {  	v0 =	vmul.f32 v0, v1;
	[tilespmem:s26+$0x10] =	vst v2  }
0x4e: {  	v3 =	vmul.f32 v3, v1;
	[tilespmem:s26+$0xFFFFFFE0] =	vst v6  }
0x4f: {  	v63 =	vmul.f32 v4, v1;
	[tilespmem:s26+$0xFFFFFFF0] =	vst v0  }
0x50: {  	s23 =	sadd.s32 $0x1, s23;
	v62 =	vmul.f32 v5, v1;
	[tilespmem:s26+$0x20] =	vst v3  }
0x51: {  	p0 =	sne.s32 s23, $0x50;
	[tilespmem:s26+$0xFFFFFFD0] =	vst v63  }
.Ltmp1:
0x52: {  	[tilespmem:s26+$0x0] =	vst v62;
	(pc) =	sbr.rel @p0 .LBB2_2-.Ltmp1, $4  }
0x53: {  	[spmem:s2] =	stream.indirect.scatter.add.f32 [tilespmem:s16], [sflag:$0x4], $0x80, s24, s15, $0xb8;
	[tilespmem:$0x1E000] =	vst v63  }
0x54: {  	_ =	swait.ge [sflag:s11], $0x4000  }
0x55: {  	[sflag:s11] =	ssyncset.done $0x0  }
0x56: {  	[sflag:s11] =	ssyncadd.s32 $0xFFFFC000  }
0x57: {  	s22 =	sadd.s32 $0x1, s22  }
0x58: {  	p0 =	sne.s32 s22, s10  }
.Ltmp2:
0x59: {  	[bflag:$0x0] =	sbarrier.arrive $0xFFFF;
	(pc) =	sbr.rel @p0 .LBB2_1-.Ltmp2, $4  }
0x5a: {  	[hbm:s9], [sflag:s13] =	dma.local [spmem:s14], $0x2800  }
0x5b: {  	_ =	swait.ge [sflag:s11], $0x2800  }
0x5c: {  	[sflag:s11] =	ssyncset.done $0x0  }
0x5d: {  	[sflag:s11] =	ssyncadd.s32 $0xFFFFD800  }
0x5e: {  	_ =	sfence.sel $0x180000  }
0x5f: {  	[bflag:$0x0] =	sbarrier.arrive $0xFFFF  }
0x60: {  	p0 =	sne.s32 s0, $0x0;
	_ =	strace $0x90000050  }
0x61: {  	s0 =	sadd.s32 @!p0 $0x100000, s1;
	[bflag:$0x2] =	sbarrier.arrive $0xFFFF  }
0x62: {  	[sflag:s0] =	ssyncadd.tile.s32 @!p0 $0x1;
	_ =	shalt  }
.Lfunc_end2:
_tile_overlayer_lowered:
.L_overlay_start_2:
0x63: {  	(tag) =	ssettag $0x2  }
0x64: {  	s0 =	rddreg [dreg:$0x0];
	s2 =	stileid.u32  }
0x65: {  	s1 =	rddreg [dreg:$0x1];
	p0 =	sne.s32 s2, $0x0  }
0x66: {  	s3 =	rddreg [dreg:$0x2];
	[bflag:$0x3] =	sbarrier.arrive $0xFFFF;
	s2 =	simm.s32 @!p0 $0x1C04  }
0x67: {  	[timem:s3], [sflag:s2] =	dma.local @!p0 [hbm:s0], s1  }
0x68: {  	s0 =	simm.s32 @!p0 $0x4  }
0x69: {  	_ =	swait.ge @!p0 [sflag:s0], s1  }
0x6a: {  	s1 =	ssub.s32 @!p0 $0x0, s1;
	[sflag:s0] =	ssyncset.done @!p0 $0x0  }
0x6b: {  	[sflag:s0] =	ssyncadd.s32 @!p0 s1  }
0x6c: {  	[bflag:$0x3] =	sbarrier.arrive $0xFFFF  }
0x6d: {  	_ =	shalt  }

// kernel: kernel.28.cloned.1.call-start
scs
__scs_entry_jumppad:
0x0: {  	(pc) =	sbr.rel $0x88, $3  }
0x1: {  	(tag) =	ssettag $0x0;
	lr =	simm.s32 $0x1  }
0x2: {  	[smem:$0x3F80] =	sst lr;
	_ =	strace $0xD0000000  }
0x3: {  	_ = 	snop  }
0x4: {  	_ = 	snop  }
0x5: {  	_ = 	snop  }
0x6: {  	_ = 	snop  }
0x7: {  	_ = 	snop  }
__scs_overlays_trampoline_lowered:
0x8: {  	[smem:$0x3F8F] =	sst s0  }
0x9: {  	[smem:$0x3F90] =	sst s1  }
0xa: {  	[smem:$0x3F91] =	sst s2  }
0xb: {  	[smem:$0x3F92] =	sst s3  }
0xc: {  	[smem:$0x3F93] =	sst s4  }
0xd: {  	[smem:$0x3F94] =	sst s5  }
0xe: {  	[smem:$0x3F95] =	sst s6  }
0xf: {  	[smem:$0x3F96] =	sst s7  }
0x10: {  	[smem:$0x3F97] =	sst s8  }
0x11: {  	[smem:$0x3F98] =	sst s9;
	s0 =	simm.s32 @!p0 $0x0  }
0x12: {  	s1 =	sld [smem:$0x3F7E];
	s0 =	simm.s32 @p0 $0x1  }
0x13: {  	[smem:$0x3F99] =	sst s0;
	s0 =	simm.s32 @!p1 $0x0  }
0x14: {  	s2 =	sld [smem:$0x3F7D];
	s0 =	simm.s32 @p1 $0x1  }
0x15: {  	[smem:$0x3F9A] =	sst s0;
	s0 =	simm.s32 @!p2 $0x0  }
0x16: {  	s3 =	sld [smem:$0x3FDB];
	s0 =	simm.s32 @p2 $0x1  }
0x17: {  	s4 =	simm.s32 $0x1BF5;
	[smem:$0x3F9C] =	sst s0  }
0x18: {  	s0 =	sld [smem:$0x3F7F];
	_ =	swait.ge [sflag:s4], $0x0  }
0x19: {  	s7 =	sld [smem:$0x3F80]  }
0x1a: {  	s8 =	sadd.s32 $0xFFFFE003, lr  }
0x1b: {  	s9 =	sadd.s32 $0xFFFFFEF7, lr;
	s5 =	simm.s32 $0xFFFFFFFF;
	p2 =	slt.u32 s8, $0xFFFFF086  }
0x1c: {  	p1 =	slt.u32 s9, $0xF7A;
	s5 =	simm.s32 @!p2 $0x0  }
0x1d: {  	s5 =	simm.s32 @p1 $0x1;
	p0 =	seq.s32 s7, s2  }
0x1e: {  	s7 =	smul.u32 @!p0 $0xF7A, s2;
	p2 =	seq.s32 @!p0 s5, $0x0  }
0x1f: {  	s9 =	smul.u32 $0xF7A, s1;
	s8 =	simm.s32 @!p0 $0x1BF5;
	p2 =	por !p2, p0  }
0x20: {  	[sflag:s8] =	ssyncset.s32 @!p0 $0xFFFFF086;
	s6 =	sadd.s32 @!p0 s3, s7;
	s7 =	simm.s32 @!p0 $0x108  }
0x21: {  	s3 =	sadd.s32 s3, s9;
	s6 =	sadd.s32 @!p0 $0x88, s6;
	s7 =	simm.s32 @p2 $0x1082  }
0x22: {  	[simem:s7], [sflag:s8] =	dma.local @!p0 [hbm:s6], $0xF7A  }
0x23: {  	s9 =	sor.u32 $0xD0000000, s2;
	s6 =	simm.s32 $0x108;
	_ =	swait.ge @!p0 [sflag:s8], $0x0  }
0x24: {  	s3 =	sadd.s32 $0x88, s3;
	s6 =	simm.s32 @!p1 $0x1082;
	[sflag:s4] =	ssyncset.s32 $0xFFFFF086  }
0x25: {  	[simem:s6], [sflag:s4] =	dma.local [hbm:s3], $0xF7A  }
0x26: {  	[smem:$0x3F80] =	sst s1;
	(tag) =	ssettag s2;
	_ =	strace s9  }
0x27: {  	s1 =	sld [smem:$0x3F90]  }
0x28: {  	s2 =	sld [smem:$0x3F91]  }
0x29: {  	s4 =	sld [smem:$0x3F93]  }
0x2a: {  	p0 =	seq.s32 s5, $0x0;
	s5 =	sld [smem:$0x3F94]  }
0x2b: {  	s6 =	sld [smem:$0x3F95]  }
0x2c: {  	s7 =	sld [smem:$0x3F96]  }
0x2d: {  	s3 =	simm.s32 $0x108;
	s8 =	sld [smem:$0x3F97]  }
0x2e: {  	s3 =	simm.s32 @!p0 $0x1082;
	s9 =	sld [smem:$0x3F98]  }
0x2f: {  	lr =	sadd.s32 s0, s3;
	s0 =	sld [smem:$0x3F8F]  }
0x30: {  	s3 =	sld [smem:$0x3F92]  }
0x31: {  	[smem:$0x3F9B] =	sst s10  }
0x32: {  	s10 =	sld [smem:$0x3F99];
	_ =	sdelay $0x3  }
0x33: {  	p0 =	seq.s32 s10, $0x1;
	s10 =	sld [smem:$0x3F9B];
	_ =	sdelay $0x3  }
0x34: {  	[smem:$0x3F9B] =	sst s10  }
0x35: {  	s10 =	sld [smem:$0x3F9A];
	_ =	sdelay $0x3  }
0x36: {  	p1 =	seq.s32 s10, $0x1;
	s10 =	sld [smem:$0x3F9B];
	_ =	sdelay $0x3  }
0x37: {  	[smem:$0x3F9B] =	sst s10  }
0x38: {  	s10 =	sld [smem:$0x3F9C]  }
0x39: {  	_ = 	snop;
	(pc) =	sbr.ind lr, $3  }
0x3a: {  	_ = 	snop  }
0x3b: {  	_ = 	snop  }
0x3c: {  	p2 =	seq.s32 s10, $0x1;
	s10 =	sld [smem:$0x3F9B]  }
0x3d: {  	_ =	shalt  }
0x3e: {  	_ =	shalt  }
0x3f: {  	_ =	shalt  }
0x40: {  	_ =	shalt  }
0x41: {  	_ =	shalt  }
0x42: {  	_ =	shalt  }
0x43: {  	_ =	shalt  }
0x44: {  	_ =	shalt  }
0x45: {  	_ =	shalt  }
0x46: {  	_ =	shalt  }
0x47: {  	_ =	shalt  }
0x48: {  	_ =	shalt  }
0x49: {  	_ =	shalt  }
0x4a: {  	_ =	shalt  }
0x4b: {  	_ =	shalt  }
0x4c: {  	_ =	shalt  }
0x4d: {  	_ =	shalt  }
0x4e: {  	_ =	shalt  }
0x4f: {  	_ =	shalt  }
0x50: {  	_ =	shalt  }
0x51: {  	_ =	shalt  }
0x52: {  	_ =	shalt  }
0x53: {  	_ =	shalt  }
0x54: {  	_ =	shalt  }
0x55: {  	_ =	shalt  }
0x56: {  	_ =	shalt  }
0x57: {  	_ =	shalt  }
0x58: {  	_ =	shalt  }
0x59: {  	_ =	shalt  }
0x5a: {  	_ =	shalt  }
0x5b: {  	_ =	shalt  }
0x5c: {  	_ =	shalt  }
0x5d: {  	_ =	shalt  }
0x5e: {  	_ =	shalt  }
0x5f: {  	_ =	shalt  }
0x60: {  	_ =	shalt  }
0x61: {  	_ =	shalt  }
0x62: {  	_ =	shalt  }
0x63: {  	_ =	shalt  }
0x64: {  	_ =	shalt  }
0x65: {  	_ =	shalt  }
0x66: {  	_ =	shalt  }
0x67: {  	_ =	shalt  }
0x68: {  	_ =	shalt  }
0x69: {  	_ =	shalt  }
0x6a: {  	_ =	shalt  }
0x6b: {  	_ =	shalt  }
0x6c: {  	_ =	shalt  }
0x6d: {  	_ =	shalt  }
0x6e: {  	_ =	shalt  }
0x6f: {  	_ =	shalt  }
0x70: {  	_ =	shalt  }
0x71: {  	_ =	shalt  }
0x72: {  	_ =	shalt  }
0x73: {  	_ =	shalt  }
0x74: {  	_ =	shalt  }
0x75: {  	_ =	shalt  }
0x76: {  	_ =	shalt  }
0x77: {  	_ =	shalt  }
0x78: {  	_ =	shalt  }
0x79: {  	_ =	shalt  }
0x7a: {  	_ =	shalt  }
0x7b: {  	_ =	shalt  }
0x7c: {  	_ =	shalt  }
0x7d: {  	_ =	shalt  }
0x7e: {  	_ =	shalt  }
0x7f: {  	_ =	shalt  }
0x80: {  	_ =	shalt  }
0x81: {  	_ =	shalt  }
0x82: {  	_ =	shalt  }
0x83: {  	_ =	shalt  }
0x84: {  	_ =	shalt  }
0x85: {  	_ =	shalt  }
0x86: {  	_ =	shalt  }
0x87: {  	_ =	shalt  }
.Lfunc_end0:
.L_simem_size_0:
called_computation.4_lowered:
.L_overlay_start_0:
0x88: {  	s2 =	sld [smem:$0x3FD9]  }
0x89: {  	s3 =	sld [smem:$0x3FFE];
	_ =	sdelay $0x1  }
0x8a: {  	s1 =	srdreg.scid  }
0x8b: {  	s0 =	sand.u32 $0x1, s1  }
0x8c: {  	s16 =	sshll.u32 s0, $0xA;
	s2 =	sadd.s32 s3, s2  }
0x8d: {  	s2 =	sadd.s32 s2, s16  }
0x8e: {  	[smem:$0x3FA7] =	sst s2  }
0x8f: {  	_ = 	snop  }
0x90: {  	(tm) =	ssettm $0x1  }
0x91: {  	s17 =	sld [smem:$0x3FFB];
	_ =	sdelay $0x3  }
0x92: {  	_ =	strace s17  }
0x93: {  	s2 =	sld [smem:$0x3FFC];
	_ =	sdelay $0x3  }
0x94: {  	_ =	strace s2  }
0x95: {  	s2 =	sld [smem:$0x3FFD];
	_ =	sdelay $0x3  }
0x96: {  	_ =	strace s2  }
0x97: {  	_ =	strace $0x8FFFFFFF  }
0x98: {  	s18 =	sld [smem:$0x3FDB];
	_ =	sdelay $0x1  }
0x99: {  	s19 =	simm.s32 $_scs_section_size  }
0x9a: {  	s4 =	simm.s32 $_size__tile_overlayer_lowered;
	s5 =	simm.s32 $_tile_overlayer_lowered  }
0x9b: {  	s22 =	simm.s32 $0x1BFF;
	s21 =	sshll.u32 s5, $0x1;
	s2 =	sadd.s32 s19, s18  }
0x9c: {  	s6 =	simm.s32 $0x0;
	s20 =	sshll.u32 s4, $0x1;
	s4 =	sadd.s32 s21, s2  }
0x9d: {  	[timem:s6], [sflag:s22] =	dma.local [hbm:s4], s20  }
0x9e: {  	_ =	swait.ge [sflag:s22], s20  }
0x9f: {  	s3 =	ssub.s32 $0x0, s20;
	[sflag:s22] =	ssyncset.done $0x0  }
0xa0: {  	[sflag:s22] =	ssyncadd.s32 s3;
	_ =	sdelay $0x1  }
0xa1: {  	s23 =	simm.s32 $0x1B8B  }
0xa2: {  	_ =	swait.ge [sflag:s23], $0x1  }
0xa3: {  	[sflag:s23] =	ssyncset.done $0x0  }
0xa4: {  	s25 =	simm.s32 $0x1B8E;
	s24 =	sld [smem:$0x3FFE];
	[sflag:s23] =	ssyncadd.s32 $0xFFFFFFFF  }
0xa5: {  	s26 =	simm.s32 $execute0_lowered;
	[smem:$0x3FD2] =	sst s25  }
0xa6: {  	s4 =	sshll.u32 s26, $0x1;
	_ =	strace $0x80000052;
	[dreg:$0x1] =	wrdreg $0xFFFFFFFF  }
0xa7: {  	s28 =	simm.s32 $_size_execute0_lowered;
	s2 =	sadd.s32 s2, s4;
	[dreg:$0x0] =	wrdreg $0x0  }
0xa8: {  	s4 =	sshll.u32 s28, $0x1;
	[dreg:$0x2] =	wrdreg s2  }
0xa9: {  	[dreg:$0x3] =	wrdreg s4  }
0xaa: {  	[dreg:$0x4] =	wrdreg $0xC0  }
0xab: {  	_ =	task [dreg:s6], $0x5FFFF  }
0xac: {  	[dreg:$0x1] =	wrdreg $0xFFFFFFFF  }
0xad: {  	[dreg:$0x0] =	wrdreg $0x60  }
0xae: {  	[dreg:$0x2] =	wrdreg s24  }
0xaf: {  	[dreg:$0x3] =	wrdreg $0xA0000  }
0xb0: {  	[dreg:$0x4] =	wrdreg $0x9  }
0xb1: {  	_ =	task.clear_ibuf [dreg:s6], $0x5FFFF;
	_ =	strace $0x90000052  }
0xb2: {  	s29 =	simm.s32 $0x9;
	_ =	strace $0x80000054  }
0xb3: {  	_ =	swait.ge [sflag:s29], $0x1  }
0xb4: {  	[sflag:s29] =	ssyncadd.s32 $0xFFFFFFFF  }
0xb5: {  	_ =	strace $0x90000054  }
0xb6: {  	_ =	sfence  }
0xb7: {  	s30 =	sld [smem:$0x0];
	_ =	sdelay $0x2  }
0xb8: {  	s31 =	sshll.u32 s1, $0xD;
	s1 =	sshrl.u32 s1, $0x2  }
0xb9: {  	s3 =	sand.u32 $0x4000, s31;
	s1 =	sadd.s32 s1, s30  }
0xba: {  	s0 =	sor.u32 s3, s0;
	s1 =	sshll.u32 s1, $0x11  }
0xbb: {  	s0 =	sor.u32 s1, s0  }
0xbc: {  	s0 =	sadd.s32 $0x8F2B, s0  }
0xbd: {  	[sflag:s0] =	ssyncadd.remote.s32 $0x1  }
0xbe: {  	_ =	sfence.sel $0xFFFF  }
0xbf: {  	[dreg:$0x0] =	wrdreg $0xFFFFFFFF;
	(pc) =	sbr.abs _section_cstart, $3  }
0xc0: {  	[dreg:$0x1] =	wrdreg $0xFFFFFFFF  }
0xc1: {  	_ =	task.clear_ibuf [dreg:s6], $0x2FFFF;
	_ =	strace $0x9FFFFFFF  }
0xc2: {  	(tm) =	ssettm $0x7FFFFFFF  }
0xc3: {  	_ =	shalt  }
tec
execute0_lowered:
.L_overlay_start_1:
0x0: {  	(tag) =	ssettag $0x1  }
0x1: {  	s7 =	rddreg [dreg:$0x0]  }
0x2: {  	s2 =	rddreg [dreg:$0x1]  }
0x3: {  	s0 =	srdreg.scid;
	s1 =	rddreg [dreg:$0x2]  }
0x4: {  	s3 =	simm.s32 $0x0;
	s15 =	simm.s32 $0x80;
	s16 =	simm.s32 $0x6000  }
0x5: {  	s17 =	simm.s32 $0x5000;
	s18 =	simm.s32 $0x5800;
	s5 =	sand.u32 $0x1, s0  }
0x6: {  	s19 =	simm.s32 $0x1;
	s0 =	stileid.u32;
	s4 =	smul.u32 $0x28000, s5  }
0x7: {  	s20 =	simm.s32 $0x2;
	s21 =	simm.s32 $0x3;
	s6 =	smul.u32 $0x2800, s0  }
0x8: {  	s22 =	simm.s32 $0x0;
	[smem:$0x7FF] =	sst s3;
	s9 =	smul.u32 $0x14000, s0  }
0x9: {  	s8 =	smul.u32 $0x140000, s5;
	_ =	strace $0x80000053;
	s31 =	ssub.s32 $0x2, s5  }
0xa: {  	s5 =	sadd.s32 $0x3BA00, s7;
	s13 =	sshll.u32 s0, $0x6;
	s12 =	sshrl.u32 s31, $0x1  }
0xb: {  	s13 =	sor.u32 $0x1C04, s13;
	s6 =	sadd.s32 s6, s4;
	s4 =	sadd.s32 $0x14800, s7  }
0xc: {  	s30 =	sadd.s32 s9, s8;
	s12 =	ssub.s32 s31, s12;
	s14 =	sadd.s32 s9, s2  }
0xd: {  	s6 =	sshrl.u32 s6, $0x3;
	s11 =	sshrl.u32 s30, $0x3;
	s14 =	sshrl.u32 s14, $0x3  }
0xe: {  	s10 =	sadd.s32 s6, s7;
	s6 =	sadd.s32 $0x12000, s7;
	s11 =	sadd.s32 s11, s7  }
0xf: {  	s7 =	sadd.s32 $0x73800, s10;
	s8 =	sadd.s32 $0x8000, s10;
	s9 =	sadd.s32 $0x7D800, s11  }
0x10: {  	s10 =	smax.u32 s12, $0x1;
	s11 =	simm.s32 $0x4;
	s12 =	simm.s32 $0x2800  }
.LBB2_1:
0x11: {  	[tilespmem:s3], [sflag:$0x4] =	stream.linear.gather [hbm4b:s7+s3], $0x2800, $0x38;
	[tilespmem:$0x1E000] =	vst v63  }
0x12: {  	_ =	swait.ge [sflag:s11], $0x2800  }
0x13: {  	[sflag:s11] =	ssyncset.done $0x0  }
0x14: {  	[sflag:s11] =	ssyncadd.s32 $0xFFFFD800  }
0x15: {  	[tilespmem:s12], [sflag:$0x4] =	stream.linear.gather [hbm4b:s8+s3], $0x2800, $0x38;
	[tilespmem:$0x1E000] =	vst v63  }
0x16: {  	_ =	swait.ge [sflag:s11], $0x2800  }
0x17: {  	[sflag:s11] =	ssyncset.done $0x0  }
0x18: {  	[sflag:s11] =	ssyncadd.s32 $0xFFFFD800  }
0x19: {  	[spmem:s14], [sflag:s13] =	dma.local [hbm:s6], $0x2800  }
0x1a: {  	_ =	swait.ge [sflag:s11], $0x2800  }
0x1b: {  	[sflag:s11] =	ssyncset.done $0x0  }
0x1c: {  	[sflag:s11] =	ssyncadd.s32 $0xFFFFD800  }
0x1d: {  	s23 =	simm.s32 $0x0;
	[bflag:$0x0] =	sbarrier.arrive $0xFFFF  }
.LBB2_2:
0x1e: {  	s24 =	sshll.u32 s23, $0x7  }
0x1f: {  	[tilespmem:s16], [sflag:$0x1] =	stream.indirect.gather [hbm4b:s4+s15], $0x80, s24, s15, $0xb8;
	[tilespmem:$0x1E000] =	vst v63  }
0x20: {  	_ = 	snop  }
0x21: {  	[tilespmem:s17], [sflag:$0x2] =	stream.indirect.gather [hbm4b:s5+s15], $0x10, s24, s15, $0xb8;
	[tilespmem:$0x1E000] =	vst v63  }
0x22: {  	s24 =	sadd.s32 $0x2800, s24  }
0x23: {  	[tilespmem:s18], [sflag:$0x3] =	stream.indirect.gather [hbm4b:s5+s15], $0x10, s24, s15, $0xb8;
	[tilespmem:$0x1E000] =	vst v63  }
0x24: {  	_ =	swait.ge [sflag:s19], $0x4000  }
0x25: {  	[sflag:s19] =	ssyncset.done $0x0  }
0x26: {  	[sflag:s19] =	ssyncadd.s32 $0xFFFFC000  }
0x27: {  	_ =	swait.ge [sflag:s20], $0x800  }
0x28: {  	[sflag:s20] =	ssyncset.done $0x0  }
0x29: {  	[sflag:s20] =	ssyncadd.s32 $0xFFFFF800  }
0x2a: {  	_ =	swait.ge [sflag:s21], $0x800  }
0x2b: {  	[sflag:s21] =	ssyncset.done $0x0  }
0x2c: {  	s25 =	simm.s32 $0x6040;
	[sflag:s21] =	ssyncadd.s32 $0xFFFFF800  }
0x2d: {  	s26 =	simm.s32 $0x0;
	v0 =	vld [tilespmem:s25+$0xFFFFFFF0]  }
0x2e: {  	v1 =	vld [tilespmem:s26+$0x5000]  }
0x2f: {  	v4 =	vld [tilespmem:s26+$0x5800]  }
0x30: {  	v8 =	vld [tilespmem:s25+$0x30]  }
0x31: {  	v7 =	vld [tilespmem:s25+$0xFFFFFFC0]  }
0x32: {  	v2 =	vld [tilespmem:s25+$0x10]  }
0x33: {  	v6 =	vld [tilespmem:s25+$0xFFFFFFE0]  }
0x34: {  	v3 =	vld [tilespmem:s25+$0x20]  }
0x35: {  	v1 =	vmul.f32 v4, v1;
	v4 =	vld [tilespmem:s25+$0xFFFFFFD0]  }
0x36: {  	v5 =	vld [tilespmem:s25+$0x0]  }
0x37: {  	s28 =	simm.s32 $0x40;
	s26 =	simm.s32 $0x6040;
	v7 =	vmul.f32 v1, v7;
	v8 =	vmul.f32 v8, v1  }
.LBB2_3:
0x38: {  	p0 =	sne.s32 s28, $0x1FC0  }
0x39: {  	v6 =	vmul.f32 v6, v1;
	v2 =	vmul.f32 v2, v1;
	s25 =	sadd.s32 $0x80, s25;
	s29 =	smov.u32 s28;
	s28 =	sadd.s32 $0x40, s28  }
0x3a: {  	v3 =	vmul.f32 v3, v1;
	v4 =	vmul.f32 v4, v1;
	[tilespmem:s26+$0x30] =	vst v8  }
0x3b: {  	v0 =	vmul.f32 v0, v1;
	[tilespmem:s26+$0xFFFFFFC0] =	vst v7;
	v1 =	vmul.f32 v5, v1  }
0x3c: {  	[tilespmem:s26+$0x10] =	vst v2  }
0x3d: {  	[tilespmem:s26+$0xFFFFFFE0] =	vst v6  }
0x3e: {  	[tilespmem:s26+$0xFFFFFFF0] =	vst v0  }
0x3f: {  	v0 =	vld [tilespmem:s25+$0xFFFFFFF0];
	[tilespmem:s26+$0x0] =	vst v1  }
0x40: {  	v8 =	vld [tilespmem:s25+$0x30];
	[tilespmem:s26+$0x20] =	vst v3  }
0x41: {  	s29 =	sshra.s32 s29, $0x2;
	v2 =	vld [tilespmem:s25+$0x10];
	[tilespmem:s26+$0xFFFFFFD0] =	vst v4;
	s26 =	smov.u32 s25  }
0x42: {  	v1 =	vld [tilespmem:s29+$0x5000]  }
0x43: {  	v5 =	vld [tilespmem:s29+$0x5800]  }
0x44: {  	v7 =	vld [tilespmem:s25+$0xFFFFFFC0]  }
0x45: {  	v6 =	vld [tilespmem:s25+$0xFFFFFFE0]  }
.Ltmp0:
0x46: {  	v3 =	vld [tilespmem:s25+$0x20];
	(pc) =	sbr.rel @p0 .LBB2_3-.Ltmp0, $3  }
0x47: {  	v4 =	vld [tilespmem:s25+$0xFFFFFFD0]  }
0x48: {  	v1 =	vmul.f32 v5, v1;
	v5 =	vld [tilespmem:s25+$0x0];
	_ =	sdelay $0x1  }
0x49: {  	v7 =	vmul.f32 v1, v7;
	v8 =	vmul.f32 v8, v1  }
0x4a: {  	_ = 	snop  }
0x4b: {  	v2 =	vmul.f32 v2, v1;
	[tilespmem:s26+$0x30] =	vst v8  }
0x4c: {  	v6 =	vmul.f32 v6, v1;
	[tilespmem:s26+$0xFFFFFFC0] =	vst v7  }
0x4d: {  	v0 =	vmul.f32 v0, v1;
	[tilespmem:s26+$0x10] =	vst v2  }
0x4e: {  	v3 =	vmul.f32 v3, v1;
	[tilespmem:s26+$0xFFFFFFE0] =	vst v6  }
0x4f: {  	v63 =	vmul.f32 v4, v1;
	[tilespmem:s26+$0xFFFFFFF0] =	vst v0  }
0x50: {  	s23 =	sadd.s32 $0x1, s23;
	v62 =	vmul.f32 v5, v1;
	[tilespmem:s26+$0x20] =	vst v3  }
0x51: {  	p0 =	sne.s32 s23, $0x50;
	[tilespmem:s26+$0xFFFFFFD0] =	vst v63  }
.Ltmp1:
0x52: {  	[tilespmem:s26+$0x0] =	vst v62;
	(pc) =	sbr.rel @p0 .LBB2_2-.Ltmp1, $4  }
0x53: {  	[spmem:s2] =	stream.indirect.scatter.add.f32 [tilespmem:s16], [sflag:$0x4], $0x80, s24, s15, $0xb8;
	[tilespmem:$0x1E000] =	vst v63  }
0x54: {  	_ =	swait.ge [sflag:s11], $0x4000  }
0x55: {  	[sflag:s11] =	ssyncset.done $0x0  }
0x56: {  	[sflag:s11] =	ssyncadd.s32 $0xFFFFC000  }
0x57: {  	s22 =	sadd.s32 $0x1, s22  }
0x58: {  	p0 =	sne.s32 s22, s10  }
.Ltmp2:
0x59: {  	[bflag:$0x0] =	sbarrier.arrive $0xFFFF;
	(pc) =	sbr.rel @p0 .LBB2_1-.Ltmp2, $4  }
0x5a: {  	[hbm:s9], [sflag:s13] =	dma.local [spmem:s14], $0x2800  }
0x5b: {  	_ =	swait.ge [sflag:s11], $0x2800  }
0x5c: {  	[sflag:s11] =	ssyncset.done $0x0  }
0x5d: {  	[sflag:s11] =	ssyncadd.s32 $0xFFFFD800  }
0x5e: {  	_ =	sfence.sel $0x180000  }
0x5f: {  	[bflag:$0x0] =	sbarrier.arrive $0xFFFF  }
0x60: {  	p0 =	sne.s32 s0, $0x0;
	_ =	strace $0x90000053  }
0x61: {  	s0 =	sadd.s32 @!p0 $0x100000, s1;
	[bflag:$0x2] =	sbarrier.arrive $0xFFFF  }
0x62: {  	[sflag:s0] =	ssyncadd.tile.s32 @!p0 $0x1;
	_ =	shalt  }
.Lfunc_end2:
_tile_overlayer_lowered:
.L_overlay_start_2:
0x63: {  	(tag) =	ssettag $0x2  }
0x64: {  	s0 =	rddreg [dreg:$0x0];
	s2 =	stileid.u32  }
0x65: {  	s1 =	rddreg [dreg:$0x1];
	p0 =	sne.s32 s2, $0x0  }
0x66: {  	s3 =	rddreg [dreg:$0x2];
	[bflag:$0x3] =	sbarrier.arrive $0xFFFF;
	s2 =	simm.s32 @!p0 $0x1C04  }
0x67: {  	[timem:s3], [sflag:s2] =	dma.local @!p0 [hbm:s0], s1  }
0x68: {  	s0 =	simm.s32 @!p0 $0x4  }
0x69: {  	_ =	swait.ge @!p0 [sflag:s0], s1  }
0x6a: {  	s1 =	ssub.s32 @!p0 $0x0, s1;
	[sflag:s0] =	ssyncset.done @!p0 $0x0  }
0x6b: {  	[sflag:s0] =	ssyncadd.s32 @!p0 s1  }
0x6c: {  	[bflag:$0x3] =	sbarrier.arrive $0xFFFF  }
0x6d: {  	_ =	shalt  }

// kernel: kernel.31.cloned.1.call-start
scs
__scs_entry_jumppad:
0x0: {  	(pc) =	sbr.rel $0x88, $3  }
0x1: {  	(tag) =	ssettag $0x0;
	lr =	simm.s32 $0x1  }
0x2: {  	[smem:$0x3F80] =	sst lr;
	_ =	strace $0xD0000000  }
0x3: {  	_ = 	snop  }
0x4: {  	_ = 	snop  }
0x5: {  	_ = 	snop  }
0x6: {  	_ = 	snop  }
0x7: {  	_ = 	snop  }
__scs_overlays_trampoline_lowered:
0x8: {  	[smem:$0x3F8F] =	sst s0  }
0x9: {  	[smem:$0x3F90] =	sst s1  }
0xa: {  	[smem:$0x3F91] =	sst s2  }
0xb: {  	[smem:$0x3F92] =	sst s3  }
0xc: {  	[smem:$0x3F93] =	sst s4  }
0xd: {  	[smem:$0x3F94] =	sst s5  }
0xe: {  	[smem:$0x3F95] =	sst s6  }
0xf: {  	[smem:$0x3F96] =	sst s7  }
0x10: {  	[smem:$0x3F97] =	sst s8  }
0x11: {  	[smem:$0x3F98] =	sst s9;
	s0 =	simm.s32 @!p0 $0x0  }
0x12: {  	s1 =	sld [smem:$0x3F7E];
	s0 =	simm.s32 @p0 $0x1  }
0x13: {  	[smem:$0x3F99] =	sst s0;
	s0 =	simm.s32 @!p1 $0x0  }
0x14: {  	s2 =	sld [smem:$0x3F7D];
	s0 =	simm.s32 @p1 $0x1  }
0x15: {  	[smem:$0x3F9A] =	sst s0;
	s0 =	simm.s32 @!p2 $0x0  }
0x16: {  	s3 =	sld [smem:$0x3FDB];
	s0 =	simm.s32 @p2 $0x1  }
0x17: {  	s4 =	simm.s32 $0x1BF5;
	[smem:$0x3F9C] =	sst s0  }
0x18: {  	s0 =	sld [smem:$0x3F7F];
	_ =	swait.ge [sflag:s4], $0x0  }
0x19: {  	s7 =	sld [smem:$0x3F80]  }
0x1a: {  	s8 =	sadd.s32 $0xFFFFE003, lr  }
0x1b: {  	s9 =	sadd.s32 $0xFFFFFEF7, lr;
	s5 =	simm.s32 $0xFFFFFFFF;
	p2 =	slt.u32 s8, $0xFFFFF086  }
0x1c: {  	p1 =	slt.u32 s9, $0xF7A;
	s5 =	simm.s32 @!p2 $0x0  }
0x1d: {  	s5 =	simm.s32 @p1 $0x1;
	p0 =	seq.s32 s7, s2  }
0x1e: {  	s7 =	smul.u32 @!p0 $0xF7A, s2;
	p2 =	seq.s32 @!p0 s5, $0x0  }
0x1f: {  	s9 =	smul.u32 $0xF7A, s1;
	s8 =	simm.s32 @!p0 $0x1BF5;
	p2 =	por !p2, p0  }
0x20: {  	[sflag:s8] =	ssyncset.s32 @!p0 $0xFFFFF086;
	s6 =	sadd.s32 @!p0 s3, s7;
	s7 =	simm.s32 @!p0 $0x108  }
0x21: {  	s3 =	sadd.s32 s3, s9;
	s6 =	sadd.s32 @!p0 $0x88, s6;
	s7 =	simm.s32 @p2 $0x1082  }
0x22: {  	[simem:s7], [sflag:s8] =	dma.local @!p0 [hbm:s6], $0xF7A  }
0x23: {  	s9 =	sor.u32 $0xD0000000, s2;
	s6 =	simm.s32 $0x108;
	_ =	swait.ge @!p0 [sflag:s8], $0x0  }
0x24: {  	s3 =	sadd.s32 $0x88, s3;
	s6 =	simm.s32 @!p1 $0x1082;
	[sflag:s4] =	ssyncset.s32 $0xFFFFF086  }
0x25: {  	[simem:s6], [sflag:s4] =	dma.local [hbm:s3], $0xF7A  }
0x26: {  	[smem:$0x3F80] =	sst s1;
	(tag) =	ssettag s2;
	_ =	strace s9  }
0x27: {  	s1 =	sld [smem:$0x3F90]  }
0x28: {  	s2 =	sld [smem:$0x3F91]  }
0x29: {  	s4 =	sld [smem:$0x3F93]  }
0x2a: {  	p0 =	seq.s32 s5, $0x0;
	s5 =	sld [smem:$0x3F94]  }
0x2b: {  	s6 =	sld [smem:$0x3F95]  }
0x2c: {  	s7 =	sld [smem:$0x3F96]  }
0x2d: {  	s3 =	simm.s32 $0x108;
	s8 =	sld [smem:$0x3F97]  }
0x2e: {  	s3 =	simm.s32 @!p0 $0x1082;
	s9 =	sld [smem:$0x3F98]  }
0x2f: {  	lr =	sadd.s32 s0, s3;
	s0 =	sld [smem:$0x3F8F]  }
0x30: {  	s3 =	sld [smem:$0x3F92]  }
0x31: {  	[smem:$0x3F9B] =	sst s10  }
0x32: {  	s10 =	sld [smem:$0x3F99];
	_ =	sdelay $0x3  }
0x33: {  	p0 =	seq.s32 s10, $0x1;
	s10 =	sld [smem:$0x3F9B];
	_ =	sdelay $0x3  }
0x34: {  	[smem:$0x3F9B] =	sst s10  }
0x35: {  	s10 =	sld [smem:$0x3F9A];
	_ =	sdelay $0x3  }
0x36: {  	p1 =	seq.s32 s10, $0x1;
	s10 =	sld [smem:$0x3F9B];
	_ =	sdelay $0x3  }
0x37: {  	[smem:$0x3F9B] =	sst s10  }
0x38: {  	s10 =	sld [smem:$0x3F9C]  }
0x39: {  	_ = 	snop;
	(pc) =	sbr.ind lr, $3  }
0x3a: {  	_ = 	snop  }
0x3b: {  	_ = 	snop  }
0x3c: {  	p2 =	seq.s32 s10, $0x1;
	s10 =	sld [smem:$0x3F9B]  }
0x3d: {  	_ =	shalt  }
0x3e: {  	_ =	shalt  }
0x3f: {  	_ =	shalt  }
0x40: {  	_ =	shalt  }
0x41: {  	_ =	shalt  }
0x42: {  	_ =	shalt  }
0x43: {  	_ =	shalt  }
0x44: {  	_ =	shalt  }
0x45: {  	_ =	shalt  }
0x46: {  	_ =	shalt  }
0x47: {  	_ =	shalt  }
0x48: {  	_ =	shalt  }
0x49: {  	_ =	shalt  }
0x4a: {  	_ =	shalt  }
0x4b: {  	_ =	shalt  }
0x4c: {  	_ =	shalt  }
0x4d: {  	_ =	shalt  }
0x4e: {  	_ =	shalt  }
0x4f: {  	_ =	shalt  }
0x50: {  	_ =	shalt  }
0x51: {  	_ =	shalt  }
0x52: {  	_ =	shalt  }
0x53: {  	_ =	shalt  }
0x54: {  	_ =	shalt  }
0x55: {  	_ =	shalt  }
0x56: {  	_ =	shalt  }
0x57: {  	_ =	shalt  }
0x58: {  	_ =	shalt  }
0x59: {  	_ =	shalt  }
0x5a: {  	_ =	shalt  }
0x5b: {  	_ =	shalt  }
0x5c: {  	_ =	shalt  }
0x5d: {  	_ =	shalt  }
0x5e: {  	_ =	shalt  }
0x5f: {  	_ =	shalt  }
0x60: {  	_ =	shalt  }
0x61: {  	_ =	shalt  }
0x62: {  	_ =	shalt  }
0x63: {  	_ =	shalt  }
0x64: {  	_ =	shalt  }
0x65: {  	_ =	shalt  }
0x66: {  	_ =	shalt  }
0x67: {  	_ =	shalt  }
0x68: {  	_ =	shalt  }
0x69: {  	_ =	shalt  }
0x6a: {  	_ =	shalt  }
0x6b: {  	_ =	shalt  }
0x6c: {  	_ =	shalt  }
0x6d: {  	_ =	shalt  }
0x6e: {  	_ =	shalt  }
0x6f: {  	_ =	shalt  }
0x70: {  	_ =	shalt  }
0x71: {  	_ =	shalt  }
0x72: {  	_ =	shalt  }
0x73: {  	_ =	shalt  }
0x74: {  	_ =	shalt  }
0x75: {  	_ =	shalt  }
0x76: {  	_ =	shalt  }
0x77: {  	_ =	shalt  }
0x78: {  	_ =	shalt  }
0x79: {  	_ =	shalt  }
0x7a: {  	_ =	shalt  }
0x7b: {  	_ =	shalt  }
0x7c: {  	_ =	shalt  }
0x7d: {  	_ =	shalt  }
0x7e: {  	_ =	shalt  }
0x7f: {  	_ =	shalt  }
0x80: {  	_ =	shalt  }
0x81: {  	_ =	shalt  }
0x82: {  	_ =	shalt  }
0x83: {  	_ =	shalt  }
0x84: {  	_ =	shalt  }
0x85: {  	_ =	shalt  }
0x86: {  	_ =	shalt  }
0x87: {  	_ =	shalt  }
.Lfunc_end0:
.L_simem_size_0:
called_computation.5_lowered:
.L_overlay_start_0:
0x88: {  	s2 =	sld [smem:$0x3FD9]  }
0x89: {  	s3 =	sld [smem:$0x3FFE];
	_ =	sdelay $0x1  }
0x8a: {  	s1 =	srdreg.scid  }
0x8b: {  	s0 =	sand.u32 $0x1, s1  }
0x8c: {  	s16 =	sshll.u32 s0, $0xA;
	s2 =	sadd.s32 s3, s2  }
0x8d: {  	s2 =	sadd.s32 s2, s16  }
0x8e: {  	[smem:$0x3FA7] =	sst s2  }
0x8f: {  	_ = 	snop  }
0x90: {  	(tm) =	ssettm $0x1  }
0x91: {  	s17 =	sld [smem:$0x3FFB];
	_ =	sdelay $0x3  }
0x92: {  	_ =	strace s17  }
0x93: {  	s2 =	sld [smem:$0x3FFC];
	_ =	sdelay $0x3  }
0x94: {  	_ =	strace s2  }
0x95: {  	s2 =	sld [smem:$0x3FFD];
	_ =	sdelay $0x3  }
0x96: {  	_ =	strace s2  }
0x97: {  	_ =	strace $0x8FFFFFFF  }
0x98: {  	s18 =	sld [smem:$0x3FDB];
	_ =	sdelay $0x1  }
0x99: {  	s19 =	simm.s32 $_scs_section_size  }
0x9a: {  	s4 =	simm.s32 $_size__tile_overlayer_lowered;
	s5 =	simm.s32 $_tile_overlayer_lowered  }
0x9b: {  	s22 =	simm.s32 $0x1BFF;
	s21 =	sshll.u32 s5, $0x1;
	s2 =	sadd.s32 s19, s18  }
0x9c: {  	s6 =	simm.s32 $0x0;
	s20 =	sshll.u32 s4, $0x1;
	s4 =	sadd.s32 s21, s2  }
0x9d: {  	[timem:s6], [sflag:s22] =	dma.local [hbm:s4], s20  }
0x9e: {  	_ =	swait.ge [sflag:s22], s20  }
0x9f: {  	s3 =	ssub.s32 $0x0, s20;
	[sflag:s22] =	ssyncset.done $0x0  }
0xa0: {  	[sflag:s22] =	ssyncadd.s32 s3;
	_ =	sdelay $0x1  }
0xa1: {  	s23 =	simm.s32 $0x1B8B  }
0xa2: {  	_ =	swait.ge [sflag:s23], $0x1  }
0xa3: {  	[sflag:s23] =	ssyncset.done $0x0  }
0xa4: {  	s25 =	simm.s32 $0x1B8E;
	s24 =	sld [smem:$0x3FFE];
	[sflag:s23] =	ssyncadd.s32 $0xFFFFFFFF  }
0xa5: {  	s26 =	simm.s32 $execute0_lowered;
	[smem:$0x3FD2] =	sst s25  }
0xa6: {  	s4 =	sshll.u32 s26, $0x1;
	_ =	strace $0x80000055;
	[dreg:$0x1] =	wrdreg $0xFFFFFFFF  }
0xa7: {  	s28 =	simm.s32 $_size_execute0_lowered;
	s2 =	sadd.s32 s2, s4;
	[dreg:$0x0] =	wrdreg $0x0  }
0xa8: {  	s4 =	sshll.u32 s28, $0x1;
	[dreg:$0x2] =	wrdreg s2  }
0xa9: {  	[dreg:$0x3] =	wrdreg s4  }
0xaa: {  	[dreg:$0x4] =	wrdreg $0xC0  }
0xab: {  	_ =	task [dreg:s6], $0x5FFFF  }
0xac: {  	[dreg:$0x1] =	wrdreg $0xFFFFFFFF  }
0xad: {  	[dreg:$0x0] =	wrdreg $0x60  }
0xae: {  	[dreg:$0x2] =	wrdreg s24  }
0xaf: {  	[dreg:$0x3] =	wrdreg $0xA0000  }
0xb0: {  	[dreg:$0x4] =	wrdreg $0x9  }
0xb1: {  	_ =	task.clear_ibuf [dreg:s6], $0x5FFFF;
	_ =	strace $0x90000055  }
0xb2: {  	s29 =	simm.s32 $0x9;
	_ =	strace $0x80000057  }
0xb3: {  	_ =	swait.ge [sflag:s29], $0x1  }
0xb4: {  	[sflag:s29] =	ssyncadd.s32 $0xFFFFFFFF  }
0xb5: {  	_ =	strace $0x90000057  }
0xb6: {  	_ =	sfence  }
0xb7: {  	s30 =	sld [smem:$0x0];
	_ =	sdelay $0x2  }
0xb8: {  	s31 =	sshll.u32 s1, $0xD;
	s1 =	sshrl.u32 s1, $0x2  }
0xb9: {  	s3 =	sand.u32 $0x4000, s31;
	s1 =	sadd.s32 s1, s30  }
0xba: {  	s0 =	sor.u32 s3, s0;
	s1 =	sshll.u32 s1, $0x11  }
0xbb: {  	s0 =	sor.u32 s1, s0  }
0xbc: {  	s0 =	sadd.s32 $0x8F2B, s0  }
0xbd: {  	[sflag:s0] =	ssyncadd.remote.s32 $0x1  }
0xbe: {  	_ =	sfence.sel $0xFFFF  }
0xbf: {  	[dreg:$0x0] =	wrdreg $0xFFFFFFFF;
	(pc) =	sbr.abs _section_cstart, $3  }
0xc0: {  	[dreg:$0x1] =	wrdreg $0xFFFFFFFF  }
0xc1: {  	_ =	task.clear_ibuf [dreg:s6], $0x2FFFF;
	_ =	strace $0x9FFFFFFF  }
0xc2: {  	(tm) =	ssettm $0x7FFFFFFF  }
0xc3: {  	_ =	shalt  }
tec
execute0_lowered:
.L_overlay_start_1:
0x0: {  	(tag) =	ssettag $0x1  }
0x1: {  	s7 =	rddreg [dreg:$0x0]  }
0x2: {  	s2 =	rddreg [dreg:$0x1]  }
0x3: {  	s0 =	srdreg.scid;
	s1 =	rddreg [dreg:$0x2]  }
0x4: {  	s3 =	simm.s32 $0x0;
	s15 =	simm.s32 $0x80;
	s16 =	simm.s32 $0x6000  }
0x5: {  	s17 =	simm.s32 $0x5000;
	s18 =	simm.s32 $0x5800;
	s5 =	sand.u32 $0x1, s0  }
0x6: {  	s19 =	simm.s32 $0x1;
	s0 =	stileid.u32;
	s4 =	smul.u32 $0x28000, s5  }
0x7: {  	s20 =	simm.s32 $0x2;
	s21 =	simm.s32 $0x3;
	s6 =	smul.u32 $0x2800, s0  }
0x8: {  	s22 =	simm.s32 $0x0;
	[smem:$0x7FF] =	sst s3;
	s9 =	smul.u32 $0x14000, s0  }
0x9: {  	s8 =	smul.u32 $0x140000, s5;
	_ =	strace $0x80000056;
	s31 =	ssub.s32 $0x2, s5  }
0xa: {  	s5 =	sadd.s32 $0x3BA00, s7;
	s13 =	sshll.u32 s0, $0x6;
	s12 =	sshrl.u32 s31, $0x1  }
0xb: {  	s13 =	sor.u32 $0x1C04, s13;
	s6 =	sadd.s32 s6, s4;
	s4 =	sadd.s32 $0x14800, s7  }
0xc: {  	s30 =	sadd.s32 s9, s8;
	s12 =	ssub.s32 s31, s12;
	s14 =	sadd.s32 s9, s2  }
0xd: {  	s6 =	sshrl.u32 s6, $0x3;
	s11 =	sshrl.u32 s30, $0x3;
	s14 =	sshrl.u32 s14, $0x3  }
0xe: {  	s10 =	sadd.s32 s6, s7;
	s6 =	sadd.s32 $0x12000, s7;
	s11 =	sadd.s32 s11, s7  }
0xf: {  	s7 =	sadd.s32 $0x73800, s10;
	s8 =	sadd.s32 $0x8000, s10;
	s9 =	sadd.s32 $0x7D800, s11  }
0x10: {  	s10 =	smax.u32 s12, $0x1;
	s11 =	simm.s32 $0x4;
	s12 =	simm.s32 $0x2800  }
.LBB2_1:
0x11: {  	[tilespmem:s3], [sflag:$0x4] =	stream.linear.gather [hbm4b:s7+s3], $0x2800, $0x38;
	[tilespmem:$0x1E000] =	vst v63  }
0x12: {  	_ =	swait.ge [sflag:s11], $0x2800  }
0x13: {  	[sflag:s11] =	ssyncset.done $0x0  }
0x14: {  	[sflag:s11] =	ssyncadd.s32 $0xFFFFD800  }
0x15: {  	[tilespmem:s12], [sflag:$0x4] =	stream.linear.gather [hbm4b:s8+s3], $0x2800, $0x38;
	[tilespmem:$0x1E000] =	vst v63  }
0x16: {  	_ =	swait.ge [sflag:s11], $0x2800  }
0x17: {  	[sflag:s11] =	ssyncset.done $0x0  }
0x18: {  	[sflag:s11] =	ssyncadd.s32 $0xFFFFD800  }
0x19: {  	[spmem:s14], [sflag:s13] =	dma.local [hbm:s6], $0x2800  }
0x1a: {  	_ =	swait.ge [sflag:s11], $0x2800  }
0x1b: {  	[sflag:s11] =	ssyncset.done $0x0  }
0x1c: {  	[sflag:s11] =	ssyncadd.s32 $0xFFFFD800  }
0x1d: {  	s23 =	simm.s32 $0x0;
	[bflag:$0x0] =	sbarrier.arrive $0xFFFF  }
.LBB2_2:
0x1e: {  	s24 =	sshll.u32 s23, $0x7  }
0x1f: {  	[tilespmem:s16], [sflag:$0x1] =	stream.indirect.gather [hbm4b:s4+s15], $0x80, s24, s15, $0xb8;
	[tilespmem:$0x1E000] =	vst v63  }
0x20: {  	_ = 	snop  }
0x21: {  	[tilespmem:s17], [sflag:$0x2] =	stream.indirect.gather [hbm4b:s5+s15], $0x10, s24, s15, $0xb8;
	[tilespmem:$0x1E000] =	vst v63  }
0x22: {  	s24 =	sadd.s32 $0x2800, s24  }
0x23: {  	[tilespmem:s18], [sflag:$0x3] =	stream.indirect.gather [hbm4b:s5+s15], $0x10, s24, s15, $0xb8;
	[tilespmem:$0x1E000] =	vst v63  }
0x24: {  	_ =	swait.ge [sflag:s19], $0x4000  }
0x25: {  	[sflag:s19] =	ssyncset.done $0x0  }
0x26: {  	[sflag:s19] =	ssyncadd.s32 $0xFFFFC000  }
0x27: {  	_ =	swait.ge [sflag:s20], $0x800  }
0x28: {  	[sflag:s20] =	ssyncset.done $0x0  }
0x29: {  	[sflag:s20] =	ssyncadd.s32 $0xFFFFF800  }
0x2a: {  	_ =	swait.ge [sflag:s21], $0x800  }
0x2b: {  	[sflag:s21] =	ssyncset.done $0x0  }
0x2c: {  	s25 =	simm.s32 $0x6040;
	[sflag:s21] =	ssyncadd.s32 $0xFFFFF800  }
0x2d: {  	s26 =	simm.s32 $0x0;
	v0 =	vld [tilespmem:s25+$0xFFFFFFF0]  }
0x2e: {  	v1 =	vld [tilespmem:s26+$0x5000]  }
0x2f: {  	v4 =	vld [tilespmem:s26+$0x5800]  }
0x30: {  	v8 =	vld [tilespmem:s25+$0x30]  }
0x31: {  	v7 =	vld [tilespmem:s25+$0xFFFFFFC0]  }
0x32: {  	v2 =	vld [tilespmem:s25+$0x10]  }
0x33: {  	v6 =	vld [tilespmem:s25+$0xFFFFFFE0]  }
0x34: {  	v3 =	vld [tilespmem:s25+$0x20]  }
0x35: {  	v1 =	vmul.f32 v4, v1;
	v4 =	vld [tilespmem:s25+$0xFFFFFFD0]  }
0x36: {  	v5 =	vld [tilespmem:s25+$0x0]  }
0x37: {  	s28 =	simm.s32 $0x40;
	s26 =	simm.s32 $0x6040;
	v7 =	vmul.f32 v1, v7;
	v8 =	vmul.f32 v8, v1  }
.LBB2_3:
0x38: {  	p0 =	sne.s32 s28, $0x1FC0  }
0x39: {  	v6 =	vmul.f32 v6, v1;
	v2 =	vmul.f32 v2, v1;
	s25 =	sadd.s32 $0x80, s25;
	s29 =	smov.u32 s28;
	s28 =	sadd.s32 $0x40, s28  }
0x3a: {  	v3 =	vmul.f32 v3, v1;
	v4 =	vmul.f32 v4, v1;
	[tilespmem:s26+$0x30] =	vst v8  }
0x3b: {  	v0 =	vmul.f32 v0, v1;
	[tilespmem:s26+$0xFFFFFFC0] =	vst v7;
	v1 =	vmul.f32 v5, v1  }
0x3c: {  	[tilespmem:s26+$0x10] =	vst v2  }
0x3d: {  	[tilespmem:s26+$0xFFFFFFE0] =	vst v6  }
0x3e: {  	[tilespmem:s26+$0xFFFFFFF0] =	vst v0  }
0x3f: {  	v0 =	vld [tilespmem:s25+$0xFFFFFFF0];
	[tilespmem:s26+$0x0] =	vst v1  }
0x40: {  	v8 =	vld [tilespmem:s25+$0x30];
	[tilespmem:s26+$0x20] =	vst v3  }
0x41: {  	s29 =	sshra.s32 s29, $0x2;
	v2 =	vld [tilespmem:s25+$0x10];
	[tilespmem:s26+$0xFFFFFFD0] =	vst v4;
	s26 =	smov.u32 s25  }
0x42: {  	v1 =	vld [tilespmem:s29+$0x5000]  }
0x43: {  	v5 =	vld [tilespmem:s29+$0x5800]  }
0x44: {  	v7 =	vld [tilespmem:s25+$0xFFFFFFC0]  }
0x45: {  	v6 =	vld [tilespmem:s25+$0xFFFFFFE0]  }
.Ltmp0:
0x46: {  	v3 =	vld [tilespmem:s25+$0x20];
	(pc) =	sbr.rel @p0 .LBB2_3-.Ltmp0, $3  }
0x47: {  	v4 =	vld [tilespmem:s25+$0xFFFFFFD0]  }
0x48: {  	v1 =	vmul.f32 v5, v1;
	v5 =	vld [tilespmem:s25+$0x0];
	_ =	sdelay $0x1  }
0x49: {  	v7 =	vmul.f32 v1, v7;
	v8 =	vmul.f32 v8, v1  }
0x4a: {  	_ = 	snop  }
0x4b: {  	v2 =	vmul.f32 v2, v1;
	[tilespmem:s26+$0x30] =	vst v8  }
0x4c: {  	v6 =	vmul.f32 v6, v1;
	[tilespmem:s26+$0xFFFFFFC0] =	vst v7  }
0x4d: {  	v0 =	vmul.f32 v0, v1;
	[tilespmem:s26+$0x10] =	vst v2  }
0x4e: {  	v3 =	vmul.f32 v3, v1;
	[tilespmem:s26+$0xFFFFFFE0] =	vst v6  }
0x4f: {  	v63 =	vmul.f32 v4, v1;
	[tilespmem:s26+$0xFFFFFFF0] =	vst v0  }
0x50: {  	s23 =	sadd.s32 $0x1, s23;
	v62 =	vmul.f32 v5, v1;
	[tilespmem:s26+$0x20] =	vst v3  }
0x51: {  	p0 =	sne.s32 s23, $0x50;
	[tilespmem:s26+$0xFFFFFFD0] =	vst v63  }
.Ltmp1:
0x52: {  	[tilespmem:s26+$0x0] =	vst v62;
	(pc) =	sbr.rel @p0 .LBB2_2-.Ltmp1, $4  }
0x53: {  	[spmem:s2] =	stream.indirect.scatter.add.f32 [tilespmem:s16], [sflag:$0x4], $0x80, s24, s15, $0xb8;
	[tilespmem:$0x1E000] =	vst v63  }
0x54: {  	_ =	swait.ge [sflag:s11], $0x4000  }
0x55: {  	[sflag:s11] =	ssyncset.done $0x0  }
0x56: {  	[sflag:s11] =	ssyncadd.s32 $0xFFFFC000  }
0x57: {  	s22 =	sadd.s32 $0x1, s22  }
0x58: {  	p0 =	sne.s32 s22, s10  }
.Ltmp2:
0x59: {  	[bflag:$0x0] =	sbarrier.arrive $0xFFFF;
	(pc) =	sbr.rel @p0 .LBB2_1-.Ltmp2, $4  }
0x5a: {  	[hbm:s9], [sflag:s13] =	dma.local [spmem:s14], $0x2800  }
0x5b: {  	_ =	swait.ge [sflag:s11], $0x2800  }
0x5c: {  	[sflag:s11] =	ssyncset.done $0x0  }
0x5d: {  	[sflag:s11] =	ssyncadd.s32 $0xFFFFD800  }
0x5e: {  	_ =	sfence.sel $0x180000  }
0x5f: {  	[bflag:$0x0] =	sbarrier.arrive $0xFFFF  }
0x60: {  	p0 =	sne.s32 s0, $0x0;
	_ =	strace $0x90000056  }
0x61: {  	s0 =	sadd.s32 @!p0 $0x100000, s1;
	[bflag:$0x2] =	sbarrier.arrive $0xFFFF  }
0x62: {  	[sflag:s0] =	ssyncadd.tile.s32 @!p0 $0x1;
	_ =	shalt  }
.Lfunc_end2:
_tile_overlayer_lowered:
.L_overlay_start_2:
0x63: {  	(tag) =	ssettag $0x2  }
0x64: {  	s0 =	rddreg [dreg:$0x0];
	s2 =	stileid.u32  }
0x65: {  	s1 =	rddreg [dreg:$0x1];
	p0 =	sne.s32 s2, $0x0  }
0x66: {  	s3 =	rddreg [dreg:$0x2];
	[bflag:$0x3] =	sbarrier.arrive $0xFFFF;
	s2 =	simm.s32 @!p0 $0x1C04  }
0x67: {  	[timem:s3], [sflag:s2] =	dma.local @!p0 [hbm:s0], s1  }
0x68: {  	s0 =	simm.s32 @!p0 $0x4  }
0x69: {  	_ =	swait.ge @!p0 [sflag:s0], s1  }
0x6a: {  	s1 =	ssub.s32 @!p0 $0x0, s1;
	[sflag:s0] =	ssyncset.done @!p0 $0x0  }
0x6b: {  	[sflag:s0] =	ssyncadd.s32 @!p0 s1  }
0x6c: {  	[bflag:$0x3] =	sbarrier.arrive $0xFFFF  }
0x6d: {  	_ =	shalt  }

// kernel: kernel.34.cloned.1.call-start
scs
__scs_entry_jumppad:
0x0: {  	(pc) =	sbr.rel $0x88, $3  }
0x1: {  	(tag) =	ssettag $0x0;
	lr =	simm.s32 $0x1  }
0x2: {  	[smem:$0x3F80] =	sst lr;
	_ =	strace $0xD0000000  }
0x3: {  	_ = 	snop  }
0x4: {  	_ = 	snop  }
0x5: {  	_ = 	snop  }
0x6: {  	_ = 	snop  }
0x7: {  	_ = 	snop  }
__scs_overlays_trampoline_lowered:
0x8: {  	[smem:$0x3F8F] =	sst s0  }
0x9: {  	[smem:$0x3F90] =	sst s1  }
0xa: {  	[smem:$0x3F91] =	sst s2  }
0xb: {  	[smem:$0x3F92] =	sst s3  }
0xc: {  	[smem:$0x3F93] =	sst s4  }
0xd: {  	[smem:$0x3F94] =	sst s5  }
0xe: {  	[smem:$0x3F95] =	sst s6  }
0xf: {  	[smem:$0x3F96] =	sst s7  }
0x10: {  	[smem:$0x3F97] =	sst s8  }
0x11: {  	[smem:$0x3F98] =	sst s9;
	s0 =	simm.s32 @!p0 $0x0  }
0x12: {  	s1 =	sld [smem:$0x3F7E];
	s0 =	simm.s32 @p0 $0x1  }
0x13: {  	[smem:$0x3F99] =	sst s0;
	s0 =	simm.s32 @!p1 $0x0  }
0x14: {  	s2 =	sld [smem:$0x3F7D];
	s0 =	simm.s32 @p1 $0x1  }
0x15: {  	[smem:$0x3F9A] =	sst s0;
	s0 =	simm.s32 @!p2 $0x0  }
0x16: {  	s3 =	sld [smem:$0x3FDB];
	s0 =	simm.s32 @p2 $0x1  }
0x17: {  	s4 =	simm.s32 $0x1BF5;
	[smem:$0x3F9C] =	sst s0  }
0x18: {  	s0 =	sld [smem:$0x3F7F];
	_ =	swait.ge [sflag:s4], $0x0  }
0x19: {  	s7 =	sld [smem:$0x3F80]  }
0x1a: {  	s8 =	sadd.s32 $0xFFFFE003, lr  }
0x1b: {  	s9 =	sadd.s32 $0xFFFFFEF7, lr;
	s5 =	simm.s32 $0xFFFFFFFF;
	p2 =	slt.u32 s8, $0xFFFFF086  }
0x1c: {  	p1 =	slt.u32 s9, $0xF7A;
	s5 =	simm.s32 @!p2 $0x0  }
0x1d: {  	s5 =	simm.s32 @p1 $0x1;
	p0 =	seq.s32 s7, s2  }
0x1e: {  	s7 =	smul.u32 @!p0 $0xF7A, s2;
	p2 =	seq.s32 @!p0 s5, $0x0  }
0x1f: {  	s9 =	smul.u32 $0xF7A, s1;
	s8 =	simm.s32 @!p0 $0x1BF5;
	p2 =	por !p2, p0  }
0x20: {  	[sflag:s8] =	ssyncset.s32 @!p0 $0xFFFFF086;
	s6 =	sadd.s32 @!p0 s3, s7;
	s7 =	simm.s32 @!p0 $0x108  }
0x21: {  	s3 =	sadd.s32 s3, s9;
	s6 =	sadd.s32 @!p0 $0x88, s6;
	s7 =	simm.s32 @p2 $0x1082  }
0x22: {  	[simem:s7], [sflag:s8] =	dma.local @!p0 [hbm:s6], $0xF7A  }
0x23: {  	s9 =	sor.u32 $0xD0000000, s2;
	s6 =	simm.s32 $0x108;
	_ =	swait.ge @!p0 [sflag:s8], $0x0  }
0x24: {  	s3 =	sadd.s32 $0x88, s3;
	s6 =	simm.s32 @!p1 $0x1082;
	[sflag:s4] =	ssyncset.s32 $0xFFFFF086  }
0x25: {  	[simem:s6], [sflag:s4] =	dma.local [hbm:s3], $0xF7A  }
0x26: {  	[smem:$0x3F80] =	sst s1;
	(tag) =	ssettag s2;
	_ =	strace s9  }
0x27: {  	s1 =	sld [smem:$0x3F90]  }
0x28: {  	s2 =	sld [smem:$0x3F91]  }
0x29: {  	s4 =	sld [smem:$0x3F93]  }
0x2a: {  	p0 =	seq.s32 s5, $0x0;
	s5 =	sld [smem:$0x3F94]  }
0x2b: {  	s6 =	sld [smem:$0x3F95]  }
0x2c: {  	s7 =	sld [smem:$0x3F96]  }
0x2d: {  	s3 =	simm.s32 $0x108;
	s8 =	sld [smem:$0x3F97]  }
0x2e: {  	s3 =	simm.s32 @!p0 $0x1082;
	s9 =	sld [smem:$0x3F98]  }
0x2f: {  	lr =	sadd.s32 s0, s3;
	s0 =	sld [smem:$0x3F8F]  }
0x30: {  	s3 =	sld [smem:$0x3F92]  }
0x31: {  	[smem:$0x3F9B] =	sst s10  }
0x32: {  	s10 =	sld [smem:$0x3F99];
	_ =	sdelay $0x3  }
0x33: {  	p0 =	seq.s32 s10, $0x1;
	s10 =	sld [smem:$0x3F9B];
	_ =	sdelay $0x3  }
0x34: {  	[smem:$0x3F9B] =	sst s10  }
0x35: {  	s10 =	sld [smem:$0x3F9A];
	_ =	sdelay $0x3  }
0x36: {  	p1 =	seq.s32 s10, $0x1;
	s10 =	sld [smem:$0x3F9B];
	_ =	sdelay $0x3  }
0x37: {  	[smem:$0x3F9B] =	sst s10  }
0x38: {  	s10 =	sld [smem:$0x3F9C]  }
0x39: {  	_ = 	snop;
	(pc) =	sbr.ind lr, $3  }
0x3a: {  	_ = 	snop  }
0x3b: {  	_ = 	snop  }
0x3c: {  	p2 =	seq.s32 s10, $0x1;
	s10 =	sld [smem:$0x3F9B]  }
0x3d: {  	_ =	shalt  }
0x3e: {  	_ =	shalt  }
0x3f: {  	_ =	shalt  }
0x40: {  	_ =	shalt  }
0x41: {  	_ =	shalt  }
0x42: {  	_ =	shalt  }
0x43: {  	_ =	shalt  }
0x44: {  	_ =	shalt  }
0x45: {  	_ =	shalt  }
0x46: {  	_ =	shalt  }
0x47: {  	_ =	shalt  }
0x48: {  	_ =	shalt  }
0x49: {  	_ =	shalt  }
0x4a: {  	_ =	shalt  }
0x4b: {  	_ =	shalt  }
0x4c: {  	_ =	shalt  }
0x4d: {  	_ =	shalt  }
0x4e: {  	_ =	shalt  }
0x4f: {  	_ =	shalt  }
0x50: {  	_ =	shalt  }
0x51: {  	_ =	shalt  }
0x52: {  	_ =	shalt  }
0x53: {  	_ =	shalt  }
0x54: {  	_ =	shalt  }
0x55: {  	_ =	shalt  }
0x56: {  	_ =	shalt  }
0x57: {  	_ =	shalt  }
0x58: {  	_ =	shalt  }
0x59: {  	_ =	shalt  }
0x5a: {  	_ =	shalt  }
0x5b: {  	_ =	shalt  }
0x5c: {  	_ =	shalt  }
0x5d: {  	_ =	shalt  }
0x5e: {  	_ =	shalt  }
0x5f: {  	_ =	shalt  }
0x60: {  	_ =	shalt  }
0x61: {  	_ =	shalt  }
0x62: {  	_ =	shalt  }
0x63: {  	_ =	shalt  }
0x64: {  	_ =	shalt  }
0x65: {  	_ =	shalt  }
0x66: {  	_ =	shalt  }
0x67: {  	_ =	shalt  }
0x68: {  	_ =	shalt  }
0x69: {  	_ =	shalt  }
0x6a: {  	_ =	shalt  }
0x6b: {  	_ =	shalt  }
0x6c: {  	_ =	shalt  }
0x6d: {  	_ =	shalt  }
0x6e: {  	_ =	shalt  }
0x6f: {  	_ =	shalt  }
0x70: {  	_ =	shalt  }
0x71: {  	_ =	shalt  }
0x72: {  	_ =	shalt  }
0x73: {  	_ =	shalt  }
0x74: {  	_ =	shalt  }
0x75: {  	_ =	shalt  }
0x76: {  	_ =	shalt  }
0x77: {  	_ =	shalt  }
0x78: {  	_ =	shalt  }
0x79: {  	_ =	shalt  }
0x7a: {  	_ =	shalt  }
0x7b: {  	_ =	shalt  }
0x7c: {  	_ =	shalt  }
0x7d: {  	_ =	shalt  }
0x7e: {  	_ =	shalt  }
0x7f: {  	_ =	shalt  }
0x80: {  	_ =	shalt  }
0x81: {  	_ =	shalt  }
0x82: {  	_ =	shalt  }
0x83: {  	_ =	shalt  }
0x84: {  	_ =	shalt  }
0x85: {  	_ =	shalt  }
0x86: {  	_ =	shalt  }
0x87: {  	_ =	shalt  }
.Lfunc_end0:
.L_simem_size_0:
called_computation.6_lowered:
.L_overlay_start_0:
0x88: {  	s2 =	sld [smem:$0x3FD9]  }
0x89: {  	s3 =	sld [smem:$0x3FFE];
	_ =	sdelay $0x1  }
0x8a: {  	s1 =	srdreg.scid  }
0x8b: {  	s0 =	sand.u32 $0x1, s1  }
0x8c: {  	s16 =	sshll.u32 s0, $0xA;
	s2 =	sadd.s32 s3, s2  }
0x8d: {  	s2 =	sadd.s32 s2, s16  }
0x8e: {  	[smem:$0x3FA7] =	sst s2  }
0x8f: {  	_ = 	snop  }
0x90: {  	(tm) =	ssettm $0x1  }
0x91: {  	s17 =	sld [smem:$0x3FFB];
	_ =	sdelay $0x3  }
0x92: {  	_ =	strace s17  }
0x93: {  	s2 =	sld [smem:$0x3FFC];
	_ =	sdelay $0x3  }
0x94: {  	_ =	strace s2  }
0x95: {  	s2 =	sld [smem:$0x3FFD];
	_ =	sdelay $0x3  }
0x96: {  	_ =	strace s2  }
0x97: {  	_ =	strace $0x8FFFFFFF  }
0x98: {  	s18 =	sld [smem:$0x3FDB];
	_ =	sdelay $0x1  }
0x99: {  	s19 =	simm.s32 $_scs_section_size  }
0x9a: {  	s4 =	simm.s32 $_size__tile_overlayer_lowered;
	s5 =	simm.s32 $_tile_overlayer_lowered  }
0x9b: {  	s22 =	simm.s32 $0x1BFF;
	s21 =	sshll.u32 s5, $0x1;
	s2 =	sadd.s32 s19, s18  }
0x9c: {  	s6 =	simm.s32 $0x0;
	s20 =	sshll.u32 s4, $0x1;
	s4 =	sadd.s32 s21, s2  }
0x9d: {  	[timem:s6], [sflag:s22] =	dma.local [hbm:s4], s20  }
0x9e: {  	_ =	swait.ge [sflag:s22], s20  }
0x9f: {  	s3 =	ssub.s32 $0x0, s20;
	[sflag:s22] =	ssyncset.done $0x0  }
0xa0: {  	[sflag:s22] =	ssyncadd.s32 s3;
	_ =	sdelay $0x1  }
0xa1: {  	s23 =	simm.s32 $0x1B8B  }
0xa2: {  	_ =	swait.ge [sflag:s23], $0x1  }
0xa3: {  	[sflag:s23] =	ssyncset.done $0x0  }
0xa4: {  	s25 =	simm.s32 $0x1B8E;
	s24 =	sld [smem:$0x3FFE];
	[sflag:s23] =	ssyncadd.s32 $0xFFFFFFFF  }
0xa5: {  	s26 =	simm.s32 $execute0_lowered;
	[smem:$0x3FD2] =	sst s25  }
0xa6: {  	s4 =	sshll.u32 s26, $0x1;
	_ =	strace $0x80000058;
	[dreg:$0x1] =	wrdreg $0xFFFFFFFF  }
0xa7: {  	s28 =	simm.s32 $_size_execute0_lowered;
	s2 =	sadd.s32 s2, s4;
	[dreg:$0x0] =	wrdreg $0x0  }
0xa8: {  	s4 =	sshll.u32 s28, $0x1;
	[dreg:$0x2] =	wrdreg s2  }
0xa9: {  	[dreg:$0x3] =	wrdreg s4  }
0xaa: {  	[dreg:$0x4] =	wrdreg $0xC0  }
0xab: {  	_ =	task [dreg:s6], $0x5FFFF  }
0xac: {  	[dreg:$0x1] =	wrdreg $0xFFFFFFFF  }
0xad: {  	[dreg:$0x0] =	wrdreg $0x60  }
0xae: {  	[dreg:$0x2] =	wrdreg s24  }
0xaf: {  	[dreg:$0x3] =	wrdreg $0xA0000  }
0xb0: {  	[dreg:$0x4] =	wrdreg $0x9  }
0xb1: {  	_ =	task.clear_ibuf [dreg:s6], $0x5FFFF;
	_ =	strace $0x90000058  }
0xb2: {  	s29 =	simm.s32 $0x9;
	_ =	strace $0x8000005A  }
0xb3: {  	_ =	swait.ge [sflag:s29], $0x1  }
0xb4: {  	[sflag:s29] =	ssyncadd.s32 $0xFFFFFFFF  }
0xb5: {  	_ =	strace $0x9000005A  }
0xb6: {  	_ =	sfence  }
0xb7: {  	s30 =	sld [smem:$0x0];
	_ =	sdelay $0x2  }
0xb8: {  	s31 =	sshll.u32 s1, $0xD;
	s1 =	sshrl.u32 s1, $0x2  }
0xb9: {  	s3 =	sand.u32 $0x4000, s31;
	s1 =	sadd.s32 s1, s30  }
0xba: {  	s0 =	sor.u32 s3, s0;
	s1 =	sshll.u32 s1, $0x11  }
0xbb: {  	s0 =	sor.u32 s1, s0  }
0xbc: {  	s0 =	sadd.s32 $0x8F2B, s0  }
0xbd: {  	[sflag:s0] =	ssyncadd.remote.s32 $0x1  }
0xbe: {  	_ =	sfence.sel $0xFFFF  }
0xbf: {  	[dreg:$0x0] =	wrdreg $0xFFFFFFFF;
	(pc) =	sbr.abs _section_cstart, $3  }
0xc0: {  	[dreg:$0x1] =	wrdreg $0xFFFFFFFF  }
0xc1: {  	_ =	task.clear_ibuf [dreg:s6], $0x2FFFF;
	_ =	strace $0x9FFFFFFF  }
0xc2: {  	(tm) =	ssettm $0x7FFFFFFF  }
0xc3: {  	_ =	shalt  }
tec
execute0_lowered:
.L_overlay_start_1:
0x0: {  	(tag) =	ssettag $0x1  }
0x1: {  	s7 =	rddreg [dreg:$0x0]  }
0x2: {  	s2 =	rddreg [dreg:$0x1]  }
0x3: {  	s0 =	srdreg.scid;
	s1 =	rddreg [dreg:$0x2]  }
0x4: {  	s3 =	simm.s32 $0x0;
	s15 =	simm.s32 $0x80;
	s16 =	simm.s32 $0x6000  }
0x5: {  	s17 =	simm.s32 $0x5000;
	s18 =	simm.s32 $0x5800;
	s5 =	sand.u32 $0x1, s0  }
0x6: {  	s19 =	simm.s32 $0x1;
	s0 =	stileid.u32;
	s4 =	smul.u32 $0x28000, s5  }
0x7: {  	s20 =	simm.s32 $0x2;
	s21 =	simm.s32 $0x3;
	s6 =	smul.u32 $0x2800, s0  }
0x8: {  	s22 =	simm.s32 $0x0;
	[smem:$0x7FF] =	sst s3;
	s9 =	smul.u32 $0x14000, s0  }
0x9: {  	s8 =	smul.u32 $0x140000, s5;
	_ =	strace $0x80000059;
	s31 =	ssub.s32 $0x2, s5  }
0xa: {  	s5 =	sadd.s32 $0x3BA00, s7;
	s13 =	sshll.u32 s0, $0x6;
	s12 =	sshrl.u32 s31, $0x1  }
0xb: {  	s13 =	sor.u32 $0x1C04, s13;
	s6 =	sadd.s32 s6, s4;
	s4 =	sadd.s32 $0x14800, s7  }
0xc: {  	s30 =	sadd.s32 s9, s8;
	s12 =	ssub.s32 s31, s12;
	s14 =	sadd.s32 s9, s2  }
0xd: {  	s6 =	sshrl.u32 s6, $0x3;
	s11 =	sshrl.u32 s30, $0x3;
	s14 =	sshrl.u32 s14, $0x3  }
0xe: {  	s10 =	sadd.s32 s6, s7;
	s6 =	sadd.s32 $0x12000, s7;
	s11 =	sadd.s32 s11, s7  }
0xf: {  	s7 =	sadd.s32 $0x73800, s10;
	s8 =	sadd.s32 $0x8000, s10;
	s9 =	sadd.s32 $0x7D800, s11  }
0x10: {  	s10 =	smax.u32 s12, $0x1;
	s11 =	simm.s32 $0x4;
	s12 =	simm.s32 $0x2800  }
.LBB2_1:
0x11: {  	[tilespmem:s3], [sflag:$0x4] =	stream.linear.gather [hbm4b:s7+s3], $0x2800, $0x38;
	[tilespmem:$0x1E000] =	vst v63  }
0x12: {  	_ =	swait.ge [sflag:s11], $0x2800  }
0x13: {  	[sflag:s11] =	ssyncset.done $0x0  }
0x14: {  	[sflag:s11] =	ssyncadd.s32 $0xFFFFD800  }
0x15: {  	[tilespmem:s12], [sflag:$0x4] =	stream.linear.gather [hbm4b:s8+s3], $0x2800, $0x38;
	[tilespmem:$0x1E000] =	vst v63  }
0x16: {  	_ =	swait.ge [sflag:s11], $0x2800  }
0x17: {  	[sflag:s11] =	ssyncset.done $0x0  }
0x18: {  	[sflag:s11] =	ssyncadd.s32 $0xFFFFD800  }
0x19: {  	[spmem:s14], [sflag:s13] =	dma.local [hbm:s6], $0x2800  }
0x1a: {  	_ =	swait.ge [sflag:s11], $0x2800  }
0x1b: {  	[sflag:s11] =	ssyncset.done $0x0  }
0x1c: {  	[sflag:s11] =	ssyncadd.s32 $0xFFFFD800  }
0x1d: {  	s23 =	simm.s32 $0x0;
	[bflag:$0x0] =	sbarrier.arrive $0xFFFF  }
.LBB2_2:
0x1e: {  	s24 =	sshll.u32 s23, $0x7  }
0x1f: {  	[tilespmem:s16], [sflag:$0x1] =	stream.indirect.gather [hbm4b:s4+s15], $0x80, s24, s15, $0xb8;
	[tilespmem:$0x1E000] =	vst v63  }
0x20: {  	_ = 	snop  }
0x21: {  	[tilespmem:s17], [sflag:$0x2] =	stream.indirect.gather [hbm4b:s5+s15], $0x10, s24, s15, $0xb8;
	[tilespmem:$0x1E000] =	vst v63  }
0x22: {  	s24 =	sadd.s32 $0x2800, s24  }
0x23: {  	[tilespmem:s18], [sflag:$0x3] =	stream.indirect.gather [hbm4b:s5+s15], $0x10, s24, s15, $0xb8;
	[tilespmem:$0x1E000] =	vst v63  }
0x24: {  	_ =	swait.ge [sflag:s19], $0x4000  }
0x25: {  	[sflag:s19] =	ssyncset.done $0x0  }
0x26: {  	[sflag:s19] =	ssyncadd.s32 $0xFFFFC000  }
0x27: {  	_ =	swait.ge [sflag:s20], $0x800  }
0x28: {  	[sflag:s20] =	ssyncset.done $0x0  }
0x29: {  	[sflag:s20] =	ssyncadd.s32 $0xFFFFF800  }
0x2a: {  	_ =	swait.ge [sflag:s21], $0x800  }
0x2b: {  	[sflag:s21] =	ssyncset.done $0x0  }
0x2c: {  	s25 =	simm.s32 $0x6040;
	[sflag:s21] =	ssyncadd.s32 $0xFFFFF800  }
0x2d: {  	s26 =	simm.s32 $0x0;
	v0 =	vld [tilespmem:s25+$0xFFFFFFF0]  }
0x2e: {  	v1 =	vld [tilespmem:s26+$0x5000]  }
0x2f: {  	v4 =	vld [tilespmem:s26+$0x5800]  }
0x30: {  	v8 =	vld [tilespmem:s25+$0x30]  }
0x31: {  	v7 =	vld [tilespmem:s25+$0xFFFFFFC0]  }
0x32: {  	v2 =	vld [tilespmem:s25+$0x10]  }
0x33: {  	v6 =	vld [tilespmem:s25+$0xFFFFFFE0]  }
0x34: {  	v3 =	vld [tilespmem:s25+$0x20]  }
0x35: {  	v1 =	vmul.f32 v4, v1;
	v4 =	vld [tilespmem:s25+$0xFFFFFFD0]  }
0x36: {  	v5 =	vld [tilespmem:s25+$0x0]  }
0x37: {  	s28 =	simm.s32 $0x40;
	s26 =	simm.s32 $0x6040;
	v7 =	vmul.f32 v1, v7;
	v8 =	vmul.f32 v8, v1  }
.LBB2_3:
0x38: {  	p0 =	sne.s32 s28, $0x1FC0  }
0x39: {  	v6 =	vmul.f32 v6, v1;
	v2 =	vmul.f32 v2, v1;
	s25 =	sadd.s32 $0x80, s25;
	s29 =	smov.u32 s28;
	s28 =	sadd.s32 $0x40, s28  }
0x3a: {  	v3 =	vmul.f32 v3, v1;
	v4 =	vmul.f32 v4, v1;
	[tilespmem:s26+$0x30] =	vst v8  }
0x3b: {  	v0 =	vmul.f32 v0, v1;
	[tilespmem:s26+$0xFFFFFFC0] =	vst v7;
	v1 =	vmul.f32 v5, v1  }
0x3c: {  	[tilespmem:s26+$0x10] =	vst v2  }
0x3d: {  	[tilespmem:s26+$0xFFFFFFE0] =	vst v6  }
0x3e: {  	[tilespmem:s26+$0xFFFFFFF0] =	vst v0  }
0x3f: {  	v0 =	vld [tilespmem:s25+$0xFFFFFFF0];
	[tilespmem:s26+$0x0] =	vst v1  }
0x40: {  	v8 =	vld [tilespmem:s25+$0x30];
	[tilespmem:s26+$0x20] =	vst v3  }
0x41: {  	s29 =	sshra.s32 s29, $0x2;
	v2 =	vld [tilespmem:s25+$0x10];
	[tilespmem:s26+$0xFFFFFFD0] =	vst v4;
	s26 =	smov.u32 s25  }
0x42: {  	v1 =	vld [tilespmem:s29+$0x5000]  }
0x43: {  	v5 =	vld [tilespmem:s29+$0x5800]  }
0x44: {  	v7 =	vld [tilespmem:s25+$0xFFFFFFC0]  }
0x45: {  	v6 =	vld [tilespmem:s25+$0xFFFFFFE0]  }
.Ltmp0:
0x46: {  	v3 =	vld [tilespmem:s25+$0x20];
	(pc) =	sbr.rel @p0 .LBB2_3-.Ltmp0, $3  }
0x47: {  	v4 =	vld [tilespmem:s25+$0xFFFFFFD0]  }
0x48: {  	v1 =	vmul.f32 v5, v1;
	v5 =	vld [tilespmem:s25+$0x0];
	_ =	sdelay $0x1  }
0x49: {  	v7 =	vmul.f32 v1, v7;
	v8 =	vmul.f32 v8, v1  }
0x4a: {  	_ = 	snop  }
0x4b: {  	v2 =	vmul.f32 v2, v1;
	[tilespmem:s26+$0x30] =	vst v8  }
0x4c: {  	v6 =	vmul.f32 v6, v1;
	[tilespmem:s26+$0xFFFFFFC0] =	vst v7  }
0x4d: {  	v0 =	vmul.f32 v0, v1;
	[tilespmem:s26+$0x10] =	vst v2  }
0x4e: {  	v3 =	vmul.f32 v3, v1;
	[tilespmem:s26+$0xFFFFFFE0] =	vst v6  }
0x4f: {  	v63 =	vmul.f32 v4, v1;
	[tilespmem:s26+$0xFFFFFFF0] =	vst v0  }
0x50: {  	s23 =	sadd.s32 $0x1, s23;
	v62 =	vmul.f32 v5, v1;
	[tilespmem:s26+$0x20] =	vst v3  }
0x51: {  	p0 =	sne.s32 s23, $0x50;
	[tilespmem:s26+$0xFFFFFFD0] =	vst v63  }
.Ltmp1:
0x52: {  	[tilespmem:s26+$0x0] =	vst v62;
	(pc) =	sbr.rel @p0 .LBB2_2-.Ltmp1, $4  }
0x53: {  	[spmem:s2] =	stream.indirect.scatter.add.f32 [tilespmem:s16], [sflag:$0x4], $0x80, s24, s15, $0xb8;
	[tilespmem:$0x1E000] =	vst v63  }
0x54: {  	_ =	swait.ge [sflag:s11], $0x4000  }
0x55: {  	[sflag:s11] =	ssyncset.done $0x0  }
0x56: {  	[sflag:s11] =	ssyncadd.s32 $0xFFFFC000  }
0x57: {  	s22 =	sadd.s32 $0x1, s22  }
0x58: {  	p0 =	sne.s32 s22, s10  }
.Ltmp2:
0x59: {  	[bflag:$0x0] =	sbarrier.arrive $0xFFFF;
	(pc) =	sbr.rel @p0 .LBB2_1-.Ltmp2, $4  }
0x5a: {  	[hbm:s9], [sflag:s13] =	dma.local [spmem:s14], $0x2800  }
0x5b: {  	_ =	swait.ge [sflag:s11], $0x2800  }
0x5c: {  	[sflag:s11] =	ssyncset.done $0x0  }
0x5d: {  	[sflag:s11] =	ssyncadd.s32 $0xFFFFD800  }
0x5e: {  	_ =	sfence.sel $0x180000  }
0x5f: {  	[bflag:$0x0] =	sbarrier.arrive $0xFFFF  }
0x60: {  	p0 =	sne.s32 s0, $0x0;
	_ =	strace $0x90000059  }
0x61: {  	s0 =	sadd.s32 @!p0 $0x100000, s1;
	[bflag:$0x2] =	sbarrier.arrive $0xFFFF  }
0x62: {  	[sflag:s0] =	ssyncadd.tile.s32 @!p0 $0x1;
	_ =	shalt  }
.Lfunc_end2:
_tile_overlayer_lowered:
.L_overlay_start_2:
0x63: {  	(tag) =	ssettag $0x2  }
0x64: {  	s0 =	rddreg [dreg:$0x0];
	s2 =	stileid.u32  }
0x65: {  	s1 =	rddreg [dreg:$0x1];
	p0 =	sne.s32 s2, $0x0  }
0x66: {  	s3 =	rddreg [dreg:$0x2];
	[bflag:$0x3] =	sbarrier.arrive $0xFFFF;
	s2 =	simm.s32 @!p0 $0x1C04  }
0x67: {  	[timem:s3], [sflag:s2] =	dma.local @!p0 [hbm:s0], s1  }
0x68: {  	s0 =	simm.s32 @!p0 $0x4  }
0x69: {  	_ =	swait.ge @!p0 [sflag:s0], s1  }
0x6a: {  	s1 =	ssub.s32 @!p0 $0x0, s1;
	[sflag:s0] =	ssyncset.done @!p0 $0x0  }
0x6b: {  	[sflag:s0] =	ssyncadd.s32 @!p0 s1  }
0x6c: {  	[bflag:$0x3] =	sbarrier.arrive $0xFFFF  }
0x6d: {  	_ =	shalt  }

</sc_bundles>
